<compile_context>
chip_gen: v7x
topology: tpu7x:2x2x1
jax: 0.10.2.dev20260603
libtpu: 0.0.44.dev20260713+nightly
codegen_flags: <defaults>
</compile_context>

<pallas_src>
import jax
import jax.numpy as jnp
from jax import lax
from jax.experimental import pallas as pl
from jax.experimental.pallas import tpu as pltpu
from jax.experimental.pallas import tpu_sc as plsc

N_NODES = 10000
N_EDGES = 320000
N_PAD = 10240
TRASH_ROW = N_NODES

NC, NS = 2, 16
NW = NC * NS
CH = 128
KT = 160
K0, K1 = 80, 80
HC = 16
EPW = KT * CH // 2
E_PAD = NS * KT * CH
ACC_ROWS = 10112
ROWS_PER_SUB = ACC_ROWS // NS
CPB = 128
F = 128

BN_SCALE = float((1.0 + 1e-5) ** -0.5)
SLOPE = 0.01
BLK = 1024

_f32 = jnp.float32
_mesh = plsc.VectorSubcoreMesh(core_axis_name="c", subcore_axis_name="s")



def _deg_body(dst_hbm, out_hbm, dst_v, hist_v):
    c = lax.axis_index("c")
    s = lax.axis_index("s")
    w = c * NS + s

    def _z(i, carry):
        hist_v[pl.ds(i * 16, 16)] = jnp.zeros((16,), _f32)
        return carry
    lax.fori_loop(0, N_PAD // 16, _z, 0)

    pltpu.sync_copy(dst_hbm.at[w], dst_v)
    ones = jnp.ones((16,), _f32)

    def _acc(i, carry):
        idx = dst_v[pl.ds(i * 16, 16)]
        plsc.addupdate_scatter(hist_v, [idx], ones)
        return carry
    lax.fori_loop(0, EPW // 16, _acc, 0)

    pltpu.sync_copy(hist_v, out_hbm.at[w])


_deg_call = pl.kernel(
    _deg_body,
    out_type=jax.ShapeDtypeStruct((NW, N_PAD), _f32),
    mesh=_mesh,
    compiler_params=pltpu.CompilerParams(needs_layout_passes=False),
    scratch_types=[
        pltpu.VMEM((EPW,), jnp.int32),
        pltpu.VMEM((N_PAD,), _f32),
    ],
)


def _agg_body(hp_hbm, src_hbm, dst_hbm, out_hbm,
              src_v, dst_v, rows_v, acc_sh, sem0, sem1, isem):
    c = lax.axis_index("c")
    s = lax.axis_index("s")
    base = s * ROWS_PER_SUB

    pltpu.sync_copy(hp_hbm.at[pl.ds(base, ROWS_PER_SUB)], acc_sh.at[pl.ds(base, ROWS_PER_SUB)])
    plsc.subcore_barrier()

    base_k = c * K0
    ln = jnp.where(c == 0, K0, K1)
    nh = ln // HC

    pltpu.sync_copy(src_hbm.at[s, pl.ds(base_k, HC)], src_v.at[0])
    pltpu.sync_copy(dst_hbm.at[s, pl.ds(base_k, HC)], dst_v.at[0])

    @pl.when(nh > 1)
    def _():
        pltpu.async_copy(src_hbm.at[s, pl.ds(base_k + HC, HC)], src_v.at[1], isem)
        pltpu.async_copy(dst_hbm.at[s, pl.ds(base_k + HC, HC)], dst_v.at[1], isem)

    pltpu.async_copy(hp_hbm.at[src_v.at[0, 0]], rows_v.at[0], sem0)
    pltpu.async_copy(hp_hbm.at[src_v.at[0, 1]], rows_v.at[1], sem1)

    def _step(t, carry):
        j0 = t * 2
        j1 = j0 + 1
        j2 = j0 + 2
        hh2 = j2 // HC
        p2 = hh2 % 2
        crossing = jnp.logical_and(j2 < ln, j2 % HC == 0)

        pltpu.make_async_copy(hp_hbm.at[src_v.at[0, 0]], rows_v.at[0], sem0).wait()
        pltpu.sync_copy(rows_v.at[0], acc_sh.at[dst_v.at[j0 // HC % 2, j0 % HC]], add=True)

        @pl.when(crossing)
        def _():
            pltpu.make_async_copy(src_hbm.at[s, pl.ds(base_k, HC)], src_v.at[0], isem).wait()
            pltpu.make_async_copy(dst_hbm.at[s, pl.ds(base_k, HC)], dst_v.at[0], isem).wait()

        @pl.when(j2 < ln)
        def _():
            pltpu.async_copy(hp_hbm.at[src_v.at[p2, j2 % HC]], rows_v.at[0], sem0)

        pltpu.make_async_copy(hp_hbm.at[src_v.at[0, 0]], rows_v.at[1], sem1).wait()
        pltpu.sync_copy(rows_v.at[1], acc_sh.at[dst_v.at[j1 // HC % 2, j1 % HC]], add=True)

        @pl.when(jnp.logical_and(crossing, hh2 + 1 < nh))
        def _():
            koff = base_k + (hh2 + 1) * HC
            pltpu.async_copy(src_hbm.at[s, pl.ds(koff, HC)], src_v.at[(hh2 + 1) % 2], isem)
            pltpu.async_copy(dst_hbm.at[s, pl.ds(koff, HC)], dst_v.at[(hh2 + 1) % 2], isem)

        @pl.when(j1 + 2 < ln)
        def _():
            j3 = j1 + 2
            pltpu.async_copy(hp_hbm.at[src_v.at[j3 // HC % 2, j3 % HC]], rows_v.at[1], sem1)
        return carry
    lax.fori_loop(0, ln // 2, _step, 0)
    plsc.subcore_barrier()

    pltpu.sync_copy(acc_sh.at[pl.ds(base, ROWS_PER_SUB)], out_hbm.at[c, pl.ds(base, ROWS_PER_SUB)])


_agg_call = pl.kernel(
    _agg_body,
    out_type=jax.ShapeDtypeStruct((NC, N_PAD, F), _f32),
    mesh=_mesh,
    scratch_types=[
        pltpu.VMEM((2, HC, CH), jnp.int32),
        pltpu.VMEM((2, HC, CH), jnp.int32),
        pltpu.VMEM((2, CH, F), _f32),
        pltpu.VMEM_SHARED((ACC_ROWS, F), _f32),
        pltpu.SemaphoreType.DMA,
        pltpu.SemaphoreType.DMA,
        pltpu.SemaphoreType.DMA,
    ],
)



def _bdot(a, b):
    return jnp.dot(a, b, preferred_element_type=_f32)


def _lrelu(v):
    return jnp.where(v >= 0, v, SLOPE * v)


def _k0_body(degs_ref, x_ref, w_ref, dinv_ref, hp_ref):
    deg = jnp.sum(degs_ref[...], axis=1, keepdims=True) + 2.0
    rows = pl.program_id(0) * BLK + lax.broadcasted_iota(jnp.int32, (BLK, 1), 0)
    dinv = jnp.where(rows < N_NODES, 1.0 / jnp.sqrt(deg), 0.0)
    dinv_ref[...] = dinv
    h = _bdot(x_ref[...], w_ref[...])
    hp_ref[...] = h * dinv


def _k0(degT, x_p, W1p):
    return pl.pallas_call(
        _k0_body,
        grid=(N_PAD // BLK,),
        in_specs=[
            pl.BlockSpec((BLK, NW), lambda i: (i, 0)),
            pl.BlockSpec((BLK, F), lambda i: (i, 0)),
            pl.BlockSpec((F, F), lambda i: (0, 0)),
        ],
        out_specs=[
            pl.BlockSpec((BLK, 1), lambda i: (i, 0)),
            pl.BlockSpec((BLK, F), lambda i: (i, 0)),
        ],
        out_shape=[
            jax.ShapeDtypeStruct((N_PAD, 1), _f32),
            jax.ShapeDtypeStruct((N_PAD, F), _f32),
        ],
    )(degT, x_p, W1p)


def _mid_body(accA_ref, accB_ref, dinv_ref, b_ref, g_ref, be_ref, w_ref, out_ref):
    agg = (accA_ref[...] + accB_ref[...]) * dinv_ref[...]
    z = (agg + b_ref[...]) * (g_ref[...] * BN_SCALE) + be_ref[...]
    z = _lrelu(z)
    out_ref[...] = _bdot(z, w_ref[...]) * dinv_ref[...]


def _mid(accA, accB, dinv, bp, gp, bep, Wp):
    vec = pl.BlockSpec((1, F), lambda i: (0, 0))
    return pl.pallas_call(
        _mid_body,
        grid=(N_PAD // BLK,),
        in_specs=[
            pl.BlockSpec((BLK, F), lambda i: (i, 0)),
            pl.BlockSpec((BLK, F), lambda i: (i, 0)),
            pl.BlockSpec((BLK, 1), lambda i: (i, 0)),
            vec, vec, vec,
            pl.BlockSpec((F, F), lambda i: (0, 0)),
        ],
        out_specs=pl.BlockSpec((BLK, F), lambda i: (i, 0)),
        out_shape=jax.ShapeDtypeStruct((N_PAD, F), _f32),
    )(accA, accB, dinv, bp, gp, bep, Wp)


def _fin_body(accA_ref, accB_ref, dinv_ref, b_ref, g_ref, be_ref,
              fw1_ref, fb1_ref, fw2_ref, fb2_ref, fw3_ref, fb3_ref,
              y_ref, o_ref):
    agg = (accA_ref[...] + accB_ref[...]) * dinv_ref[...]
    z = (agg + b_ref[...]) * (g_ref[...] * BN_SCALE) + be_ref[...]
    z = _lrelu(z)
    y_ref[...] = z
    o1 = _lrelu(_bdot(z, fw1_ref[...]) + fb1_ref[...])
    o2 = _lrelu(_bdot(o1, fw2_ref[...]) + fb2_ref[...])
    o_ref[...] = _bdot(o2, fw3_ref[...]) + fb3_ref[...]


def _fin(accA, accB, dinv, b, g, be, fW1, fb1, fW2, fb2, fW3, fb3):
    vec = pl.BlockSpec((1, F), lambda i: (0, 0))
    full = lambda a: pl.BlockSpec(a.shape, lambda i: (0, 0))
    return pl.pallas_call(
        _fin_body,
        grid=(N_PAD // BLK,),
        in_specs=[
            pl.BlockSpec((BLK, F), lambda i: (i, 0)),
            pl.BlockSpec((BLK, F), lambda i: (i, 0)),
            pl.BlockSpec((BLK, 1), lambda i: (i, 0)),
            vec, vec, vec,
            full(fW1), pl.BlockSpec((1, 64), lambda i: (0, 0)),
            full(fW2), pl.BlockSpec((1, 32), lambda i: (0, 0)),
            full(fW3), pl.BlockSpec((1, 1), lambda i: (0, 0)),
        ],
        out_specs=[
            pl.BlockSpec((BLK, F), lambda i: (i, 0)),
            pl.BlockSpec((BLK, 1), lambda i: (i, 0)),
        ],
        out_shape=[
            jax.ShapeDtypeStruct((N_PAD, F), _f32),
            jax.ShapeDtypeStruct((N_PAD, 1), _f32),
        ],
    )(accA, accB, dinv, b.reshape(1, F), g.reshape(1, F), be.reshape(1, F),
      fW1, fb1.reshape(1, 64), fW2, fb2.reshape(1, 32), fW3, fb3.reshape(1, 1))



def _padw(W):
    fi, fo = W.shape
    return jnp.pad(W, ((0, F - fi), (0, F - fo)))


def _padv(v):
    return jnp.pad(v, (0, F - v.shape[0])).reshape(1, F)


def kernel(x, edge_index, W1, b1, g1, be1, W2, b2, g2, be2, W3, b3, g3, be3,
           fW1, fb1, fW2, fb2, fW3, fb3):
    src = edge_index[0].astype(jnp.int32)
    dst = edge_index[1].astype(jnp.int32)
    pad = E_PAD - N_EDGES
    ar = jnp.arange(pad, dtype=jnp.int32)
    pad_src = TRASH_ROW + ar % (ACC_ROWS - N_NODES)
    pad_dst = ar % ACC_ROWS
    src_p = jnp.concatenate([src, pad_src]).reshape(NS, KT, CH)
    dst_p = jnp.concatenate([dst, pad_dst]).reshape(NS, KT, CH)
    dst_flat = jnp.concatenate([dst, pad_src]).reshape(NW, EPW)
    x_p = jnp.pad(x, ((0, N_PAD - N_NODES), (0, 0)))

    degs = _deg_call(dst_flat)
    degT = degs.T
    dinv, h1p = _k0(degT, x_p, _padw(W1))

    acc1 = _agg_call(h1p, src_p, dst_p)
    h2p = _mid(acc1[0], acc1[1], dinv, _padv(b1), _padv(g1), _padv(be1), _padw(W2))
    acc2 = _agg_call(h2p, src_p, dst_p)
    h3p = _mid(acc2[0], acc2[1], dinv, _padv(b2), _padv(g2), _padv(be2), _padw(W3))
    acc3 = _agg_call(h3p, src_p, dst_p)
    y_p, o_p = _fin(acc3[0], acc3[1], dinv, b3, g3, be3,
                    fW1, fb1, fW2, fb2, fW3, fb3)
    return y_p[:N_NODES], o_p[:N_NODES]

# --- scband reference (transcript-rebuilt; emitter-appended) ---
"""Pipeline reference for scband-gcn-14456859919078 (READ-ONLY COPY).

The authoritative reference and input builder live on the scoring server;
editing this copy changes nothing except your own understanding.
"""

import jax, jax.numpy as jnp
import numpy as np

N_NODES = 10000
N_EDGES = 320000
IN_DIM = 128
EPS = 1e-5

def leaky_relu(x, slope=0.01):
    return jnp.where(x >= 0, x, slope * x)

def gcn_conv(x, edge_index, W, b):
    # PyG GCNConv with improved=True: A_hat = A + 2I, sym normalization
    n = x.shape[0]
    h = x @ W
    src = edge_index[0]
    dst = edge_index[1]
    loop = jnp.arange(n, dtype=edge_index.dtype)
    src_a = jnp.concatenate([src, loop])
    dst_a = jnp.concatenate([dst, loop])
    ew = jnp.concatenate([jnp.ones(src.shape[0], dtype=h.dtype), 2.0 * jnp.ones(n, dtype=h.dtype)])
    deg = jnp.zeros(n, dtype=h.dtype).at[dst_a].add(ew)
    dinv = jnp.where(deg > 0, deg ** -0.5, 0.0)
    norm = dinv[src_a] * ew * dinv[dst_a]
    msg = norm[:, None] * h[src_a]
    out = jnp.zeros((n, h.shape[1]), dtype=h.dtype).at[dst_a].add(msg)
    return out + b

def batch_norm_eval(x, gamma, beta):
    # eval mode with default running stats: mean=0, var=1
    return (x / jnp.sqrt(1.0 + EPS)) * gamma + beta

def setup_inputs(seed: int = 0):
    key = jax.random.key(seed)
    ks = jax.random.split(key, 24)
    x = jax.random.normal(ks[0], (N_NODES, IN_DIM), dtype=jnp.float32)
    edge_index = jax.random.randint(ks[1], (2, N_EDGES), 0, N_NODES, dtype=jnp.int64)
    def xavier(k, fan_in, fan_out):
        lim = jnp.sqrt(6.0 / (fan_in + fan_out))
        return jax.random.uniform(k, (fan_in, fan_out), minval=-lim, maxval=lim, dtype=jnp.float32)
    inp = {
        'x': x,
        'edge_index': edge_index,
        'W1': xavier(ks[2], IN_DIM, 32), 'b1': jnp.zeros((32,), jnp.float32),
        'g1': jnp.ones((32,), jnp.float32), 'be1': jnp.zeros((32,), jnp.float32),
        'W2': xavier(ks[3], 32, 64), 'b2': jnp.zeros((64,), jnp.float32),
        'g2': jnp.ones((64,), jnp.float32), 'be2': jnp.zeros((64,), jnp.float32),
        'W3': xavier(ks[4], 64, 128), 'b3': jnp.zeros((128,), jnp.float32),
        'g3': jnp.ones((128,), jnp.float32), 'be3': jnp.zeros((128,), jnp.float32),
        'fW1': xavier(ks[5], 128, 64), 'fb1': jnp.zeros((64,), jnp.float32),
        'fW2': xavier(ks[6], 64, 32), 'fb2': jnp.zeros((32,), jnp.float32),
        'fW3': xavier(ks[7], 32, 1), 'fb3': jnp.zeros((1,), jnp.float32),
    }
    return inp

def reference(x, edge_index, W1, b1, g1, be1, W2, b2, g2, be2, W3, b3, g3, be3, fW1, fb1, fW2, fb2, fW3, fb3):
    h = gcn_conv(x, edge_index, W1, b1)
    h = batch_norm_eval(h, g1, be1)
    h = leaky_relu(h)
    h = gcn_conv(h, edge_index, W2, b2)
    h = batch_norm_eval(h, g2, be2)
    h = leaky_relu(h)
    h = gcn_conv(h, edge_index, W3, b3)
    h = batch_norm_eval(h, g3, be3)
    h = leaky_relu(h)
    y = h
    o = leaky_relu(h @ fW1 + fb1)
    o = leaky_relu(o @ fW2 + fb2)
    o = o @ fW3 + fb3
    return (y, o)

if __name__ == "__main__":
    import jax
    _d = setup_inputs()
    print(jax.jit(kernel)(*tuple(_d.values())))

</pallas_src>

<mosaic_0001>
#map = affine_map<(d0, d1) -> (0, 0)>
#map1 = affine_map<(d0, d1) -> (0, 0, 0)>
module attributes {stable_mosaic.version = 14 : i64} {
  func.func @_agg_body(%arg0: i32, %arg1: i32, %arg2: memref<10240x128xf32, #tpu.memory_space<hbm>>, %arg3: memref<16x160x128xi32, #tpu.memory_space<hbm>>, %arg4: memref<16x160x128xi32, #tpu.memory_space<hbm>>, %arg5: memref<2x10240x128xf32, #tpu.memory_space<hbm>>, %arg6: memref<2x16x128xi32, #tpu.memory_space<vmem>>, %arg7: memref<2x16x128xi32, #tpu.memory_space<vmem>>, %arg8: memref<2x128x128xf32, #tpu.memory_space<vmem>>, %arg9: memref<10112x128xf32, #tpu.memory_space<vmem_shared>>, %arg10: memref<!tpu.dma_semaphore, #tpu.memory_space<semaphore_mem>>, %arg11: memref<!tpu.dma_semaphore, #tpu.memory_space<semaphore_mem>>, %arg12: memref<!tpu.dma_semaphore, #tpu.memory_space<semaphore_mem>>) attributes {dimension_semantics = [#tpu.dimension_semantics<core_parallel>, #tpu.dimension_semantics<subcore_parallel>], iteration_bounds = array<i64: 2, 16>, scalar_prefetch = 0 : i64, scratch_operands = 7 : i64, tpu.core_type = #tpu.core_type<sc_vector_subcore>, window_params = [{transform_indices = #map}, {transform_indices = #map1}, {transform_indices = #map1}, {transform_indices = #map1}]} {
    %mul3A = arith.constant 632 : i32
    %mul3A_0 = arith.muli %arg1, %mul3A : i32
    "tpu.region"() ({
      %run_scoped3A_85 = tpu.sem_alloc : memref<!tpu.dma_semaphore, #tpu.memory_space<semaphore_mem>>
      %dma_start3A_86 = arith.constant 0 : i32
      %dma_start3A_87 = tpu.memref_slice %arg9[%mul3A_0, %dma_start3A_86] : memref<10112x128xf32, #tpu.memory_space<vmem_shared>> -> memref<632x128xf32, #tpu.memory_space<vmem_shared>>
      %dma_start3A_88 = arith.constant 0 : i32
      %dma_start3A_89 = tpu.memref_slice %arg2[%mul3A_0, %dma_start3A_88] : memref<10240x128xf32, #tpu.memory_space<hbm>> -> memref<632x128xf32, #tpu.memory_space<hbm>>
      tpu.enqueue_dma source(%dma_start3A_89 : memref<632x128xf32, #tpu.memory_space<hbm>>) target(%dma_start3A_87 : memref<632x128xf32, #tpu.memory_space<vmem_shared>>) target_semaphore(%run_scoped3A_85 : memref<!tpu.dma_semaphore, #tpu.memory_space<semaphore_mem>>)
      %dma_wait3A = arith.constant 0 : i32
      %dma_wait3A_90 = tpu.memref_slice %arg9[%mul3A_0, %dma_wait3A] : memref<10112x128xf32, #tpu.memory_space<vmem_shared>> -> memref<632x128xf32, #tpu.memory_space<vmem_shared>>
      %dma_wait3A_91 = arith.constant 0 : i32
      %dma_wait3A_92 = tpu.memref_slice %arg2[%mul3A_0, %dma_wait3A_91] : memref<10240x128xf32, #tpu.memory_space<hbm>> -> memref<632x128xf32, #tpu.memory_space<hbm>>
      tpu.wait_dma2 semaphore(%run_scoped3A_85 : memref<!tpu.dma_semaphore, #tpu.memory_space<semaphore_mem>>) src(%dma_wait3A_92 : memref<632x128xf32, #tpu.memory_space<hbm>>) dst(%dma_wait3A_90 : memref<632x128xf32, #tpu.memory_space<vmem_shared>>)
      tpu.yield
    }) : () -> ()
    %barrier3A = arith.constant 0 : index
    tpu.barrier barrier_id(%barrier3A)
    %mul3A_1 = arith.constant 80 : i32
    %mul3A_2 = arith.muli %arg0, %mul3A_1 : i32
    %eq3A = arith.constant 0 : i32
    %eq3A_3 = arith.cmpi eq, %arg0, %eq3A : i32
    %jit3A = arith.constant 80 : i32
    %jit3A_4 = arith.constant 80 : i32
    %select_n3A = arith.select %eq3A_3, %jit3A, %jit3A_4 : i32
    %jit3A_5 = arith.constant 16 : i32
    %div3A = arith.divsi %select_n3A, %jit3A_5 : i32
    %sign3A = arith.constant 0 : i32
    %sign3A_6 = arith.cmpi sgt, %select_n3A, %sign3A : i32
    %sign3A_7 = arith.extui %sign3A_6 : i1 to i32
    %sign3A_8 = arith.constant 0 : i32
    %sign3A_9 = arith.cmpi slt, %select_n3A, %sign3A_8 : i32
    %sign3A_10 = arith.extui %sign3A_9 : i1 to i32
    %sign3A_11 = arith.subi %sign3A_7, %sign3A_10 : i32
    %sign3A_12 = arith.constant 0 : i32
    %sign3A_13 = arith.cmpi sgt, %jit3A_5, %sign3A_12 : i32
    %sign3A_14 = arith.extui %sign3A_13 : i1 to i32
    %sign3A_15 = arith.constant 0 : i32
    %sign3A_16 = arith.cmpi slt, %jit3A_5, %sign3A_15 : i32
    %sign3A_17 = arith.extui %sign3A_16 : i1 to i32
    %sign3A_18 = arith.subi %sign3A_14, %sign3A_17 : i32
    %ne3A = arith.cmpi ne, %sign3A_11, %sign3A_18 : i32
    %rem3A = arith.remsi %select_n3A, %jit3A_5 : i32
    %ne3A_19 = arith.constant 0 : i32
    %ne3A_20 = arith.cmpi ne, %rem3A, %ne3A_19 : i32
    %and3A = arith.andi %ne3A, %ne3A_20 : i1
    %sub3A = arith.constant 1 : i32
    %sub3A_21 = arith.subi %div3A, %sub3A : i32
    %select_n3A_22 = arith.select %and3A, %sub3A_21, %div3A : i32
    %run_scoped3A = arith.constant 0 : i32
    "tpu.region"() ({
      %run_scoped3A_85 = tpu.sem_alloc : memref<!tpu.dma_semaphore, #tpu.memory_space<semaphore_mem>>
      %dma_start3A_86 = arith.constant 0 : i32
      %dma_start3A_87 = arith.constant 0 : i32
      %dma_start3A_88 = tpu.memref_slice %arg6[%run_scoped3A, %dma_start3A_86, %dma_start3A_87] : memref<2x16x128xi32, #tpu.memory_space<vmem>> -> memref<1x16x128xi32, #tpu.memory_space<vmem>>
      %dma_start3A_89 = tpu.memref_squeeze %dma_start3A_88 : memref<1x16x128xi32, #tpu.memory_space<vmem>> -> memref<16x128xi32, #tpu.memory_space<vmem>>
      %dma_start3A_90 = arith.constant 0 : i32
      %dma_start3A_91 = tpu.memref_slice %arg3[%arg1, %mul3A_2, %dma_start3A_90] : memref<16x160x128xi32, #tpu.memory_space<hbm>> -> memref<1x16x128xi32, #tpu.memory_space<hbm>>
      %dma_start3A_92 = tpu.memref_squeeze %dma_start3A_91 : memref<1x16x128xi32, #tpu.memory_space<hbm>> -> memref<16x128xi32, #tpu.memory_space<hbm>>
      %dma_start3A_93 = arith.constant 0 : i32
      %dma_start3A_94 = arith.constant 0 : i32
      %dma_start3A_95 = tpu.memref_slice %arg6[%run_scoped3A, %dma_start3A_93, %dma_start3A_94] : memref<2x16x128xi32, #tpu.memory_space<vmem>> -> memref<1x16x128xi32, #tpu.memory_space<vmem>>
      %dma_start3A_96 = tpu.memref_squeeze %dma_start3A_95 : memref<1x16x128xi32, #tpu.memory_space<vmem>> -> memref<16x128xi32, #tpu.memory_space<vmem>>
      %dma_start3A_97 = arith.constant 0 : i32
      %dma_start3A_98 = tpu.memref_slice %arg3[%arg1, %mul3A_2, %dma_start3A_97] : memref<16x160x128xi32, #tpu.memory_space<hbm>> -> memref<1x16x128xi32, #tpu.memory_space<hbm>>
      %dma_start3A_99 = tpu.memref_squeeze %dma_start3A_98 : memref<1x16x128xi32, #tpu.memory_space<hbm>> -> memref<16x128xi32, #tpu.memory_space<hbm>>
      tpu.enqueue_dma source(%dma_start3A_99 : memref<16x128xi32, #tpu.memory_space<hbm>>) target(%dma_start3A_96 : memref<16x128xi32, #tpu.memory_space<vmem>>) target_semaphore(%run_scoped3A_85 : memref<!tpu.dma_semaphore, #tpu.memory_space<semaphore_mem>>)
      %dma_wait3A = arith.constant 0 : i32
      %dma_wait3A_100 = arith.constant 0 : i32
      %dma_wait3A_101 = tpu.memref_slice %arg6[%run_scoped3A, %dma_wait3A, %dma_wait3A_100] : memref<2x16x128xi32, #tpu.memory_space<vmem>> -> memref<1x16x128xi32, #tpu.memory_space<vmem>>
      %dma_wait3A_102 = tpu.memref_squeeze %dma_wait3A_101 : memref<1x16x128xi32, #tpu.memory_space<vmem>> -> memref<16x128xi32, #tpu.memory_space<vmem>>
      %dma_wait3A_103 = arith.constant 0 : i32
      %dma_wait3A_104 = tpu.memref_slice %arg3[%arg1, %mul3A_2, %dma_wait3A_103] : memref<16x160x128xi32, #tpu.memory_space<hbm>> -> memref<1x16x128xi32, #tpu.memory_space<hbm>>
      %dma_wait3A_105 = tpu.memref_squeeze %dma_wait3A_104 : memref<1x16x128xi32, #tpu.memory_space<hbm>> -> memref<16x128xi32, #tpu.memory_space<hbm>>
      %dma_wait3A_106 = arith.constant 0 : i32
      %dma_wait3A_107 = arith.constant 0 : i32
      %dma_wait3A_108 = tpu.memref_slice %arg6[%run_scoped3A, %dma_wait3A_106, %dma_wait3A_107] : memref<2x16x128xi32, #tpu.memory_space<vmem>> -> memref<1x16x128xi32, #tpu.memory_space<vmem>>
      %dma_wait3A_109 = tpu.memref_squeeze %dma_wait3A_108 : memref<1x16x128xi32, #tpu.memory_space<vmem>> -> memref<16x128xi32, #tpu.memory_space<vmem>>
      %dma_wait3A_110 = arith.constant 0 : i32
      %dma_wait3A_111 = tpu.memref_slice %arg3[%arg1, %mul3A_2, %dma_wait3A_110] : memref<16x160x128xi32, #tpu.memory_space<hbm>> -> memref<1x16x128xi32, #tpu.memory_space<hbm>>
      %dma_wait3A_112 = tpu.memref_squeeze %dma_wait3A_111 : memref<1x16x128xi32, #tpu.memory_space<hbm>> -> memref<16x128xi32, #tpu.memory_space<hbm>>
      tpu.wait_dma2 semaphore(%run_scoped3A_85 : memref<!tpu.dma_semaphore, #tpu.memory_space<semaphore_mem>>) src(%dma_wait3A_112 : memref<16x128xi32, #tpu.memory_space<hbm>>) dst(%dma_wait3A_109 : memref<16x128xi32, #tpu.memory_space<vmem>>)
      tpu.yield
    }) : () -> ()
    %run_scoped3A_23 = arith.constant 0 : i32
    "tpu.region"() ({
      %run_scoped3A_85 = tpu.sem_alloc : memref<!tpu.dma_semaphore, #tpu.memory_space<semaphore_mem>>
      %dma_start3A_86 = arith.constant 0 : i32
      %dma_start3A_87 = arith.constant 0 : i32
      %dma_start3A_88 = tpu.memref_slice %arg7[%run_scoped3A_23, %dma_start3A_86, %dma_start3A_87] : memref<2x16x128xi32, #tpu.memory_space<vmem>> -> memref<1x16x128xi32, #tpu.memory_space<vmem>>
      %dma_start3A_89 = tpu.memref_squeeze %dma_start3A_88 : memref<1x16x128xi32, #tpu.memory_space<vmem>> -> memref<16x128xi32, #tpu.memory_space<vmem>>
      %dma_start3A_90 = arith.constant 0 : i32
      %dma_start3A_91 = tpu.memref_slice %arg4[%arg1, %mul3A_2, %dma_start3A_90] : memref<16x160x128xi32, #tpu.memory_space<hbm>> -> memref<1x16x128xi32, #tpu.memory_space<hbm>>
      %dma_start3A_92 = tpu.memref_squeeze %dma_start3A_91 : memref<1x16x128xi32, #tpu.memory_space<hbm>> -> memref<16x128xi32, #tpu.memory_space<hbm>>
      %dma_start3A_93 = arith.constant 0 : i32
      %dma_start3A_94 = arith.constant 0 : i32
      %dma_start3A_95 = tpu.memref_slice %arg7[%run_scoped3A_23, %dma_start3A_93, %dma_start3A_94] : memref<2x16x128xi32, #tpu.memory_space<vmem>> -> memref<1x16x128xi32, #tpu.memory_space<vmem>>
      %dma_start3A_96 = tpu.memref_squeeze %dma_start3A_95 : memref<1x16x128xi32, #tpu.memory_space<vmem>> -> memref<16x128xi32, #tpu.memory_space<vmem>>
      %dma_start3A_97 = arith.constant 0 : i32
      %dma_start3A_98 = tpu.memref_slice %arg4[%arg1, %mul3A_2, %dma_start3A_97] : memref<16x160x128xi32, #tpu.memory_space<hbm>> -> memref<1x16x128xi32, #tpu.memory_space<hbm>>
      %dma_start3A_99 = tpu.memref_squeeze %dma_start3A_98 : memref<1x16x128xi32, #tpu.memory_space<hbm>> -> memref<16x128xi32, #tpu.memory_space<hbm>>
      tpu.enqueue_dma source(%dma_start3A_99 : memref<16x128xi32, #tpu.memory_space<hbm>>) target(%dma_start3A_96 : memref<16x128xi32, #tpu.memory_space<vmem>>) target_semaphore(%run_scoped3A_85 : memref<!tpu.dma_semaphore, #tpu.memory_space<semaphore_mem>>)
      %dma_wait3A = arith.constant 0 : i32
      %dma_wait3A_100 = arith.constant 0 : i32
      %dma_wait3A_101 = tpu.memref_slice %arg7[%run_scoped3A_23, %dma_wait3A, %dma_wait3A_100] : memref<2x16x128xi32, #tpu.memory_space<vmem>> -> memref<1x16x128xi32, #tpu.memory_space<vmem>>
      %dma_wait3A_102 = tpu.memref_squeeze %dma_wait3A_101 : memref<1x16x128xi32, #tpu.memory_space<vmem>> -> memref<16x128xi32, #tpu.memory_space<vmem>>
      %dma_wait3A_103 = arith.constant 0 : i32
      %dma_wait3A_104 = tpu.memref_slice %arg4[%arg1, %mul3A_2, %dma_wait3A_103] : memref<16x160x128xi32, #tpu.memory_space<hbm>> -> memref<1x16x128xi32, #tpu.memory_space<hbm>>
      %dma_wait3A_105 = tpu.memref_squeeze %dma_wait3A_104 : memref<1x16x128xi32, #tpu.memory_space<hbm>> -> memref<16x128xi32, #tpu.memory_space<hbm>>
      %dma_wait3A_106 = arith.constant 0 : i32
      %dma_wait3A_107 = arith.constant 0 : i32
      %dma_wait3A_108 = tpu.memref_slice %arg7[%run_scoped3A_23, %dma_wait3A_106, %dma_wait3A_107] : memref<2x16x128xi32, #tpu.memory_space<vmem>> -> memref<1x16x128xi32, #tpu.memory_space<vmem>>
      %dma_wait3A_109 = tpu.memref_squeeze %dma_wait3A_108 : memref<1x16x128xi32, #tpu.memory_space<vmem>> -> memref<16x128xi32, #tpu.memory_space<vmem>>
      %dma_wait3A_110 = arith.constant 0 : i32
      %dma_wait3A_111 = tpu.memref_slice %arg4[%arg1, %mul3A_2, %dma_wait3A_110] : memref<16x160x128xi32, #tpu.memory_space<hbm>> -> memref<1x16x128xi32, #tpu.memory_space<hbm>>
      %dma_wait3A_112 = tpu.memref_squeeze %dma_wait3A_111 : memref<1x16x128xi32, #tpu.memory_space<hbm>> -> memref<16x128xi32, #tpu.memory_space<hbm>>
      tpu.wait_dma2 semaphore(%run_scoped3A_85 : memref<!tpu.dma_semaphore, #tpu.memory_space<semaphore_mem>>) src(%dma_wait3A_112 : memref<16x128xi32, #tpu.memory_space<hbm>>) dst(%dma_wait3A_109 : memref<16x128xi32, #tpu.memory_space<vmem>>)
      tpu.yield
    }) : () -> ()
    %gt3A = arith.constant 1 : i32
    %gt3A_24 = arith.cmpi sgt, %select_n3A_22, %gt3A : i32
    %convert_element_type3A = arith.extui %gt3A_24 : i1 to i32
    %cond3A = arith.constant 0 : i32
    %cond3A_25 = arith.cmpi ne, %convert_element_type3A, %cond3A : i32
    scf.if %cond3A_25 {
      %add3A = arith.constant 16 : i32
      %add3A_85 = arith.addi %mul3A_2, %add3A : i32
      %dma_start3A_86 = arith.constant 1 : i32
      %dma_start3A_87 = arith.constant 0 : i32
      %dma_start3A_88 = arith.constant 0 : i32
      %dma_start3A_89 = tpu.memref_slice %arg6[%dma_start3A_86, %dma_start3A_87, %dma_start3A_88] : memref<2x16x128xi32, #tpu.memory_space<vmem>> -> memref<1x16x128xi32, #tpu.memory_space<vmem>>
      %dma_start3A_90 = tpu.memref_squeeze %dma_start3A_89 : memref<1x16x128xi32, #tpu.memory_space<vmem>> -> memref<16x128xi32, #tpu.memory_space<vmem>>
      %dma_start3A_91 = arith.constant 0 : i32
      %dma_start3A_92 = tpu.memref_slice %arg3[%arg1, %add3A_85, %dma_start3A_91] : memref<16x160x128xi32, #tpu.memory_space<hbm>> -> memref<1x16x128xi32, #tpu.memory_space<hbm>>
      %dma_start3A_93 = tpu.memref_squeeze %dma_start3A_92 : memref<1x16x128xi32, #tpu.memory_space<hbm>> -> memref<16x128xi32, #tpu.memory_space<hbm>>
      %dma_start3A_94 = arith.constant 0 : i32
      %dma_start3A_95 = arith.constant 0 : i32
      %dma_start3A_96 = tpu.memref_slice %arg6[%dma_start3A_86, %dma_start3A_94, %dma_start3A_95] : memref<2x16x128xi32, #tpu.memory_space<vmem>> -> memref<1x16x128xi32, #tpu.memory_space<vmem>>
      %dma_start3A_97 = tpu.memref_squeeze %dma_start3A_96 : memref<1x16x128xi32, #tpu.memory_space<vmem>> -> memref<16x128xi32, #tpu.memory_space<vmem>>
      %dma_start3A_98 = arith.constant 0 : i32
      %dma_start3A_99 = tpu.memref_slice %arg3[%arg1, %add3A_85, %dma_start3A_98] : memref<16x160x128xi32, #tpu.memory_space<hbm>> -> memref<1x16x128xi32, #tpu.memory_space<hbm>>
      %dma_start3A_100 = tpu.memref_squeeze %dma_start3A_99 : memref<1x16x128xi32, #tpu.memory_space<hbm>> -> memref<16x128xi32, #tpu.memory_space<hbm>>
      tpu.enqueue_dma source(%dma_start3A_100 : memref<16x128xi32, #tpu.memory_space<hbm>>) target(%dma_start3A_97 : memref<16x128xi32, #tpu.memory_space<vmem>>) target_semaphore(%arg12 : memref<!tpu.dma_semaphore, #tpu.memory_space<semaphore_mem>>)
      %add3A_101 = arith.constant 16 : i32
      %add3A_102 = arith.addi %mul3A_2, %add3A_101 : i32
      %dma_start3A_103 = arith.constant 1 : i32
      %dma_start3A_104 = arith.constant 0 : i32
      %dma_start3A_105 = arith.constant 0 : i32
      %dma_start3A_106 = tpu.memref_slice %arg7[%dma_start3A_103, %dma_start3A_104, %dma_start3A_105] : memref<2x16x128xi32, #tpu.memory_space<vmem>> -> memref<1x16x128xi32, #tpu.memory_space<vmem>>
      %dma_start3A_107 = tpu.memref_squeeze %dma_start3A_106 : memref<1x16x128xi32, #tpu.memory_space<vmem>> -> memref<16x128xi32, #tpu.memory_space<vmem>>
      %dma_start3A_108 = arith.constant 0 : i32
      %dma_start3A_109 = tpu.memref_slice %arg4[%arg1, %add3A_102, %dma_start3A_108] : memref<16x160x128xi32, #tpu.memory_space<hbm>> -> memref<1x16x128xi32, #tpu.memory_space<hbm>>
      %dma_start3A_110 = tpu.memref_squeeze %dma_start3A_109 : memref<1x16x128xi32, #tpu.memory_space<hbm>> -> memref<16x128xi32, #tpu.memory_space<hbm>>
      %dma_start3A_111 = arith.constant 0 : i32
      %dma_start3A_112 = arith.constant 0 : i32
      %dma_start3A_113 = tpu.memref_slice %arg7[%dma_start3A_103, %dma_start3A_111, %dma_start3A_112] : memref<2x16x128xi32, #tpu.memory_space<vmem>> -> memref<1x16x128xi32, #tpu.memory_space<vmem>>
      %dma_start3A_114 = tpu.memref_squeeze %dma_start3A_113 : memref<1x16x128xi32, #tpu.memory_space<vmem>> -> memref<16x128xi32, #tpu.memory_space<vmem>>
      %dma_start3A_115 = arith.constant 0 : i32
      %dma_start3A_116 = tpu.memref_slice %arg4[%arg1, %add3A_102, %dma_start3A_115] : memref<16x160x128xi32, #tpu.memory_space<hbm>> -> memref<1x16x128xi32, #tpu.memory_space<hbm>>
      %dma_start3A_117 = tpu.memref_squeeze %dma_start3A_116 : memref<1x16x128xi32, #tpu.memory_space<hbm>> -> memref<16x128xi32, #tpu.memory_space<hbm>>
      tpu.enqueue_dma source(%dma_start3A_117 : memref<16x128xi32, #tpu.memory_space<hbm>>) target(%dma_start3A_114 : memref<16x128xi32, #tpu.memory_space<vmem>>) target_semaphore(%arg12 : memref<!tpu.dma_semaphore, #tpu.memory_space<semaphore_mem>>)
    } else {
    }
    %dma_start3A = arith.constant 0 : i32
    %dma_start3A_26 = arith.constant 0 : i32
    %dma_start3A_27 = arith.constant 0 : i32
    %dma_start3A_28 = arith.constant 0 : i32
    %dma_start3A_29 = arith.constant 0 : i32
    %dma_start3A_30 = tpu.memref_slice %arg8[%dma_start3A_27, %dma_start3A_28, %dma_start3A_29] : memref<2x128x128xf32, #tpu.memory_space<vmem>> -> memref<1x128x128xf32, #tpu.memory_space<vmem>>
    %dma_start3A_31 = tpu.memref_squeeze %dma_start3A_30 : memref<1x128x128xf32, #tpu.memory_space<vmem>> -> memref<128x128xf32, #tpu.memory_space<vmem>>
    %dma_start3A_32 = arith.constant 0 : i32
    %dma_start3A_33 = tpu.memref_slice %arg6[%dma_start3A, %dma_start3A_26, %dma_start3A_32] : memref<2x16x128xi32, #tpu.memory_space<vmem>> -> memref<1x1x128xi32, #tpu.memory_space<vmem>>
    %dma_start3A_34 = tpu.memref_squeeze %dma_start3A_33 : memref<1x1x128xi32, #tpu.memory_space<vmem>> -> memref<128xi32, #tpu.memory_space<vmem>>
    %dma_start3A_35 = arith.constant 0 : i32
    %dma_start3A_36 = arith.constant 0 : i32
    %dma_start3A_37 = tpu.memref_slice %arg2[%dma_start3A_35, %dma_start3A_36] : memref<10240x128xf32, #tpu.memory_space<hbm>> -> memref<10240x128xf32, #tpu.memory_space<hbm>>
    tpu.enqueue_indirect_dma source(%dma_start3A_37 : memref<10240x128xf32, #tpu.memory_space<hbm>>) target(%dma_start3A_31 : memref<128x128xf32, #tpu.memory_space<vmem>>) offsets(%dma_start3A_34 : memref<128xi32, #tpu.memory_space<vmem>>) semaphore(%arg10 : memref<!tpu.dma_semaphore, #tpu.memory_space<semaphore_mem>>)
    %dma_start3A_38 = arith.constant 0 : i32
    %dma_start3A_39 = arith.constant 1 : i32
    %dma_start3A_40 = arith.constant 1 : i32
    %dma_start3A_41 = arith.constant 0 : i32
    %dma_start3A_42 = arith.constant 0 : i32
    %dma_start3A_43 = tpu.memref_slice %arg8[%dma_start3A_40, %dma_start3A_41, %dma_start3A_42] : memref<2x128x128xf32, #tpu.memory_space<vmem>> -> memref<1x128x128xf32, #tpu.memory_space<vmem>>
    %dma_start3A_44 = tpu.memref_squeeze %dma_start3A_43 : memref<1x128x128xf32, #tpu.memory_space<vmem>> -> memref<128x128xf32, #tpu.memory_space<vmem>>
    %dma_start3A_45 = arith.constant 0 : i32
    %dma_start3A_46 = tpu.memref_slice %arg6[%dma_start3A_38, %dma_start3A_39, %dma_start3A_45] : memref<2x16x128xi32, #tpu.memory_space<vmem>> -> memref<1x1x128xi32, #tpu.memory_space<vmem>>
    %dma_start3A_47 = tpu.memref_squeeze %dma_start3A_46 : memref<1x1x128xi32, #tpu.memory_space<vmem>> -> memref<128xi32, #tpu.memory_space<vmem>>
    %dma_start3A_48 = arith.constant 0 : i32
    %dma_start3A_49 = arith.constant 0 : i32
    %dma_start3A_50 = tpu.memref_slice %arg2[%dma_start3A_48, %dma_start3A_49] : memref<10240x128xf32, #tpu.memory_space<hbm>> -> memref<10240x128xf32, #tpu.memory_space<hbm>>
    tpu.enqueue_indirect_dma source(%dma_start3A_50 : memref<10240x128xf32, #tpu.memory_space<hbm>>) target(%dma_start3A_44 : memref<128x128xf32, #tpu.memory_space<vmem>>) offsets(%dma_start3A_47 : memref<128xi32, #tpu.memory_space<vmem>>) semaphore(%arg11 : memref<!tpu.dma_semaphore, #tpu.memory_space<semaphore_mem>>)
    %jit3A_51 = arith.constant 2 : i32
    %div3A_52 = arith.divsi %select_n3A, %jit3A_51 : i32
    %sign3A_53 = arith.constant 0 : i32
    %sign3A_54 = arith.cmpi sgt, %select_n3A, %sign3A_53 : i32
    %sign3A_55 = arith.extui %sign3A_54 : i1 to i32
    %sign3A_56 = arith.constant 0 : i32
    %sign3A_57 = arith.cmpi slt, %select_n3A, %sign3A_56 : i32
    %sign3A_58 = arith.extui %sign3A_57 : i1 to i32
    %sign3A_59 = arith.subi %sign3A_55, %sign3A_58 : i32
    %sign3A_60 = arith.constant 0 : i32
    %sign3A_61 = arith.cmpi sgt, %jit3A_51, %sign3A_60 : i32
    %sign3A_62 = arith.extui %sign3A_61 : i1 to i32
    %sign3A_63 = arith.constant 0 : i32
    %sign3A_64 = arith.cmpi slt, %jit3A_51, %sign3A_63 : i32
    %sign3A_65 = arith.extui %sign3A_64 : i1 to i32
    %sign3A_66 = arith.subi %sign3A_62, %sign3A_65 : i32
    %ne3A_67 = arith.cmpi ne, %sign3A_59, %sign3A_66 : i32
    %rem3A_68 = arith.remsi %select_n3A, %jit3A_51 : i32
    %ne3A_69 = arith.constant 0 : i32
    %ne3A_70 = arith.cmpi ne, %rem3A_68, %ne3A_69 : i32
    %and3A_71 = arith.andi %ne3A_67, %ne3A_70 : i1
    %sub3A_72 = arith.constant 1 : i32
    %sub3A_73 = arith.subi %div3A_52, %sub3A_72 : i32
    %select_n3A_74 = arith.select %and3A_71, %sub3A_73, %div3A_52 : i32
    %while3A = arith.constant 0 : i32
    %while3A_75 = arith.constant 0 : i32
    %while3A_76 = arith.subi %select_n3A_74, %while3A_75 : i32
    %while3A_77 = arith.addi %while3A_75, %while3A_76 : i32
    %while3A_78 = arith.constant 1 : i32
    %while3A_79 = arith.divsi %while3A_76, %while3A_78 : i32
    %while3A_80 = arith.muli %while3A_79, %while3A_78 : i32
    %while3A_81 = arith.addi %while3A_75, %while3A_80 : i32
    %while3A_82 = arith.constant 1 : i32
    scf.for %while3A_85 = %while3A_75 to %while3A_81 step %while3A_82  : i32 {
      %mul3A_86 = arith.constant 2 : i32
      %mul3A_87 = arith.muli %while3A_85, %mul3A_86 : i32
      %add3A = arith.constant 1 : i32
      %add3A_88 = arith.addi %mul3A_87, %add3A : i32
      %add3A_89 = arith.constant 2 : i32
      %add3A_90 = arith.addi %mul3A_87, %add3A_89 : i32
      %jit3A_91 = arith.constant 16 : i32
      %div3A_92 = arith.divsi %add3A_90, %jit3A_91 : i32
      %sign3A_93 = arith.constant 0 : i32
      %sign3A_94 = arith.cmpi sgt, %add3A_90, %sign3A_93 : i32
      %sign3A_95 = arith.extui %sign3A_94 : i1 to i32
      %sign3A_96 = arith.constant 0 : i32
      %sign3A_97 = arith.cmpi slt, %add3A_90, %sign3A_96 : i32
      %sign3A_98 = arith.extui %sign3A_97 : i1 to i32
      %sign3A_99 = arith.subi %sign3A_95, %sign3A_98 : i32
      %sign3A_100 = arith.constant 0 : i32
      %sign3A_101 = arith.cmpi sgt, %jit3A_91, %sign3A_100 : i32
      %sign3A_102 = arith.extui %sign3A_101 : i1 to i32
      %sign3A_103 = arith.constant 0 : i32
      %sign3A_104 = arith.cmpi slt, %jit3A_91, %sign3A_103 : i32
      %sign3A_105 = arith.extui %sign3A_104 : i1 to i32
      %sign3A_106 = arith.subi %sign3A_102, %sign3A_105 : i32
      %ne3A_107 = arith.cmpi ne, %sign3A_99, %sign3A_106 : i32
      %rem3A_108 = arith.remsi %add3A_90, %jit3A_91 : i32
      %ne3A_109 = arith.constant 0 : i32
      %ne3A_110 = arith.cmpi ne, %rem3A_108, %ne3A_109 : i32
      %and3A_111 = arith.andi %ne3A_107, %ne3A_110 : i1
      %sub3A_112 = arith.constant 1 : i32
      %sub3A_113 = arith.subi %div3A_92, %sub3A_112 : i32
      %select_n3A_114 = arith.select %and3A_111, %sub3A_113, %div3A_92 : i32
      %jit3A_115 = arith.constant 2 : i32
      %eq3A_116 = arith.constant 0 : i32
      %eq3A_117 = arith.cmpi eq, %jit3A_115, %eq3A_116 : i32
      %jit3A_118 = arith.constant 1 : i32
      %select_n3A_119 = arith.select %eq3A_117, %jit3A_118, %jit3A_115 : i32
      %rem3A_120 = arith.remsi %select_n3A_114, %select_n3A_119 : i32
      %ne3A_121 = arith.constant 0 : i32
      %ne3A_122 = arith.cmpi ne, %rem3A_120, %ne3A_121 : i32
      %lt3A = arith.constant 0 : i32
      %lt3A_123 = arith.cmpi slt, %rem3A_120, %lt3A : i32
      %lt3A_124 = arith.constant 0 : i32
      %lt3A_125 = arith.cmpi slt, %select_n3A_119, %lt3A_124 : i32
      %ne3A_126 = arith.xori %lt3A_123, %lt3A_125 : i1
      %and3A_127 = arith.andi %ne3A_126, %ne3A_122 : i1
      %add3A_128 = arith.addi %rem3A_120, %select_n3A_119 : i32
      %select_n3A_129 = arith.select %and3A_127, %add3A_128, %rem3A_120 : i32
      %lt3A_130 = arith.cmpi slt, %add3A_90, %select_n3A : i32
      %jit3A_131 = arith.constant 16 : i32
      %eq3A_132 = arith.constant 0 : i32
      %eq3A_133 = arith.cmpi eq, %jit3A_131, %eq3A_132 : i32
      %jit3A_134 = arith.constant 1 : i32
      %select_n3A_135 = arith.select %eq3A_133, %jit3A_134, %jit3A_131 : i32
      %rem3A_136 = arith.remsi %add3A_90, %select_n3A_135 : i32
      %ne3A_137 = arith.constant 0 : i32
      %ne3A_138 = arith.cmpi ne, %rem3A_136, %ne3A_137 : i32
      %lt3A_139 = arith.constant 0 : i32
      %lt3A_140 = arith.cmpi slt, %rem3A_136, %lt3A_139 : i32
      %lt3A_141 = arith.constant 0 : i32
      %lt3A_142 = arith.cmpi slt, %select_n3A_135, %lt3A_141 : i32
      %ne3A_143 = arith.xori %lt3A_140, %lt3A_142 : i1
      %and3A_144 = arith.andi %ne3A_143, %ne3A_138 : i1
      %add3A_145 = arith.addi %rem3A_136, %select_n3A_135 : i32
      %select_n3A_146 = arith.select %and3A_144, %add3A_145, %rem3A_136 : i32
      %eq3A_147 = arith.constant 0 : i32
      %eq3A_148 = arith.cmpi eq, %select_n3A_146, %eq3A_147 : i32
      %and3A_149 = arith.andi %lt3A_130, %eq3A_148 : i1
      %dma_wait3A = arith.constant 0 : i32
      %dma_wait3A_150 = arith.constant 0 : i32
      %dma_wait3A_151 = arith.constant 0 : i32
      %dma_wait3A_152 = arith.constant 0 : i32
      %dma_wait3A_153 = arith.constant 0 : i32
      %dma_wait3A_154 = tpu.memref_slice %arg8[%dma_wait3A_151, %dma_wait3A_152, %dma_wait3A_153] : memref<2x128x128xf32, #tpu.memory_space<vmem>> -> memref<1x128x128xf32, #tpu.memory_space<vmem>>
      %dma_wait3A_155 = tpu.memref_squeeze %dma_wait3A_154 : memref<1x128x128xf32, #tpu.memory_space<vmem>> -> memref<128x128xf32, #tpu.memory_space<vmem>>
      %dma_wait3A_156 = arith.constant 0 : i32
      %dma_wait3A_157 = tpu.memref_slice %arg6[%dma_wait3A, %dma_wait3A_150, %dma_wait3A_156] : memref<2x16x128xi32, #tpu.memory_space<vmem>> -> memref<1x1x128xi32, #tpu.memory_space<vmem>>
      %dma_wait3A_158 = tpu.memref_squeeze %dma_wait3A_157 : memref<1x1x128xi32, #tpu.memory_space<vmem>> -> memref<128xi32, #tpu.memory_space<vmem>>
      %dma_wait3A_159 = arith.constant 0 : i32
      %dma_wait3A_160 = arith.constant 0 : i32
      %dma_wait3A_161 = tpu.memref_slice %arg2[%dma_wait3A_159, %dma_wait3A_160] : memref<10240x128xf32, #tpu.memory_space<hbm>> -> memref<10240x128xf32, #tpu.memory_space<hbm>>
      tpu.wait_indirect_dma semaphore(%arg10 : memref<!tpu.dma_semaphore, #tpu.memory_space<semaphore_mem>>) src(%dma_wait3A_161 : memref<10240x128xf32, #tpu.memory_space<hbm>>) dst(%dma_wait3A_155 : memref<128x128xf32, #tpu.memory_space<vmem>>)
      %jit3A_162 = arith.constant 16 : i32
      %div3A_163 = arith.divsi %mul3A_87, %jit3A_162 : i32
      %sign3A_164 = arith.constant 0 : i32
      %sign3A_165 = arith.cmpi sgt, %mul3A_87, %sign3A_164 : i32
      %sign3A_166 = arith.extui %sign3A_165 : i1 to i32
      %sign3A_167 = arith.constant 0 : i32
      %sign3A_168 = arith.cmpi slt, %mul3A_87, %sign3A_167 : i32
      %sign3A_169 = arith.extui %sign3A_168 : i1 to i32
      %sign3A_170 = arith.subi %sign3A_166, %sign3A_169 : i32
      %sign3A_171 = arith.constant 0 : i32
      %sign3A_172 = arith.cmpi sgt, %jit3A_162, %sign3A_171 : i32
      %sign3A_173 = arith.extui %sign3A_172 : i1 to i32
      %sign3A_174 = arith.constant 0 : i32
      %sign3A_175 = arith.cmpi slt, %jit3A_162, %sign3A_174 : i32
      %sign3A_176 = arith.extui %sign3A_175 : i1 to i32
      %sign3A_177 = arith.subi %sign3A_173, %sign3A_176 : i32
      %ne3A_178 = arith.cmpi ne, %sign3A_170, %sign3A_177 : i32
      %rem3A_179 = arith.remsi %mul3A_87, %jit3A_162 : i32
      %ne3A_180 = arith.constant 0 : i32
      %ne3A_181 = arith.cmpi ne, %rem3A_179, %ne3A_180 : i32
      %and3A_182 = arith.andi %ne3A_178, %ne3A_181 : i1
      %sub3A_183 = arith.constant 1 : i32
      %sub3A_184 = arith.subi %div3A_163, %sub3A_183 : i32
      %select_n3A_185 = arith.select %and3A_182, %sub3A_184, %div3A_163 : i32
      %jit3A_186 = arith.constant 2 : i32
      %eq3A_187 = arith.constant 0 : i32
      %eq3A_188 = arith.cmpi eq, %jit3A_186, %eq3A_187 : i32
      %jit3A_189 = arith.constant 1 : i32
      %select_n3A_190 = arith.select %eq3A_188, %jit3A_189, %jit3A_186 : i32
      %rem3A_191 = arith.remsi %select_n3A_185, %select_n3A_190 : i32
      %ne3A_192 = arith.constant 0 : i32
      %ne3A_193 = arith.cmpi ne, %rem3A_191, %ne3A_192 : i32
      %lt3A_194 = arith.constant 0 : i32
      %lt3A_195 = arith.cmpi slt, %rem3A_191, %lt3A_194 : i32
      %lt3A_196 = arith.constant 0 : i32
      %lt3A_197 = arith.cmpi slt, %select_n3A_190, %lt3A_196 : i32
      %ne3A_198 = arith.xori %lt3A_195, %lt3A_197 : i1
      %and3A_199 = arith.andi %ne3A_198, %ne3A_193 : i1
      %add3A_200 = arith.addi %rem3A_191, %select_n3A_190 : i32
      %select_n3A_201 = arith.select %and3A_199, %add3A_200, %rem3A_191 : i32
      %jit3A_202 = arith.constant 16 : i32
      %eq3A_203 = arith.constant 0 : i32
      %eq3A_204 = arith.cmpi eq, %jit3A_202, %eq3A_203 : i32
      %jit3A_205 = arith.constant 1 : i32
      %select_n3A_206 = arith.select %eq3A_204, %jit3A_205, %jit3A_202 : i32
      %rem3A_207 = arith.remsi %mul3A_87, %select_n3A_206 : i32
      %ne3A_208 = arith.constant 0 : i32
      %ne3A_209 = arith.cmpi ne, %rem3A_207, %ne3A_208 : i32
      %lt3A_210 = arith.constant 0 : i32
      %lt3A_211 = arith.cmpi slt, %rem3A_207, %lt3A_210 : i32
      %lt3A_212 = arith.constant 0 : i32
      %lt3A_213 = arith.cmpi slt, %select_n3A_206, %lt3A_212 : i32
      %ne3A_214 = arith.xori %lt3A_211, %lt3A_213 : i1
      %and3A_215 = arith.andi %ne3A_214, %ne3A_209 : i1
      %add3A_216 = arith.addi %rem3A_207, %select_n3A_206 : i32
      %select_n3A_217 = arith.select %and3A_215, %add3A_216, %rem3A_207 : i32
      %run_scoped3A_218 = arith.constant 0 : i32
      "tpu.region"() ({
        %run_scoped3A_309 = tpu.sem_alloc : memref<!tpu.dma_semaphore, #tpu.memory_space<semaphore_mem>>
        %dma_start3A_310 = arith.constant 0 : i32
        %dma_start3A_311 = arith.constant 0 : i32
        %dma_start3A_312 = tpu.memref_slice %arg8[%run_scoped3A_218, %dma_start3A_310, %dma_start3A_311] : memref<2x128x128xf32, #tpu.memory_space<vmem>> -> memref<1x128x128xf32, #tpu.memory_space<vmem>>
        %dma_start3A_313 = tpu.memref_squeeze %dma_start3A_312 : memref<1x128x128xf32, #tpu.memory_space<vmem>> -> memref<128x128xf32, #tpu.memory_space<vmem>>
        %dma_start3A_314 = arith.constant 0 : i32
        %dma_start3A_315 = tpu.memref_slice %arg7[%select_n3A_201, %select_n3A_217, %dma_start3A_314] : memref<2x16x128xi32, #tpu.memory_space<vmem>> -> memref<1x1x128xi32, #tpu.memory_space<vmem>>
        %dma_start3A_316 = tpu.memref_squeeze %dma_start3A_315 : memref<1x1x128xi32, #tpu.memory_space<vmem>> -> memref<128xi32, #tpu.memory_space<vmem>>
        %dma_start3A_317 = arith.constant 0 : i32
        %dma_start3A_318 = arith.constant 0 : i32
        %dma_start3A_319 = tpu.memref_slice %arg9[%dma_start3A_317, %dma_start3A_318] : memref<10112x128xf32, #tpu.memory_space<vmem_shared>> -> memref<10112x128xf32, #tpu.memory_space<vmem_shared>>
        tpu.enqueue_indirect_dma source(%dma_start3A_313 : memref<128x128xf32, #tpu.memory_space<vmem>>) target(%dma_start3A_319 : memref<10112x128xf32, #tpu.memory_space<vmem_shared>>) offsets(%dma_start3A_316 : memref<128xi32, #tpu.memory_space<vmem>>) semaphore(%run_scoped3A_309 : memref<!tpu.dma_semaphore, #tpu.memory_space<semaphore_mem>>) {add = true}
        %dma_wait3A_320 = arith.constant 0 : i32
        %dma_wait3A_321 = arith.constant 0 : i32
        %dma_wait3A_322 = tpu.memref_slice %arg8[%run_scoped3A_218, %dma_wait3A_320, %dma_wait3A_321] : memref<2x128x128xf32, #tpu.memory_space<vmem>> -> memref<1x128x128xf32, #tpu.memory_space<vmem>>
        %dma_wait3A_323 = tpu.memref_squeeze %dma_wait3A_322 : memref<1x128x128xf32, #tpu.memory_space<vmem>> -> memref<128x128xf32, #tpu.memory_space<vmem>>
        %dma_wait3A_324 = arith.constant 0 : i32
        %dma_wait3A_325 = tpu.memref_slice %arg7[%select_n3A_201, %select_n3A_217, %dma_wait3A_324] : memref<2x16x128xi32, #tpu.memory_space<vmem>> -> memref<1x1x128xi32, #tpu.memory_space<vmem>>
        %dma_wait3A_326 = tpu.memref_squeeze %dma_wait3A_325 : memref<1x1x128xi32, #tpu.memory_space<vmem>> -> memref<128xi32, #tpu.memory_space<vmem>>
        %dma_wait3A_327 = arith.constant 0 : i32
        %dma_wait3A_328 = arith.constant 0 : i32
        %dma_wait3A_329 = tpu.memref_slice %arg9[%dma_wait3A_327, %dma_wait3A_328] : memref<10112x128xf32, #tpu.memory_space<vmem_shared>> -> memref<10112x128xf32, #tpu.memory_space<vmem_shared>>
        tpu.wait_indirect_dma semaphore(%run_scoped3A_309 : memref<!tpu.dma_semaphore, #tpu.memory_space<semaphore_mem>>) src(%dma_wait3A_323 : memref<128x128xf32, #tpu.memory_space<vmem>>) dst(%dma_wait3A_329 : memref<10112x128xf32, #tpu.memory_space<vmem_shared>>)
        tpu.yield
      }) : () -> ()
      %convert_element_type3A_219 = arith.extui %and3A_149 : i1 to i32
      %cond3A_220 = arith.constant 0 : i32
      %cond3A_221 = arith.cmpi ne, %convert_element_type3A_219, %cond3A_220 : i32
      scf.if %cond3A_221 {
        %dma_wait3A_309 = arith.constant 0 : i32
        %dma_wait3A_310 = arith.constant 0 : i32
        %dma_wait3A_311 = arith.constant 0 : i32
        %dma_wait3A_312 = tpu.memref_slice %arg6[%dma_wait3A_309, %dma_wait3A_310, %dma_wait3A_311] : memref<2x16x128xi32, #tpu.memory_space<vmem>> -> memref<1x16x128xi32, #tpu.memory_space<vmem>>
        %dma_wait3A_313 = tpu.memref_squeeze %dma_wait3A_312 : memref<1x16x128xi32, #tpu.memory_space<vmem>> -> memref<16x128xi32, #tpu.memory_space<vmem>>
        %dma_wait3A_314 = arith.constant 0 : i32
        %dma_wait3A_315 = tpu.memref_slice %arg3[%arg1, %mul3A_2, %dma_wait3A_314] : memref<16x160x128xi32, #tpu.memory_space<hbm>> -> memref<1x16x128xi32, #tpu.memory_space<hbm>>
        %dma_wait3A_316 = tpu.memref_squeeze %dma_wait3A_315 : memref<1x16x128xi32, #tpu.memory_space<hbm>> -> memref<16x128xi32, #tpu.memory_space<hbm>>
        %dma_wait3A_317 = arith.constant 0 : i32
        %dma_wait3A_318 = arith.constant 0 : i32
        %dma_wait3A_319 = tpu.memref_slice %arg6[%dma_wait3A_309, %dma_wait3A_317, %dma_wait3A_318] : memref<2x16x128xi32, #tpu.memory_space<vmem>> -> memref<1x16x128xi32, #tpu.memory_space<vmem>>
        %dma_wait3A_320 = tpu.memref_squeeze %dma_wait3A_319 : memref<1x16x128xi32, #tpu.memory_space<vmem>> -> memref<16x128xi32, #tpu.memory_space<vmem>>
        %dma_wait3A_321 = arith.constant 0 : i32
        %dma_wait3A_322 = tpu.memref_slice %arg3[%arg1, %mul3A_2, %dma_wait3A_321] : memref<16x160x128xi32, #tpu.memory_space<hbm>> -> memref<1x16x128xi32, #tpu.memory_space<hbm>>
        %dma_wait3A_323 = tpu.memref_squeeze %dma_wait3A_322 : memref<1x16x128xi32, #tpu.memory_space<hbm>> -> memref<16x128xi32, #tpu.memory_space<hbm>>
        tpu.wait_dma2 semaphore(%arg12 : memref<!tpu.dma_semaphore, #tpu.memory_space<semaphore_mem>>) src(%dma_wait3A_323 : memref<16x128xi32, #tpu.memory_space<hbm>>) dst(%dma_wait3A_320 : memref<16x128xi32, #tpu.memory_space<vmem>>)
        %dma_wait3A_324 = arith.constant 0 : i32
        %dma_wait3A_325 = arith.constant 0 : i32
        %dma_wait3A_326 = arith.constant 0 : i32
        %dma_wait3A_327 = tpu.memref_slice %arg7[%dma_wait3A_324, %dma_wait3A_325, %dma_wait3A_326] : memref<2x16x128xi32, #tpu.memory_space<vmem>> -> memref<1x16x128xi32, #tpu.memory_space<vmem>>
        %dma_wait3A_328 = tpu.memref_squeeze %dma_wait3A_327 : memref<1x16x128xi32, #tpu.memory_space<vmem>> -> memref<16x128xi32, #tpu.memory_space<vmem>>
        %dma_wait3A_329 = arith.constant 0 : i32
        %dma_wait3A_330 = tpu.memref_slice %arg4[%arg1, %mul3A_2, %dma_wait3A_329] : memref<16x160x128xi32, #tpu.memory_space<hbm>> -> memref<1x16x128xi32, #tpu.memory_space<hbm>>
        %dma_wait3A_331 = tpu.memref_squeeze %dma_wait3A_330 : memref<1x16x128xi32, #tpu.memory_space<hbm>> -> memref<16x128xi32, #tpu.memory_space<hbm>>
        %dma_wait3A_332 = arith.constant 0 : i32
        %dma_wait3A_333 = arith.constant 0 : i32
        %dma_wait3A_334 = tpu.memref_slice %arg7[%dma_wait3A_324, %dma_wait3A_332, %dma_wait3A_333] : memref<2x16x128xi32, #tpu.memory_space<vmem>> -> memref<1x16x128xi32, #tpu.memory_space<vmem>>
        %dma_wait3A_335 = tpu.memref_squeeze %dma_wait3A_334 : memref<1x16x128xi32, #tpu.memory_space<vmem>> -> memref<16x128xi32, #tpu.memory_space<vmem>>
        %dma_wait3A_336 = arith.constant 0 : i32
        %dma_wait3A_337 = tpu.memref_slice %arg4[%arg1, %mul3A_2, %dma_wait3A_336] : memref<16x160x128xi32, #tpu.memory_space<hbm>> -> memref<1x16x128xi32, #tpu.memory_space<hbm>>
        %dma_wait3A_338 = tpu.memref_squeeze %dma_wait3A_337 : memref<1x16x128xi32, #tpu.memory_space<hbm>> -> memref<16x128xi32, #tpu.memory_space<hbm>>
        tpu.wait_dma2 semaphore(%arg12 : memref<!tpu.dma_semaphore, #tpu.memory_space<semaphore_mem>>) src(%dma_wait3A_338 : memref<16x128xi32, #tpu.memory_space<hbm>>) dst(%dma_wait3A_335 : memref<16x128xi32, #tpu.memory_space<vmem>>)
      } else {
      }
      %lt3A_222 = arith.cmpi slt, %add3A_90, %select_n3A : i32
      %convert_element_type3A_223 = arith.extui %lt3A_222 : i1 to i32
      %cond3A_224 = arith.constant 0 : i32
      %cond3A_225 = arith.cmpi ne, %convert_element_type3A_223, %cond3A_224 : i32
      scf.if %cond3A_225 {
        %jit3A_309 = arith.constant 16 : i32
        %eq3A_310 = arith.constant 0 : i32
        %eq3A_311 = arith.cmpi eq, %jit3A_309, %eq3A_310 : i32
        %jit3A_312 = arith.constant 1 : i32
        %select_n3A_313 = arith.select %eq3A_311, %jit3A_312, %jit3A_309 : i32
        %rem3A_314 = arith.remsi %add3A_90, %select_n3A_313 : i32
        %ne3A_315 = arith.constant 0 : i32
        %ne3A_316 = arith.cmpi ne, %rem3A_314, %ne3A_315 : i32
        %lt3A_317 = arith.constant 0 : i32
        %lt3A_318 = arith.cmpi slt, %rem3A_314, %lt3A_317 : i32
        %lt3A_319 = arith.constant 0 : i32
        %lt3A_320 = arith.cmpi slt, %select_n3A_313, %lt3A_319 : i32
        %ne3A_321 = arith.xori %lt3A_318, %lt3A_320 : i1
        %and3A_322 = arith.andi %ne3A_321, %ne3A_316 : i1
        %add3A_323 = arith.addi %rem3A_314, %select_n3A_313 : i32
        %select_n3A_324 = arith.select %and3A_322, %add3A_323, %rem3A_314 : i32
        %dma_start3A_325 = arith.constant 0 : i32
        %dma_start3A_326 = arith.constant 0 : i32
        %dma_start3A_327 = arith.constant 0 : i32
        %dma_start3A_328 = tpu.memref_slice %arg8[%dma_start3A_325, %dma_start3A_326, %dma_start3A_327] : memref<2x128x128xf32, #tpu.memory_space<vmem>> -> memref<1x128x128xf32, #tpu.memory_space<vmem>>
        %dma_start3A_329 = tpu.memref_squeeze %dma_start3A_328 : memref<1x128x128xf32, #tpu.memory_space<vmem>> -> memref<128x128xf32, #tpu.memory_space<vmem>>
        %dma_start3A_330 = arith.constant 0 : i32
        %dma_start3A_331 = tpu.memref_slice %arg6[%select_n3A_129, %select_n3A_324, %dma_start3A_330] : memref<2x16x128xi32, #tpu.memory_space<vmem>> -> memref<1x1x128xi32, #tpu.memory_space<vmem>>
        %dma_start3A_332 = tpu.memref_squeeze %dma_start3A_331 : memref<1x1x128xi32, #tpu.memory_space<vmem>> -> memref<128xi32, #tpu.memory_space<vmem>>
        %dma_start3A_333 = arith.constant 0 : i32
        %dma_start3A_334 = arith.constant 0 : i32
        %dma_start3A_335 = tpu.memref_slice %arg2[%dma_start3A_333, %dma_start3A_334] : memref<10240x128xf32, #tpu.memory_space<hbm>> -> memref<10240x128xf32, #tpu.memory_space<hbm>>
        tpu.enqueue_indirect_dma source(%dma_start3A_335 : memref<10240x128xf32, #tpu.memory_space<hbm>>) target(%dma_start3A_329 : memref<128x128xf32, #tpu.memory_space<vmem>>) offsets(%dma_start3A_332 : memref<128xi32, #tpu.memory_space<vmem>>) semaphore(%arg10 : memref<!tpu.dma_semaphore, #tpu.memory_space<semaphore_mem>>)
      } else {
      }
      %dma_wait3A_226 = arith.constant 0 : i32
      %dma_wait3A_227 = arith.constant 0 : i32
      %dma_wait3A_228 = arith.constant 1 : i32
      %dma_wait3A_229 = arith.constant 0 : i32
      %dma_wait3A_230 = arith.constant 0 : i32
      %dma_wait3A_231 = tpu.memref_slice %arg8[%dma_wait3A_228, %dma_wait3A_229, %dma_wait3A_230] : memref<2x128x128xf32, #tpu.memory_space<vmem>> -> memref<1x128x128xf32, #tpu.memory_space<vmem>>
      %dma_wait3A_232 = tpu.memref_squeeze %dma_wait3A_231 : memref<1x128x128xf32, #tpu.memory_space<vmem>> -> memref<128x128xf32, #tpu.memory_space<vmem>>
      %dma_wait3A_233 = arith.constant 0 : i32
      %dma_wait3A_234 = tpu.memref_slice %arg6[%dma_wait3A_226, %dma_wait3A_227, %dma_wait3A_233] : memref<2x16x128xi32, #tpu.memory_space<vmem>> -> memref<1x1x128xi32, #tpu.memory_space<vmem>>
      %dma_wait3A_235 = tpu.memref_squeeze %dma_wait3A_234 : memref<1x1x128xi32, #tpu.memory_space<vmem>> -> memref<128xi32, #tpu.memory_space<vmem>>
      %dma_wait3A_236 = arith.constant 0 : i32
      %dma_wait3A_237 = arith.constant 0 : i32
      %dma_wait3A_238 = tpu.memref_slice %arg2[%dma_wait3A_236, %dma_wait3A_237] : memref<10240x128xf32, #tpu.memory_space<hbm>> -> memref<10240x128xf32, #tpu.memory_space<hbm>>
      tpu.wait_indirect_dma semaphore(%arg11 : memref<!tpu.dma_semaphore, #tpu.memory_space<semaphore_mem>>) src(%dma_wait3A_238 : memref<10240x128xf32, #tpu.memory_space<hbm>>) dst(%dma_wait3A_232 : memref<128x128xf32, #tpu.memory_space<vmem>>)
      %jit3A_239 = arith.constant 16 : i32
      %div3A_240 = arith.divsi %add3A_88, %jit3A_239 : i32
      %sign3A_241 = arith.constant 0 : i32
      %sign3A_242 = arith.cmpi sgt, %add3A_88, %sign3A_241 : i32
      %sign3A_243 = arith.extui %sign3A_242 : i1 to i32
      %sign3A_244 = arith.constant 0 : i32
      %sign3A_245 = arith.cmpi slt, %add3A_88, %sign3A_244 : i32
      %sign3A_246 = arith.extui %sign3A_245 : i1 to i32
      %sign3A_247 = arith.subi %sign3A_243, %sign3A_246 : i32
      %sign3A_248 = arith.constant 0 : i32
      %sign3A_249 = arith.cmpi sgt, %jit3A_239, %sign3A_248 : i32
      %sign3A_250 = arith.extui %sign3A_249 : i1 to i32
      %sign3A_251 = arith.constant 0 : i32
      %sign3A_252 = arith.cmpi slt, %jit3A_239, %sign3A_251 : i32
      %sign3A_253 = arith.extui %sign3A_252 : i1 to i32
      %sign3A_254 = arith.subi %sign3A_250, %sign3A_253 : i32
      %ne3A_255 = arith.cmpi ne, %sign3A_247, %sign3A_254 : i32
      %rem3A_256 = arith.remsi %add3A_88, %jit3A_239 : i32
      %ne3A_257 = arith.constant 0 : i32
      %ne3A_258 = arith.cmpi ne, %rem3A_256, %ne3A_257 : i32
      %and3A_259 = arith.andi %ne3A_255, %ne3A_258 : i1
      %sub3A_260 = arith.constant 1 : i32
      %sub3A_261 = arith.subi %div3A_240, %sub3A_260 : i32
      %select_n3A_262 = arith.select %and3A_259, %sub3A_261, %div3A_240 : i32
      %jit3A_263 = arith.constant 2 : i32
      %eq3A_264 = arith.constant 0 : i32
      %eq3A_265 = arith.cmpi eq, %jit3A_263, %eq3A_264 : i32
      %jit3A_266 = arith.constant 1 : i32
      %select_n3A_267 = arith.select %eq3A_265, %jit3A_266, %jit3A_263 : i32
      %rem3A_268 = arith.remsi %select_n3A_262, %select_n3A_267 : i32
      %ne3A_269 = arith.constant 0 : i32
      %ne3A_270 = arith.cmpi ne, %rem3A_268, %ne3A_269 : i32
      %lt3A_271 = arith.constant 0 : i32
      %lt3A_272 = arith.cmpi slt, %rem3A_268, %lt3A_271 : i32
      %lt3A_273 = arith.constant 0 : i32
      %lt3A_274 = arith.cmpi slt, %select_n3A_267, %lt3A_273 : i32
      %ne3A_275 = arith.xori %lt3A_272, %lt3A_274 : i1
      %and3A_276 = arith.andi %ne3A_275, %ne3A_270 : i1
      %add3A_277 = arith.addi %rem3A_268, %select_n3A_267 : i32
      %select_n3A_278 = arith.select %and3A_276, %add3A_277, %rem3A_268 : i32
      %jit3A_279 = arith.constant 16 : i32
      %eq3A_280 = arith.constant 0 : i32
      %eq3A_281 = arith.cmpi eq, %jit3A_279, %eq3A_280 : i32
      %jit3A_282 = arith.constant 1 : i32
      %select_n3A_283 = arith.select %eq3A_281, %jit3A_282, %jit3A_279 : i32
      %rem3A_284 = arith.remsi %add3A_88, %select_n3A_283 : i32
      %ne3A_285 = arith.constant 0 : i32
      %ne3A_286 = arith.cmpi ne, %rem3A_284, %ne3A_285 : i32
      %lt3A_287 = arith.constant 0 : i32
      %lt3A_288 = arith.cmpi slt, %rem3A_284, %lt3A_287 : i32
      %lt3A_289 = arith.constant 0 : i32
      %lt3A_290 = arith.cmpi slt, %select_n3A_283, %lt3A_289 : i32
      %ne3A_291 = arith.xori %lt3A_288, %lt3A_290 : i1
      %and3A_292 = arith.andi %ne3A_291, %ne3A_286 : i1
      %add3A_293 = arith.addi %rem3A_284, %select_n3A_283 : i32
      %select_n3A_294 = arith.select %and3A_292, %add3A_293, %rem3A_284 : i32
      %run_scoped3A_295 = arith.constant 1 : i32
      "tpu.region"() ({
        %run_scoped3A_309 = tpu.sem_alloc : memref<!tpu.dma_semaphore, #tpu.memory_space<semaphore_mem>>
        %dma_start3A_310 = arith.constant 0 : i32
        %dma_start3A_311 = arith.constant 0 : i32
        %dma_start3A_312 = tpu.memref_slice %arg8[%run_scoped3A_295, %dma_start3A_310, %dma_start3A_311] : memref<2x128x128xf32, #tpu.memory_space<vmem>> -> memref<1x128x128xf32, #tpu.memory_space<vmem>>
        %dma_start3A_313 = tpu.memref_squeeze %dma_start3A_312 : memref<1x128x128xf32, #tpu.memory_space<vmem>> -> memref<128x128xf32, #tpu.memory_space<vmem>>
        %dma_start3A_314 = arith.constant 0 : i32
        %dma_start3A_315 = tpu.memref_slice %arg7[%select_n3A_278, %select_n3A_294, %dma_start3A_314] : memref<2x16x128xi32, #tpu.memory_space<vmem>> -> memref<1x1x128xi32, #tpu.memory_space<vmem>>
        %dma_start3A_316 = tpu.memref_squeeze %dma_start3A_315 : memref<1x1x128xi32, #tpu.memory_space<vmem>> -> memref<128xi32, #tpu.memory_space<vmem>>
        %dma_start3A_317 = arith.constant 0 : i32
        %dma_start3A_318 = arith.constant 0 : i32
        %dma_start3A_319 = tpu.memref_slice %arg9[%dma_start3A_317, %dma_start3A_318] : memref<10112x128xf32, #tpu.memory_space<vmem_shared>> -> memref<10112x128xf32, #tpu.memory_space<vmem_shared>>
        tpu.enqueue_indirect_dma source(%dma_start3A_313 : memref<128x128xf32, #tpu.memory_space<vmem>>) target(%dma_start3A_319 : memref<10112x128xf32, #tpu.memory_space<vmem_shared>>) offsets(%dma_start3A_316 : memref<128xi32, #tpu.memory_space<vmem>>) semaphore(%run_scoped3A_309 : memref<!tpu.dma_semaphore, #tpu.memory_space<semaphore_mem>>) {add = true}
        %dma_wait3A_320 = arith.constant 0 : i32
        %dma_wait3A_321 = arith.constant 0 : i32
        %dma_wait3A_322 = tpu.memref_slice %arg8[%run_scoped3A_295, %dma_wait3A_320, %dma_wait3A_321] : memref<2x128x128xf32, #tpu.memory_space<vmem>> -> memref<1x128x128xf32, #tpu.memory_space<vmem>>
        %dma_wait3A_323 = tpu.memref_squeeze %dma_wait3A_322 : memref<1x128x128xf32, #tpu.memory_space<vmem>> -> memref<128x128xf32, #tpu.memory_space<vmem>>
        %dma_wait3A_324 = arith.constant 0 : i32
        %dma_wait3A_325 = tpu.memref_slice %arg7[%select_n3A_278, %select_n3A_294, %dma_wait3A_324] : memref<2x16x128xi32, #tpu.memory_space<vmem>> -> memref<1x1x128xi32, #tpu.memory_space<vmem>>
        %dma_wait3A_326 = tpu.memref_squeeze %dma_wait3A_325 : memref<1x1x128xi32, #tpu.memory_space<vmem>> -> memref<128xi32, #tpu.memory_space<vmem>>
        %dma_wait3A_327 = arith.constant 0 : i32
        %dma_wait3A_328 = arith.constant 0 : i32
        %dma_wait3A_329 = tpu.memref_slice %arg9[%dma_wait3A_327, %dma_wait3A_328] : memref<10112x128xf32, #tpu.memory_space<vmem_shared>> -> memref<10112x128xf32, #tpu.memory_space<vmem_shared>>
        tpu.wait_indirect_dma semaphore(%run_scoped3A_309 : memref<!tpu.dma_semaphore, #tpu.memory_space<semaphore_mem>>) src(%dma_wait3A_323 : memref<128x128xf32, #tpu.memory_space<vmem>>) dst(%dma_wait3A_329 : memref<10112x128xf32, #tpu.memory_space<vmem_shared>>)
        tpu.yield
      }) : () -> ()
      %add3A_296 = arith.constant 1 : i32
      %add3A_297 = arith.addi %select_n3A_114, %add3A_296 : i32
      %lt3A_298 = arith.cmpi slt, %add3A_297, %select_n3A_22 : i32
      %and3A_299 = arith.andi %and3A_149, %lt3A_298 : i1
      %convert_element_type3A_300 = arith.extui %and3A_299 : i1 to i32
      %cond3A_301 = arith.constant 0 : i32
      %cond3A_302 = arith.cmpi ne, %convert_element_type3A_300, %cond3A_301 : i32
      scf.if %cond3A_302 {
        %add3A_309 = arith.constant 1 : i32
        %add3A_310 = arith.addi %select_n3A_114, %add3A_309 : i32
        %mul3A_311 = arith.constant 16 : i32
        %mul3A_312 = arith.muli %add3A_310, %mul3A_311 : i32
        %add3A_313 = arith.addi %mul3A_2, %mul3A_312 : i32
        %add3A_314 = arith.constant 1 : i32
        %add3A_315 = arith.addi %select_n3A_114, %add3A_314 : i32
        %jit3A_316 = arith.constant 2 : i32
        %eq3A_317 = arith.constant 0 : i32
        %eq3A_318 = arith.cmpi eq, %jit3A_316, %eq3A_317 : i32
        %jit3A_319 = arith.constant 1 : i32
        %select_n3A_320 = arith.select %eq3A_318, %jit3A_319, %jit3A_316 : i32
        %rem3A_321 = arith.remsi %add3A_315, %select_n3A_320 : i32
        %ne3A_322 = arith.constant 0 : i32
        %ne3A_323 = arith.cmpi ne, %rem3A_321, %ne3A_322 : i32
        %lt3A_324 = arith.constant 0 : i32
        %lt3A_325 = arith.cmpi slt, %rem3A_321, %lt3A_324 : i32
        %lt3A_326 = arith.constant 0 : i32
        %lt3A_327 = arith.cmpi slt, %select_n3A_320, %lt3A_326 : i32
        %ne3A_328 = arith.xori %lt3A_325, %lt3A_327 : i1
        %and3A_329 = arith.andi %ne3A_328, %ne3A_323 : i1
        %add3A_330 = arith.addi %rem3A_321, %select_n3A_320 : i32
        %select_n3A_331 = arith.select %and3A_329, %add3A_330, %rem3A_321 : i32
        %dma_start3A_332 = arith.constant 0 : i32
        %dma_start3A_333 = arith.constant 0 : i32
        %dma_start3A_334 = tpu.memref_slice %arg6[%select_n3A_331, %dma_start3A_332, %dma_start3A_333] : memref<2x16x128xi32, #tpu.memory_space<vmem>> -> memref<1x16x128xi32, #tpu.memory_space<vmem>>
        %dma_start3A_335 = tpu.memref_squeeze %dma_start3A_334 : memref<1x16x128xi32, #tpu.memory_space<vmem>> -> memref<16x128xi32, #tpu.memory_space<vmem>>
        %dma_start3A_336 = arith.constant 0 : i32
        %dma_start3A_337 = tpu.memref_slice %arg3[%arg1, %add3A_313, %dma_start3A_336] : memref<16x160x128xi32, #tpu.memory_space<hbm>> -> memref<1x16x128xi32, #tpu.memory_space<hbm>>
        %dma_start3A_338 = tpu.memref_squeeze %dma_start3A_337 : memref<1x16x128xi32, #tpu.memory_space<hbm>> -> memref<16x128xi32, #tpu.memory_space<hbm>>
        %dma_start3A_339 = arith.constant 0 : i32
        %dma_start3A_340 = arith.constant 0 : i32
        %dma_start3A_341 = tpu.memref_slice %arg6[%select_n3A_331, %dma_start3A_339, %dma_start3A_340] : memref<2x16x128xi32, #tpu.memory_space<vmem>> -> memref<1x16x128xi32, #tpu.memory_space<vmem>>
        %dma_start3A_342 = tpu.memref_squeeze %dma_start3A_341 : memref<1x16x128xi32, #tpu.memory_space<vmem>> -> memref<16x128xi32, #tpu.memory_space<vmem>>
        %dma_start3A_343 = arith.constant 0 : i32
        %dma_start3A_344 = tpu.memref_slice %arg3[%arg1, %add3A_313, %dma_start3A_343] : memref<16x160x128xi32, #tpu.memory_space<hbm>> -> memref<1x16x128xi32, #tpu.memory_space<hbm>>
        %dma_start3A_345 = tpu.memref_squeeze %dma_start3A_344 : memref<1x16x128xi32, #tpu.memory_space<hbm>> -> memref<16x128xi32, #tpu.memory_space<hbm>>
        tpu.enqueue_dma source(%dma_start3A_345 : memref<16x128xi32, #tpu.memory_space<hbm>>) target(%dma_start3A_342 : memref<16x128xi32, #tpu.memory_space<vmem>>) target_semaphore(%arg12 : memref<!tpu.dma_semaphore, #tpu.memory_space<semaphore_mem>>)
        %add3A_346 = arith.constant 1 : i32
        %add3A_347 = arith.addi %select_n3A_114, %add3A_346 : i32
        %jit3A_348 = arith.constant 2 : i32
        %eq3A_349 = arith.constant 0 : i32
        %eq3A_350 = arith.cmpi eq, %jit3A_348, %eq3A_349 : i32
        %jit3A_351 = arith.constant 1 : i32
        %select_n3A_352 = arith.select %eq3A_350, %jit3A_351, %jit3A_348 : i32
        %rem3A_353 = arith.remsi %add3A_347, %select_n3A_352 : i32
        %ne3A_354 = arith.constant 0 : i32
        %ne3A_355 = arith.cmpi ne, %rem3A_353, %ne3A_354 : i32
        %lt3A_356 = arith.constant 0 : i32
        %lt3A_357 = arith.cmpi slt, %rem3A_353, %lt3A_356 : i32
        %lt3A_358 = arith.constant 0 : i32
        %lt3A_359 = arith.cmpi slt, %select_n3A_352, %lt3A_358 : i32
        %ne3A_360 = arith.xori %lt3A_357, %lt3A_359 : i1
        %and3A_361 = arith.andi %ne3A_360, %ne3A_355 : i1
        %add3A_362 = arith.addi %rem3A_353, %select_n3A_352 : i32
        %select_n3A_363 = arith.select %and3A_361, %add3A_362, %rem3A_353 : i32
        %dma_start3A_364 = arith.constant 0 : i32
        %dma_start3A_365 = arith.constant 0 : i32
        %dma_start3A_366 = tpu.memref_slice %arg7[%select_n3A_363, %dma_start3A_364, %dma_start3A_365] : memref<2x16x128xi32, #tpu.memory_space<vmem>> -> memref<1x16x128xi32, #tpu.memory_space<vmem>>
        %dma_start3A_367 = tpu.memref_squeeze %dma_start3A_366 : memref<1x16x128xi32, #tpu.memory_space<vmem>> -> memref<16x128xi32, #tpu.memory_space<vmem>>
        %dma_start3A_368 = arith.constant 0 : i32
        %dma_start3A_369 = tpu.memref_slice %arg4[%arg1, %add3A_313, %dma_start3A_368] : memref<16x160x128xi32, #tpu.memory_space<hbm>> -> memref<1x16x128xi32, #tpu.memory_space<hbm>>
        %dma_start3A_370 = tpu.memref_squeeze %dma_start3A_369 : memref<1x16x128xi32, #tpu.memory_space<hbm>> -> memref<16x128xi32, #tpu.memory_space<hbm>>
        %dma_start3A_371 = arith.constant 0 : i32
        %dma_start3A_372 = arith.constant 0 : i32
        %dma_start3A_373 = tpu.memref_slice %arg7[%select_n3A_363, %dma_start3A_371, %dma_start3A_372] : memref<2x16x128xi32, #tpu.memory_space<vmem>> -> memref<1x16x128xi32, #tpu.memory_space<vmem>>
        %dma_start3A_374 = tpu.memref_squeeze %dma_start3A_373 : memref<1x16x128xi32, #tpu.memory_space<vmem>> -> memref<16x128xi32, #tpu.memory_space<vmem>>
        %dma_start3A_375 = arith.constant 0 : i32
        %dma_start3A_376 = tpu.memref_slice %arg4[%arg1, %add3A_313, %dma_start3A_375] : memref<16x160x128xi32, #tpu.memory_space<hbm>> -> memref<1x16x128xi32, #tpu.memory_space<hbm>>
        %dma_start3A_377 = tpu.memref_squeeze %dma_start3A_376 : memref<1x16x128xi32, #tpu.memory_space<hbm>> -> memref<16x128xi32, #tpu.memory_space<hbm>>
        tpu.enqueue_dma source(%dma_start3A_377 : memref<16x128xi32, #tpu.memory_space<hbm>>) target(%dma_start3A_374 : memref<16x128xi32, #tpu.memory_space<vmem>>) target_semaphore(%arg12 : memref<!tpu.dma_semaphore, #tpu.memory_space<semaphore_mem>>)
      } else {
      }
      %add3A_303 = arith.constant 2 : i32
      %add3A_304 = arith.addi %add3A_88, %add3A_303 : i32
      %lt3A_305 = arith.cmpi slt, %add3A_304, %select_n3A : i32
      %convert_element_type3A_306 = arith.extui %lt3A_305 : i1 to i32
      %cond3A_307 = arith.constant 0 : i32
      %cond3A_308 = arith.cmpi ne, %convert_element_type3A_306, %cond3A_307 : i32
      scf.if %cond3A_308 {
        %add3A_309 = arith.constant 2 : i32
        %add3A_310 = arith.addi %add3A_88, %add3A_309 : i32
        %jit3A_311 = arith.constant 16 : i32
        %div3A_312 = arith.divsi %add3A_310, %jit3A_311 : i32
        %sign3A_313 = arith.constant 0 : i32
        %sign3A_314 = arith.cmpi sgt, %add3A_310, %sign3A_313 : i32
        %sign3A_315 = arith.extui %sign3A_314 : i1 to i32
        %sign3A_316 = arith.constant 0 : i32
        %sign3A_317 = arith.cmpi slt, %add3A_310, %sign3A_316 : i32
        %sign3A_318 = arith.extui %sign3A_317 : i1 to i32
        %sign3A_319 = arith.subi %sign3A_315, %sign3A_318 : i32
        %sign3A_320 = arith.constant 0 : i32
        %sign3A_321 = arith.cmpi sgt, %jit3A_311, %sign3A_320 : i32
        %sign3A_322 = arith.extui %sign3A_321 : i1 to i32
        %sign3A_323 = arith.constant 0 : i32
        %sign3A_324 = arith.cmpi slt, %jit3A_311, %sign3A_323 : i32
        %sign3A_325 = arith.extui %sign3A_324 : i1 to i32
        %sign3A_326 = arith.subi %sign3A_322, %sign3A_325 : i32
        %ne3A_327 = arith.cmpi ne, %sign3A_319, %sign3A_326 : i32
        %rem3A_328 = arith.remsi %add3A_310, %jit3A_311 : i32
        %ne3A_329 = arith.constant 0 : i32
        %ne3A_330 = arith.cmpi ne, %rem3A_328, %ne3A_329 : i32
        %and3A_331 = arith.andi %ne3A_327, %ne3A_330 : i1
        %sub3A_332 = arith.constant 1 : i32
        %sub3A_333 = arith.subi %div3A_312, %sub3A_332 : i32
        %select_n3A_334 = arith.select %and3A_331, %sub3A_333, %div3A_312 : i32
        %jit3A_335 = arith.constant 2 : i32
        %eq3A_336 = arith.constant 0 : i32
        %eq3A_337 = arith.cmpi eq, %jit3A_335, %eq3A_336 : i32
        %jit3A_338 = arith.constant 1 : i32
        %select_n3A_339 = arith.select %eq3A_337, %jit3A_338, %jit3A_335 : i32
        %rem3A_340 = arith.remsi %select_n3A_334, %select_n3A_339 : i32
        %ne3A_341 = arith.constant 0 : i32
        %ne3A_342 = arith.cmpi ne, %rem3A_340, %ne3A_341 : i32
        %lt3A_343 = arith.constant 0 : i32
        %lt3A_344 = arith.cmpi slt, %rem3A_340, %lt3A_343 : i32
        %lt3A_345 = arith.constant 0 : i32
        %lt3A_346 = arith.cmpi slt, %select_n3A_339, %lt3A_345 : i32
        %ne3A_347 = arith.xori %lt3A_344, %lt3A_346 : i1
        %and3A_348 = arith.andi %ne3A_347, %ne3A_342 : i1
        %add3A_349 = arith.addi %rem3A_340, %select_n3A_339 : i32
        %select_n3A_350 = arith.select %and3A_348, %add3A_349, %rem3A_340 : i32
        %jit3A_351 = arith.constant 16 : i32
        %eq3A_352 = arith.constant 0 : i32
        %eq3A_353 = arith.cmpi eq, %jit3A_351, %eq3A_352 : i32
        %jit3A_354 = arith.constant 1 : i32
        %select_n3A_355 = arith.select %eq3A_353, %jit3A_354, %jit3A_351 : i32
        %rem3A_356 = arith.remsi %add3A_310, %select_n3A_355 : i32
        %ne3A_357 = arith.constant 0 : i32
        %ne3A_358 = arith.cmpi ne, %rem3A_356, %ne3A_357 : i32
        %lt3A_359 = arith.constant 0 : i32
        %lt3A_360 = arith.cmpi slt, %rem3A_356, %lt3A_359 : i32
        %lt3A_361 = arith.constant 0 : i32
        %lt3A_362 = arith.cmpi slt, %select_n3A_355, %lt3A_361 : i32
        %ne3A_363 = arith.xori %lt3A_360, %lt3A_362 : i1
        %and3A_364 = arith.andi %ne3A_363, %ne3A_358 : i1
        %add3A_365 = arith.addi %rem3A_356, %select_n3A_355 : i32
        %select_n3A_366 = arith.select %and3A_364, %add3A_365, %rem3A_356 : i32
        %dma_start3A_367 = arith.constant 1 : i32
        %dma_start3A_368 = arith.constant 0 : i32
        %dma_start3A_369 = arith.constant 0 : i32
        %dma_start3A_370 = tpu.memref_slice %arg8[%dma_start3A_367, %dma_start3A_368, %dma_start3A_369] : memref<2x128x128xf32, #tpu.memory_space<vmem>> -> memref<1x128x128xf32, #tpu.memory_space<vmem>>
        %dma_start3A_371 = tpu.memref_squeeze %dma_start3A_370 : memref<1x128x128xf32, #tpu.memory_space<vmem>> -> memref<128x128xf32, #tpu.memory_space<vmem>>
        %dma_start3A_372 = arith.constant 0 : i32
        %dma_start3A_373 = tpu.memref_slice %arg6[%select_n3A_350, %select_n3A_366, %dma_start3A_372] : memref<2x16x128xi32, #tpu.memory_space<vmem>> -> memref<1x1x128xi32, #tpu.memory_space<vmem>>
        %dma_start3A_374 = tpu.memref_squeeze %dma_start3A_373 : memref<1x1x128xi32, #tpu.memory_space<vmem>> -> memref<128xi32, #tpu.memory_space<vmem>>
        %dma_start3A_375 = arith.constant 0 : i32
        %dma_start3A_376 = arith.constant 0 : i32
        %dma_start3A_377 = tpu.memref_slice %arg2[%dma_start3A_375, %dma_start3A_376] : memref<10240x128xf32, #tpu.memory_space<hbm>> -> memref<10240x128xf32, #tpu.memory_space<hbm>>
        tpu.enqueue_indirect_dma source(%dma_start3A_377 : memref<10240x128xf32, #tpu.memory_space<hbm>>) target(%dma_start3A_371 : memref<128x128xf32, #tpu.memory_space<vmem>>) offsets(%dma_start3A_374 : memref<128xi32, #tpu.memory_space<vmem>>) semaphore(%arg11 : memref<!tpu.dma_semaphore, #tpu.memory_space<semaphore_mem>>)
      } else {
      }
    }
    %while3A_83 = arith.constant 1 : i32
    scf.for %while3A_85 = %while3A_81 to %while3A_77 step %while3A_83  : i32 {
      %mul3A_86 = arith.constant 2 : i32
      %mul3A_87 = arith.muli %while3A_85, %mul3A_86 : i32
      %add3A = arith.constant 1 : i32
      %add3A_88 = arith.addi %mul3A_87, %add3A : i32
      %add3A_89 = arith.constant 2 : i32
      %add3A_90 = arith.addi %mul3A_87, %add3A_89 : i32
      %jit3A_91 = arith.constant 16 : i32
      %div3A_92 = arith.divsi %add3A_90, %jit3A_91 : i32
      %sign3A_93 = arith.constant 0 : i32
      %sign3A_94 = arith.cmpi sgt, %add3A_90, %sign3A_93 : i32
      %sign3A_95 = arith.extui %sign3A_94 : i1 to i32
      %sign3A_96 = arith.constant 0 : i32
      %sign3A_97 = arith.cmpi slt, %add3A_90, %sign3A_96 : i32
      %sign3A_98 = arith.extui %sign3A_97 : i1 to i32
      %sign3A_99 = arith.subi %sign3A_95, %sign3A_98 : i32
      %sign3A_100 = arith.constant 0 : i32
      %sign3A_101 = arith.cmpi sgt, %jit3A_91, %sign3A_100 : i32
      %sign3A_102 = arith.extui %sign3A_101 : i1 to i32
      %sign3A_103 = arith.constant 0 : i32
      %sign3A_104 = arith.cmpi slt, %jit3A_91, %sign3A_103 : i32
      %sign3A_105 = arith.extui %sign3A_104 : i1 to i32
      %sign3A_106 = arith.subi %sign3A_102, %sign3A_105 : i32
      %ne3A_107 = arith.cmpi ne, %sign3A_99, %sign3A_106 : i32
      %rem3A_108 = arith.remsi %add3A_90, %jit3A_91 : i32
      %ne3A_109 = arith.constant 0 : i32
      %ne3A_110 = arith.cmpi ne, %rem3A_108, %ne3A_109 : i32
      %and3A_111 = arith.andi %ne3A_107, %ne3A_110 : i1
      %sub3A_112 = arith.constant 1 : i32
      %sub3A_113 = arith.subi %div3A_92, %sub3A_112 : i32
      %select_n3A_114 = arith.select %and3A_111, %sub3A_113, %div3A_92 : i32
      %jit3A_115 = arith.constant 2 : i32
      %eq3A_116 = arith.constant 0 : i32
      %eq3A_117 = arith.cmpi eq, %jit3A_115, %eq3A_116 : i32
      %jit3A_118 = arith.constant 1 : i32
      %select_n3A_119 = arith.select %eq3A_117, %jit3A_118, %jit3A_115 : i32
      %rem3A_120 = arith.remsi %select_n3A_114, %select_n3A_119 : i32
      %ne3A_121 = arith.constant 0 : i32
      %ne3A_122 = arith.cmpi ne, %rem3A_120, %ne3A_121 : i32
      %lt3A = arith.constant 0 : i32
      %lt3A_123 = arith.cmpi slt, %rem3A_120, %lt3A : i32
      %lt3A_124 = arith.constant 0 : i32
      %lt3A_125 = arith.cmpi slt, %select_n3A_119, %lt3A_124 : i32
      %ne3A_126 = arith.xori %lt3A_123, %lt3A_125 : i1
      %and3A_127 = arith.andi %ne3A_126, %ne3A_122 : i1
      %add3A_128 = arith.addi %rem3A_120, %select_n3A_119 : i32
      %select_n3A_129 = arith.select %and3A_127, %add3A_128, %rem3A_120 : i32
      %lt3A_130 = arith.cmpi slt, %add3A_90, %select_n3A : i32
      %jit3A_131 = arith.constant 16 : i32
      %eq3A_132 = arith.constant 0 : i32
      %eq3A_133 = arith.cmpi eq, %jit3A_131, %eq3A_132 : i32
      %jit3A_134 = arith.constant 1 : i32
      %select_n3A_135 = arith.select %eq3A_133, %jit3A_134, %jit3A_131 : i32
      %rem3A_136 = arith.remsi %add3A_90, %select_n3A_135 : i32
      %ne3A_137 = arith.constant 0 : i32
      %ne3A_138 = arith.cmpi ne, %rem3A_136, %ne3A_137 : i32
      %lt3A_139 = arith.constant 0 : i32
      %lt3A_140 = arith.cmpi slt, %rem3A_136, %lt3A_139 : i32
      %lt3A_141 = arith.constant 0 : i32
      %lt3A_142 = arith.cmpi slt, %select_n3A_135, %lt3A_141 : i32
      %ne3A_143 = arith.xori %lt3A_140, %lt3A_142 : i1
      %and3A_144 = arith.andi %ne3A_143, %ne3A_138 : i1
      %add3A_145 = arith.addi %rem3A_136, %select_n3A_135 : i32
      %select_n3A_146 = arith.select %and3A_144, %add3A_145, %rem3A_136 : i32
      %eq3A_147 = arith.constant 0 : i32
      %eq3A_148 = arith.cmpi eq, %select_n3A_146, %eq3A_147 : i32
      %and3A_149 = arith.andi %lt3A_130, %eq3A_148 : i1
      %dma_wait3A = arith.constant 0 : i32
      %dma_wait3A_150 = arith.constant 0 : i32
      %dma_wait3A_151 = arith.constant 0 : i32
      %dma_wait3A_152 = arith.constant 0 : i32
      %dma_wait3A_153 = arith.constant 0 : i32
      %dma_wait3A_154 = tpu.memref_slice %arg8[%dma_wait3A_151, %dma_wait3A_152, %dma_wait3A_153] : memref<2x128x128xf32, #tpu.memory_space<vmem>> -> memref<1x128x128xf32, #tpu.memory_space<vmem>>
      %dma_wait3A_155 = tpu.memref_squeeze %dma_wait3A_154 : memref<1x128x128xf32, #tpu.memory_space<vmem>> -> memref<128x128xf32, #tpu.memory_space<vmem>>
      %dma_wait3A_156 = arith.constant 0 : i32
      %dma_wait3A_157 = tpu.memref_slice %arg6[%dma_wait3A, %dma_wait3A_150, %dma_wait3A_156] : memref<2x16x128xi32, #tpu.memory_space<vmem>> -> memref<1x1x128xi32, #tpu.memory_space<vmem>>
      %dma_wait3A_158 = tpu.memref_squeeze %dma_wait3A_157 : memref<1x1x128xi32, #tpu.memory_space<vmem>> -> memref<128xi32, #tpu.memory_space<vmem>>
      %dma_wait3A_159 = arith.constant 0 : i32
      %dma_wait3A_160 = arith.constant 0 : i32
      %dma_wait3A_161 = tpu.memref_slice %arg2[%dma_wait3A_159, %dma_wait3A_160] : memref<10240x128xf32, #tpu.memory_space<hbm>> -> memref<10240x128xf32, #tpu.memory_space<hbm>>
      tpu.wait_indirect_dma semaphore(%arg10 : memref<!tpu.dma_semaphore, #tpu.memory_space<semaphore_mem>>) src(%dma_wait3A_161 : memref<10240x128xf32, #tpu.memory_space<hbm>>) dst(%dma_wait3A_155 : memref<128x128xf32, #tpu.memory_space<vmem>>)
      %jit3A_162 = arith.constant 16 : i32
      %div3A_163 = arith.divsi %mul3A_87, %jit3A_162 : i32
      %sign3A_164 = arith.constant 0 : i32
      %sign3A_165 = arith.cmpi sgt, %mul3A_87, %sign3A_164 : i32
      %sign3A_166 = arith.extui %sign3A_165 : i1 to i32
      %sign3A_167 = arith.constant 0 : i32
      %sign3A_168 = arith.cmpi slt, %mul3A_87, %sign3A_167 : i32
      %sign3A_169 = arith.extui %sign3A_168 : i1 to i32
      %sign3A_170 = arith.subi %sign3A_166, %sign3A_169 : i32
      %sign3A_171 = arith.constant 0 : i32
      %sign3A_172 = arith.cmpi sgt, %jit3A_162, %sign3A_171 : i32
      %sign3A_173 = arith.extui %sign3A_172 : i1 to i32
      %sign3A_174 = arith.constant 0 : i32
      %sign3A_175 = arith.cmpi slt, %jit3A_162, %sign3A_174 : i32
      %sign3A_176 = arith.extui %sign3A_175 : i1 to i32
      %sign3A_177 = arith.subi %sign3A_173, %sign3A_176 : i32
      %ne3A_178 = arith.cmpi ne, %sign3A_170, %sign3A_177 : i32
      %rem3A_179 = arith.remsi %mul3A_87, %jit3A_162 : i32
      %ne3A_180 = arith.constant 0 : i32
      %ne3A_181 = arith.cmpi ne, %rem3A_179, %ne3A_180 : i32
      %and3A_182 = arith.andi %ne3A_178, %ne3A_181 : i1
      %sub3A_183 = arith.constant 1 : i32
      %sub3A_184 = arith.subi %div3A_163, %sub3A_183 : i32
      %select_n3A_185 = arith.select %and3A_182, %sub3A_184, %div3A_163 : i32
      %jit3A_186 = arith.constant 2 : i32
      %eq3A_187 = arith.constant 0 : i32
      %eq3A_188 = arith.cmpi eq, %jit3A_186, %eq3A_187 : i32
      %jit3A_189 = arith.constant 1 : i32
      %select_n3A_190 = arith.select %eq3A_188, %jit3A_189, %jit3A_186 : i32
      %rem3A_191 = arith.remsi %select_n3A_185, %select_n3A_190 : i32
      %ne3A_192 = arith.constant 0 : i32
      %ne3A_193 = arith.cmpi ne, %rem3A_191, %ne3A_192 : i32
      %lt3A_194 = arith.constant 0 : i32
      %lt3A_195 = arith.cmpi slt, %rem3A_191, %lt3A_194 : i32
      %lt3A_196 = arith.constant 0 : i32
      %lt3A_197 = arith.cmpi slt, %select_n3A_190, %lt3A_196 : i32
      %ne3A_198 = arith.xori %lt3A_195, %lt3A_197 : i1
      %and3A_199 = arith.andi %ne3A_198, %ne3A_193 : i1
      %add3A_200 = arith.addi %rem3A_191, %select_n3A_190 : i32
      %select_n3A_201 = arith.select %and3A_199, %add3A_200, %rem3A_191 : i32
      %jit3A_202 = arith.constant 16 : i32
      %eq3A_203 = arith.constant 0 : i32
      %eq3A_204 = arith.cmpi eq, %jit3A_202, %eq3A_203 : i32
      %jit3A_205 = arith.constant 1 : i32
      %select_n3A_206 = arith.select %eq3A_204, %jit3A_205, %jit3A_202 : i32
      %rem3A_207 = arith.remsi %mul3A_87, %select_n3A_206 : i32
      %ne3A_208 = arith.constant 0 : i32
      %ne3A_209 = arith.cmpi ne, %rem3A_207, %ne3A_208 : i32
      %lt3A_210 = arith.constant 0 : i32
      %lt3A_211 = arith.cmpi slt, %rem3A_207, %lt3A_210 : i32
      %lt3A_212 = arith.constant 0 : i32
      %lt3A_213 = arith.cmpi slt, %select_n3A_206, %lt3A_212 : i32
      %ne3A_214 = arith.xori %lt3A_211, %lt3A_213 : i1
      %and3A_215 = arith.andi %ne3A_214, %ne3A_209 : i1
      %add3A_216 = arith.addi %rem3A_207, %select_n3A_206 : i32
      %select_n3A_217 = arith.select %and3A_215, %add3A_216, %rem3A_207 : i32
      %run_scoped3A_218 = arith.constant 0 : i32
      "tpu.region"() ({
        %run_scoped3A_309 = tpu.sem_alloc : memref<!tpu.dma_semaphore, #tpu.memory_space<semaphore_mem>>
        %dma_start3A_310 = arith.constant 0 : i32
        %dma_start3A_311 = arith.constant 0 : i32
        %dma_start3A_312 = tpu.memref_slice %arg8[%run_scoped3A_218, %dma_start3A_310, %dma_start3A_311] : memref<2x128x128xf32, #tpu.memory_space<vmem>> -> memref<1x128x128xf32, #tpu.memory_space<vmem>>
        %dma_start3A_313 = tpu.memref_squeeze %dma_start3A_312 : memref<1x128x128xf32, #tpu.memory_space<vmem>> -> memref<128x128xf32, #tpu.memory_space<vmem>>
        %dma_start3A_314 = arith.constant 0 : i32
        %dma_start3A_315 = tpu.memref_slice %arg7[%select_n3A_201, %select_n3A_217, %dma_start3A_314] : memref<2x16x128xi32, #tpu.memory_space<vmem>> -> memref<1x1x128xi32, #tpu.memory_space<vmem>>
        %dma_start3A_316 = tpu.memref_squeeze %dma_start3A_315 : memref<1x1x128xi32, #tpu.memory_space<vmem>> -> memref<128xi32, #tpu.memory_space<vmem>>
        %dma_start3A_317 = arith.constant 0 : i32
        %dma_start3A_318 = arith.constant 0 : i32
        %dma_start3A_319 = tpu.memref_slice %arg9[%dma_start3A_317, %dma_start3A_318] : memref<10112x128xf32, #tpu.memory_space<vmem_shared>> -> memref<10112x128xf32, #tpu.memory_space<vmem_shared>>
        tpu.enqueue_indirect_dma source(%dma_start3A_313 : memref<128x128xf32, #tpu.memory_space<vmem>>) target(%dma_start3A_319 : memref<10112x128xf32, #tpu.memory_space<vmem_shared>>) offsets(%dma_start3A_316 : memref<128xi32, #tpu.memory_space<vmem>>) semaphore(%run_scoped3A_309 : memref<!tpu.dma_semaphore, #tpu.memory_space<semaphore_mem>>) {add = true}
        %dma_wait3A_320 = arith.constant 0 : i32
        %dma_wait3A_321 = arith.constant 0 : i32
        %dma_wait3A_322 = tpu.memref_slice %arg8[%run_scoped3A_218, %dma_wait3A_320, %dma_wait3A_321] : memref<2x128x128xf32, #tpu.memory_space<vmem>> -> memref<1x128x128xf32, #tpu.memory_space<vmem>>
        %dma_wait3A_323 = tpu.memref_squeeze %dma_wait3A_322 : memref<1x128x128xf32, #tpu.memory_space<vmem>> -> memref<128x128xf32, #tpu.memory_space<vmem>>
        %dma_wait3A_324 = arith.constant 0 : i32
        %dma_wait3A_325 = tpu.memref_slice %arg7[%select_n3A_201, %select_n3A_217, %dma_wait3A_324] : memref<2x16x128xi32, #tpu.memory_space<vmem>> -> memref<1x1x128xi32, #tpu.memory_space<vmem>>
        %dma_wait3A_326 = tpu.memref_squeeze %dma_wait3A_325 : memref<1x1x128xi32, #tpu.memory_space<vmem>> -> memref<128xi32, #tpu.memory_space<vmem>>
        %dma_wait3A_327 = arith.constant 0 : i32
        %dma_wait3A_328 = arith.constant 0 : i32
        %dma_wait3A_329 = tpu.memref_slice %arg9[%dma_wait3A_327, %dma_wait3A_328] : memref<10112x128xf32, #tpu.memory_space<vmem_shared>> -> memref<10112x128xf32, #tpu.memory_space<vmem_shared>>
        tpu.wait_indirect_dma semaphore(%run_scoped3A_309 : memref<!tpu.dma_semaphore, #tpu.memory_space<semaphore_mem>>) src(%dma_wait3A_323 : memref<128x128xf32, #tpu.memory_space<vmem>>) dst(%dma_wait3A_329 : memref<10112x128xf32, #tpu.memory_space<vmem_shared>>)
        tpu.yield
      }) : () -> ()
      %convert_element_type3A_219 = arith.extui %and3A_149 : i1 to i32
      %cond3A_220 = arith.constant 0 : i32
      %cond3A_221 = arith.cmpi ne, %convert_element_type3A_219, %cond3A_220 : i32
      scf.if %cond3A_221 {
        %dma_wait3A_309 = arith.constant 0 : i32
        %dma_wait3A_310 = arith.constant 0 : i32
        %dma_wait3A_311 = arith.constant 0 : i32
        %dma_wait3A_312 = tpu.memref_slice %arg6[%dma_wait3A_309, %dma_wait3A_310, %dma_wait3A_311] : memref<2x16x128xi32, #tpu.memory_space<vmem>> -> memref<1x16x128xi32, #tpu.memory_space<vmem>>
        %dma_wait3A_313 = tpu.memref_squeeze %dma_wait3A_312 : memref<1x16x128xi32, #tpu.memory_space<vmem>> -> memref<16x128xi32, #tpu.memory_space<vmem>>
        %dma_wait3A_314 = arith.constant 0 : i32
        %dma_wait3A_315 = tpu.memref_slice %arg3[%arg1, %mul3A_2, %dma_wait3A_314] : memref<16x160x128xi32, #tpu.memory_space<hbm>> -> memref<1x16x128xi32, #tpu.memory_space<hbm>>
        %dma_wait3A_316 = tpu.memref_squeeze %dma_wait3A_315 : memref<1x16x128xi32, #tpu.memory_space<hbm>> -> memref<16x128xi32, #tpu.memory_space<hbm>>
        %dma_wait3A_317 = arith.constant 0 : i32
        %dma_wait3A_318 = arith.constant 0 : i32
        %dma_wait3A_319 = tpu.memref_slice %arg6[%dma_wait3A_309, %dma_wait3A_317, %dma_wait3A_318] : memref<2x16x128xi32, #tpu.memory_space<vmem>> -> memref<1x16x128xi32, #tpu.memory_space<vmem>>
        %dma_wait3A_320 = tpu.memref_squeeze %dma_wait3A_319 : memref<1x16x128xi32, #tpu.memory_space<vmem>> -> memref<16x128xi32, #tpu.memory_space<vmem>>
        %dma_wait3A_321 = arith.constant 0 : i32
        %dma_wait3A_322 = tpu.memref_slice %arg3[%arg1, %mul3A_2, %dma_wait3A_321] : memref<16x160x128xi32, #tpu.memory_space<hbm>> -> memref<1x16x128xi32, #tpu.memory_space<hbm>>
        %dma_wait3A_323 = tpu.memref_squeeze %dma_wait3A_322 : memref<1x16x128xi32, #tpu.memory_space<hbm>> -> memref<16x128xi32, #tpu.memory_space<hbm>>
        tpu.wait_dma2 semaphore(%arg12 : memref<!tpu.dma_semaphore, #tpu.memory_space<semaphore_mem>>) src(%dma_wait3A_323 : memref<16x128xi32, #tpu.memory_space<hbm>>) dst(%dma_wait3A_320 : memref<16x128xi32, #tpu.memory_space<vmem>>)
        %dma_wait3A_324 = arith.constant 0 : i32
        %dma_wait3A_325 = arith.constant 0 : i32
        %dma_wait3A_326 = arith.constant 0 : i32
        %dma_wait3A_327 = tpu.memref_slice %arg7[%dma_wait3A_324, %dma_wait3A_325, %dma_wait3A_326] : memref<2x16x128xi32, #tpu.memory_space<vmem>> -> memref<1x16x128xi32, #tpu.memory_space<vmem>>
        %dma_wait3A_328 = tpu.memref_squeeze %dma_wait3A_327 : memref<1x16x128xi32, #tpu.memory_space<vmem>> -> memref<16x128xi32, #tpu.memory_space<vmem>>
        %dma_wait3A_329 = arith.constant 0 : i32
        %dma_wait3A_330 = tpu.memref_slice %arg4[%arg1, %mul3A_2, %dma_wait3A_329] : memref<16x160x128xi32, #tpu.memory_space<hbm>> -> memref<1x16x128xi32, #tpu.memory_space<hbm>>
        %dma_wait3A_331 = tpu.memref_squeeze %dma_wait3A_330 : memref<1x16x128xi32, #tpu.memory_space<hbm>> -> memref<16x128xi32, #tpu.memory_space<hbm>>
        %dma_wait3A_332 = arith.constant 0 : i32
        %dma_wait3A_333 = arith.constant 0 : i32
        %dma_wait3A_334 = tpu.memref_slice %arg7[%dma_wait3A_324, %dma_wait3A_332, %dma_wait3A_333] : memref<2x16x128xi32, #tpu.memory_space<vmem>> -> memref<1x16x128xi32, #tpu.memory_space<vmem>>
        %dma_wait3A_335 = tpu.memref_squeeze %dma_wait3A_334 : memref<1x16x128xi32, #tpu.memory_space<vmem>> -> memref<16x128xi32, #tpu.memory_space<vmem>>
        %dma_wait3A_336 = arith.constant 0 : i32
        %dma_wait3A_337 = tpu.memref_slice %arg4[%arg1, %mul3A_2, %dma_wait3A_336] : memref<16x160x128xi32, #tpu.memory_space<hbm>> -> memref<1x16x128xi32, #tpu.memory_space<hbm>>
        %dma_wait3A_338 = tpu.memref_squeeze %dma_wait3A_337 : memref<1x16x128xi32, #tpu.memory_space<hbm>> -> memref<16x128xi32, #tpu.memory_space<hbm>>
        tpu.wait_dma2 semaphore(%arg12 : memref<!tpu.dma_semaphore, #tpu.memory_space<semaphore_mem>>) src(%dma_wait3A_338 : memref<16x128xi32, #tpu.memory_space<hbm>>) dst(%dma_wait3A_335 : memref<16x128xi32, #tpu.memory_space<vmem>>)
      } else {
      }
      %lt3A_222 = arith.cmpi slt, %add3A_90, %select_n3A : i32
      %convert_element_type3A_223 = arith.extui %lt3A_222 : i1 to i32
      %cond3A_224 = arith.constant 0 : i32
      %cond3A_225 = arith.cmpi ne, %convert_element_type3A_223, %cond3A_224 : i32
      scf.if %cond3A_225 {
        %jit3A_309 = arith.constant 16 : i32
        %eq3A_310 = arith.constant 0 : i32
        %eq3A_311 = arith.cmpi eq, %jit3A_309, %eq3A_310 : i32
        %jit3A_312 = arith.constant 1 : i32
        %select_n3A_313 = arith.select %eq3A_311, %jit3A_312, %jit3A_309 : i32
        %rem3A_314 = arith.remsi %add3A_90, %select_n3A_313 : i32
        %ne3A_315 = arith.constant 0 : i32
        %ne3A_316 = arith.cmpi ne, %rem3A_314, %ne3A_315 : i32
        %lt3A_317 = arith.constant 0 : i32
        %lt3A_318 = arith.cmpi slt, %rem3A_314, %lt3A_317 : i32
        %lt3A_319 = arith.constant 0 : i32
        %lt3A_320 = arith.cmpi slt, %select_n3A_313, %lt3A_319 : i32
        %ne3A_321 = arith.xori %lt3A_318, %lt3A_320 : i1
        %and3A_322 = arith.andi %ne3A_321, %ne3A_316 : i1
        %add3A_323 = arith.addi %rem3A_314, %select_n3A_313 : i32
        %select_n3A_324 = arith.select %and3A_322, %add3A_323, %rem3A_314 : i32
        %dma_start3A_325 = arith.constant 0 : i32
        %dma_start3A_326 = arith.constant 0 : i32
        %dma_start3A_327 = arith.constant 0 : i32
        %dma_start3A_328 = tpu.memref_slice %arg8[%dma_start3A_325, %dma_start3A_326, %dma_start3A_327] : memref<2x128x128xf32, #tpu.memory_space<vmem>> -> memref<1x128x128xf32, #tpu.memory_space<vmem>>
        %dma_start3A_329 = tpu.memref_squeeze %dma_start3A_328 : memref<1x128x128xf32, #tpu.memory_space<vmem>> -> memref<128x128xf32, #tpu.memory_space<vmem>>
        %dma_start3A_330 = arith.constant 0 : i32
        %dma_start3A_331 = tpu.memref_slice %arg6[%select_n3A_129, %select_n3A_324, %dma_start3A_330] : memref<2x16x128xi32, #tpu.memory_space<vmem>> -> memref<1x1x128xi32, #tpu.memory_space<vmem>>
        %dma_start3A_332 = tpu.memref_squeeze %dma_start3A_331 : memref<1x1x128xi32, #tpu.memory_space<vmem>> -> memref<128xi32, #tpu.memory_space<vmem>>
        %dma_start3A_333 = arith.constant 0 : i32
        %dma_start3A_334 = arith.constant 0 : i32
        %dma_start3A_335 = tpu.memref_slice %arg2[%dma_start3A_333, %dma_start3A_334] : memref<10240x128xf32, #tpu.memory_space<hbm>> -> memref<10240x128xf32, #tpu.memory_space<hbm>>
        tpu.enqueue_indirect_dma source(%dma_start3A_335 : memref<10240x128xf32, #tpu.memory_space<hbm>>) target(%dma_start3A_329 : memref<128x128xf32, #tpu.memory_space<vmem>>) offsets(%dma_start3A_332 : memref<128xi32, #tpu.memory_space<vmem>>) semaphore(%arg10 : memref<!tpu.dma_semaphore, #tpu.memory_space<semaphore_mem>>)
      } else {
      }
      %dma_wait3A_226 = arith.constant 0 : i32
      %dma_wait3A_227 = arith.constant 0 : i32
      %dma_wait3A_228 = arith.constant 1 : i32
      %dma_wait3A_229 = arith.constant 0 : i32
      %dma_wait3A_230 = arith.constant 0 : i32
      %dma_wait3A_231 = tpu.memref_slice %arg8[%dma_wait3A_228, %dma_wait3A_229, %dma_wait3A_230] : memref<2x128x128xf32, #tpu.memory_space<vmem>> -> memref<1x128x128xf32, #tpu.memory_space<vmem>>
      %dma_wait3A_232 = tpu.memref_squeeze %dma_wait3A_231 : memref<1x128x128xf32, #tpu.memory_space<vmem>> -> memref<128x128xf32, #tpu.memory_space<vmem>>
      %dma_wait3A_233 = arith.constant 0 : i32
      %dma_wait3A_234 = tpu.memref_slice %arg6[%dma_wait3A_226, %dma_wait3A_227, %dma_wait3A_233] : memref<2x16x128xi32, #tpu.memory_space<vmem>> -> memref<1x1x128xi32, #tpu.memory_space<vmem>>
      %dma_wait3A_235 = tpu.memref_squeeze %dma_wait3A_234 : memref<1x1x128xi32, #tpu.memory_space<vmem>> -> memref<128xi32, #tpu.memory_space<vmem>>
      %dma_wait3A_236 = arith.constant 0 : i32
      %dma_wait3A_237 = arith.constant 0 : i32
      %dma_wait3A_238 = tpu.memref_slice %arg2[%dma_wait3A_236, %dma_wait3A_237] : memref<10240x128xf32, #tpu.memory_space<hbm>> -> memref<10240x128xf32, #tpu.memory_space<hbm>>
      tpu.wait_indirect_dma semaphore(%arg11 : memref<!tpu.dma_semaphore, #tpu.memory_space<semaphore_mem>>) src(%dma_wait3A_238 : memref<10240x128xf32, #tpu.memory_space<hbm>>) dst(%dma_wait3A_232 : memref<128x128xf32, #tpu.memory_space<vmem>>)
      %jit3A_239 = arith.constant 16 : i32
      %div3A_240 = arith.divsi %add3A_88, %jit3A_239 : i32
      %sign3A_241 = arith.constant 0 : i32
      %sign3A_242 = arith.cmpi sgt, %add3A_88, %sign3A_241 : i32
      %sign3A_243 = arith.extui %sign3A_242 : i1 to i32
      %sign3A_244 = arith.constant 0 : i32
      %sign3A_245 = arith.cmpi slt, %add3A_88, %sign3A_244 : i32
      %sign3A_246 = arith.extui %sign3A_245 : i1 to i32
      %sign3A_247 = arith.subi %sign3A_243, %sign3A_246 : i32
      %sign3A_248 = arith.constant 0 : i32
      %sign3A_249 = arith.cmpi sgt, %jit3A_239, %sign3A_248 : i32
      %sign3A_250 = arith.extui %sign3A_249 : i1 to i32
      %sign3A_251 = arith.constant 0 : i32
      %sign3A_252 = arith.cmpi slt, %jit3A_239, %sign3A_251 : i32
      %sign3A_253 = arith.extui %sign3A_252 : i1 to i32
      %sign3A_254 = arith.subi %sign3A_250, %sign3A_253 : i32
      %ne3A_255 = arith.cmpi ne, %sign3A_247, %sign3A_254 : i32
      %rem3A_256 = arith.remsi %add3A_88, %jit3A_239 : i32
      %ne3A_257 = arith.constant 0 : i32
      %ne3A_258 = arith.cmpi ne, %rem3A_256, %ne3A_257 : i32
      %and3A_259 = arith.andi %ne3A_255, %ne3A_258 : i1
      %sub3A_260 = arith.constant 1 : i32
      %sub3A_261 = arith.subi %div3A_240, %sub3A_260 : i32
      %select_n3A_262 = arith.select %and3A_259, %sub3A_261, %div3A_240 : i32
      %jit3A_263 = arith.constant 2 : i32
      %eq3A_264 = arith.constant 0 : i32
      %eq3A_265 = arith.cmpi eq, %jit3A_263, %eq3A_264 : i32
      %jit3A_266 = arith.constant 1 : i32
      %select_n3A_267 = arith.select %eq3A_265, %jit3A_266, %jit3A_263 : i32
      %rem3A_268 = arith.remsi %select_n3A_262, %select_n3A_267 : i32
      %ne3A_269 = arith.constant 0 : i32
      %ne3A_270 = arith.cmpi ne, %rem3A_268, %ne3A_269 : i32
      %lt3A_271 = arith.constant 0 : i32
      %lt3A_272 = arith.cmpi slt, %rem3A_268, %lt3A_271 : i32
      %lt3A_273 = arith.constant 0 : i32
      %lt3A_274 = arith.cmpi slt, %select_n3A_267, %lt3A_273 : i32
      %ne3A_275 = arith.xori %lt3A_272, %lt3A_274 : i1
      %and3A_276 = arith.andi %ne3A_275, %ne3A_270 : i1
      %add3A_277 = arith.addi %rem3A_268, %select_n3A_267 : i32
      %select_n3A_278 = arith.select %and3A_276, %add3A_277, %rem3A_268 : i32
      %jit3A_279 = arith.constant 16 : i32
      %eq3A_280 = arith.constant 0 : i32
      %eq3A_281 = arith.cmpi eq, %jit3A_279, %eq3A_280 : i32
      %jit3A_282 = arith.constant 1 : i32
      %select_n3A_283 = arith.select %eq3A_281, %jit3A_282, %jit3A_279 : i32
      %rem3A_284 = arith.remsi %add3A_88, %select_n3A_283 : i32
      %ne3A_285 = arith.constant 0 : i32
      %ne3A_286 = arith.cmpi ne, %rem3A_284, %ne3A_285 : i32
      %lt3A_287 = arith.constant 0 : i32
      %lt3A_288 = arith.cmpi slt, %rem3A_284, %lt3A_287 : i32
      %lt3A_289 = arith.constant 0 : i32
      %lt3A_290 = arith.cmpi slt, %select_n3A_283, %lt3A_289 : i32
      %ne3A_291 = arith.xori %lt3A_288, %lt3A_290 : i1
      %and3A_292 = arith.andi %ne3A_291, %ne3A_286 : i1
      %add3A_293 = arith.addi %rem3A_284, %select_n3A_283 : i32
      %select_n3A_294 = arith.select %and3A_292, %add3A_293, %rem3A_284 : i32
      %run_scoped3A_295 = arith.constant 1 : i32
      "tpu.region"() ({
        %run_scoped3A_309 = tpu.sem_alloc : memref<!tpu.dma_semaphore, #tpu.memory_space<semaphore_mem>>
        %dma_start3A_310 = arith.constant 0 : i32
        %dma_start3A_311 = arith.constant 0 : i32
        %dma_start3A_312 = tpu.memref_slice %arg8[%run_scoped3A_295, %dma_start3A_310, %dma_start3A_311] : memref<2x128x128xf32, #tpu.memory_space<vmem>> -> memref<1x128x128xf32, #tpu.memory_space<vmem>>
        %dma_start3A_313 = tpu.memref_squeeze %dma_start3A_312 : memref<1x128x128xf32, #tpu.memory_space<vmem>> -> memref<128x128xf32, #tpu.memory_space<vmem>>
        %dma_start3A_314 = arith.constant 0 : i32
        %dma_start3A_315 = tpu.memref_slice %arg7[%select_n3A_278, %select_n3A_294, %dma_start3A_314] : memref<2x16x128xi32, #tpu.memory_space<vmem>> -> memref<1x1x128xi32, #tpu.memory_space<vmem>>
        %dma_start3A_316 = tpu.memref_squeeze %dma_start3A_315 : memref<1x1x128xi32, #tpu.memory_space<vmem>> -> memref<128xi32, #tpu.memory_space<vmem>>
        %dma_start3A_317 = arith.constant 0 : i32
        %dma_start3A_318 = arith.constant 0 : i32
        %dma_start3A_319 = tpu.memref_slice %arg9[%dma_start3A_317, %dma_start3A_318] : memref<10112x128xf32, #tpu.memory_space<vmem_shared>> -> memref<10112x128xf32, #tpu.memory_space<vmem_shared>>
        tpu.enqueue_indirect_dma source(%dma_start3A_313 : memref<128x128xf32, #tpu.memory_space<vmem>>) target(%dma_start3A_319 : memref<10112x128xf32, #tpu.memory_space<vmem_shared>>) offsets(%dma_start3A_316 : memref<128xi32, #tpu.memory_space<vmem>>) semaphore(%run_scoped3A_309 : memref<!tpu.dma_semaphore, #tpu.memory_space<semaphore_mem>>) {add = true}
        %dma_wait3A_320 = arith.constant 0 : i32
        %dma_wait3A_321 = arith.constant 0 : i32
        %dma_wait3A_322 = tpu.memref_slice %arg8[%run_scoped3A_295, %dma_wait3A_320, %dma_wait3A_321] : memref<2x128x128xf32, #tpu.memory_space<vmem>> -> memref<1x128x128xf32, #tpu.memory_space<vmem>>
        %dma_wait3A_323 = tpu.memref_squeeze %dma_wait3A_322 : memref<1x128x128xf32, #tpu.memory_space<vmem>> -> memref<128x128xf32, #tpu.memory_space<vmem>>
        %dma_wait3A_324 = arith.constant 0 : i32
        %dma_wait3A_325 = tpu.memref_slice %arg7[%select_n3A_278, %select_n3A_294, %dma_wait3A_324] : memref<2x16x128xi32, #tpu.memory_space<vmem>> -> memref<1x1x128xi32, #tpu.memory_space<vmem>>
        %dma_wait3A_326 = tpu.memref_squeeze %dma_wait3A_325 : memref<1x1x128xi32, #tpu.memory_space<vmem>> -> memref<128xi32, #tpu.memory_space<vmem>>
        %dma_wait3A_327 = arith.constant 0 : i32
        %dma_wait3A_328 = arith.constant 0 : i32
        %dma_wait3A_329 = tpu.memref_slice %arg9[%dma_wait3A_327, %dma_wait3A_328] : memref<10112x128xf32, #tpu.memory_space<vmem_shared>> -> memref<10112x128xf32, #tpu.memory_space<vmem_shared>>
        tpu.wait_indirect_dma semaphore(%run_scoped3A_309 : memref<!tpu.dma_semaphore, #tpu.memory_space<semaphore_mem>>) src(%dma_wait3A_323 : memref<128x128xf32, #tpu.memory_space<vmem>>) dst(%dma_wait3A_329 : memref<10112x128xf32, #tpu.memory_space<vmem_shared>>)
        tpu.yield
      }) : () -> ()
      %add3A_296 = arith.constant 1 : i32
      %add3A_297 = arith.addi %select_n3A_114, %add3A_296 : i32
      %lt3A_298 = arith.cmpi slt, %add3A_297, %select_n3A_22 : i32
      %and3A_299 = arith.andi %and3A_149, %lt3A_298 : i1
      %convert_element_type3A_300 = arith.extui %and3A_299 : i1 to i32
      %cond3A_301 = arith.constant 0 : i32
      %cond3A_302 = arith.cmpi ne, %convert_element_type3A_300, %cond3A_301 : i32
      scf.if %cond3A_302 {
        %add3A_309 = arith.constant 1 : i32
        %add3A_310 = arith.addi %select_n3A_114, %add3A_309 : i32
        %mul3A_311 = arith.constant 16 : i32
        %mul3A_312 = arith.muli %add3A_310, %mul3A_311 : i32
        %add3A_313 = arith.addi %mul3A_2, %mul3A_312 : i32
        %add3A_314 = arith.constant 1 : i32
        %add3A_315 = arith.addi %select_n3A_114, %add3A_314 : i32
        %jit3A_316 = arith.constant 2 : i32
        %eq3A_317 = arith.constant 0 : i32
        %eq3A_318 = arith.cmpi eq, %jit3A_316, %eq3A_317 : i32
        %jit3A_319 = arith.constant 1 : i32
        %select_n3A_320 = arith.select %eq3A_318, %jit3A_319, %jit3A_316 : i32
        %rem3A_321 = arith.remsi %add3A_315, %select_n3A_320 : i32
        %ne3A_322 = arith.constant 0 : i32
        %ne3A_323 = arith.cmpi ne, %rem3A_321, %ne3A_322 : i32
        %lt3A_324 = arith.constant 0 : i32
        %lt3A_325 = arith.cmpi slt, %rem3A_321, %lt3A_324 : i32
        %lt3A_326 = arith.constant 0 : i32
        %lt3A_327 = arith.cmpi slt, %select_n3A_320, %lt3A_326 : i32
        %ne3A_328 = arith.xori %lt3A_325, %lt3A_327 : i1
        %and3A_329 = arith.andi %ne3A_328, %ne3A_323 : i1
        %add3A_330 = arith.addi %rem3A_321, %select_n3A_320 : i32
        %select_n3A_331 = arith.select %and3A_329, %add3A_330, %rem3A_321 : i32
        %dma_start3A_332 = arith.constant 0 : i32
        %dma_start3A_333 = arith.constant 0 : i32
        %dma_start3A_334 = tpu.memref_slice %arg6[%select_n3A_331, %dma_start3A_332, %dma_start3A_333] : memref<2x16x128xi32, #tpu.memory_space<vmem>> -> memref<1x16x128xi32, #tpu.memory_space<vmem>>
        %dma_start3A_335 = tpu.memref_squeeze %dma_start3A_334 : memref<1x16x128xi32, #tpu.memory_space<vmem>> -> memref<16x128xi32, #tpu.memory_space<vmem>>
        %dma_start3A_336 = arith.constant 0 : i32
        %dma_start3A_337 = tpu.memref_slice %arg3[%arg1, %add3A_313, %dma_start3A_336] : memref<16x160x128xi32, #tpu.memory_space<hbm>> -> memref<1x16x128xi32, #tpu.memory_space<hbm>>
        %dma_start3A_338 = tpu.memref_squeeze %dma_start3A_337 : memref<1x16x128xi32, #tpu.memory_space<hbm>> -> memref<16x128xi32, #tpu.memory_space<hbm>>
        %dma_start3A_339 = arith.constant 0 : i32
        %dma_start3A_340 = arith.constant 0 : i32
        %dma_start3A_341 = tpu.memref_slice %arg6[%select_n3A_331, %dma_start3A_339, %dma_start3A_340] : memref<2x16x128xi32, #tpu.memory_space<vmem>> -> memref<1x16x128xi32, #tpu.memory_space<vmem>>
        %dma_start3A_342 = tpu.memref_squeeze %dma_start3A_341 : memref<1x16x128xi32, #tpu.memory_space<vmem>> -> memref<16x128xi32, #tpu.memory_space<vmem>>
        %dma_start3A_343 = arith.constant 0 : i32
        %dma_start3A_344 = tpu.memref_slice %arg3[%arg1, %add3A_313, %dma_start3A_343] : memref<16x160x128xi32, #tpu.memory_space<hbm>> -> memref<1x16x128xi32, #tpu.memory_space<hbm>>
        %dma_start3A_345 = tpu.memref_squeeze %dma_start3A_344 : memref<1x16x128xi32, #tpu.memory_space<hbm>> -> memref<16x128xi32, #tpu.memory_space<hbm>>
        tpu.enqueue_dma source(%dma_start3A_345 : memref<16x128xi32, #tpu.memory_space<hbm>>) target(%dma_start3A_342 : memref<16x128xi32, #tpu.memory_space<vmem>>) target_semaphore(%arg12 : memref<!tpu.dma_semaphore, #tpu.memory_space<semaphore_mem>>)
        %add3A_346 = arith.constant 1 : i32
        %add3A_347 = arith.addi %select_n3A_114, %add3A_346 : i32
        %jit3A_348 = arith.constant 2 : i32
        %eq3A_349 = arith.constant 0 : i32
        %eq3A_350 = arith.cmpi eq, %jit3A_348, %eq3A_349 : i32
        %jit3A_351 = arith.constant 1 : i32
        %select_n3A_352 = arith.select %eq3A_350, %jit3A_351, %jit3A_348 : i32
        %rem3A_353 = arith.remsi %add3A_347, %select_n3A_352 : i32
        %ne3A_354 = arith.constant 0 : i32
        %ne3A_355 = arith.cmpi ne, %rem3A_353, %ne3A_354 : i32
        %lt3A_356 = arith.constant 0 : i32
        %lt3A_357 = arith.cmpi slt, %rem3A_353, %lt3A_356 : i32
        %lt3A_358 = arith.constant 0 : i32
        %lt3A_359 = arith.cmpi slt, %select_n3A_352, %lt3A_358 : i32
        %ne3A_360 = arith.xori %lt3A_357, %lt3A_359 : i1
        %and3A_361 = arith.andi %ne3A_360, %ne3A_355 : i1
        %add3A_362 = arith.addi %rem3A_353, %select_n3A_352 : i32
        %select_n3A_363 = arith.select %and3A_361, %add3A_362, %rem3A_353 : i32
        %dma_start3A_364 = arith.constant 0 : i32
        %dma_start3A_365 = arith.constant 0 : i32
        %dma_start3A_366 = tpu.memref_slice %arg7[%select_n3A_363, %dma_start3A_364, %dma_start3A_365] : memref<2x16x128xi32, #tpu.memory_space<vmem>> -> memref<1x16x128xi32, #tpu.memory_space<vmem>>
        %dma_start3A_367 = tpu.memref_squeeze %dma_start3A_366 : memref<1x16x128xi32, #tpu.memory_space<vmem>> -> memref<16x128xi32, #tpu.memory_space<vmem>>
        %dma_start3A_368 = arith.constant 0 : i32
        %dma_start3A_369 = tpu.memref_slice %arg4[%arg1, %add3A_313, %dma_start3A_368] : memref<16x160x128xi32, #tpu.memory_space<hbm>> -> memref<1x16x128xi32, #tpu.memory_space<hbm>>
        %dma_start3A_370 = tpu.memref_squeeze %dma_start3A_369 : memref<1x16x128xi32, #tpu.memory_space<hbm>> -> memref<16x128xi32, #tpu.memory_space<hbm>>
        %dma_start3A_371 = arith.constant 0 : i32
        %dma_start3A_372 = arith.constant 0 : i32
        %dma_start3A_373 = tpu.memref_slice %arg7[%select_n3A_363, %dma_start3A_371, %dma_start3A_372] : memref<2x16x128xi32, #tpu.memory_space<vmem>> -> memref<1x16x128xi32, #tpu.memory_space<vmem>>
        %dma_start3A_374 = tpu.memref_squeeze %dma_start3A_373 : memref<1x16x128xi32, #tpu.memory_space<vmem>> -> memref<16x128xi32, #tpu.memory_space<vmem>>
        %dma_start3A_375 = arith.constant 0 : i32
        %dma_start3A_376 = tpu.memref_slice %arg4[%arg1, %add3A_313, %dma_start3A_375] : memref<16x160x128xi32, #tpu.memory_space<hbm>> -> memref<1x16x128xi32, #tpu.memory_space<hbm>>
        %dma_start3A_377 = tpu.memref_squeeze %dma_start3A_376 : memref<1x16x128xi32, #tpu.memory_space<hbm>> -> memref<16x128xi32, #tpu.memory_space<hbm>>
        tpu.enqueue_dma source(%dma_start3A_377 : memref<16x128xi32, #tpu.memory_space<hbm>>) target(%dma_start3A_374 : memref<16x128xi32, #tpu.memory_space<vmem>>) target_semaphore(%arg12 : memref<!tpu.dma_semaphore, #tpu.memory_space<semaphore_mem>>)
      } else {
      }
      %add3A_303 = arith.constant 2 : i32
      %add3A_304 = arith.addi %add3A_88, %add3A_303 : i32
      %lt3A_305 = arith.cmpi slt, %add3A_304, %select_n3A : i32
      %convert_element_type3A_306 = arith.extui %lt3A_305 : i1 to i32
      %cond3A_307 = arith.constant 0 : i32
      %cond3A_308 = arith.cmpi ne, %convert_element_type3A_306, %cond3A_307 : i32
      scf.if %cond3A_308 {
        %add3A_309 = arith.constant 2 : i32
        %add3A_310 = arith.addi %add3A_88, %add3A_309 : i32
        %jit3A_311 = arith.constant 16 : i32
        %div3A_312 = arith.divsi %add3A_310, %jit3A_311 : i32
        %sign3A_313 = arith.constant 0 : i32
        %sign3A_314 = arith.cmpi sgt, %add3A_310, %sign3A_313 : i32
        %sign3A_315 = arith.extui %sign3A_314 : i1 to i32
        %sign3A_316 = arith.constant 0 : i32
        %sign3A_317 = arith.cmpi slt, %add3A_310, %sign3A_316 : i32
        %sign3A_318 = arith.extui %sign3A_317 : i1 to i32
        %sign3A_319 = arith.subi %sign3A_315, %sign3A_318 : i32
        %sign3A_320 = arith.constant 0 : i32
        %sign3A_321 = arith.cmpi sgt, %jit3A_311, %sign3A_320 : i32
        %sign3A_322 = arith.extui %sign3A_321 : i1 to i32
        %sign3A_323 = arith.constant 0 : i32
        %sign3A_324 = arith.cmpi slt, %jit3A_311, %sign3A_323 : i32
        %sign3A_325 = arith.extui %sign3A_324 : i1 to i32
        %sign3A_326 = arith.subi %sign3A_322, %sign3A_325 : i32
        %ne3A_327 = arith.cmpi ne, %sign3A_319, %sign3A_326 : i32
        %rem3A_328 = arith.remsi %add3A_310, %jit3A_311 : i32
        %ne3A_329 = arith.constant 0 : i32
        %ne3A_330 = arith.cmpi ne, %rem3A_328, %ne3A_329 : i32
        %and3A_331 = arith.andi %ne3A_327, %ne3A_330 : i1
        %sub3A_332 = arith.constant 1 : i32
        %sub3A_333 = arith.subi %div3A_312, %sub3A_332 : i32
        %select_n3A_334 = arith.select %and3A_331, %sub3A_333, %div3A_312 : i32
        %jit3A_335 = arith.constant 2 : i32
        %eq3A_336 = arith.constant 0 : i32
        %eq3A_337 = arith.cmpi eq, %jit3A_335, %eq3A_336 : i32
        %jit3A_338 = arith.constant 1 : i32
        %select_n3A_339 = arith.select %eq3A_337, %jit3A_338, %jit3A_335 : i32
        %rem3A_340 = arith.remsi %select_n3A_334, %select_n3A_339 : i32
        %ne3A_341 = arith.constant 0 : i32
        %ne3A_342 = arith.cmpi ne, %rem3A_340, %ne3A_341 : i32
        %lt3A_343 = arith.constant 0 : i32
        %lt3A_344 = arith.cmpi slt, %rem3A_340, %lt3A_343 : i32
        %lt3A_345 = arith.constant 0 : i32
        %lt3A_346 = arith.cmpi slt, %select_n3A_339, %lt3A_345 : i32
        %ne3A_347 = arith.xori %lt3A_344, %lt3A_346 : i1
        %and3A_348 = arith.andi %ne3A_347, %ne3A_342 : i1
        %add3A_349 = arith.addi %rem3A_340, %select_n3A_339 : i32
        %select_n3A_350 = arith.select %and3A_348, %add3A_349, %rem3A_340 : i32
        %jit3A_351 = arith.constant 16 : i32
        %eq3A_352 = arith.constant 0 : i32
        %eq3A_353 = arith.cmpi eq, %jit3A_351, %eq3A_352 : i32
        %jit3A_354 = arith.constant 1 : i32
        %select_n3A_355 = arith.select %eq3A_353, %jit3A_354, %jit3A_351 : i32
        %rem3A_356 = arith.remsi %add3A_310, %select_n3A_355 : i32
        %ne3A_357 = arith.constant 0 : i32
        %ne3A_358 = arith.cmpi ne, %rem3A_356, %ne3A_357 : i32
        %lt3A_359 = arith.constant 0 : i32
        %lt3A_360 = arith.cmpi slt, %rem3A_356, %lt3A_359 : i32
        %lt3A_361 = arith.constant 0 : i32
        %lt3A_362 = arith.cmpi slt, %select_n3A_355, %lt3A_361 : i32
        %ne3A_363 = arith.xori %lt3A_360, %lt3A_362 : i1
        %and3A_364 = arith.andi %ne3A_363, %ne3A_358 : i1
        %add3A_365 = arith.addi %rem3A_356, %select_n3A_355 : i32
        %select_n3A_366 = arith.select %and3A_364, %add3A_365, %rem3A_356 : i32
        %dma_start3A_367 = arith.constant 1 : i32
        %dma_start3A_368 = arith.constant 0 : i32
        %dma_start3A_369 = arith.constant 0 : i32
        %dma_start3A_370 = tpu.memref_slice %arg8[%dma_start3A_367, %dma_start3A_368, %dma_start3A_369] : memref<2x128x128xf32, #tpu.memory_space<vmem>> -> memref<1x128x128xf32, #tpu.memory_space<vmem>>
        %dma_start3A_371 = tpu.memref_squeeze %dma_start3A_370 : memref<1x128x128xf32, #tpu.memory_space<vmem>> -> memref<128x128xf32, #tpu.memory_space<vmem>>
        %dma_start3A_372 = arith.constant 0 : i32
        %dma_start3A_373 = tpu.memref_slice %arg6[%select_n3A_350, %select_n3A_366, %dma_start3A_372] : memref<2x16x128xi32, #tpu.memory_space<vmem>> -> memref<1x1x128xi32, #tpu.memory_space<vmem>>
        %dma_start3A_374 = tpu.memref_squeeze %dma_start3A_373 : memref<1x1x128xi32, #tpu.memory_space<vmem>> -> memref<128xi32, #tpu.memory_space<vmem>>
        %dma_start3A_375 = arith.constant 0 : i32
        %dma_start3A_376 = arith.constant 0 : i32
        %dma_start3A_377 = tpu.memref_slice %arg2[%dma_start3A_375, %dma_start3A_376] : memref<10240x128xf32, #tpu.memory_space<hbm>> -> memref<10240x128xf32, #tpu.memory_space<hbm>>
        tpu.enqueue_indirect_dma source(%dma_start3A_377 : memref<10240x128xf32, #tpu.memory_space<hbm>>) target(%dma_start3A_371 : memref<128x128xf32, #tpu.memory_space<vmem>>) offsets(%dma_start3A_374 : memref<128xi32, #tpu.memory_space<vmem>>) semaphore(%arg11 : memref<!tpu.dma_semaphore, #tpu.memory_space<semaphore_mem>>)
      } else {
      }
    }
    %barrier3A_84 = arith.constant 0 : index
    tpu.barrier barrier_id(%barrier3A_84)
    "tpu.region"() ({
      %run_scoped3A_85 = tpu.sem_alloc : memref<!tpu.dma_semaphore, #tpu.memory_space<semaphore_mem>>
      %dma_start3A_86 = arith.constant 0 : i32
      %dma_start3A_87 = tpu.memref_slice %arg5[%arg0, %mul3A_0, %dma_start3A_86] : memref<2x10240x128xf32, #tpu.memory_space<hbm>> -> memref<1x632x128xf32, #tpu.memory_space<hbm>>
      %dma_start3A_88 = tpu.memref_squeeze %dma_start3A_87 : memref<1x632x128xf32, #tpu.memory_space<hbm>> -> memref<632x128xf32, #tpu.memory_space<hbm>>
      %dma_start3A_89 = arith.constant 0 : i32
      %dma_start3A_90 = tpu.memref_slice %arg9[%mul3A_0, %dma_start3A_89] : memref<10112x128xf32, #tpu.memory_space<vmem_shared>> -> memref<632x128xf32, #tpu.memory_space<vmem_shared>>
      tpu.enqueue_dma source(%dma_start3A_90 : memref<632x128xf32, #tpu.memory_space<vmem_shared>>) target(%dma_start3A_88 : memref<632x128xf32, #tpu.memory_space<hbm>>) target_semaphore(%run_scoped3A_85 : memref<!tpu.dma_semaphore, #tpu.memory_space<semaphore_mem>>)
      %dma_wait3A = arith.constant 0 : i32
      %dma_wait3A_91 = tpu.memref_slice %arg5[%arg0, %mul3A_0, %dma_wait3A] : memref<2x10240x128xf32, #tpu.memory_space<hbm>> -> memref<1x632x128xf32, #tpu.memory_space<hbm>>
      %dma_wait3A_92 = tpu.memref_squeeze %dma_wait3A_91 : memref<1x632x128xf32, #tpu.memory_space<hbm>> -> memref<632x128xf32, #tpu.memory_space<hbm>>
      %dma_wait3A_93 = arith.constant 0 : i32
      %dma_wait3A_94 = tpu.memref_slice %arg9[%mul3A_0, %dma_wait3A_93] : memref<10112x128xf32, #tpu.memory_space<vmem_shared>> -> memref<632x128xf32, #tpu.memory_space<vmem_shared>>
      tpu.wait_dma2 semaphore(%run_scoped3A_85 : memref<!tpu.dma_semaphore, #tpu.memory_space<semaphore_mem>>) src(%dma_wait3A_94 : memref<632x128xf32, #tpu.memory_space<vmem_shared>>) dst(%dma_wait3A_92 : memref<632x128xf32, #tpu.memory_space<hbm>>)
      tpu.yield
    }) : () -> ()
    return
  }
}

#map = affine_map<(d0, d1) -> (0, 0)>
module attributes {stable_mosaic.version = 14 : i64} {
  func.func @_deg_body(%arg0: i32, %arg1: i32, %arg2: memref<32x10240xi32, #tpu.memory_space<hbm>>, %arg3: memref<32x10240xf32, #tpu.memory_space<hbm>>, %arg4: memref<10240xi32, #tpu.memory_space<vmem>>, %arg5: memref<10240xf32, #tpu.memory_space<vmem>>) attributes {dimension_semantics = [#tpu.dimension_semantics<core_parallel>, #tpu.dimension_semantics<subcore_parallel>], iteration_bounds = array<i64: 2, 16>, scalar_prefetch = 0 : i64, scratch_operands = 2 : i64, tpu.core_type = #tpu.core_type<sc_vector_subcore>, window_params = [{transform_indices = #map}, {transform_indices = #map}]} {
    %mul3A = arith.constant 16 : i32
    %mul3A_0 = arith.muli %arg0, %mul3A : i32
    %add3A = arith.addi %mul3A_0, %arg1 : i32
    %scan3A = arith.constant 0 : i32
    %scan3A_1 = arith.constant 0 : i32
    %scan3A_2 = arith.constant 640 : i32
    %scan3A_3 = arith.addi %scan3A_1, %scan3A_2 : i32
    %scan3A_4 = arith.constant 1 : i32
    scf.for %scan3A_13 = %scan3A_1 to %scan3A_3 step %scan3A_4  : i32 {
      %broadcast_in_dim3A_14 = arith.constant 0.000000e+00 : f32
      %broadcast_in_dim3A_15 = vector.broadcast %broadcast_in_dim3A_14 : f32 to vector<16xf32>
      %mul3A_16 = arith.constant 16 : i32
      %mul3A_17 = arith.muli %scan3A_13, %mul3A_16 : i32
      %swap3A = arith.index_cast %mul3A_17 : i32 to index
      %swap3A_18 = tpu.vector_load %arg5[%swap3A] {strides = array<i32>} : memref<10240xf32, #tpu.memory_space<vmem>>, vector<16xf32>,
      tpu.vector_store %arg5[%swap3A], %broadcast_in_dim3A_15 {strides = array<i32>} : memref<10240xf32, #tpu.memory_space<vmem>>, vector<16xf32>,
    }
    %scan3A_5 = arith.constant 640 : i32
    "tpu.region"() ({
      %run_scoped3A = tpu.sem_alloc : memref<!tpu.dma_semaphore, #tpu.memory_space<semaphore_mem>>
      %dma_start3A = arith.constant 0 : i32
      %dma_start3A_13 = tpu.memref_slice %arg2[%add3A, %dma_start3A] : memref<32x10240xi32, #tpu.memory_space<hbm>> -> memref<1x10240xi32, #tpu.memory_space<hbm>>
      %dma_start3A_14 = tpu.memref_squeeze %dma_start3A_13 : memref<1x10240xi32, #tpu.memory_space<hbm>> -> memref<10240xi32, #tpu.memory_space<hbm>>
      %dma_start3A_15 = arith.constant 0 : i32
      %dma_start3A_16 = tpu.memref_slice %arg2[%add3A, %dma_start3A_15] : memref<32x10240xi32, #tpu.memory_space<hbm>> -> memref<1x10240xi32, #tpu.memory_space<hbm>>
      %dma_start3A_17 = tpu.memref_squeeze %dma_start3A_16 : memref<1x10240xi32, #tpu.memory_space<hbm>> -> memref<10240xi32, #tpu.memory_space<hbm>>
      tpu.enqueue_dma source(%dma_start3A_17 : memref<10240xi32, #tpu.memory_space<hbm>>) target(%arg4 : memref<10240xi32, #tpu.memory_space<vmem>>) target_semaphore(%run_scoped3A : memref<!tpu.dma_semaphore, #tpu.memory_space<semaphore_mem>>)
      %dma_wait3A = arith.constant 0 : i32
      %dma_wait3A_18 = tpu.memref_slice %arg2[%add3A, %dma_wait3A] : memref<32x10240xi32, #tpu.memory_space<hbm>> -> memref<1x10240xi32, #tpu.memory_space<hbm>>
      %dma_wait3A_19 = tpu.memref_squeeze %dma_wait3A_18 : memref<1x10240xi32, #tpu.memory_space<hbm>> -> memref<10240xi32, #tpu.memory_space<hbm>>
      %dma_wait3A_20 = arith.constant 0 : i32
      %dma_wait3A_21 = tpu.memref_slice %arg2[%add3A, %dma_wait3A_20] : memref<32x10240xi32, #tpu.memory_space<hbm>> -> memref<1x10240xi32, #tpu.memory_space<hbm>>
      %dma_wait3A_22 = tpu.memref_squeeze %dma_wait3A_21 : memref<1x10240xi32, #tpu.memory_space<hbm>> -> memref<10240xi32, #tpu.memory_space<hbm>>
      tpu.wait_dma2 semaphore(%run_scoped3A : memref<!tpu.dma_semaphore, #tpu.memory_space<semaphore_mem>>) src(%dma_wait3A_22 : memref<10240xi32, #tpu.memory_space<hbm>>) dst(%arg4 : memref<10240xi32, #tpu.memory_space<vmem>>)
      tpu.yield
    }) : () -> ()
    %broadcast_in_dim3A = arith.constant 1.000000e+00 : f32
    %broadcast_in_dim3A_6 = vector.broadcast %broadcast_in_dim3A : f32 to vector<16xf32>
    %scan3A_7 = arith.constant 0 : i32
    %scan3A_8 = arith.constant 0 : i32
    %scan3A_9 = arith.constant 640 : i32
    %scan3A_10 = arith.addi %scan3A_8, %scan3A_9 : i32
    %scan3A_11 = arith.constant 1 : i32
    scf.for %scan3A_13 = %scan3A_8 to %scan3A_10 step %scan3A_11  : i32 {
      %mul3A_14 = arith.constant 16 : i32
      %mul3A_15 = arith.muli %scan3A_13, %mul3A_14 : i32
      %get3A = arith.index_cast %mul3A_15 : i32 to index
      %get3A_16 = tpu.vector_load %arg4[%get3A] {strides = array<i32>} : memref<10240xi32, #tpu.memory_space<vmem>>, vector<16xi32>,
      tpu.vector_store_idx %arg5[%get3A_16], %broadcast_in_dim3A_6 {add = true} : memref<10240xf32, #tpu.memory_space<vmem>>[vector<16xi32>], vector<16xf32>,
    }
    %scan3A_12 = arith.constant 640 : i32
    "tpu.region"() ({
      %run_scoped3A = tpu.sem_alloc : memref<!tpu.dma_semaphore, #tpu.memory_space<semaphore_mem>>
      %dma_start3A = arith.constant 0 : i32
      %dma_start3A_13 = tpu.memref_slice %arg3[%add3A, %dma_start3A] : memref<32x10240xf32, #tpu.memory_space<hbm>> -> memref<1x10240xf32, #tpu.memory_space<hbm>>
      %dma_start3A_14 = tpu.memref_squeeze %dma_start3A_13 : memref<1x10240xf32, #tpu.memory_space<hbm>> -> memref<10240xf32, #tpu.memory_space<hbm>>
      %dma_start3A_15 = arith.constant 0 : i32
      %dma_start3A_16 = tpu.memref_slice %arg3[%add3A, %dma_start3A_15] : memref<32x10240xf32, #tpu.memory_space<hbm>> -> memref<1x10240xf32, #tpu.memory_space<hbm>>
      %dma_start3A_17 = tpu.memref_squeeze %dma_start3A_16 : memref<1x10240xf32, #tpu.memory_space<hbm>> -> memref<10240xf32, #tpu.memory_space<hbm>>
      tpu.enqueue_dma source(%arg5 : memref<10240xf32, #tpu.memory_space<vmem>>) target(%dma_start3A_17 : memref<10240xf32, #tpu.memory_space<hbm>>) target_semaphore(%run_scoped3A : memref<!tpu.dma_semaphore, #tpu.memory_space<semaphore_mem>>)
      %dma_wait3A = arith.constant 0 : i32
      %dma_wait3A_18 = tpu.memref_slice %arg3[%add3A, %dma_wait3A] : memref<32x10240xf32, #tpu.memory_space<hbm>> -> memref<1x10240xf32, #tpu.memory_space<hbm>>
      %dma_wait3A_19 = tpu.memref_squeeze %dma_wait3A_18 : memref<1x10240xf32, #tpu.memory_space<hbm>> -> memref<10240xf32, #tpu.memory_space<hbm>>
      %dma_wait3A_20 = arith.constant 0 : i32
      %dma_wait3A_21 = tpu.memref_slice %arg3[%add3A, %dma_wait3A_20] : memref<32x10240xf32, #tpu.memory_space<hbm>> -> memref<1x10240xf32, #tpu.memory_space<hbm>>
      %dma_wait3A_22 = tpu.memref_squeeze %dma_wait3A_21 : memref<1x10240xf32, #tpu.memory_space<hbm>> -> memref<10240xf32, #tpu.memory_space<hbm>>
      tpu.wait_dma2 semaphore(%run_scoped3A : memref<!tpu.dma_semaphore, #tpu.memory_space<semaphore_mem>>) src(%arg5 : memref<10240xf32, #tpu.memory_space<vmem>>) dst(%dma_wait3A_22 : memref<10240xf32, #tpu.memory_space<hbm>>)
      tpu.yield
    }) : () -> ()
    return
  }
}

#map = affine_map<(d0, d1) -> (0, 0)>
#map1 = affine_map<(d0, d1) -> (0, 0, 0)>
module attributes {stable_mosaic.version = 14 : i64} {
  func.func @_agg_body(%arg0: i32, %arg1: i32, %arg2: memref<10240x128xf32, #tpu.memory_space<hbm>>, %arg3: memref<16x160x128xi32, #tpu.memory_space<hbm>>, %arg4: memref<16x160x128xi32, #tpu.memory_space<hbm>>, %arg5: memref<2x10240x128xf32, #tpu.memory_space<hbm>>, %arg6: memref<2x16x128xi32, #tpu.memory_space<vmem>>, %arg7: memref<2x16x128xi32, #tpu.memory_space<vmem>>, %arg8: memref<2x128x128xf32, #tpu.memory_space<vmem>>, %arg9: memref<10112x128xf32, #tpu.memory_space<vmem_shared>>, %arg10: memref<!tpu.dma_semaphore, #tpu.memory_space<semaphore_mem>>, %arg11: memref<!tpu.dma_semaphore, #tpu.memory_space<semaphore_mem>>, %arg12: memref<!tpu.dma_semaphore, #tpu.memory_space<semaphore_mem>>) attributes {dimension_semantics = [#tpu.dimension_semantics<core_parallel>, #tpu.dimension_semantics<subcore_parallel>], iteration_bounds = array<i64: 2, 16>, scalar_prefetch = 0 : i64, scratch_operands = 7 : i64, tpu.core_type = #tpu.core_type<sc_vector_subcore>, window_params = [{transform_indices = #map}, {transform_indices = #map1}, {transform_indices = #map1}, {transform_indices = #map1}]} {
    %mul3A = arith.constant 632 : i32
    %mul3A_0 = arith.muli %arg1, %mul3A : i32
    "tpu.region"() ({
      %run_scoped3A_85 = tpu.sem_alloc : memref<!tpu.dma_semaphore, #tpu.memory_space<semaphore_mem>>
      %dma_start3A_86 = arith.constant 0 : i32
      %dma_start3A_87 = tpu.memref_slice %arg9[%mul3A_0, %dma_start3A_86] : memref<10112x128xf32, #tpu.memory_space<vmem_shared>> -> memref<632x128xf32, #tpu.memory_space<vmem_shared>>
      %dma_start3A_88 = arith.constant 0 : i32
      %dma_start3A_89 = tpu.memref_slice %arg2[%mul3A_0, %dma_start3A_88] : memref<10240x128xf32, #tpu.memory_space<hbm>> -> memref<632x128xf32, #tpu.memory_space<hbm>>
      tpu.enqueue_dma source(%dma_start3A_89 : memref<632x128xf32, #tpu.memory_space<hbm>>) target(%dma_start3A_87 : memref<632x128xf32, #tpu.memory_space<vmem_shared>>) target_semaphore(%run_scoped3A_85 : memref<!tpu.dma_semaphore, #tpu.memory_space<semaphore_mem>>)
      %dma_wait3A = arith.constant 0 : i32
      %dma_wait3A_90 = tpu.memref_slice %arg9[%mul3A_0, %dma_wait3A] : memref<10112x128xf32, #tpu.memory_space<vmem_shared>> -> memref<632x128xf32, #tpu.memory_space<vmem_shared>>
      %dma_wait3A_91 = arith.constant 0 : i32
      %dma_wait3A_92 = tpu.memref_slice %arg2[%mul3A_0, %dma_wait3A_91] : memref<10240x128xf32, #tpu.memory_space<hbm>> -> memref<632x128xf32, #tpu.memory_space<hbm>>
      tpu.wait_dma2 semaphore(%run_scoped3A_85 : memref<!tpu.dma_semaphore, #tpu.memory_space<semaphore_mem>>) src(%dma_wait3A_92 : memref<632x128xf32, #tpu.memory_space<hbm>>) dst(%dma_wait3A_90 : memref<632x128xf32, #tpu.memory_space<vmem_shared>>)
      tpu.yield
    }) : () -> ()
    %barrier3A = arith.constant 0 : index
    tpu.barrier barrier_id(%barrier3A)
    %mul3A_1 = arith.constant 80 : i32
    %mul3A_2 = arith.muli %arg0, %mul3A_1 : i32
    %eq3A = arith.constant 0 : i32
    %eq3A_3 = arith.cmpi eq, %arg0, %eq3A : i32
    %jit3A = arith.constant 80 : i32
    %jit3A_4 = arith.constant 80 : i32
    %select_n3A = arith.select %eq3A_3, %jit3A, %jit3A_4 : i32
    %jit3A_5 = arith.constant 16 : i32
    %div3A = arith.divsi %select_n3A, %jit3A_5 : i32
    %sign3A = arith.constant 0 : i32
    %sign3A_6 = arith.cmpi sgt, %select_n3A, %sign3A : i32
    %sign3A_7 = arith.extui %sign3A_6 : i1 to i32
    %sign3A_8 = arith.constant 0 : i32
    %sign3A_9 = arith.cmpi slt, %select_n3A, %sign3A_8 : i32
    %sign3A_10 = arith.extui %sign3A_9 : i1 to i32
    %sign3A_11 = arith.subi %sign3A_7, %sign3A_10 : i32
    %sign3A_12 = arith.constant 0 : i32
    %sign3A_13 = arith.cmpi sgt, %jit3A_5, %sign3A_12 : i32
    %sign3A_14 = arith.extui %sign3A_13 : i1 to i32
    %sign3A_15 = arith.constant 0 : i32
    %sign3A_16 = arith.cmpi slt, %jit3A_5, %sign3A_15 : i32
    %sign3A_17 = arith.extui %sign3A_16 : i1 to i32
    %sign3A_18 = arith.subi %sign3A_14, %sign3A_17 : i32
    %ne3A = arith.cmpi ne, %sign3A_11, %sign3A_18 : i32
    %rem3A = arith.remsi %select_n3A, %jit3A_5 : i32
    %ne3A_19 = arith.constant 0 : i32
    %ne3A_20 = arith.cmpi ne, %rem3A, %ne3A_19 : i32
    %and3A = arith.andi %ne3A, %ne3A_20 : i1
    %sub3A = arith.constant 1 : i32
    %sub3A_21 = arith.subi %div3A, %sub3A : i32
    %select_n3A_22 = arith.select %and3A, %sub3A_21, %div3A : i32
    %run_scoped3A = arith.constant 0 : i32
    "tpu.region"() ({
      %run_scoped3A_85 = tpu.sem_alloc : memref<!tpu.dma_semaphore, #tpu.memory_space<semaphore_mem>>
      %dma_start3A_86 = arith.constant 0 : i32
      %dma_start3A_87 = arith.constant 0 : i32
      %dma_start3A_88 = tpu.memref_slice %arg6[%run_scoped3A, %dma_start3A_86, %dma_start3A_87] : memref<2x16x128xi32, #tpu.memory_space<vmem>> -> memref<1x16x128xi32, #tpu.memory_space<vmem>>
      %dma_start3A_89 = tpu.memref_squeeze %dma_start3A_88 : memref<1x16x128xi32, #tpu.memory_space<vmem>> -> memref<16x128xi32, #tpu.memory_space<vmem>>
      %dma_start3A_90 = arith.constant 0 : i32
      %dma_start3A_91 = tpu.memref_slice %arg3[%arg1, %mul3A_2, %dma_start3A_90] : memref<16x160x128xi32, #tpu.memory_space<hbm>> -> memref<1x16x128xi32, #tpu.memory_space<hbm>>
      %dma_start3A_92 = tpu.memref_squeeze %dma_start3A_91 : memref<1x16x128xi32, #tpu.memory_space<hbm>> -> memref<16x128xi32, #tpu.memory_space<hbm>>
      %dma_start3A_93 = arith.constant 0 : i32
      %dma_start3A_94 = arith.constant 0 : i32
      %dma_start3A_95 = tpu.memref_slice %arg6[%run_scoped3A, %dma_start3A_93, %dma_start3A_94] : memref<2x16x128xi32, #tpu.memory_space<vmem>> -> memref<1x16x128xi32, #tpu.memory_space<vmem>>
      %dma_start3A_96 = tpu.memref_squeeze %dma_start3A_95 : memref<1x16x128xi32, #tpu.memory_space<vmem>> -> memref<16x128xi32, #tpu.memory_space<vmem>>
      %dma_start3A_97 = arith.constant 0 : i32
      %dma_start3A_98 = tpu.memref_slice %arg3[%arg1, %mul3A_2, %dma_start3A_97] : memref<16x160x128xi32, #tpu.memory_space<hbm>> -> memref<1x16x128xi32, #tpu.memory_space<hbm>>
      %dma_start3A_99 = tpu.memref_squeeze %dma_start3A_98 : memref<1x16x128xi32, #tpu.memory_space<hbm>> -> memref<16x128xi32, #tpu.memory_space<hbm>>
      tpu.enqueue_dma source(%dma_start3A_99 : memref<16x128xi32, #tpu.memory_space<hbm>>) target(%dma_start3A_96 : memref<16x128xi32, #tpu.memory_space<vmem>>) target_semaphore(%run_scoped3A_85 : memref<!tpu.dma_semaphore, #tpu.memory_space<semaphore_mem>>)
      %dma_wait3A = arith.constant 0 : i32
      %dma_wait3A_100 = arith.constant 0 : i32
      %dma_wait3A_101 = tpu.memref_slice %arg6[%run_scoped3A, %dma_wait3A, %dma_wait3A_100] : memref<2x16x128xi32, #tpu.memory_space<vmem>> -> memref<1x16x128xi32, #tpu.memory_space<vmem>>
      %dma_wait3A_102 = tpu.memref_squeeze %dma_wait3A_101 : memref<1x16x128xi32, #tpu.memory_space<vmem>> -> memref<16x128xi32, #tpu.memory_space<vmem>>
      %dma_wait3A_103 = arith.constant 0 : i32
      %dma_wait3A_104 = tpu.memref_slice %arg3[%arg1, %mul3A_2, %dma_wait3A_103] : memref<16x160x128xi32, #tpu.memory_space<hbm>> -> memref<1x16x128xi32, #tpu.memory_space<hbm>>
      %dma_wait3A_105 = tpu.memref_squeeze %dma_wait3A_104 : memref<1x16x128xi32, #tpu.memory_space<hbm>> -> memref<16x128xi32, #tpu.memory_space<hbm>>
      %dma_wait3A_106 = arith.constant 0 : i32
      %dma_wait3A_107 = arith.constant 0 : i32
      %dma_wait3A_108 = tpu.memref_slice %arg6[%run_scoped3A, %dma_wait3A_106, %dma_wait3A_107] : memref<2x16x128xi32, #tpu.memory_space<vmem>> -> memref<1x16x128xi32, #tpu.memory_space<vmem>>
      %dma_wait3A_109 = tpu.memref_squeeze %dma_wait3A_108 : memref<1x16x128xi32, #tpu.memory_space<vmem>> -> memref<16x128xi32, #tpu.memory_space<vmem>>
      %dma_wait3A_110 = arith.constant 0 : i32
      %dma_wait3A_111 = tpu.memref_slice %arg3[%arg1, %mul3A_2, %dma_wait3A_110] : memref<16x160x128xi32, #tpu.memory_space<hbm>> -> memref<1x16x128xi32, #tpu.memory_space<hbm>>
      %dma_wait3A_112 = tpu.memref_squeeze %dma_wait3A_111 : memref<1x16x128xi32, #tpu.memory_space<hbm>> -> memref<16x128xi32, #tpu.memory_space<hbm>>
      tpu.wait_dma2 semaphore(%run_scoped3A_85 : memref<!tpu.dma_semaphore, #tpu.memory_space<semaphore_mem>>) src(%dma_wait3A_112 : memref<16x128xi32, #tpu.memory_space<hbm>>) dst(%dma_wait3A_109 : memref<16x128xi32, #tpu.memory_space<vmem>>)
      tpu.yield
    }) : () -> ()
    %run_scoped3A_23 = arith.constant 0 : i32
    "tpu.region"() ({
      %run_scoped3A_85 = tpu.sem_alloc : memref<!tpu.dma_semaphore, #tpu.memory_space<semaphore_mem>>
      %dma_start3A_86 = arith.constant 0 : i32
      %dma_start3A_87 = arith.constant 0 : i32
      %dma_start3A_88 = tpu.memref_slice %arg7[%run_scoped3A_23, %dma_start3A_86, %dma_start3A_87] : memref<2x16x128xi32, #tpu.memory_space<vmem>> -> memref<1x16x128xi32, #tpu.memory_space<vmem>>
      %dma_start3A_89 = tpu.memref_squeeze %dma_start3A_88 : memref<1x16x128xi32, #tpu.memory_space<vmem>> -> memref<16x128xi32, #tpu.memory_space<vmem>>
      %dma_start3A_90 = arith.constant 0 : i32
      %dma_start3A_91 = tpu.memref_slice %arg4[%arg1, %mul3A_2, %dma_start3A_90] : memref<16x160x128xi32, #tpu.memory_space<hbm>> -> memref<1x16x128xi32, #tpu.memory_space<hbm>>
      %dma_start3A_92 = tpu.memref_squeeze %dma_start3A_91 : memref<1x16x128xi32, #tpu.memory_space<hbm>> -> memref<16x128xi32, #tpu.memory_space<hbm>>
      %dma_start3A_93 = arith.constant 0 : i32
      %dma_start3A_94 = arith.constant 0 : i32
      %dma_start3A_95 = tpu.memref_slice %arg7[%run_scoped3A_23, %dma_start3A_93, %dma_start3A_94] : memref<2x16x128xi32, #tpu.memory_space<vmem>> -> memref<1x16x128xi32, #tpu.memory_space<vmem>>
      %dma_start3A_96 = tpu.memref_squeeze %dma_start3A_95 : memref<1x16x128xi32, #tpu.memory_space<vmem>> -> memref<16x128xi32, #tpu.memory_space<vmem>>
      %dma_start3A_97 = arith.constant 0 : i32
      %dma_start3A_98 = tpu.memref_slice %arg4[%arg1, %mul3A_2, %dma_start3A_97] : memref<16x160x128xi32, #tpu.memory_space<hbm>> -> memref<1x16x128xi32, #tpu.memory_space<hbm>>
      %dma_start3A_99 = tpu.memref_squeeze %dma_start3A_98 : memref<1x16x128xi32, #tpu.memory_space<hbm>> -> memref<16x128xi32, #tpu.memory_space<hbm>>
      tpu.enqueue_dma source(%dma_start3A_99 : memref<16x128xi32, #tpu.memory_space<hbm>>) target(%dma_start3A_96 : memref<16x128xi32, #tpu.memory_space<vmem>>) target_semaphore(%run_scoped3A_85 : memref<!tpu.dma_semaphore, #tpu.memory_space<semaphore_mem>>)
      %dma_wait3A = arith.constant 0 : i32
      %dma_wait3A_100 = arith.constant 0 : i32
      %dma_wait3A_101 = tpu.memref_slice %arg7[%run_scoped3A_23, %dma_wait3A, %dma_wait3A_100] : memref<2x16x128xi32, #tpu.memory_space<vmem>> -> memref<1x16x128xi32, #tpu.memory_space<vmem>>
      %dma_wait3A_102 = tpu.memref_squeeze %dma_wait3A_101 : memref<1x16x128xi32, #tpu.memory_space<vmem>> -> memref<16x128xi32, #tpu.memory_space<vmem>>
      %dma_wait3A_103 = arith.constant 0 : i32
      %dma_wait3A_104 = tpu.memref_slice %arg4[%arg1, %mul3A_2, %dma_wait3A_103] : memref<16x160x128xi32, #tpu.memory_space<hbm>> -> memref<1x16x128xi32, #tpu.memory_space<hbm>>
      %dma_wait3A_105 = tpu.memref_squeeze %dma_wait3A_104 : memref<1x16x128xi32, #tpu.memory_space<hbm>> -> memref<16x128xi32, #tpu.memory_space<hbm>>
      %dma_wait3A_106 = arith.constant 0 : i32
      %dma_wait3A_107 = arith.constant 0 : i32
      %dma_wait3A_108 = tpu.memref_slice %arg7[%run_scoped3A_23, %dma_wait3A_106, %dma_wait3A_107] : memref<2x16x128xi32, #tpu.memory_space<vmem>> -> memref<1x16x128xi32, #tpu.memory_space<vmem>>
      %dma_wait3A_109 = tpu.memref_squeeze %dma_wait3A_108 : memref<1x16x128xi32, #tpu.memory_space<vmem>> -> memref<16x128xi32, #tpu.memory_space<vmem>>
      %dma_wait3A_110 = arith.constant 0 : i32
      %dma_wait3A_111 = tpu.memref_slice %arg4[%arg1, %mul3A_2, %dma_wait3A_110] : memref<16x160x128xi32, #tpu.memory_space<hbm>> -> memref<1x16x128xi32, #tpu.memory_space<hbm>>
      %dma_wait3A_112 = tpu.memref_squeeze %dma_wait3A_111 : memref<1x16x128xi32, #tpu.memory_space<hbm>> -> memref<16x128xi32, #tpu.memory_space<hbm>>
      tpu.wait_dma2 semaphore(%run_scoped3A_85 : memref<!tpu.dma_semaphore, #tpu.memory_space<semaphore_mem>>) src(%dma_wait3A_112 : memref<16x128xi32, #tpu.memory_space<hbm>>) dst(%dma_wait3A_109 : memref<16x128xi32, #tpu.memory_space<vmem>>)
      tpu.yield
    }) : () -> ()
    %gt3A = arith.constant 1 : i32
    %gt3A_24 = arith.cmpi sgt, %select_n3A_22, %gt3A : i32
    %convert_element_type3A = arith.extui %gt3A_24 : i1 to i32
    %cond3A = arith.constant 0 : i32
    %cond3A_25 = arith.cmpi ne, %convert_element_type3A, %cond3A : i32
    scf.if %cond3A_25 {
      %add3A = arith.constant 16 : i32
      %add3A_85 = arith.addi %mul3A_2, %add3A : i32
      %dma_start3A_86 = arith.constant 1 : i32
      %dma_start3A_87 = arith.constant 0 : i32
      %dma_start3A_88 = arith.constant 0 : i32
      %dma_start3A_89 = tpu.memref_slice %arg6[%dma_start3A_86, %dma_start3A_87, %dma_start3A_88] : memref<2x16x128xi32, #tpu.memory_space<vmem>> -> memref<1x16x128xi32, #tpu.memory_space<vmem>>
      %dma_start3A_90 = tpu.memref_squeeze %dma_start3A_89 : memref<1x16x128xi32, #tpu.memory_space<vmem>> -> memref<16x128xi32, #tpu.memory_space<vmem>>
      %dma_start3A_91 = arith.constant 0 : i32
      %dma_start3A_92 = tpu.memref_slice %arg3[%arg1, %add3A_85, %dma_start3A_91] : memref<16x160x128xi32, #tpu.memory_space<hbm>> -> memref<1x16x128xi32, #tpu.memory_space<hbm>>
      %dma_start3A_93 = tpu.memref_squeeze %dma_start3A_92 : memref<1x16x128xi32, #tpu.memory_space<hbm>> -> memref<16x128xi32, #tpu.memory_space<hbm>>
      %dma_start3A_94 = arith.constant 0 : i32
      %dma_start3A_95 = arith.constant 0 : i32
      %dma_start3A_96 = tpu.memref_slice %arg6[%dma_start3A_86, %dma_start3A_94, %dma_start3A_95] : memref<2x16x128xi32, #tpu.memory_space<vmem>> -> memref<1x16x128xi32, #tpu.memory_space<vmem>>
      %dma_start3A_97 = tpu.memref_squeeze %dma_start3A_96 : memref<1x16x128xi32, #tpu.memory_space<vmem>> -> memref<16x128xi32, #tpu.memory_space<vmem>>
      %dma_start3A_98 = arith.constant 0 : i32
      %dma_start3A_99 = tpu.memref_slice %arg3[%arg1, %add3A_85, %dma_start3A_98] : memref<16x160x128xi32, #tpu.memory_space<hbm>> -> memref<1x16x128xi32, #tpu.memory_space<hbm>>
      %dma_start3A_100 = tpu.memref_squeeze %dma_start3A_99 : memref<1x16x128xi32, #tpu.memory_space<hbm>> -> memref<16x128xi32, #tpu.memory_space<hbm>>
      tpu.enqueue_dma source(%dma_start3A_100 : memref<16x128xi32, #tpu.memory_space<hbm>>) target(%dma_start3A_97 : memref<16x128xi32, #tpu.memory_space<vmem>>) target_semaphore(%arg12 : memref<!tpu.dma_semaphore, #tpu.memory_space<semaphore_mem>>)
      %add3A_101 = arith.constant 16 : i32
      %add3A_102 = arith.addi %mul3A_2, %add3A_101 : i32
      %dma_start3A_103 = arith.constant 1 : i32
      %dma_start3A_104 = arith.constant 0 : i32
      %dma_start3A_105 = arith.constant 0 : i32
      %dma_start3A_106 = tpu.memref_slice %arg7[%dma_start3A_103, %dma_start3A_104, %dma_start3A_105] : memref<2x16x128xi32, #tpu.memory_space<vmem>> -> memref<1x16x128xi32, #tpu.memory_space<vmem>>
      %dma_start3A_107 = tpu.memref_squeeze %dma_start3A_106 : memref<1x16x128xi32, #tpu.memory_space<vmem>> -> memref<16x128xi32, #tpu.memory_space<vmem>>
      %dma_start3A_108 = arith.constant 0 : i32
      %dma_start3A_109 = tpu.memref_slice %arg4[%arg1, %add3A_102, %dma_start3A_108] : memref<16x160x128xi32, #tpu.memory_space<hbm>> -> memref<1x16x128xi32, #tpu.memory_space<hbm>>
      %dma_start3A_110 = tpu.memref_squeeze %dma_start3A_109 : memref<1x16x128xi32, #tpu.memory_space<hbm>> -> memref<16x128xi32, #tpu.memory_space<hbm>>
      %dma_start3A_111 = arith.constant 0 : i32
      %dma_start3A_112 = arith.constant 0 : i32
      %dma_start3A_113 = tpu.memref_slice %arg7[%dma_start3A_103, %dma_start3A_111, %dma_start3A_112] : memref<2x16x128xi32, #tpu.memory_space<vmem>> -> memref<1x16x128xi32, #tpu.memory_space<vmem>>
      %dma_start3A_114 = tpu.memref_squeeze %dma_start3A_113 : memref<1x16x128xi32, #tpu.memory_space<vmem>> -> memref<16x128xi32, #tpu.memory_space<vmem>>
      %dma_start3A_115 = arith.constant 0 : i32
      %dma_start3A_116 = tpu.memref_slice %arg4[%arg1, %add3A_102, %dma_start3A_115] : memref<16x160x128xi32, #tpu.memory_space<hbm>> -> memref<1x16x128xi32, #tpu.memory_space<hbm>>
      %dma_start3A_117 = tpu.memref_squeeze %dma_start3A_116 : memref<1x16x128xi32, #tpu.memory_space<hbm>> -> memref<16x128xi32, #tpu.memory_space<hbm>>
      tpu.enqueue_dma source(%dma_start3A_117 : memref<16x128xi32, #tpu.memory_space<hbm>>) target(%dma_start3A_114 : memref<16x128xi32, #tpu.memory_space<vmem>>) target_semaphore(%arg12 : memref<!tpu.dma_semaphore, #tpu.memory_space<semaphore_mem>>)
    } else {
    }
    %dma_start3A = arith.constant 0 : i32
    %dma_start3A_26 = arith.constant 0 : i32
    %dma_start3A_27 = arith.constant 0 : i32
    %dma_start3A_28 = arith.constant 0 : i32
    %dma_start3A_29 = arith.constant 0 : i32
    %dma_start3A_30 = tpu.memref_slice %arg8[%dma_start3A_27, %dma_start3A_28, %dma_start3A_29] : memref<2x128x128xf32, #tpu.memory_space<vmem>> -> memref<1x128x128xf32, #tpu.memory_space<vmem>>
    %dma_start3A_31 = tpu.memref_squeeze %dma_start3A_30 : memref<1x128x128xf32, #tpu.memory_space<vmem>> -> memref<128x128xf32, #tpu.memory_space<vmem>>
    %dma_start3A_32 = arith.constant 0 : i32
    %dma_start3A_33 = tpu.memref_slice %arg6[%dma_start3A, %dma_start3A_26, %dma_start3A_32] : memref<2x16x128xi32, #tpu.memory_space<vmem>> -> memref<1x1x128xi32, #tpu.memory_space<vmem>>
    %dma_start3A_34 = tpu.memref_squeeze %dma_start3A_33 : memref<1x1x128xi32, #tpu.memory_space<vmem>> -> memref<128xi32, #tpu.memory_space<vmem>>
    %dma_start3A_35 = arith.constant 0 : i32
    %dma_start3A_36 = arith.constant 0 : i32
    %dma_start3A_37 = tpu.memref_slice %arg2[%dma_start3A_35, %dma_start3A_36] : memref<10240x128xf32, #tpu.memory_space<hbm>> -> memref<10240x128xf32, #tpu.memory_space<hbm>>
    tpu.enqueue_indirect_dma source(%dma_start3A_37 : memref<10240x128xf32, #tpu.memory_space<hbm>>) target(%dma_start3A_31 : memref<128x128xf32, #tpu.memory_space<vmem>>) offsets(%dma_start3A_34 : memref<128xi32, #tpu.memory_space<vmem>>) semaphore(%arg10 : memref<!tpu.dma_semaphore, #tpu.memory_space<semaphore_mem>>)
    %dma_start3A_38 = arith.constant 0 : i32
    %dma_start3A_39 = arith.constant 1 : i32
    %dma_start3A_40 = arith.constant 1 : i32
    %dma_start3A_41 = arith.constant 0 : i32
    %dma_start3A_42 = arith.constant 0 : i32
    %dma_start3A_43 = tpu.memref_slice %arg8[%dma_start3A_40, %dma_start3A_41, %dma_start3A_42] : memref<2x128x128xf32, #tpu.memory_space<vmem>> -> memref<1x128x128xf32, #tpu.memory_space<vmem>>
    %dma_start3A_44 = tpu.memref_squeeze %dma_start3A_43 : memref<1x128x128xf32, #tpu.memory_space<vmem>> -> memref<128x128xf32, #tpu.memory_space<vmem>>
    %dma_start3A_45 = arith.constant 0 : i32
    %dma_start3A_46 = tpu.memref_slice %arg6[%dma_start3A_38, %dma_start3A_39, %dma_start3A_45] : memref<2x16x128xi32, #tpu.memory_space<vmem>> -> memref<1x1x128xi32, #tpu.memory_space<vmem>>
    %dma_start3A_47 = tpu.memref_squeeze %dma_start3A_46 : memref<1x1x128xi32, #tpu.memory_space<vmem>> -> memref<128xi32, #tpu.memory_space<vmem>>
    %dma_start3A_48 = arith.constant 0 : i32
    %dma_start3A_49 = arith.constant 0 : i32
    %dma_start3A_50 = tpu.memref_slice %arg2[%dma_start3A_48, %dma_start3A_49] : memref<10240x128xf32, #tpu.memory_space<hbm>> -> memref<10240x128xf32, #tpu.memory_space<hbm>>
    tpu.enqueue_indirect_dma source(%dma_start3A_50 : memref<10240x128xf32, #tpu.memory_space<hbm>>) target(%dma_start3A_44 : memref<128x128xf32, #tpu.memory_space<vmem>>) offsets(%dma_start3A_47 : memref<128xi32, #tpu.memory_space<vmem>>) semaphore(%arg11 : memref<!tpu.dma_semaphore, #tpu.memory_space<semaphore_mem>>)
    %jit3A_51 = arith.constant 2 : i32
    %div3A_52 = arith.divsi %select_n3A, %jit3A_51 : i32
    %sign3A_53 = arith.constant 0 : i32
    %sign3A_54 = arith.cmpi sgt, %select_n3A, %sign3A_53 : i32
    %sign3A_55 = arith.extui %sign3A_54 : i1 to i32
    %sign3A_56 = arith.constant 0 : i32
    %sign3A_57 = arith.cmpi slt, %select_n3A, %sign3A_56 : i32
    %sign3A_58 = arith.extui %sign3A_57 : i1 to i32
    %sign3A_59 = arith.subi %sign3A_55, %sign3A_58 : i32
    %sign3A_60 = arith.constant 0 : i32
    %sign3A_61 = arith.cmpi sgt, %jit3A_51, %sign3A_60 : i32
    %sign3A_62 = arith.extui %sign3A_61 : i1 to i32
    %sign3A_63 = arith.constant 0 : i32
    %sign3A_64 = arith.cmpi slt, %jit3A_51, %sign3A_63 : i32
    %sign3A_65 = arith.extui %sign3A_64 : i1 to i32
    %sign3A_66 = arith.subi %sign3A_62, %sign3A_65 : i32
    %ne3A_67 = arith.cmpi ne, %sign3A_59, %sign3A_66 : i32
    %rem3A_68 = arith.remsi %select_n3A, %jit3A_51 : i32
    %ne3A_69 = arith.constant 0 : i32
    %ne3A_70 = arith.cmpi ne, %rem3A_68, %ne3A_69 : i32
    %and3A_71 = arith.andi %ne3A_67, %ne3A_70 : i1
    %sub3A_72 = arith.constant 1 : i32
    %sub3A_73 = arith.subi %div3A_52, %sub3A_72 : i32
    %select_n3A_74 = arith.select %and3A_71, %sub3A_73, %div3A_52 : i32
    %while3A = arith.constant 0 : i32
    %while3A_75 = arith.constant 0 : i32
    %while3A_76 = arith.subi %select_n3A_74, %while3A_75 : i32
    %while3A_77 = arith.addi %while3A_75, %while3A_76 : i32
    %while3A_78 = arith.constant 1 : i32
    %while3A_79 = arith.divsi %while3A_76, %while3A_78 : i32
    %while3A_80 = arith.muli %while3A_79, %while3A_78 : i32
    %while3A_81 = arith.addi %while3A_75, %while3A_80 : i32
    %while3A_82 = arith.constant 1 : i32
    scf.for %while3A_85 = %while3A_75 to %while3A_81 step %while3A_82  : i32 {
      %mul3A_86 = arith.constant 2 : i32
      %mul3A_87 = arith.muli %while3A_85, %mul3A_86 : i32
      %add3A = arith.constant 1 : i32
      %add3A_88 = arith.addi %mul3A_87, %add3A : i32
      %add3A_89 = arith.constant 2 : i32
      %add3A_90 = arith.addi %mul3A_87, %add3A_89 : i32
      %jit3A_91 = arith.constant 16 : i32
      %div3A_92 = arith.divsi %add3A_90, %jit3A_91 : i32
      %sign3A_93 = arith.constant 0 : i32
      %sign3A_94 = arith.cmpi sgt, %add3A_90, %sign3A_93 : i32
      %sign3A_95 = arith.extui %sign3A_94 : i1 to i32
      %sign3A_96 = arith.constant 0 : i32
      %sign3A_97 = arith.cmpi slt, %add3A_90, %sign3A_96 : i32
      %sign3A_98 = arith.extui %sign3A_97 : i1 to i32
      %sign3A_99 = arith.subi %sign3A_95, %sign3A_98 : i32
      %sign3A_100 = arith.constant 0 : i32
      %sign3A_101 = arith.cmpi sgt, %jit3A_91, %sign3A_100 : i32
      %sign3A_102 = arith.extui %sign3A_101 : i1 to i32
      %sign3A_103 = arith.constant 0 : i32
      %sign3A_104 = arith.cmpi slt, %jit3A_91, %sign3A_103 : i32
      %sign3A_105 = arith.extui %sign3A_104 : i1 to i32
      %sign3A_106 = arith.subi %sign3A_102, %sign3A_105 : i32
      %ne3A_107 = arith.cmpi ne, %sign3A_99, %sign3A_106 : i32
      %rem3A_108 = arith.remsi %add3A_90, %jit3A_91 : i32
      %ne3A_109 = arith.constant 0 : i32
      %ne3A_110 = arith.cmpi ne, %rem3A_108, %ne3A_109 : i32
      %and3A_111 = arith.andi %ne3A_107, %ne3A_110 : i1
      %sub3A_112 = arith.constant 1 : i32
      %sub3A_113 = arith.subi %div3A_92, %sub3A_112 : i32
      %select_n3A_114 = arith.select %and3A_111, %sub3A_113, %div3A_92 : i32
      %jit3A_115 = arith.constant 2 : i32
      %eq3A_116 = arith.constant 0 : i32
      %eq3A_117 = arith.cmpi eq, %jit3A_115, %eq3A_116 : i32
      %jit3A_118 = arith.constant 1 : i32
      %select_n3A_119 = arith.select %eq3A_117, %jit3A_118, %jit3A_115 : i32
      %rem3A_120 = arith.remsi %select_n3A_114, %select_n3A_119 : i32
      %ne3A_121 = arith.constant 0 : i32
      %ne3A_122 = arith.cmpi ne, %rem3A_120, %ne3A_121 : i32
      %lt3A = arith.constant 0 : i32
      %lt3A_123 = arith.cmpi slt, %rem3A_120, %lt3A : i32
      %lt3A_124 = arith.constant 0 : i32
      %lt3A_125 = arith.cmpi slt, %select_n3A_119, %lt3A_124 : i32
      %ne3A_126 = arith.xori %lt3A_123, %lt3A_125 : i1
      %and3A_127 = arith.andi %ne3A_126, %ne3A_122 : i1
      %add3A_128 = arith.addi %rem3A_120, %select_n3A_119 : i32
      %select_n3A_129 = arith.select %and3A_127, %add3A_128, %rem3A_120 : i32
      %lt3A_130 = arith.cmpi slt, %add3A_90, %select_n3A : i32
      %jit3A_131 = arith.constant 16 : i32
      %eq3A_132 = arith.constant 0 : i32
      %eq3A_133 = arith.cmpi eq, %jit3A_131, %eq3A_132 : i32
      %jit3A_134 = arith.constant 1 : i32
      %select_n3A_135 = arith.select %eq3A_133, %jit3A_134, %jit3A_131 : i32
      %rem3A_136 = arith.remsi %add3A_90, %select_n3A_135 : i32
      %ne3A_137 = arith.constant 0 : i32
      %ne3A_138 = arith.cmpi ne, %rem3A_136, %ne3A_137 : i32
      %lt3A_139 = arith.constant 0 : i32
      %lt3A_140 = arith.cmpi slt, %rem3A_136, %lt3A_139 : i32
      %lt3A_141 = arith.constant 0 : i32
      %lt3A_142 = arith.cmpi slt, %select_n3A_135, %lt3A_141 : i32
      %ne3A_143 = arith.xori %lt3A_140, %lt3A_142 : i1
      %and3A_144 = arith.andi %ne3A_143, %ne3A_138 : i1
      %add3A_145 = arith.addi %rem3A_136, %select_n3A_135 : i32
      %select_n3A_146 = arith.select %and3A_144, %add3A_145, %rem3A_136 : i32
      %eq3A_147 = arith.constant 0 : i32
      %eq3A_148 = arith.cmpi eq, %select_n3A_146, %eq3A_147 : i32
      %and3A_149 = arith.andi %lt3A_130, %eq3A_148 : i1
      %dma_wait3A = arith.constant 0 : i32
      %dma_wait3A_150 = arith.constant 0 : i32
      %dma_wait3A_151 = arith.constant 0 : i32
      %dma_wait3A_152 = arith.constant 0 : i32
      %dma_wait3A_153 = arith.constant 0 : i32
      %dma_wait3A_154 = tpu.memref_slice %arg8[%dma_wait3A_151, %dma_wait3A_152, %dma_wait3A_153] : memref<2x128x128xf32, #tpu.memory_space<vmem>> -> memref<1x128x128xf32, #tpu.memory_space<vmem>>
      %dma_wait3A_155 = tpu.memref_squeeze %dma_wait3A_154 : memref<1x128x128xf32, #tpu.memory_space<vmem>> -> memref<128x128xf32, #tpu.memory_space<vmem>>
      %dma_wait3A_156 = arith.constant 0 : i32
      %dma_wait3A_157 = tpu.memref_slice %arg6[%dma_wait3A, %dma_wait3A_150, %dma_wait3A_156] : memref<2x16x128xi32, #tpu.memory_space<vmem>> -> memref<1x1x128xi32, #tpu.memory_space<vmem>>
      %dma_wait3A_158 = tpu.memref_squeeze %dma_wait3A_157 : memref<1x1x128xi32, #tpu.memory_space<vmem>> -> memref<128xi32, #tpu.memory_space<vmem>>
      %dma_wait3A_159 = arith.constant 0 : i32
      %dma_wait3A_160 = arith.constant 0 : i32
      %dma_wait3A_161 = tpu.memref_slice %arg2[%dma_wait3A_159, %dma_wait3A_160] : memref<10240x128xf32, #tpu.memory_space<hbm>> -> memref<10240x128xf32, #tpu.memory_space<hbm>>
      tpu.wait_indirect_dma semaphore(%arg10 : memref<!tpu.dma_semaphore, #tpu.memory_space<semaphore_mem>>) src(%dma_wait3A_161 : memref<10240x128xf32, #tpu.memory_space<hbm>>) dst(%dma_wait3A_155 : memref<128x128xf32, #tpu.memory_space<vmem>>)
      %jit3A_162 = arith.constant 16 : i32
      %div3A_163 = arith.divsi %mul3A_87, %jit3A_162 : i32
      %sign3A_164 = arith.constant 0 : i32
      %sign3A_165 = arith.cmpi sgt, %mul3A_87, %sign3A_164 : i32
      %sign3A_166 = arith.extui %sign3A_165 : i1 to i32
      %sign3A_167 = arith.constant 0 : i32
      %sign3A_168 = arith.cmpi slt, %mul3A_87, %sign3A_167 : i32
      %sign3A_169 = arith.extui %sign3A_168 : i1 to i32
      %sign3A_170 = arith.subi %sign3A_166, %sign3A_169 : i32
      %sign3A_171 = arith.constant 0 : i32
      %sign3A_172 = arith.cmpi sgt, %jit3A_162, %sign3A_171 : i32
      %sign3A_173 = arith.extui %sign3A_172 : i1 to i32
      %sign3A_174 = arith.constant 0 : i32
      %sign3A_175 = arith.cmpi slt, %jit3A_162, %sign3A_174 : i32
      %sign3A_176 = arith.extui %sign3A_175 : i1 to i32
      %sign3A_177 = arith.subi %sign3A_173, %sign3A_176 : i32
      %ne3A_178 = arith.cmpi ne, %sign3A_170, %sign3A_177 : i32
      %rem3A_179 = arith.remsi %mul3A_87, %jit3A_162 : i32
      %ne3A_180 = arith.constant 0 : i32
      %ne3A_181 = arith.cmpi ne, %rem3A_179, %ne3A_180 : i32
      %and3A_182 = arith.andi %ne3A_178, %ne3A_181 : i1
      %sub3A_183 = arith.constant 1 : i32
      %sub3A_184 = arith.subi %div3A_163, %sub3A_183 : i32
      %select_n3A_185 = arith.select %and3A_182, %sub3A_184, %div3A_163 : i32
      %jit3A_186 = arith.constant 2 : i32
      %eq3A_187 = arith.constant 0 : i32
      %eq3A_188 = arith.cmpi eq, %jit3A_186, %eq3A_187 : i32
      %jit3A_189 = arith.constant 1 : i32
      %select_n3A_190 = arith.select %eq3A_188, %jit3A_189, %jit3A_186 : i32
      %rem3A_191 = arith.remsi %select_n3A_185, %select_n3A_190 : i32
      %ne3A_192 = arith.constant 0 : i32
      %ne3A_193 = arith.cmpi ne, %rem3A_191, %ne3A_192 : i32
      %lt3A_194 = arith.constant 0 : i32
      %lt3A_195 = arith.cmpi slt, %rem3A_191, %lt3A_194 : i32
      %lt3A_196 = arith.constant 0 : i32
      %lt3A_197 = arith.cmpi slt, %select_n3A_190, %lt3A_196 : i32
      %ne3A_198 = arith.xori %lt3A_195, %lt3A_197 : i1
      %and3A_199 = arith.andi %ne3A_198, %ne3A_193 : i1
      %add3A_200 = arith.addi %rem3A_191, %select_n3A_190 : i32
      %select_n3A_201 = arith.select %and3A_199, %add3A_200, %rem3A_191 : i32
      %jit3A_202 = arith.constant 16 : i32
      %eq3A_203 = arith.constant 0 : i32
      %eq3A_204 = arith.cmpi eq, %jit3A_202, %eq3A_203 : i32
      %jit3A_205 = arith.constant 1 : i32
      %select_n3A_206 = arith.select %eq3A_204, %jit3A_205, %jit3A_202 : i32
      %rem3A_207 = arith.remsi %mul3A_87, %select_n3A_206 : i32
      %ne3A_208 = arith.constant 0 : i32
      %ne3A_209 = arith.cmpi ne, %rem3A_207, %ne3A_208 : i32
      %lt3A_210 = arith.constant 0 : i32
      %lt3A_211 = arith.cmpi slt, %rem3A_207, %lt3A_210 : i32
      %lt3A_212 = arith.constant 0 : i32
      %lt3A_213 = arith.cmpi slt, %select_n3A_206, %lt3A_212 : i32
      %ne3A_214 = arith.xori %lt3A_211, %lt3A_213 : i1
      %and3A_215 = arith.andi %ne3A_214, %ne3A_209 : i1
      %add3A_216 = arith.addi %rem3A_207, %select_n3A_206 : i32
      %select_n3A_217 = arith.select %and3A_215, %add3A_216, %rem3A_207 : i32
      %run_scoped3A_218 = arith.constant 0 : i32
      "tpu.region"() ({
        %run_scoped3A_309 = tpu.sem_alloc : memref<!tpu.dma_semaphore, #tpu.memory_space<semaphore_mem>>
        %dma_start3A_310 = arith.constant 0 : i32
        %dma_start3A_311 = arith.constant 0 : i32
        %dma_start3A_312 = tpu.memref_slice %arg8[%run_scoped3A_218, %dma_start3A_310, %dma_start3A_311] : memref<2x128x128xf32, #tpu.memory_space<vmem>> -> memref<1x128x128xf32, #tpu.memory_space<vmem>>
        %dma_start3A_313 = tpu.memref_squeeze %dma_start3A_312 : memref<1x128x128xf32, #tpu.memory_space<vmem>> -> memref<128x128xf32, #tpu.memory_space<vmem>>
        %dma_start3A_314 = arith.constant 0 : i32
        %dma_start3A_315 = tpu.memref_slice %arg7[%select_n3A_201, %select_n3A_217, %dma_start3A_314] : memref<2x16x128xi32, #tpu.memory_space<vmem>> -> memref<1x1x128xi32, #tpu.memory_space<vmem>>
        %dma_start3A_316 = tpu.memref_squeeze %dma_start3A_315 : memref<1x1x128xi32, #tpu.memory_space<vmem>> -> memref<128xi32, #tpu.memory_space<vmem>>
        %dma_start3A_317 = arith.constant 0 : i32
        %dma_start3A_318 = arith.constant 0 : i32
        %dma_start3A_319 = tpu.memref_slice %arg9[%dma_start3A_317, %dma_start3A_318] : memref<10112x128xf32, #tpu.memory_space<vmem_shared>> -> memref<10112x128xf32, #tpu.memory_space<vmem_shared>>
        tpu.enqueue_indirect_dma source(%dma_start3A_313 : memref<128x128xf32, #tpu.memory_space<vmem>>) target(%dma_start3A_319 : memref<10112x128xf32, #tpu.memory_space<vmem_shared>>) offsets(%dma_start3A_316 : memref<128xi32, #tpu.memory_space<vmem>>) semaphore(%run_scoped3A_309 : memref<!tpu.dma_semaphore, #tpu.memory_space<semaphore_mem>>) {add = true}
        %dma_wait3A_320 = arith.constant 0 : i32
        %dma_wait3A_321 = arith.constant 0 : i32
        %dma_wait3A_322 = tpu.memref_slice %arg8[%run_scoped3A_218, %dma_wait3A_320, %dma_wait3A_321] : memref<2x128x128xf32, #tpu.memory_space<vmem>> -> memref<1x128x128xf32, #tpu.memory_space<vmem>>
        %dma_wait3A_323 = tpu.memref_squeeze %dma_wait3A_322 : memref<1x128x128xf32, #tpu.memory_space<vmem>> -> memref<128x128xf32, #tpu.memory_space<vmem>>
        %dma_wait3A_324 = arith.constant 0 : i32
        %dma_wait3A_325 = tpu.memref_slice %arg7[%select_n3A_201, %select_n3A_217, %dma_wait3A_324] : memref<2x16x128xi32, #tpu.memory_space<vmem>> -> memref<1x1x128xi32, #tpu.memory_space<vmem>>
        %dma_wait3A_326 = tpu.memref_squeeze %dma_wait3A_325 : memref<1x1x128xi32, #tpu.memory_space<vmem>> -> memref<128xi32, #tpu.memory_space<vmem>>
        %dma_wait3A_327 = arith.constant 0 : i32
        %dma_wait3A_328 = arith.constant 0 : i32
        %dma_wait3A_329 = tpu.memref_slice %arg9[%dma_wait3A_327, %dma_wait3A_328] : memref<10112x128xf32, #tpu.memory_space<vmem_shared>> -> memref<10112x128xf32, #tpu.memory_space<vmem_shared>>
        tpu.wait_indirect_dma semaphore(%run_scoped3A_309 : memref<!tpu.dma_semaphore, #tpu.memory_space<semaphore_mem>>) src(%dma_wait3A_323 : memref<128x128xf32, #tpu.memory_space<vmem>>) dst(%dma_wait3A_329 : memref<10112x128xf32, #tpu.memory_space<vmem_shared>>)
        tpu.yield
      }) : () -> ()
      %convert_element_type3A_219 = arith.extui %and3A_149 : i1 to i32
      %cond3A_220 = arith.constant 0 : i32
      %cond3A_221 = arith.cmpi ne, %convert_element_type3A_219, %cond3A_220 : i32
      scf.if %cond3A_221 {
        %dma_wait3A_309 = arith.constant 0 : i32
        %dma_wait3A_310 = arith.constant 0 : i32
        %dma_wait3A_311 = arith.constant 0 : i32
        %dma_wait3A_312 = tpu.memref_slice %arg6[%dma_wait3A_309, %dma_wait3A_310, %dma_wait3A_311] : memref<2x16x128xi32, #tpu.memory_space<vmem>> -> memref<1x16x128xi32, #tpu.memory_space<vmem>>
        %dma_wait3A_313 = tpu.memref_squeeze %dma_wait3A_312 : memref<1x16x128xi32, #tpu.memory_space<vmem>> -> memref<16x128xi32, #tpu.memory_space<vmem>>
        %dma_wait3A_314 = arith.constant 0 : i32
        %dma_wait3A_315 = tpu.memref_slice %arg3[%arg1, %mul3A_2, %dma_wait3A_314] : memref<16x160x128xi32, #tpu.memory_space<hbm>> -> memref<1x16x128xi32, #tpu.memory_space<hbm>>
        %dma_wait3A_316 = tpu.memref_squeeze %dma_wait3A_315 : memref<1x16x128xi32, #tpu.memory_space<hbm>> -> memref<16x128xi32, #tpu.memory_space<hbm>>
        %dma_wait3A_317 = arith.constant 0 : i32
        %dma_wait3A_318 = arith.constant 0 : i32
        %dma_wait3A_319 = tpu.memref_slice %arg6[%dma_wait3A_309, %dma_wait3A_317, %dma_wait3A_318] : memref<2x16x128xi32, #tpu.memory_space<vmem>> -> memref<1x16x128xi32, #tpu.memory_space<vmem>>
        %dma_wait3A_320 = tpu.memref_squeeze %dma_wait3A_319 : memref<1x16x128xi32, #tpu.memory_space<vmem>> -> memref<16x128xi32, #tpu.memory_space<vmem>>
        %dma_wait3A_321 = arith.constant 0 : i32
        %dma_wait3A_322 = tpu.memref_slice %arg3[%arg1, %mul3A_2, %dma_wait3A_321] : memref<16x160x128xi32, #tpu.memory_space<hbm>> -> memref<1x16x128xi32, #tpu.memory_space<hbm>>
        %dma_wait3A_323 = tpu.memref_squeeze %dma_wait3A_322 : memref<1x16x128xi32, #tpu.memory_space<hbm>> -> memref<16x128xi32, #tpu.memory_space<hbm>>
        tpu.wait_dma2 semaphore(%arg12 : memref<!tpu.dma_semaphore, #tpu.memory_space<semaphore_mem>>) src(%dma_wait3A_323 : memref<16x128xi32, #tpu.memory_space<hbm>>) dst(%dma_wait3A_320 : memref<16x128xi32, #tpu.memory_space<vmem>>)
        %dma_wait3A_324 = arith.constant 0 : i32
        %dma_wait3A_325 = arith.constant 0 : i32
        %dma_wait3A_326 = arith.constant 0 : i32
        %dma_wait3A_327 = tpu.memref_slice %arg7[%dma_wait3A_324, %dma_wait3A_325, %dma_wait3A_326] : memref<2x16x128xi32, #tpu.memory_space<vmem>> -> memref<1x16x128xi32, #tpu.memory_space<vmem>>
        %dma_wait3A_328 = tpu.memref_squeeze %dma_wait3A_327 : memref<1x16x128xi32, #tpu.memory_space<vmem>> -> memref<16x128xi32, #tpu.memory_space<vmem>>
        %dma_wait3A_329 = arith.constant 0 : i32
        %dma_wait3A_330 = tpu.memref_slice %arg4[%arg1, %mul3A_2, %dma_wait3A_329] : memref<16x160x128xi32, #tpu.memory_space<hbm>> -> memref<1x16x128xi32, #tpu.memory_space<hbm>>
        %dma_wait3A_331 = tpu.memref_squeeze %dma_wait3A_330 : memref<1x16x128xi32, #tpu.memory_space<hbm>> -> memref<16x128xi32, #tpu.memory_space<hbm>>
        %dma_wait3A_332 = arith.constant 0 : i32
        %dma_wait3A_333 = arith.constant 0 : i32
        %dma_wait3A_334 = tpu.memref_slice %arg7[%dma_wait3A_324, %dma_wait3A_332, %dma_wait3A_333] : memref<2x16x128xi32, #tpu.memory_space<vmem>> -> memref<1x16x128xi32, #tpu.memory_space<vmem>>
        %dma_wait3A_335 = tpu.memref_squeeze %dma_wait3A_334 : memref<1x16x128xi32, #tpu.memory_space<vmem>> -> memref<16x128xi32, #tpu.memory_space<vmem>>
        %dma_wait3A_336 = arith.constant 0 : i32
        %dma_wait3A_337 = tpu.memref_slice %arg4[%arg1, %mul3A_2, %dma_wait3A_336] : memref<16x160x128xi32, #tpu.memory_space<hbm>> -> memref<1x16x128xi32, #tpu.memory_space<hbm>>
        %dma_wait3A_338 = tpu.memref_squeeze %dma_wait3A_337 : memref<1x16x128xi32, #tpu.memory_space<hbm>> -> memref<16x128xi32, #tpu.memory_space<hbm>>
        tpu.wait_dma2 semaphore(%arg12 : memref<!tpu.dma_semaphore, #tpu.memory_space<semaphore_mem>>) src(%dma_wait3A_338 : memref<16x128xi32, #tpu.memory_space<hbm>>) dst(%dma_wait3A_335 : memref<16x128xi32, #tpu.memory_space<vmem>>)
      } else {
      }
      %lt3A_222 = arith.cmpi slt, %add3A_90, %select_n3A : i32
      %convert_element_type3A_223 = arith.extui %lt3A_222 : i1 to i32
      %cond3A_224 = arith.constant 0 : i32
      %cond3A_225 = arith.cmpi ne, %convert_element_type3A_223, %cond3A_224 : i32
      scf.if %cond3A_225 {
        %jit3A_309 = arith.constant 16 : i32
        %eq3A_310 = arith.constant 0 : i32
        %eq3A_311 = arith.cmpi eq, %jit3A_309, %eq3A_310 : i32
        %jit3A_312 = arith.constant 1 : i32
        %select_n3A_313 = arith.select %eq3A_311, %jit3A_312, %jit3A_309 : i32
        %rem3A_314 = arith.remsi %add3A_90, %select_n3A_313 : i32
        %ne3A_315 = arith.constant 0 : i32
        %ne3A_316 = arith.cmpi ne, %rem3A_314, %ne3A_315 : i32
        %lt3A_317 = arith.constant 0 : i32
        %lt3A_318 = arith.cmpi slt, %rem3A_314, %lt3A_317 : i32
        %lt3A_319 = arith.constant 0 : i32
        %lt3A_320 = arith.cmpi slt, %select_n3A_313, %lt3A_319 : i32
        %ne3A_321 = arith.xori %lt3A_318, %lt3A_320 : i1
        %and3A_322 = arith.andi %ne3A_321, %ne3A_316 : i1
        %add3A_323 = arith.addi %rem3A_314, %select_n3A_313 : i32
        %select_n3A_324 = arith.select %and3A_322, %add3A_323, %rem3A_314 : i32
        %dma_start3A_325 = arith.constant 0 : i32
        %dma_start3A_326 = arith.constant 0 : i32
        %dma_start3A_327 = arith.constant 0 : i32
        %dma_start3A_328 = tpu.memref_slice %arg8[%dma_start3A_325, %dma_start3A_326, %dma_start3A_327] : memref<2x128x128xf32, #tpu.memory_space<vmem>> -> memref<1x128x128xf32, #tpu.memory_space<vmem>>
        %dma_start3A_329 = tpu.memref_squeeze %dma_start3A_328 : memref<1x128x128xf32, #tpu.memory_space<vmem>> -> memref<128x128xf32, #tpu.memory_space<vmem>>
        %dma_start3A_330 = arith.constant 0 : i32
        %dma_start3A_331 = tpu.memref_slice %arg6[%select_n3A_129, %select_n3A_324, %dma_start3A_330] : memref<2x16x128xi32, #tpu.memory_space<vmem>> -> memref<1x1x128xi32, #tpu.memory_space<vmem>>
        %dma_start3A_332 = tpu.memref_squeeze %dma_start3A_331 : memref<1x1x128xi32, #tpu.memory_space<vmem>> -> memref<128xi32, #tpu.memory_space<vmem>>
        %dma_start3A_333 = arith.constant 0 : i32
        %dma_start3A_334 = arith.constant 0 : i32
        %dma_start3A_335 = tpu.memref_slice %arg2[%dma_start3A_333, %dma_start3A_334] : memref<10240x128xf32, #tpu.memory_space<hbm>> -> memref<10240x128xf32, #tpu.memory_space<hbm>>
        tpu.enqueue_indirect_dma source(%dma_start3A_335 : memref<10240x128xf32, #tpu.memory_space<hbm>>) target(%dma_start3A_329 : memref<128x128xf32, #tpu.memory_space<vmem>>) offsets(%dma_start3A_332 : memref<128xi32, #tpu.memory_space<vmem>>) semaphore(%arg10 : memref<!tpu.dma_semaphore, #tpu.memory_space<semaphore_mem>>)
      } else {
      }
      %dma_wait3A_226 = arith.constant 0 : i32
      %dma_wait3A_227 = arith.constant 0 : i32
      %dma_wait3A_228 = arith.constant 1 : i32
      %dma_wait3A_229 = arith.constant 0 : i32
      %dma_wait3A_230 = arith.constant 0 : i32
      %dma_wait3A_231 = tpu.memref_slice %arg8[%dma_wait3A_228, %dma_wait3A_229, %dma_wait3A_230] : memref<2x128x128xf32, #tpu.memory_space<vmem>> -> memref<1x128x128xf32, #tpu.memory_space<vmem>>
      %dma_wait3A_232 = tpu.memref_squeeze %dma_wait3A_231 : memref<1x128x128xf32, #tpu.memory_space<vmem>> -> memref<128x128xf32, #tpu.memory_space<vmem>>
      %dma_wait3A_233 = arith.constant 0 : i32
      %dma_wait3A_234 = tpu.memref_slice %arg6[%dma_wait3A_226, %dma_wait3A_227, %dma_wait3A_233] : memref<2x16x128xi32, #tpu.memory_space<vmem>> -> memref<1x1x128xi32, #tpu.memory_space<vmem>>
      %dma_wait3A_235 = tpu.memref_squeeze %dma_wait3A_234 : memref<1x1x128xi32, #tpu.memory_space<vmem>> -> memref<128xi32, #tpu.memory_space<vmem>>
      %dma_wait3A_236 = arith.constant 0 : i32
      %dma_wait3A_237 = arith.constant 0 : i32
      %dma_wait3A_238 = tpu.memref_slice %arg2[%dma_wait3A_236, %dma_wait3A_237] : memref<10240x128xf32, #tpu.memory_space<hbm>> -> memref<10240x128xf32, #tpu.memory_space<hbm>>
      tpu.wait_indirect_dma semaphore(%arg11 : memref<!tpu.dma_semaphore, #tpu.memory_space<semaphore_mem>>) src(%dma_wait3A_238 : memref<10240x128xf32, #tpu.memory_space<hbm>>) dst(%dma_wait3A_232 : memref<128x128xf32, #tpu.memory_space<vmem>>)
      %jit3A_239 = arith.constant 16 : i32
      %div3A_240 = arith.divsi %add3A_88, %jit3A_239 : i32
      %sign3A_241 = arith.constant 0 : i32
      %sign3A_242 = arith.cmpi sgt, %add3A_88, %sign3A_241 : i32
      %sign3A_243 = arith.extui %sign3A_242 : i1 to i32
      %sign3A_244 = arith.constant 0 : i32
      %sign3A_245 = arith.cmpi slt, %add3A_88, %sign3A_244 : i32
      %sign3A_246 = arith.extui %sign3A_245 : i1 to i32
      %sign3A_247 = arith.subi %sign3A_243, %sign3A_246 : i32
      %sign3A_248 = arith.constant 0 : i32
      %sign3A_249 = arith.cmpi sgt, %jit3A_239, %sign3A_248 : i32
      %sign3A_250 = arith.extui %sign3A_249 : i1 to i32
      %sign3A_251 = arith.constant 0 : i32
      %sign3A_252 = arith.cmpi slt, %jit3A_239, %sign3A_251 : i32
      %sign3A_253 = arith.extui %sign3A_252 : i1 to i32
      %sign3A_254 = arith.subi %sign3A_250, %sign3A_253 : i32
      %ne3A_255 = arith.cmpi ne, %sign3A_247, %sign3A_254 : i32
      %rem3A_256 = arith.remsi %add3A_88, %jit3A_239 : i32
      %ne3A_257 = arith.constant 0 : i32
      %ne3A_258 = arith.cmpi ne, %rem3A_256, %ne3A_257 : i32
      %and3A_259 = arith.andi %ne3A_255, %ne3A_258 : i1
      %sub3A_260 = arith.constant 1 : i32
      %sub3A_261 = arith.subi %div3A_240, %sub3A_260 : i32
      %select_n3A_262 = arith.select %and3A_259, %sub3A_261, %div3A_240 : i32
      %jit3A_263 = arith.constant 2 : i32
      %eq3A_264 = arith.constant 0 : i32
      %eq3A_265 = arith.cmpi eq, %jit3A_263, %eq3A_264 : i32
      %jit3A_266 = arith.constant 1 : i32
      %select_n3A_267 = arith.select %eq3A_265, %jit3A_266, %jit3A_263 : i32
      %rem3A_268 = arith.remsi %select_n3A_262, %select_n3A_267 : i32
      %ne3A_269 = arith.constant 0 : i32
      %ne3A_270 = arith.cmpi ne, %rem3A_268, %ne3A_269 : i32
      %lt3A_271 = arith.constant 0 : i32
      %lt3A_272 = arith.cmpi slt, %rem3A_268, %lt3A_271 : i32
      %lt3A_273 = arith.constant 0 : i32
      %lt3A_274 = arith.cmpi slt, %select_n3A_267, %lt3A_273 : i32
      %ne3A_275 = arith.xori %lt3A_272, %lt3A_274 : i1
      %and3A_276 = arith.andi %ne3A_275, %ne3A_270 : i1
      %add3A_277 = arith.addi %rem3A_268, %select_n3A_267 : i32
      %select_n3A_278 = arith.select %and3A_276, %add3A_277, %rem3A_268 : i32
      %jit3A_279 = arith.constant 16 : i32
      %eq3A_280 = arith.constant 0 : i32
      %eq3A_281 = arith.cmpi eq, %jit3A_279, %eq3A_280 : i32
      %jit3A_282 = arith.constant 1 : i32
      %select_n3A_283 = arith.select %eq3A_281, %jit3A_282, %jit3A_279 : i32
      %rem3A_284 = arith.remsi %add3A_88, %select_n3A_283 : i32
      %ne3A_285 = arith.constant 0 : i32
      %ne3A_286 = arith.cmpi ne, %rem3A_284, %ne3A_285 : i32
      %lt3A_287 = arith.constant 0 : i32
      %lt3A_288 = arith.cmpi slt, %rem3A_284, %lt3A_287 : i32
      %lt3A_289 = arith.constant 0 : i32
      %lt3A_290 = arith.cmpi slt, %select_n3A_283, %lt3A_289 : i32
      %ne3A_291 = arith.xori %lt3A_288, %lt3A_290 : i1
      %and3A_292 = arith.andi %ne3A_291, %ne3A_286 : i1
      %add3A_293 = arith.addi %rem3A_284, %select_n3A_283 : i32
      %select_n3A_294 = arith.select %and3A_292, %add3A_293, %rem3A_284 : i32
      %run_scoped3A_295 = arith.constant 1 : i32
      "tpu.region"() ({
        %run_scoped3A_309 = tpu.sem_alloc : memref<!tpu.dma_semaphore, #tpu.memory_space<semaphore_mem>>
        %dma_start3A_310 = arith.constant 0 : i32
        %dma_start3A_311 = arith.constant 0 : i32
        %dma_start3A_312 = tpu.memref_slice %arg8[%run_scoped3A_295, %dma_start3A_310, %dma_start3A_311] : memref<2x128x128xf32, #tpu.memory_space<vmem>> -> memref<1x128x128xf32, #tpu.memory_space<vmem>>
        %dma_start3A_313 = tpu.memref_squeeze %dma_start3A_312 : memref<1x128x128xf32, #tpu.memory_space<vmem>> -> memref<128x128xf32, #tpu.memory_space<vmem>>
        %dma_start3A_314 = arith.constant 0 : i32
        %dma_start3A_315 = tpu.memref_slice %arg7[%select_n3A_278, %select_n3A_294, %dma_start3A_314] : memref<2x16x128xi32, #tpu.memory_space<vmem>> -> memref<1x1x128xi32, #tpu.memory_space<vmem>>
        %dma_start3A_316 = tpu.memref_squeeze %dma_start3A_315 : memref<1x1x128xi32, #tpu.memory_space<vmem>> -> memref<128xi32, #tpu.memory_space<vmem>>
        %dma_start3A_317 = arith.constant 0 : i32
        %dma_start3A_318 = arith.constant 0 : i32
        %dma_start3A_319 = tpu.memref_slice %arg9[%dma_start3A_317, %dma_start3A_318] : memref<10112x128xf32, #tpu.memory_space<vmem_shared>> -> memref<10112x128xf32, #tpu.memory_space<vmem_shared>>
        tpu.enqueue_indirect_dma source(%dma_start3A_313 : memref<128x128xf32, #tpu.memory_space<vmem>>) target(%dma_start3A_319 : memref<10112x128xf32, #tpu.memory_space<vmem_shared>>) offsets(%dma_start3A_316 : memref<128xi32, #tpu.memory_space<vmem>>) semaphore(%run_scoped3A_309 : memref<!tpu.dma_semaphore, #tpu.memory_space<semaphore_mem>>) {add = true}
        %dma_wait3A_320 = arith.constant 0 : i32
        %dma_wait3A_321 = arith.constant 0 : i32
        %dma_wait3A_322 = tpu.memref_slice %arg8[%run_scoped3A_295, %dma_wait3A_320, %dma_wait3A_321] : memref<2x128x128xf32, #tpu.memory_space<vmem>> -> memref<1x128x128xf32, #tpu.memory_space<vmem>>
        %dma_wait3A_323 = tpu.memref_squeeze %dma_wait3A_322 : memref<1x128x128xf32, #tpu.memory_space<vmem>> -> memref<128x128xf32, #tpu.memory_space<vmem>>
        %dma_wait3A_324 = arith.constant 0 : i32
        %dma_wait3A_325 = tpu.memref_slice %arg7[%select_n3A_278, %select_n3A_294, %dma_wait3A_324] : memref<2x16x128xi32, #tpu.memory_space<vmem>> -> memref<1x1x128xi32, #tpu.memory_space<vmem>>
        %dma_wait3A_326 = tpu.memref_squeeze %dma_wait3A_325 : memref<1x1x128xi32, #tpu.memory_space<vmem>> -> memref<128xi32, #tpu.memory_space<vmem>>
        %dma_wait3A_327 = arith.constant 0 : i32
        %dma_wait3A_328 = arith.constant 0 : i32
        %dma_wait3A_329 = tpu.memref_slice %arg9[%dma_wait3A_327, %dma_wait3A_328] : memref<10112x128xf32, #tpu.memory_space<vmem_shared>> -> memref<10112x128xf32, #tpu.memory_space<vmem_shared>>
        tpu.wait_indirect_dma semaphore(%run_scoped3A_309 : memref<!tpu.dma_semaphore, #tpu.memory_space<semaphore_mem>>) src(%dma_wait3A_323 : memref<128x128xf32, #tpu.memory_space<vmem>>) dst(%dma_wait3A_329 : memref<10112x128xf32, #tpu.memory_space<vmem_shared>>)
        tpu.yield
      }) : () -> ()
      %add3A_296 = arith.constant 1 : i32
      %add3A_297 = arith.addi %select_n3A_114, %add3A_296 : i32
      %lt3A_298 = arith.cmpi slt, %add3A_297, %select_n3A_22 : i32
      %and3A_299 = arith.andi %and3A_149, %lt3A_298 : i1
      %convert_element_type3A_300 = arith.extui %and3A_299 : i1 to i32
      %cond3A_301 = arith.constant 0 : i32
      %cond3A_302 = arith.cmpi ne, %convert_element_type3A_300, %cond3A_301 : i32
      scf.if %cond3A_302 {
        %add3A_309 = arith.constant 1 : i32
        %add3A_310 = arith.addi %select_n3A_114, %add3A_309 : i32
        %mul3A_311 = arith.constant 16 : i32
        %mul3A_312 = arith.muli %add3A_310, %mul3A_311 : i32
        %add3A_313 = arith.addi %mul3A_2, %mul3A_312 : i32
        %add3A_314 = arith.constant 1 : i32
        %add3A_315 = arith.addi %select_n3A_114, %add3A_314 : i32
        %jit3A_316 = arith.constant 2 : i32
        %eq3A_317 = arith.constant 0 : i32
        %eq3A_318 = arith.cmpi eq, %jit3A_316, %eq3A_317 : i32
        %jit3A_319 = arith.constant 1 : i32
        %select_n3A_320 = arith.select %eq3A_318, %jit3A_319, %jit3A_316 : i32
        %rem3A_321 = arith.remsi %add3A_315, %select_n3A_320 : i32
        %ne3A_322 = arith.constant 0 : i32
        %ne3A_323 = arith.cmpi ne, %rem3A_321, %ne3A_322 : i32
        %lt3A_324 = arith.constant 0 : i32
        %lt3A_325 = arith.cmpi slt, %rem3A_321, %lt3A_324 : i32
        %lt3A_326 = arith.constant 0 : i32
        %lt3A_327 = arith.cmpi slt, %select_n3A_320, %lt3A_326 : i32
        %ne3A_328 = arith.xori %lt3A_325, %lt3A_327 : i1
        %and3A_329 = arith.andi %ne3A_328, %ne3A_323 : i1
        %add3A_330 = arith.addi %rem3A_321, %select_n3A_320 : i32
        %select_n3A_331 = arith.select %and3A_329, %add3A_330, %rem3A_321 : i32
        %dma_start3A_332 = arith.constant 0 : i32
        %dma_start3A_333 = arith.constant 0 : i32
        %dma_start3A_334 = tpu.memref_slice %arg6[%select_n3A_331, %dma_start3A_332, %dma_start3A_333] : memref<2x16x128xi32, #tpu.memory_space<vmem>> -> memref<1x16x128xi32, #tpu.memory_space<vmem>>
        %dma_start3A_335 = tpu.memref_squeeze %dma_start3A_334 : memref<1x16x128xi32, #tpu.memory_space<vmem>> -> memref<16x128xi32, #tpu.memory_space<vmem>>
        %dma_start3A_336 = arith.constant 0 : i32
        %dma_start3A_337 = tpu.memref_slice %arg3[%arg1, %add3A_313, %dma_start3A_336] : memref<16x160x128xi32, #tpu.memory_space<hbm>> -> memref<1x16x128xi32, #tpu.memory_space<hbm>>
        %dma_start3A_338 = tpu.memref_squeeze %dma_start3A_337 : memref<1x16x128xi32, #tpu.memory_space<hbm>> -> memref<16x128xi32, #tpu.memory_space<hbm>>
        %dma_start3A_339 = arith.constant 0 : i32
        %dma_start3A_340 = arith.constant 0 : i32
        %dma_start3A_341 = tpu.memref_slice %arg6[%select_n3A_331, %dma_start3A_339, %dma_start3A_340] : memref<2x16x128xi32, #tpu.memory_space<vmem>> -> memref<1x16x128xi32, #tpu.memory_space<vmem>>
        %dma_start3A_342 = tpu.memref_squeeze %dma_start3A_341 : memref<1x16x128xi32, #tpu.memory_space<vmem>> -> memref<16x128xi32, #tpu.memory_space<vmem>>
        %dma_start3A_343 = arith.constant 0 : i32
        %dma_start3A_344 = tpu.memref_slice %arg3[%arg1, %add3A_313, %dma_start3A_343] : memref<16x160x128xi32, #tpu.memory_space<hbm>> -> memref<1x16x128xi32, #tpu.memory_space<hbm>>
        %dma_start3A_345 = tpu.memref_squeeze %dma_start3A_344 : memref<1x16x128xi32, #tpu.memory_space<hbm>> -> memref<16x128xi32, #tpu.memory_space<hbm>>
        tpu.enqueue_dma source(%dma_start3A_345 : memref<16x128xi32, #tpu.memory_space<hbm>>) target(%dma_start3A_342 : memref<16x128xi32, #tpu.memory_space<vmem>>) target_semaphore(%arg12 : memref<!tpu.dma_semaphore, #tpu.memory_space<semaphore_mem>>)
        %add3A_346 = arith.constant 1 : i32
        %add3A_347 = arith.addi %select_n3A_114, %add3A_346 : i32
        %jit3A_348 = arith.constant 2 : i32
        %eq3A_349 = arith.constant 0 : i32
        %eq3A_350 = arith.cmpi eq, %jit3A_348, %eq3A_349 : i32
        %jit3A_351 = arith.constant 1 : i32
        %select_n3A_352 = arith.select %eq3A_350, %jit3A_351, %jit3A_348 : i32
        %rem3A_353 = arith.remsi %add3A_347, %select_n3A_352 : i32
        %ne3A_354 = arith.constant 0 : i32
        %ne3A_355 = arith.cmpi ne, %rem3A_353, %ne3A_354 : i32
        %lt3A_356 = arith.constant 0 : i32
        %lt3A_357 = arith.cmpi slt, %rem3A_353, %lt3A_356 : i32
        %lt3A_358 = arith.constant 0 : i32
        %lt3A_359 = arith.cmpi slt, %select_n3A_352, %lt3A_358 : i32
        %ne3A_360 = arith.xori %lt3A_357, %lt3A_359 : i1
        %and3A_361 = arith.andi %ne3A_360, %ne3A_355 : i1
        %add3A_362 = arith.addi %rem3A_353, %select_n3A_352 : i32
        %select_n3A_363 = arith.select %and3A_361, %add3A_362, %rem3A_353 : i32
        %dma_start3A_364 = arith.constant 0 : i32
        %dma_start3A_365 = arith.constant 0 : i32
        %dma_start3A_366 = tpu.memref_slice %arg7[%select_n3A_363, %dma_start3A_364, %dma_start3A_365] : memref<2x16x128xi32, #tpu.memory_space<vmem>> -> memref<1x16x128xi32, #tpu.memory_space<vmem>>
        %dma_start3A_367 = tpu.memref_squeeze %dma_start3A_366 : memref<1x16x128xi32, #tpu.memory_space<vmem>> -> memref<16x128xi32, #tpu.memory_space<vmem>>
        %dma_start3A_368 = arith.constant 0 : i32
        %dma_start3A_369 = tpu.memref_slice %arg4[%arg1, %add3A_313, %dma_start3A_368] : memref<16x160x128xi32, #tpu.memory_space<hbm>> -> memref<1x16x128xi32, #tpu.memory_space<hbm>>
        %dma_start3A_370 = tpu.memref_squeeze %dma_start3A_369 : memref<1x16x128xi32, #tpu.memory_space<hbm>> -> memref<16x128xi32, #tpu.memory_space<hbm>>
        %dma_start3A_371 = arith.constant 0 : i32
        %dma_start3A_372 = arith.constant 0 : i32
        %dma_start3A_373 = tpu.memref_slice %arg7[%select_n3A_363, %dma_start3A_371, %dma_start3A_372] : memref<2x16x128xi32, #tpu.memory_space<vmem>> -> memref<1x16x128xi32, #tpu.memory_space<vmem>>
        %dma_start3A_374 = tpu.memref_squeeze %dma_start3A_373 : memref<1x16x128xi32, #tpu.memory_space<vmem>> -> memref<16x128xi32, #tpu.memory_space<vmem>>
        %dma_start3A_375 = arith.constant 0 : i32
        %dma_start3A_376 = tpu.memref_slice %arg4[%arg1, %add3A_313, %dma_start3A_375] : memref<16x160x128xi32, #tpu.memory_space<hbm>> -> memref<1x16x128xi32, #tpu.memory_space<hbm>>
        %dma_start3A_377 = tpu.memref_squeeze %dma_start3A_376 : memref<1x16x128xi32, #tpu.memory_space<hbm>> -> memref<16x128xi32, #tpu.memory_space<hbm>>
        tpu.enqueue_dma source(%dma_start3A_377 : memref<16x128xi32, #tpu.memory_space<hbm>>) target(%dma_start3A_374 : memref<16x128xi32, #tpu.memory_space<vmem>>) target_semaphore(%arg12 : memref<!tpu.dma_semaphore, #tpu.memory_space<semaphore_mem>>)
      } else {
      }
      %add3A_303 = arith.constant 2 : i32
      %add3A_304 = arith.addi %add3A_88, %add3A_303 : i32
      %lt3A_305 = arith.cmpi slt, %add3A_304, %select_n3A : i32
      %convert_element_type3A_306 = arith.extui %lt3A_305 : i1 to i32
      %cond3A_307 = arith.constant 0 : i32
      %cond3A_308 = arith.cmpi ne, %convert_element_type3A_306, %cond3A_307 : i32
      scf.if %cond3A_308 {
        %add3A_309 = arith.constant 2 : i32
        %add3A_310 = arith.addi %add3A_88, %add3A_309 : i32
        %jit3A_311 = arith.constant 16 : i32
        %div3A_312 = arith.divsi %add3A_310, %jit3A_311 : i32
        %sign3A_313 = arith.constant 0 : i32
        %sign3A_314 = arith.cmpi sgt, %add3A_310, %sign3A_313 : i32
        %sign3A_315 = arith.extui %sign3A_314 : i1 to i32
        %sign3A_316 = arith.constant 0 : i32
        %sign3A_317 = arith.cmpi slt, %add3A_310, %sign3A_316 : i32
        %sign3A_318 = arith.extui %sign3A_317 : i1 to i32
        %sign3A_319 = arith.subi %sign3A_315, %sign3A_318 : i32
        %sign3A_320 = arith.constant 0 : i32
        %sign3A_321 = arith.cmpi sgt, %jit3A_311, %sign3A_320 : i32
        %sign3A_322 = arith.extui %sign3A_321 : i1 to i32
        %sign3A_323 = arith.constant 0 : i32
        %sign3A_324 = arith.cmpi slt, %jit3A_311, %sign3A_323 : i32
        %sign3A_325 = arith.extui %sign3A_324 : i1 to i32
        %sign3A_326 = arith.subi %sign3A_322, %sign3A_325 : i32
        %ne3A_327 = arith.cmpi ne, %sign3A_319, %sign3A_326 : i32
        %rem3A_328 = arith.remsi %add3A_310, %jit3A_311 : i32
        %ne3A_329 = arith.constant 0 : i32
        %ne3A_330 = arith.cmpi ne, %rem3A_328, %ne3A_329 : i32
        %and3A_331 = arith.andi %ne3A_327, %ne3A_330 : i1
        %sub3A_332 = arith.constant 1 : i32
        %sub3A_333 = arith.subi %div3A_312, %sub3A_332 : i32
        %select_n3A_334 = arith.select %and3A_331, %sub3A_333, %div3A_312 : i32
        %jit3A_335 = arith.constant 2 : i32
        %eq3A_336 = arith.constant 0 : i32
        %eq3A_337 = arith.cmpi eq, %jit3A_335, %eq3A_336 : i32
        %jit3A_338 = arith.constant 1 : i32
        %select_n3A_339 = arith.select %eq3A_337, %jit3A_338, %jit3A_335 : i32
        %rem3A_340 = arith.remsi %select_n3A_334, %select_n3A_339 : i32
        %ne3A_341 = arith.constant 0 : i32
        %ne3A_342 = arith.cmpi ne, %rem3A_340, %ne3A_341 : i32
        %lt3A_343 = arith.constant 0 : i32
        %lt3A_344 = arith.cmpi slt, %rem3A_340, %lt3A_343 : i32
        %lt3A_345 = arith.constant 0 : i32
        %lt3A_346 = arith.cmpi slt, %select_n3A_339, %lt3A_345 : i32
        %ne3A_347 = arith.xori %lt3A_344, %lt3A_346 : i1
        %and3A_348 = arith.andi %ne3A_347, %ne3A_342 : i1
        %add3A_349 = arith.addi %rem3A_340, %select_n3A_339 : i32
        %select_n3A_350 = arith.select %and3A_348, %add3A_349, %rem3A_340 : i32
        %jit3A_351 = arith.constant 16 : i32
        %eq3A_352 = arith.constant 0 : i32
        %eq3A_353 = arith.cmpi eq, %jit3A_351, %eq3A_352 : i32
        %jit3A_354 = arith.constant 1 : i32
        %select_n3A_355 = arith.select %eq3A_353, %jit3A_354, %jit3A_351 : i32
        %rem3A_356 = arith.remsi %add3A_310, %select_n3A_355 : i32
        %ne3A_357 = arith.constant 0 : i32
        %ne3A_358 = arith.cmpi ne, %rem3A_356, %ne3A_357 : i32
        %lt3A_359 = arith.constant 0 : i32
        %lt3A_360 = arith.cmpi slt, %rem3A_356, %lt3A_359 : i32
        %lt3A_361 = arith.constant 0 : i32
        %lt3A_362 = arith.cmpi slt, %select_n3A_355, %lt3A_361 : i32
        %ne3A_363 = arith.xori %lt3A_360, %lt3A_362 : i1
        %and3A_364 = arith.andi %ne3A_363, %ne3A_358 : i1
        %add3A_365 = arith.addi %rem3A_356, %select_n3A_355 : i32
        %select_n3A_366 = arith.select %and3A_364, %add3A_365, %rem3A_356 : i32
        %dma_start3A_367 = arith.constant 1 : i32
        %dma_start3A_368 = arith.constant 0 : i32
        %dma_start3A_369 = arith.constant 0 : i32
        %dma_start3A_370 = tpu.memref_slice %arg8[%dma_start3A_367, %dma_start3A_368, %dma_start3A_369] : memref<2x128x128xf32, #tpu.memory_space<vmem>> -> memref<1x128x128xf32, #tpu.memory_space<vmem>>
        %dma_start3A_371 = tpu.memref_squeeze %dma_start3A_370 : memref<1x128x128xf32, #tpu.memory_space<vmem>> -> memref<128x128xf32, #tpu.memory_space<vmem>>
        %dma_start3A_372 = arith.constant 0 : i32
        %dma_start3A_373 = tpu.memref_slice %arg6[%select_n3A_350, %select_n3A_366, %dma_start3A_372] : memref<2x16x128xi32, #tpu.memory_space<vmem>> -> memref<1x1x128xi32, #tpu.memory_space<vmem>>
        %dma_start3A_374 = tpu.memref_squeeze %dma_start3A_373 : memref<1x1x128xi32, #tpu.memory_space<vmem>> -> memref<128xi32, #tpu.memory_space<vmem>>
        %dma_start3A_375 = arith.constant 0 : i32
        %dma_start3A_376 = arith.constant 0 : i32
        %dma_start3A_377 = tpu.memref_slice %arg2[%dma_start3A_375, %dma_start3A_376] : memref<10240x128xf32, #tpu.memory_space<hbm>> -> memref<10240x128xf32, #tpu.memory_space<hbm>>
        tpu.enqueue_indirect_dma source(%dma_start3A_377 : memref<10240x128xf32, #tpu.memory_space<hbm>>) target(%dma_start3A_371 : memref<128x128xf32, #tpu.memory_space<vmem>>) offsets(%dma_start3A_374 : memref<128xi32, #tpu.memory_space<vmem>>) semaphore(%arg11 : memref<!tpu.dma_semaphore, #tpu.memory_space<semaphore_mem>>)
      } else {
      }
    }
    %while3A_83 = arith.constant 1 : i32
    scf.for %while3A_85 = %while3A_81 to %while3A_77 step %while3A_83  : i32 {
      %mul3A_86 = arith.constant 2 : i32
      %mul3A_87 = arith.muli %while3A_85, %mul3A_86 : i32
      %add3A = arith.constant 1 : i32
      %add3A_88 = arith.addi %mul3A_87, %add3A : i32
      %add3A_89 = arith.constant 2 : i32
      %add3A_90 = arith.addi %mul3A_87, %add3A_89 : i32
      %jit3A_91 = arith.constant 16 : i32
      %div3A_92 = arith.divsi %add3A_90, %jit3A_91 : i32
      %sign3A_93 = arith.constant 0 : i32
      %sign3A_94 = arith.cmpi sgt, %add3A_90, %sign3A_93 : i32
      %sign3A_95 = arith.extui %sign3A_94 : i1 to i32
      %sign3A_96 = arith.constant 0 : i32
      %sign3A_97 = arith.cmpi slt, %add3A_90, %sign3A_96 : i32
      %sign3A_98 = arith.extui %sign3A_97 : i1 to i32
      %sign3A_99 = arith.subi %sign3A_95, %sign3A_98 : i32
      %sign3A_100 = arith.constant 0 : i32
      %sign3A_101 = arith.cmpi sgt, %jit3A_91, %sign3A_100 : i32
      %sign3A_102 = arith.extui %sign3A_101 : i1 to i32
      %sign3A_103 = arith.constant 0 : i32
      %sign3A_104 = arith.cmpi slt, %jit3A_91, %sign3A_103 : i32
      %sign3A_105 = arith.extui %sign3A_104 : i1 to i32
      %sign3A_106 = arith.subi %sign3A_102, %sign3A_105 : i32
      %ne3A_107 = arith.cmpi ne, %sign3A_99, %sign3A_106 : i32
      %rem3A_108 = arith.remsi %add3A_90, %jit3A_91 : i32
      %ne3A_109 = arith.constant 0 : i32
      %ne3A_110 = arith.cmpi ne, %rem3A_108, %ne3A_109 : i32
      %and3A_111 = arith.andi %ne3A_107, %ne3A_110 : i1
      %sub3A_112 = arith.constant 1 : i32
      %sub3A_113 = arith.subi %div3A_92, %sub3A_112 : i32
      %select_n3A_114 = arith.select %and3A_111, %sub3A_113, %div3A_92 : i32
      %jit3A_115 = arith.constant 2 : i32
      %eq3A_116 = arith.constant 0 : i32
      %eq3A_117 = arith.cmpi eq, %jit3A_115, %eq3A_116 : i32
      %jit3A_118 = arith.constant 1 : i32
      %select_n3A_119 = arith.select %eq3A_117, %jit3A_118, %jit3A_115 : i32
      %rem3A_120 = arith.remsi %select_n3A_114, %select_n3A_119 : i32
      %ne3A_121 = arith.constant 0 : i32
      %ne3A_122 = arith.cmpi ne, %rem3A_120, %ne3A_121 : i32
      %lt3A = arith.constant 0 : i32
      %lt3A_123 = arith.cmpi slt, %rem3A_120, %lt3A : i32
      %lt3A_124 = arith.constant 0 : i32
      %lt3A_125 = arith.cmpi slt, %select_n3A_119, %lt3A_124 : i32
      %ne3A_126 = arith.xori %lt3A_123, %lt3A_125 : i1
      %and3A_127 = arith.andi %ne3A_126, %ne3A_122 : i1
      %add3A_128 = arith.addi %rem3A_120, %select_n3A_119 : i32
      %select_n3A_129 = arith.select %and3A_127, %add3A_128, %rem3A_120 : i32
      %lt3A_130 = arith.cmpi slt, %add3A_90, %select_n3A : i32
      %jit3A_131 = arith.constant 16 : i32
      %eq3A_132 = arith.constant 0 : i32
      %eq3A_133 = arith.cmpi eq, %jit3A_131, %eq3A_132 : i32
      %jit3A_134 = arith.constant 1 : i32
      %select_n3A_135 = arith.select %eq3A_133, %jit3A_134, %jit3A_131 : i32
      %rem3A_136 = arith.remsi %add3A_90, %select_n3A_135 : i32
      %ne3A_137 = arith.constant 0 : i32
      %ne3A_138 = arith.cmpi ne, %rem3A_136, %ne3A_137 : i32
      %lt3A_139 = arith.constant 0 : i32
      %lt3A_140 = arith.cmpi slt, %rem3A_136, %lt3A_139 : i32
      %lt3A_141 = arith.constant 0 : i32
      %lt3A_142 = arith.cmpi slt, %select_n3A_135, %lt3A_141 : i32
      %ne3A_143 = arith.xori %lt3A_140, %lt3A_142 : i1
      %and3A_144 = arith.andi %ne3A_143, %ne3A_138 : i1
      %add3A_145 = arith.addi %rem3A_136, %select_n3A_135 : i32
      %select_n3A_146 = arith.select %and3A_144, %add3A_145, %rem3A_136 : i32
      %eq3A_147 = arith.constant 0 : i32
      %eq3A_148 = arith.cmpi eq, %select_n3A_146, %eq3A_147 : i32
      %and3A_149 = arith.andi %lt3A_130, %eq3A_148 : i1
      %dma_wait3A = arith.constant 0 : i32
      %dma_wait3A_150 = arith.constant 0 : i32
      %dma_wait3A_151 = arith.constant 0 : i32
      %dma_wait3A_152 = arith.constant 0 : i32
      %dma_wait3A_153 = arith.constant 0 : i32
      %dma_wait3A_154 = tpu.memref_slice %arg8[%dma_wait3A_151, %dma_wait3A_152, %dma_wait3A_153] : memref<2x128x128xf32, #tpu.memory_space<vmem>> -> memref<1x128x128xf32, #tpu.memory_space<vmem>>
      %dma_wait3A_155 = tpu.memref_squeeze %dma_wait3A_154 : memref<1x128x128xf32, #tpu.memory_space<vmem>> -> memref<128x128xf32, #tpu.memory_space<vmem>>
      %dma_wait3A_156 = arith.constant 0 : i32
      %dma_wait3A_157 = tpu.memref_slice %arg6[%dma_wait3A, %dma_wait3A_150, %dma_wait3A_156] : memref<2x16x128xi32, #tpu.memory_space<vmem>> -> memref<1x1x128xi32, #tpu.memory_space<vmem>>
      %dma_wait3A_158 = tpu.memref_squeeze %dma_wait3A_157 : memref<1x1x128xi32, #tpu.memory_space<vmem>> -> memref<128xi32, #tpu.memory_space<vmem>>
      %dma_wait3A_159 = arith.constant 0 : i32
      %dma_wait3A_160 = arith.constant 0 : i32
      %dma_wait3A_161 = tpu.memref_slice %arg2[%dma_wait3A_159, %dma_wait3A_160] : memref<10240x128xf32, #tpu.memory_space<hbm>> -> memref<10240x128xf32, #tpu.memory_space<hbm>>
      tpu.wait_indirect_dma semaphore(%arg10 : memref<!tpu.dma_semaphore, #tpu.memory_space<semaphore_mem>>) src(%dma_wait3A_161 : memref<10240x128xf32, #tpu.memory_space<hbm>>) dst(%dma_wait3A_155 : memref<128x128xf32, #tpu.memory_space<vmem>>)
      %jit3A_162 = arith.constant 16 : i32
      %div3A_163 = arith.divsi %mul3A_87, %jit3A_162 : i32
      %sign3A_164 = arith.constant 0 : i32
      %sign3A_165 = arith.cmpi sgt, %mul3A_87, %sign3A_164 : i32
      %sign3A_166 = arith.extui %sign3A_165 : i1 to i32
      %sign3A_167 = arith.constant 0 : i32
      %sign3A_168 = arith.cmpi slt, %mul3A_87, %sign3A_167 : i32
      %sign3A_169 = arith.extui %sign3A_168 : i1 to i32
      %sign3A_170 = arith.subi %sign3A_166, %sign3A_169 : i32
      %sign3A_171 = arith.constant 0 : i32
      %sign3A_172 = arith.cmpi sgt, %jit3A_162, %sign3A_171 : i32
      %sign3A_173 = arith.extui %sign3A_172 : i1 to i32
      %sign3A_174 = arith.constant 0 : i32
      %sign3A_175 = arith.cmpi slt, %jit3A_162, %sign3A_174 : i32
      %sign3A_176 = arith.extui %sign3A_175 : i1 to i32
      %sign3A_177 = arith.subi %sign3A_173, %sign3A_176 : i32
      %ne3A_178 = arith.cmpi ne, %sign3A_170, %sign3A_177 : i32
      %rem3A_179 = arith.remsi %mul3A_87, %jit3A_162 : i32
      %ne3A_180 = arith.constant 0 : i32
      %ne3A_181 = arith.cmpi ne, %rem3A_179, %ne3A_180 : i32
      %and3A_182 = arith.andi %ne3A_178, %ne3A_181 : i1
      %sub3A_183 = arith.constant 1 : i32
      %sub3A_184 = arith.subi %div3A_163, %sub3A_183 : i32
      %select_n3A_185 = arith.select %and3A_182, %sub3A_184, %div3A_163 : i32
      %jit3A_186 = arith.constant 2 : i32
      %eq3A_187 = arith.constant 0 : i32
      %eq3A_188 = arith.cmpi eq, %jit3A_186, %eq3A_187 : i32
      %jit3A_189 = arith.constant 1 : i32
      %select_n3A_190 = arith.select %eq3A_188, %jit3A_189, %jit3A_186 : i32
      %rem3A_191 = arith.remsi %select_n3A_185, %select_n3A_190 : i32
      %ne3A_192 = arith.constant 0 : i32
      %ne3A_193 = arith.cmpi ne, %rem3A_191, %ne3A_192 : i32
      %lt3A_194 = arith.constant 0 : i32
      %lt3A_195 = arith.cmpi slt, %rem3A_191, %lt3A_194 : i32
      %lt3A_196 = arith.constant 0 : i32
      %lt3A_197 = arith.cmpi slt, %select_n3A_190, %lt3A_196 : i32
      %ne3A_198 = arith.xori %lt3A_195, %lt3A_197 : i1
      %and3A_199 = arith.andi %ne3A_198, %ne3A_193 : i1
      %add3A_200 = arith.addi %rem3A_191, %select_n3A_190 : i32
      %select_n3A_201 = arith.select %and3A_199, %add3A_200, %rem3A_191 : i32
      %jit3A_202 = arith.constant 16 : i32
      %eq3A_203 = arith.constant 0 : i32
      %eq3A_204 = arith.cmpi eq, %jit3A_202, %eq3A_203 : i32
      %jit3A_205 = arith.constant 1 : i32
      %select_n3A_206 = arith.select %eq3A_204, %jit3A_205, %jit3A_202 : i32
      %rem3A_207 = arith.remsi %mul3A_87, %select_n3A_206 : i32
      %ne3A_208 = arith.constant 0 : i32
      %ne3A_209 = arith.cmpi ne, %rem3A_207, %ne3A_208 : i32
      %lt3A_210 = arith.constant 0 : i32
      %lt3A_211 = arith.cmpi slt, %rem3A_207, %lt3A_210 : i32
      %lt3A_212 = arith.constant 0 : i32
      %lt3A_213 = arith.cmpi slt, %select_n3A_206, %lt3A_212 : i32
      %ne3A_214 = arith.xori %lt3A_211, %lt3A_213 : i1
      %and3A_215 = arith.andi %ne3A_214, %ne3A_209 : i1
      %add3A_216 = arith.addi %rem3A_207, %select_n3A_206 : i32
      %select_n3A_217 = arith.select %and3A_215, %add3A_216, %rem3A_207 : i32
      %run_scoped3A_218 = arith.constant 0 : i32
      "tpu.region"() ({
        %run_scoped3A_309 = tpu.sem_alloc : memref<!tpu.dma_semaphore, #tpu.memory_space<semaphore_mem>>
        %dma_start3A_310 = arith.constant 0 : i32
        %dma_start3A_311 = arith.constant 0 : i32
        %dma_start3A_312 = tpu.memref_slice %arg8[%run_scoped3A_218, %dma_start3A_310, %dma_start3A_311] : memref<2x128x128xf32, #tpu.memory_space<vmem>> -> memref<1x128x128xf32, #tpu.memory_space<vmem>>
        %dma_start3A_313 = tpu.memref_squeeze %dma_start3A_312 : memref<1x128x128xf32, #tpu.memory_space<vmem>> -> memref<128x128xf32, #tpu.memory_space<vmem>>
        %dma_start3A_314 = arith.constant 0 : i32
        %dma_start3A_315 = tpu.memref_slice %arg7[%select_n3A_201, %select_n3A_217, %dma_start3A_314] : memref<2x16x128xi32, #tpu.memory_space<vmem>> -> memref<1x1x128xi32, #tpu.memory_space<vmem>>
        %dma_start3A_316 = tpu.memref_squeeze %dma_start3A_315 : memref<1x1x128xi32, #tpu.memory_space<vmem>> -> memref<128xi32, #tpu.memory_space<vmem>>
        %dma_start3A_317 = arith.constant 0 : i32
        %dma_start3A_318 = arith.constant 0 : i32
        %dma_start3A_319 = tpu.memref_slice %arg9[%dma_start3A_317, %dma_start3A_318] : memref<10112x128xf32, #tpu.memory_space<vmem_shared>> -> memref<10112x128xf32, #tpu.memory_space<vmem_shared>>
        tpu.enqueue_indirect_dma source(%dma_start3A_313 : memref<128x128xf32, #tpu.memory_space<vmem>>) target(%dma_start3A_319 : memref<10112x128xf32, #tpu.memory_space<vmem_shared>>) offsets(%dma_start3A_316 : memref<128xi32, #tpu.memory_space<vmem>>) semaphore(%run_scoped3A_309 : memref<!tpu.dma_semaphore, #tpu.memory_space<semaphore_mem>>) {add = true}
        %dma_wait3A_320 = arith.constant 0 : i32
        %dma_wait3A_321 = arith.constant 0 : i32
        %dma_wait3A_322 = tpu.memref_slice %arg8[%run_scoped3A_218, %dma_wait3A_320, %dma_wait3A_321] : memref<2x128x128xf32, #tpu.memory_space<vmem>> -> memref<1x128x128xf32, #tpu.memory_space<vmem>>
        %dma_wait3A_323 = tpu.memref_squeeze %dma_wait3A_322 : memref<1x128x128xf32, #tpu.memory_space<vmem>> -> memref<128x128xf32, #tpu.memory_space<vmem>>
        %dma_wait3A_324 = arith.constant 0 : i32
        %dma_wait3A_325 = tpu.memref_slice %arg7[%select_n3A_201, %select_n3A_217, %dma_wait3A_324] : memref<2x16x128xi32, #tpu.memory_space<vmem>> -> memref<1x1x128xi32, #tpu.memory_space<vmem>>
        %dma_wait3A_326 = tpu.memref_squeeze %dma_wait3A_325 : memref<1x1x128xi32, #tpu.memory_space<vmem>> -> memref<128xi32, #tpu.memory_space<vmem>>
        %dma_wait3A_327 = arith.constant 0 : i32
        %dma_wait3A_328 = arith.constant 0 : i32
        %dma_wait3A_329 = tpu.memref_slice %arg9[%dma_wait3A_327, %dma_wait3A_328] : memref<10112x128xf32, #tpu.memory_space<vmem_shared>> -> memref<10112x128xf32, #tpu.memory_space<vmem_shared>>
        tpu.wait_indirect_dma semaphore(%run_scoped3A_309 : memref<!tpu.dma_semaphore, #tpu.memory_space<semaphore_mem>>) src(%dma_wait3A_323 : memref<128x128xf32, #tpu.memory_space<vmem>>) dst(%dma_wait3A_329 : memref<10112x128xf32, #tpu.memory_space<vmem_shared>>)
        tpu.yield
      }) : () -> ()
      %convert_element_type3A_219 = arith.extui %and3A_149 : i1 to i32
      %cond3A_220 = arith.constant 0 : i32
      %cond3A_221 = arith.cmpi ne, %convert_element_type3A_219, %cond3A_220 : i32
      scf.if %cond3A_221 {
        %dma_wait3A_309 = arith.constant 0 : i32
        %dma_wait3A_310 = arith.constant 0 : i32
        %dma_wait3A_311 = arith.constant 0 : i32
        %dma_wait3A_312 = tpu.memref_slice %arg6[%dma_wait3A_309, %dma_wait3A_310, %dma_wait3A_311] : memref<2x16x128xi32, #tpu.memory_space<vmem>> -> memref<1x16x128xi32, #tpu.memory_space<vmem>>
        %dma_wait3A_313 = tpu.memref_squeeze %dma_wait3A_312 : memref<1x16x128xi32, #tpu.memory_space<vmem>> -> memref<16x128xi32, #tpu.memory_space<vmem>>
        %dma_wait3A_314 = arith.constant 0 : i32
        %dma_wait3A_315 = tpu.memref_slice %arg3[%arg1, %mul3A_2, %dma_wait3A_314] : memref<16x160x128xi32, #tpu.memory_space<hbm>> -> memref<1x16x128xi32, #tpu.memory_space<hbm>>
        %dma_wait3A_316 = tpu.memref_squeeze %dma_wait3A_315 : memref<1x16x128xi32, #tpu.memory_space<hbm>> -> memref<16x128xi32, #tpu.memory_space<hbm>>
        %dma_wait3A_317 = arith.constant 0 : i32
        %dma_wait3A_318 = arith.constant 0 : i32
        %dma_wait3A_319 = tpu.memref_slice %arg6[%dma_wait3A_309, %dma_wait3A_317, %dma_wait3A_318] : memref<2x16x128xi32, #tpu.memory_space<vmem>> -> memref<1x16x128xi32, #tpu.memory_space<vmem>>
        %dma_wait3A_320 = tpu.memref_squeeze %dma_wait3A_319 : memref<1x16x128xi32, #tpu.memory_space<vmem>> -> memref<16x128xi32, #tpu.memory_space<vmem>>
        %dma_wait3A_321 = arith.constant 0 : i32
        %dma_wait3A_322 = tpu.memref_slice %arg3[%arg1, %mul3A_2, %dma_wait3A_321] : memref<16x160x128xi32, #tpu.memory_space<hbm>> -> memref<1x16x128xi32, #tpu.memory_space<hbm>>
        %dma_wait3A_323 = tpu.memref_squeeze %dma_wait3A_322 : memref<1x16x128xi32, #tpu.memory_space<hbm>> -> memref<16x128xi32, #tpu.memory_space<hbm>>
        tpu.wait_dma2 semaphore(%arg12 : memref<!tpu.dma_semaphore, #tpu.memory_space<semaphore_mem>>) src(%dma_wait3A_323 : memref<16x128xi32, #tpu.memory_space<hbm>>) dst(%dma_wait3A_320 : memref<16x128xi32, #tpu.memory_space<vmem>>)
        %dma_wait3A_324 = arith.constant 0 : i32
        %dma_wait3A_325 = arith.constant 0 : i32
        %dma_wait3A_326 = arith.constant 0 : i32
        %dma_wait3A_327 = tpu.memref_slice %arg7[%dma_wait3A_324, %dma_wait3A_325, %dma_wait3A_326] : memref<2x16x128xi32, #tpu.memory_space<vmem>> -> memref<1x16x128xi32, #tpu.memory_space<vmem>>
        %dma_wait3A_328 = tpu.memref_squeeze %dma_wait3A_327 : memref<1x16x128xi32, #tpu.memory_space<vmem>> -> memref<16x128xi32, #tpu.memory_space<vmem>>
        %dma_wait3A_329 = arith.constant 0 : i32
        %dma_wait3A_330 = tpu.memref_slice %arg4[%arg1, %mul3A_2, %dma_wait3A_329] : memref<16x160x128xi32, #tpu.memory_space<hbm>> -> memref<1x16x128xi32, #tpu.memory_space<hbm>>
        %dma_wait3A_331 = tpu.memref_squeeze %dma_wait3A_330 : memref<1x16x128xi32, #tpu.memory_space<hbm>> -> memref<16x128xi32, #tpu.memory_space<hbm>>
        %dma_wait3A_332 = arith.constant 0 : i32
        %dma_wait3A_333 = arith.constant 0 : i32
        %dma_wait3A_334 = tpu.memref_slice %arg7[%dma_wait3A_324, %dma_wait3A_332, %dma_wait3A_333] : memref<2x16x128xi32, #tpu.memory_space<vmem>> -> memref<1x16x128xi32, #tpu.memory_space<vmem>>
        %dma_wait3A_335 = tpu.memref_squeeze %dma_wait3A_334 : memref<1x16x128xi32, #tpu.memory_space<vmem>> -> memref<16x128xi32, #tpu.memory_space<vmem>>
        %dma_wait3A_336 = arith.constant 0 : i32
        %dma_wait3A_337 = tpu.memref_slice %arg4[%arg1, %mul3A_2, %dma_wait3A_336] : memref<16x160x128xi32, #tpu.memory_space<hbm>> -> memref<1x16x128xi32, #tpu.memory_space<hbm>>
        %dma_wait3A_338 = tpu.memref_squeeze %dma_wait3A_337 : memref<1x16x128xi32, #tpu.memory_space<hbm>> -> memref<16x128xi32, #tpu.memory_space<hbm>>
        tpu.wait_dma2 semaphore(%arg12 : memref<!tpu.dma_semaphore, #tpu.memory_space<semaphore_mem>>) src(%dma_wait3A_338 : memref<16x128xi32, #tpu.memory_space<hbm>>) dst(%dma_wait3A_335 : memref<16x128xi32, #tpu.memory_space<vmem>>)
      } else {
      }
      %lt3A_222 = arith.cmpi slt, %add3A_90, %select_n3A : i32
      %convert_element_type3A_223 = arith.extui %lt3A_222 : i1 to i32
      %cond3A_224 = arith.constant 0 : i32
      %cond3A_225 = arith.cmpi ne, %convert_element_type3A_223, %cond3A_224 : i32
      scf.if %cond3A_225 {
        %jit3A_309 = arith.constant 16 : i32
        %eq3A_310 = arith.constant 0 : i32
        %eq3A_311 = arith.cmpi eq, %jit3A_309, %eq3A_310 : i32
        %jit3A_312 = arith.constant 1 : i32
        %select_n3A_313 = arith.select %eq3A_311, %jit3A_312, %jit3A_309 : i32
        %rem3A_314 = arith.remsi %add3A_90, %select_n3A_313 : i32
        %ne3A_315 = arith.constant 0 : i32
        %ne3A_316 = arith.cmpi ne, %rem3A_314, %ne3A_315 : i32
        %lt3A_317 = arith.constant 0 : i32
        %lt3A_318 = arith.cmpi slt, %rem3A_314, %lt3A_317 : i32
        %lt3A_319 = arith.constant 0 : i32
        %lt3A_320 = arith.cmpi slt, %select_n3A_313, %lt3A_319 : i32
        %ne3A_321 = arith.xori %lt3A_318, %lt3A_320 : i1
        %and3A_322 = arith.andi %ne3A_321, %ne3A_316 : i1
        %add3A_323 = arith.addi %rem3A_314, %select_n3A_313 : i32
        %select_n3A_324 = arith.select %and3A_322, %add3A_323, %rem3A_314 : i32
        %dma_start3A_325 = arith.constant 0 : i32
        %dma_start3A_326 = arith.constant 0 : i32
        %dma_start3A_327 = arith.constant 0 : i32
        %dma_start3A_328 = tpu.memref_slice %arg8[%dma_start3A_325, %dma_start3A_326, %dma_start3A_327] : memref<2x128x128xf32, #tpu.memory_space<vmem>> -> memref<1x128x128xf32, #tpu.memory_space<vmem>>
        %dma_start3A_329 = tpu.memref_squeeze %dma_start3A_328 : memref<1x128x128xf32, #tpu.memory_space<vmem>> -> memref<128x128xf32, #tpu.memory_space<vmem>>
        %dma_start3A_330 = arith.constant 0 : i32
        %dma_start3A_331 = tpu.memref_slice %arg6[%select_n3A_129, %select_n3A_324, %dma_start3A_330] : memref<2x16x128xi32, #tpu.memory_space<vmem>> -> memref<1x1x128xi32, #tpu.memory_space<vmem>>
        %dma_start3A_332 = tpu.memref_squeeze %dma_start3A_331 : memref<1x1x128xi32, #tpu.memory_space<vmem>> -> memref<128xi32, #tpu.memory_space<vmem>>
        %dma_start3A_333 = arith.constant 0 : i32
        %dma_start3A_334 = arith.constant 0 : i32
        %dma_start3A_335 = tpu.memref_slice %arg2[%dma_start3A_333, %dma_start3A_334] : memref<10240x128xf32, #tpu.memory_space<hbm>> -> memref<10240x128xf32, #tpu.memory_space<hbm>>
        tpu.enqueue_indirect_dma source(%dma_start3A_335 : memref<10240x128xf32, #tpu.memory_space<hbm>>) target(%dma_start3A_329 : memref<128x128xf32, #tpu.memory_space<vmem>>) offsets(%dma_start3A_332 : memref<128xi32, #tpu.memory_space<vmem>>) semaphore(%arg10 : memref<!tpu.dma_semaphore, #tpu.memory_space<semaphore_mem>>)
      } else {
      }
      %dma_wait3A_226 = arith.constant 0 : i32
      %dma_wait3A_227 = arith.constant 0 : i32
      %dma_wait3A_228 = arith.constant 1 : i32
      %dma_wait3A_229 = arith.constant 0 : i32
      %dma_wait3A_230 = arith.constant 0 : i32
      %dma_wait3A_231 = tpu.memref_slice %arg8[%dma_wait3A_228, %dma_wait3A_229, %dma_wait3A_230] : memref<2x128x128xf32, #tpu.memory_space<vmem>> -> memref<1x128x128xf32, #tpu.memory_space<vmem>>
      %dma_wait3A_232 = tpu.memref_squeeze %dma_wait3A_231 : memref<1x128x128xf32, #tpu.memory_space<vmem>> -> memref<128x128xf32, #tpu.memory_space<vmem>>
      %dma_wait3A_233 = arith.constant 0 : i32
      %dma_wait3A_234 = tpu.memref_slice %arg6[%dma_wait3A_226, %dma_wait3A_227, %dma_wait3A_233] : memref<2x16x128xi32, #tpu.memory_space<vmem>> -> memref<1x1x128xi32, #tpu.memory_space<vmem>>
      %dma_wait3A_235 = tpu.memref_squeeze %dma_wait3A_234 : memref<1x1x128xi32, #tpu.memory_space<vmem>> -> memref<128xi32, #tpu.memory_space<vmem>>
      %dma_wait3A_236 = arith.constant 0 : i32
      %dma_wait3A_237 = arith.constant 0 : i32
      %dma_wait3A_238 = tpu.memref_slice %arg2[%dma_wait3A_236, %dma_wait3A_237] : memref<10240x128xf32, #tpu.memory_space<hbm>> -> memref<10240x128xf32, #tpu.memory_space<hbm>>
      tpu.wait_indirect_dma semaphore(%arg11 : memref<!tpu.dma_semaphore, #tpu.memory_space<semaphore_mem>>) src(%dma_wait3A_238 : memref<10240x128xf32, #tpu.memory_space<hbm>>) dst(%dma_wait3A_232 : memref<128x128xf32, #tpu.memory_space<vmem>>)
      %jit3A_239 = arith.constant 16 : i32
      %div3A_240 = arith.divsi %add3A_88, %jit3A_239 : i32
      %sign3A_241 = arith.constant 0 : i32
      %sign3A_242 = arith.cmpi sgt, %add3A_88, %sign3A_241 : i32
      %sign3A_243 = arith.extui %sign3A_242 : i1 to i32
      %sign3A_244 = arith.constant 0 : i32
      %sign3A_245 = arith.cmpi slt, %add3A_88, %sign3A_244 : i32
      %sign3A_246 = arith.extui %sign3A_245 : i1 to i32
      %sign3A_247 = arith.subi %sign3A_243, %sign3A_246 : i32
      %sign3A_248 = arith.constant 0 : i32
      %sign3A_249 = arith.cmpi sgt, %jit3A_239, %sign3A_248 : i32
      %sign3A_250 = arith.extui %sign3A_249 : i1 to i32
      %sign3A_251 = arith.constant 0 : i32
      %sign3A_252 = arith.cmpi slt, %jit3A_239, %sign3A_251 : i32
      %sign3A_253 = arith.extui %sign3A_252 : i1 to i32
      %sign3A_254 = arith.subi %sign3A_250, %sign3A_253 : i32
      %ne3A_255 = arith.cmpi ne, %sign3A_247, %sign3A_254 : i32
      %rem3A_256 = arith.remsi %add3A_88, %jit3A_239 : i32
      %ne3A_257 = arith.constant 0 : i32
      %ne3A_258 = arith.cmpi ne, %rem3A_256, %ne3A_257 : i32
      %and3A_259 = arith.andi %ne3A_255, %ne3A_258 : i1
      %sub3A_260 = arith.constant 1 : i32
      %sub3A_261 = arith.subi %div3A_240, %sub3A_260 : i32
      %select_n3A_262 = arith.select %and3A_259, %sub3A_261, %div3A_240 : i32
      %jit3A_263 = arith.constant 2 : i32
      %eq3A_264 = arith.constant 0 : i32
      %eq3A_265 = arith.cmpi eq, %jit3A_263, %eq3A_264 : i32
      %jit3A_266 = arith.constant 1 : i32
      %select_n3A_267 = arith.select %eq3A_265, %jit3A_266, %jit3A_263 : i32
      %rem3A_268 = arith.remsi %select_n3A_262, %select_n3A_267 : i32
      %ne3A_269 = arith.constant 0 : i32
      %ne3A_270 = arith.cmpi ne, %rem3A_268, %ne3A_269 : i32
      %lt3A_271 = arith.constant 0 : i32
      %lt3A_272 = arith.cmpi slt, %rem3A_268, %lt3A_271 : i32
      %lt3A_273 = arith.constant 0 : i32
      %lt3A_274 = arith.cmpi slt, %select_n3A_267, %lt3A_273 : i32
      %ne3A_275 = arith.xori %lt3A_272, %lt3A_274 : i1
      %and3A_276 = arith.andi %ne3A_275, %ne3A_270 : i1
      %add3A_277 = arith.addi %rem3A_268, %select_n3A_267 : i32
      %select_n3A_278 = arith.select %and3A_276, %add3A_277, %rem3A_268 : i32
      %jit3A_279 = arith.constant 16 : i32
      %eq3A_280 = arith.constant 0 : i32
      %eq3A_281 = arith.cmpi eq, %jit3A_279, %eq3A_280 : i32
      %jit3A_282 = arith.constant 1 : i32
      %select_n3A_283 = arith.select %eq3A_281, %jit3A_282, %jit3A_279 : i32
      %rem3A_284 = arith.remsi %add3A_88, %select_n3A_283 : i32
      %ne3A_285 = arith.constant 0 : i32
      %ne3A_286 = arith.cmpi ne, %rem3A_284, %ne3A_285 : i32
      %lt3A_287 = arith.constant 0 : i32
      %lt3A_288 = arith.cmpi slt, %rem3A_284, %lt3A_287 : i32
      %lt3A_289 = arith.constant 0 : i32
      %lt3A_290 = arith.cmpi slt, %select_n3A_283, %lt3A_289 : i32
      %ne3A_291 = arith.xori %lt3A_288, %lt3A_290 : i1
      %and3A_292 = arith.andi %ne3A_291, %ne3A_286 : i1
      %add3A_293 = arith.addi %rem3A_284, %select_n3A_283 : i32
      %select_n3A_294 = arith.select %and3A_292, %add3A_293, %rem3A_284 : i32
      %run_scoped3A_295 = arith.constant 1 : i32
      "tpu.region"() ({
        %run_scoped3A_309 = tpu.sem_alloc : memref<!tpu.dma_semaphore, #tpu.memory_space<semaphore_mem>>
        %dma_start3A_310 = arith.constant 0 : i32
        %dma_start3A_311 = arith.constant 0 : i32
        %dma_start3A_312 = tpu.memref_slice %arg8[%run_scoped3A_295, %dma_start3A_310, %dma_start3A_311] : memref<2x128x128xf32, #tpu.memory_space<vmem>> -> memref<1x128x128xf32, #tpu.memory_space<vmem>>
        %dma_start3A_313 = tpu.memref_squeeze %dma_start3A_312 : memref<1x128x128xf32, #tpu.memory_space<vmem>> -> memref<128x128xf32, #tpu.memory_space<vmem>>
        %dma_start3A_314 = arith.constant 0 : i32
        %dma_start3A_315 = tpu.memref_slice %arg7[%select_n3A_278, %select_n3A_294, %dma_start3A_314] : memref<2x16x128xi32, #tpu.memory_space<vmem>> -> memref<1x1x128xi32, #tpu.memory_space<vmem>>
        %dma_start3A_316 = tpu.memref_squeeze %dma_start3A_315 : memref<1x1x128xi32, #tpu.memory_space<vmem>> -> memref<128xi32, #tpu.memory_space<vmem>>
        %dma_start3A_317 = arith.constant 0 : i32
        %dma_start3A_318 = arith.constant 0 : i32
        %dma_start3A_319 = tpu.memref_slice %arg9[%dma_start3A_317, %dma_start3A_318] : memref<10112x128xf32, #tpu.memory_space<vmem_shared>> -> memref<10112x128xf32, #tpu.memory_space<vmem_shared>>
        tpu.enqueue_indirect_dma source(%dma_start3A_313 : memref<128x128xf32, #tpu.memory_space<vmem>>) target(%dma_start3A_319 : memref<10112x128xf32, #tpu.memory_space<vmem_shared>>) offsets(%dma_start3A_316 : memref<128xi32, #tpu.memory_space<vmem>>) semaphore(%run_scoped3A_309 : memref<!tpu.dma_semaphore, #tpu.memory_space<semaphore_mem>>) {add = true}
        %dma_wait3A_320 = arith.constant 0 : i32
        %dma_wait3A_321 = arith.constant 0 : i32
        %dma_wait3A_322 = tpu.memref_slice %arg8[%run_scoped3A_295, %dma_wait3A_320, %dma_wait3A_321] : memref<2x128x128xf32, #tpu.memory_space<vmem>> -> memref<1x128x128xf32, #tpu.memory_space<vmem>>
        %dma_wait3A_323 = tpu.memref_squeeze %dma_wait3A_322 : memref<1x128x128xf32, #tpu.memory_space<vmem>> -> memref<128x128xf32, #tpu.memory_space<vmem>>
        %dma_wait3A_324 = arith.constant 0 : i32
        %dma_wait3A_325 = tpu.memref_slice %arg7[%select_n3A_278, %select_n3A_294, %dma_wait3A_324] : memref<2x16x128xi32, #tpu.memory_space<vmem>> -> memref<1x1x128xi32, #tpu.memory_space<vmem>>
        %dma_wait3A_326 = tpu.memref_squeeze %dma_wait3A_325 : memref<1x1x128xi32, #tpu.memory_space<vmem>> -> memref<128xi32, #tpu.memory_space<vmem>>
        %dma_wait3A_327 = arith.constant 0 : i32
        %dma_wait3A_328 = arith.constant 0 : i32
        %dma_wait3A_329 = tpu.memref_slice %arg9[%dma_wait3A_327, %dma_wait3A_328] : memref<10112x128xf32, #tpu.memory_space<vmem_shared>> -> memref<10112x128xf32, #tpu.memory_space<vmem_shared>>
        tpu.wait_indirect_dma semaphore(%run_scoped3A_309 : memref<!tpu.dma_semaphore, #tpu.memory_space<semaphore_mem>>) src(%dma_wait3A_323 : memref<128x128xf32, #tpu.memory_space<vmem>>) dst(%dma_wait3A_329 : memref<10112x128xf32, #tpu.memory_space<vmem_shared>>)
        tpu.yield
      }) : () -> ()
      %add3A_296 = arith.constant 1 : i32
      %add3A_297 = arith.addi %select_n3A_114, %add3A_296 : i32
      %lt3A_298 = arith.cmpi slt, %add3A_297, %select_n3A_22 : i32
      %and3A_299 = arith.andi %and3A_149, %lt3A_298 : i1
      %convert_element_type3A_300 = arith.extui %and3A_299 : i1 to i32
      %cond3A_301 = arith.constant 0 : i32
      %cond3A_302 = arith.cmpi ne, %convert_element_type3A_300, %cond3A_301 : i32
      scf.if %cond3A_302 {
        %add3A_309 = arith.constant 1 : i32
        %add3A_310 = arith.addi %select_n3A_114, %add3A_309 : i32
        %mul3A_311 = arith.constant 16 : i32
        %mul3A_312 = arith.muli %add3A_310, %mul3A_311 : i32
        %add3A_313 = arith.addi %mul3A_2, %mul3A_312 : i32
        %add3A_314 = arith.constant 1 : i32
        %add3A_315 = arith.addi %select_n3A_114, %add3A_314 : i32
        %jit3A_316 = arith.constant 2 : i32
        %eq3A_317 = arith.constant 0 : i32
        %eq3A_318 = arith.cmpi eq, %jit3A_316, %eq3A_317 : i32
        %jit3A_319 = arith.constant 1 : i32
        %select_n3A_320 = arith.select %eq3A_318, %jit3A_319, %jit3A_316 : i32
        %rem3A_321 = arith.remsi %add3A_315, %select_n3A_320 : i32
        %ne3A_322 = arith.constant 0 : i32
        %ne3A_323 = arith.cmpi ne, %rem3A_321, %ne3A_322 : i32
        %lt3A_324 = arith.constant 0 : i32
        %lt3A_325 = arith.cmpi slt, %rem3A_321, %lt3A_324 : i32
        %lt3A_326 = arith.constant 0 : i32
        %lt3A_327 = arith.cmpi slt, %select_n3A_320, %lt3A_326 : i32
        %ne3A_328 = arith.xori %lt3A_325, %lt3A_327 : i1
        %and3A_329 = arith.andi %ne3A_328, %ne3A_323 : i1
        %add3A_330 = arith.addi %rem3A_321, %select_n3A_320 : i32
        %select_n3A_331 = arith.select %and3A_329, %add3A_330, %rem3A_321 : i32
        %dma_start3A_332 = arith.constant 0 : i32
        %dma_start3A_333 = arith.constant 0 : i32
        %dma_start3A_334 = tpu.memref_slice %arg6[%select_n3A_331, %dma_start3A_332, %dma_start3A_333] : memref<2x16x128xi32, #tpu.memory_space<vmem>> -> memref<1x16x128xi32, #tpu.memory_space<vmem>>
        %dma_start3A_335 = tpu.memref_squeeze %dma_start3A_334 : memref<1x16x128xi32, #tpu.memory_space<vmem>> -> memref<16x128xi32, #tpu.memory_space<vmem>>
        %dma_start3A_336 = arith.constant 0 : i32
        %dma_start3A_337 = tpu.memref_slice %arg3[%arg1, %add3A_313, %dma_start3A_336] : memref<16x160x128xi32, #tpu.memory_space<hbm>> -> memref<1x16x128xi32, #tpu.memory_space<hbm>>
        %dma_start3A_338 = tpu.memref_squeeze %dma_start3A_337 : memref<1x16x128xi32, #tpu.memory_space<hbm>> -> memref<16x128xi32, #tpu.memory_space<hbm>>
        %dma_start3A_339 = arith.constant 0 : i32
        %dma_start3A_340 = arith.constant 0 : i32
        %dma_start3A_341 = tpu.memref_slice %arg6[%select_n3A_331, %dma_start3A_339, %dma_start3A_340] : memref<2x16x128xi32, #tpu.memory_space<vmem>> -> memref<1x16x128xi32, #tpu.memory_space<vmem>>
        %dma_start3A_342 = tpu.memref_squeeze %dma_start3A_341 : memref<1x16x128xi32, #tpu.memory_space<vmem>> -> memref<16x128xi32, #tpu.memory_space<vmem>>
        %dma_start3A_343 = arith.constant 0 : i32
        %dma_start3A_344 = tpu.memref_slice %arg3[%arg1, %add3A_313, %dma_start3A_343] : memref<16x160x128xi32, #tpu.memory_space<hbm>> -> memref<1x16x128xi32, #tpu.memory_space<hbm>>
        %dma_start3A_345 = tpu.memref_squeeze %dma_start3A_344 : memref<1x16x128xi32, #tpu.memory_space<hbm>> -> memref<16x128xi32, #tpu.memory_space<hbm>>
        tpu.enqueue_dma source(%dma_start3A_345 : memref<16x128xi32, #tpu.memory_space<hbm>>) target(%dma_start3A_342 : memref<16x128xi32, #tpu.memory_space<vmem>>) target_semaphore(%arg12 : memref<!tpu.dma_semaphore, #tpu.memory_space<semaphore_mem>>)
        %add3A_346 = arith.constant 1 : i32
        %add3A_347 = arith.addi %select_n3A_114, %add3A_346 : i32
        %jit3A_348 = arith.constant 2 : i32
        %eq3A_349 = arith.constant 0 : i32
        %eq3A_350 = arith.cmpi eq, %jit3A_348, %eq3A_349 : i32
        %jit3A_351 = arith.constant 1 : i32
        %select_n3A_352 = arith.select %eq3A_350, %jit3A_351, %jit3A_348 : i32
        %rem3A_353 = arith.remsi %add3A_347, %select_n3A_352 : i32
        %ne3A_354 = arith.constant 0 : i32
        %ne3A_355 = arith.cmpi ne, %rem3A_353, %ne3A_354 : i32
        %lt3A_356 = arith.constant 0 : i32
        %lt3A_357 = arith.cmpi slt, %rem3A_353, %lt3A_356 : i32
        %lt3A_358 = arith.constant 0 : i32
        %lt3A_359 = arith.cmpi slt, %select_n3A_352, %lt3A_358 : i32
        %ne3A_360 = arith.xori %lt3A_357, %lt3A_359 : i1
        %and3A_361 = arith.andi %ne3A_360, %ne3A_355 : i1
        %add3A_362 = arith.addi %rem3A_353, %select_n3A_352 : i32
        %select_n3A_363 = arith.select %and3A_361, %add3A_362, %rem3A_353 : i32
        %dma_start3A_364 = arith.constant 0 : i32
        %dma_start3A_365 = arith.constant 0 : i32
        %dma_start3A_366 = tpu.memref_slice %arg7[%select_n3A_363, %dma_start3A_364, %dma_start3A_365] : memref<2x16x128xi32, #tpu.memory_space<vmem>> -> memref<1x16x128xi32, #tpu.memory_space<vmem>>
        %dma_start3A_367 = tpu.memref_squeeze %dma_start3A_366 : memref<1x16x128xi32, #tpu.memory_space<vmem>> -> memref<16x128xi32, #tpu.memory_space<vmem>>
        %dma_start3A_368 = arith.constant 0 : i32
        %dma_start3A_369 = tpu.memref_slice %arg4[%arg1, %add3A_313, %dma_start3A_368] : memref<16x160x128xi32, #tpu.memory_space<hbm>> -> memref<1x16x128xi32, #tpu.memory_space<hbm>>
        %dma_start3A_370 = tpu.memref_squeeze %dma_start3A_369 : memref<1x16x128xi32, #tpu.memory_space<hbm>> -> memref<16x128xi32, #tpu.memory_space<hbm>>
        %dma_start3A_371 = arith.constant 0 : i32
        %dma_start3A_372 = arith.constant 0 : i32
        %dma_start3A_373 = tpu.memref_slice %arg7[%select_n3A_363, %dma_start3A_371, %dma_start3A_372] : memref<2x16x128xi32, #tpu.memory_space<vmem>> -> memref<1x16x128xi32, #tpu.memory_space<vmem>>
        %dma_start3A_374 = tpu.memref_squeeze %dma_start3A_373 : memref<1x16x128xi32, #tpu.memory_space<vmem>> -> memref<16x128xi32, #tpu.memory_space<vmem>>
        %dma_start3A_375 = arith.constant 0 : i32
        %dma_start3A_376 = tpu.memref_slice %arg4[%arg1, %add3A_313, %dma_start3A_375] : memref<16x160x128xi32, #tpu.memory_space<hbm>> -> memref<1x16x128xi32, #tpu.memory_space<hbm>>
        %dma_start3A_377 = tpu.memref_squeeze %dma_start3A_376 : memref<1x16x128xi32, #tpu.memory_space<hbm>> -> memref<16x128xi32, #tpu.memory_space<hbm>>
        tpu.enqueue_dma source(%dma_start3A_377 : memref<16x128xi32, #tpu.memory_space<hbm>>) target(%dma_start3A_374 : memref<16x128xi32, #tpu.memory_space<vmem>>) target_semaphore(%arg12 : memref<!tpu.dma_semaphore, #tpu.memory_space<semaphore_mem>>)
      } else {
      }
      %add3A_303 = arith.constant 2 : i32
      %add3A_304 = arith.addi %add3A_88, %add3A_303 : i32
      %lt3A_305 = arith.cmpi slt, %add3A_304, %select_n3A : i32
      %convert_element_type3A_306 = arith.extui %lt3A_305 : i1 to i32
      %cond3A_307 = arith.constant 0 : i32
      %cond3A_308 = arith.cmpi ne, %convert_element_type3A_306, %cond3A_307 : i32
      scf.if %cond3A_308 {
        %add3A_309 = arith.constant 2 : i32
        %add3A_310 = arith.addi %add3A_88, %add3A_309 : i32
        %jit3A_311 = arith.constant 16 : i32
        %div3A_312 = arith.divsi %add3A_310, %jit3A_311 : i32
        %sign3A_313 = arith.constant 0 : i32
        %sign3A_314 = arith.cmpi sgt, %add3A_310, %sign3A_313 : i32
        %sign3A_315 = arith.extui %sign3A_314 : i1 to i32
        %sign3A_316 = arith.constant 0 : i32
        %sign3A_317 = arith.cmpi slt, %add3A_310, %sign3A_316 : i32
        %sign3A_318 = arith.extui %sign3A_317 : i1 to i32
        %sign3A_319 = arith.subi %sign3A_315, %sign3A_318 : i32
        %sign3A_320 = arith.constant 0 : i32
        %sign3A_321 = arith.cmpi sgt, %jit3A_311, %sign3A_320 : i32
        %sign3A_322 = arith.extui %sign3A_321 : i1 to i32
        %sign3A_323 = arith.constant 0 : i32
        %sign3A_324 = arith.cmpi slt, %jit3A_311, %sign3A_323 : i32
        %sign3A_325 = arith.extui %sign3A_324 : i1 to i32
        %sign3A_326 = arith.subi %sign3A_322, %sign3A_325 : i32
        %ne3A_327 = arith.cmpi ne, %sign3A_319, %sign3A_326 : i32
        %rem3A_328 = arith.remsi %add3A_310, %jit3A_311 : i32
        %ne3A_329 = arith.constant 0 : i32
        %ne3A_330 = arith.cmpi ne, %rem3A_328, %ne3A_329 : i32
        %and3A_331 = arith.andi %ne3A_327, %ne3A_330 : i1
        %sub3A_332 = arith.constant 1 : i32
        %sub3A_333 = arith.subi %div3A_312, %sub3A_332 : i32
        %select_n3A_334 = arith.select %and3A_331, %sub3A_333, %div3A_312 : i32
        %jit3A_335 = arith.constant 2 : i32
        %eq3A_336 = arith.constant 0 : i32
        %eq3A_337 = arith.cmpi eq, %jit3A_335, %eq3A_336 : i32
        %jit3A_338 = arith.constant 1 : i32
        %select_n3A_339 = arith.select %eq3A_337, %jit3A_338, %jit3A_335 : i32
        %rem3A_340 = arith.remsi %select_n3A_334, %select_n3A_339 : i32
        %ne3A_341 = arith.constant 0 : i32
        %ne3A_342 = arith.cmpi ne, %rem3A_340, %ne3A_341 : i32
        %lt3A_343 = arith.constant 0 : i32
        %lt3A_344 = arith.cmpi slt, %rem3A_340, %lt3A_343 : i32
        %lt3A_345 = arith.constant 0 : i32
        %lt3A_346 = arith.cmpi slt, %select_n3A_339, %lt3A_345 : i32
        %ne3A_347 = arith.xori %lt3A_344, %lt3A_346 : i1
        %and3A_348 = arith.andi %ne3A_347, %ne3A_342 : i1
        %add3A_349 = arith.addi %rem3A_340, %select_n3A_339 : i32
        %select_n3A_350 = arith.select %and3A_348, %add3A_349, %rem3A_340 : i32
        %jit3A_351 = arith.constant 16 : i32
        %eq3A_352 = arith.constant 0 : i32
        %eq3A_353 = arith.cmpi eq, %jit3A_351, %eq3A_352 : i32
        %jit3A_354 = arith.constant 1 : i32
        %select_n3A_355 = arith.select %eq3A_353, %jit3A_354, %jit3A_351 : i32
        %rem3A_356 = arith.remsi %add3A_310, %select_n3A_355 : i32
        %ne3A_357 = arith.constant 0 : i32
        %ne3A_358 = arith.cmpi ne, %rem3A_356, %ne3A_357 : i32
        %lt3A_359 = arith.constant 0 : i32
        %lt3A_360 = arith.cmpi slt, %rem3A_356, %lt3A_359 : i32
        %lt3A_361 = arith.constant 0 : i32
        %lt3A_362 = arith.cmpi slt, %select_n3A_355, %lt3A_361 : i32
        %ne3A_363 = arith.xori %lt3A_360, %lt3A_362 : i1
        %and3A_364 = arith.andi %ne3A_363, %ne3A_358 : i1
        %add3A_365 = arith.addi %rem3A_356, %select_n3A_355 : i32
        %select_n3A_366 = arith.select %and3A_364, %add3A_365, %rem3A_356 : i32
        %dma_start3A_367 = arith.constant 1 : i32
        %dma_start3A_368 = arith.constant 0 : i32
        %dma_start3A_369 = arith.constant 0 : i32
        %dma_start3A_370 = tpu.memref_slice %arg8[%dma_start3A_367, %dma_start3A_368, %dma_start3A_369] : memref<2x128x128xf32, #tpu.memory_space<vmem>> -> memref<1x128x128xf32, #tpu.memory_space<vmem>>
        %dma_start3A_371 = tpu.memref_squeeze %dma_start3A_370 : memref<1x128x128xf32, #tpu.memory_space<vmem>> -> memref<128x128xf32, #tpu.memory_space<vmem>>
        %dma_start3A_372 = arith.constant 0 : i32
        %dma_start3A_373 = tpu.memref_slice %arg6[%select_n3A_350, %select_n3A_366, %dma_start3A_372] : memref<2x16x128xi32, #tpu.memory_space<vmem>> -> memref<1x1x128xi32, #tpu.memory_space<vmem>>
        %dma_start3A_374 = tpu.memref_squeeze %dma_start3A_373 : memref<1x1x128xi32, #tpu.memory_space<vmem>> -> memref<128xi32, #tpu.memory_space<vmem>>
        %dma_start3A_375 = arith.constant 0 : i32
        %dma_start3A_376 = arith.constant 0 : i32
        %dma_start3A_377 = tpu.memref_slice %arg2[%dma_start3A_375, %dma_start3A_376] : memref<10240x128xf32, #tpu.memory_space<hbm>> -> memref<10240x128xf32, #tpu.memory_space<hbm>>
        tpu.enqueue_indirect_dma source(%dma_start3A_377 : memref<10240x128xf32, #tpu.memory_space<hbm>>) target(%dma_start3A_371 : memref<128x128xf32, #tpu.memory_space<vmem>>) offsets(%dma_start3A_374 : memref<128xi32, #tpu.memory_space<vmem>>) semaphore(%arg11 : memref<!tpu.dma_semaphore, #tpu.memory_space<semaphore_mem>>)
      } else {
      }
    }
    %barrier3A_84 = arith.constant 0 : index
    tpu.barrier barrier_id(%barrier3A_84)
    "tpu.region"() ({
      %run_scoped3A_85 = tpu.sem_alloc : memref<!tpu.dma_semaphore, #tpu.memory_space<semaphore_mem>>
      %dma_start3A_86 = arith.constant 0 : i32
      %dma_start3A_87 = tpu.memref_slice %arg5[%arg0, %mul3A_0, %dma_start3A_86] : memref<2x10240x128xf32, #tpu.memory_space<hbm>> -> memref<1x632x128xf32, #tpu.memory_space<hbm>>
      %dma_start3A_88 = tpu.memref_squeeze %dma_start3A_87 : memref<1x632x128xf32, #tpu.memory_space<hbm>> -> memref<632x128xf32, #tpu.memory_space<hbm>>
      %dma_start3A_89 = arith.constant 0 : i32
      %dma_start3A_90 = tpu.memref_slice %arg9[%mul3A_0, %dma_start3A_89] : memref<10112x128xf32, #tpu.memory_space<vmem_shared>> -> memref<632x128xf32, #tpu.memory_space<vmem_shared>>
      tpu.enqueue_dma source(%dma_start3A_90 : memref<632x128xf32, #tpu.memory_space<vmem_shared>>) target(%dma_start3A_88 : memref<632x128xf32, #tpu.memory_space<hbm>>) target_semaphore(%run_scoped3A_85 : memref<!tpu.dma_semaphore, #tpu.memory_space<semaphore_mem>>)
      %dma_wait3A = arith.constant 0 : i32
      %dma_wait3A_91 = tpu.memref_slice %arg5[%arg0, %mul3A_0, %dma_wait3A] : memref<2x10240x128xf32, #tpu.memory_space<hbm>> -> memref<1x632x128xf32, #tpu.memory_space<hbm>>
      %dma_wait3A_92 = tpu.memref_squeeze %dma_wait3A_91 : memref<1x632x128xf32, #tpu.memory_space<hbm>> -> memref<632x128xf32, #tpu.memory_space<hbm>>
      %dma_wait3A_93 = arith.constant 0 : i32
      %dma_wait3A_94 = tpu.memref_slice %arg9[%mul3A_0, %dma_wait3A_93] : memref<10112x128xf32, #tpu.memory_space<vmem_shared>> -> memref<632x128xf32, #tpu.memory_space<vmem_shared>>
      tpu.wait_dma2 semaphore(%run_scoped3A_85 : memref<!tpu.dma_semaphore, #tpu.memory_space<semaphore_mem>>) src(%dma_wait3A_94 : memref<632x128xf32, #tpu.memory_space<vmem_shared>>) dst(%dma_wait3A_92 : memref<632x128xf32, #tpu.memory_space<hbm>>)
      tpu.yield
    }) : () -> ()
    return
  }
}

#map = affine_map<(d0, d1) -> (0, 0)>
#map1 = affine_map<(d0, d1) -> (0, 0, 0)>
module attributes {stable_mosaic.version = 14 : i64} {
  func.func @_agg_body(%arg0: i32, %arg1: i32, %arg2: memref<10240x128xf32, #tpu.memory_space<hbm>>, %arg3: memref<16x160x128xi32, #tpu.memory_space<hbm>>, %arg4: memref<16x160x128xi32, #tpu.memory_space<hbm>>, %arg5: memref<2x10240x128xf32, #tpu.memory_space<hbm>>, %arg6: memref<2x16x128xi32, #tpu.memory_space<vmem>>, %arg7: memref<2x16x128xi32, #tpu.memory_space<vmem>>, %arg8: memref<2x128x128xf32, #tpu.memory_space<vmem>>, %arg9: memref<10112x128xf32, #tpu.memory_space<vmem_shared>>, %arg10: memref<!tpu.dma_semaphore, #tpu.memory_space<semaphore_mem>>, %arg11: memref<!tpu.dma_semaphore, #tpu.memory_space<semaphore_mem>>, %arg12: memref<!tpu.dma_semaphore, #tpu.memory_space<semaphore_mem>>) attributes {dimension_semantics = [#tpu.dimension_semantics<core_parallel>, #tpu.dimension_semantics<subcore_parallel>], iteration_bounds = array<i64: 2, 16>, scalar_prefetch = 0 : i64, scratch_operands = 7 : i64, tpu.core_type = #tpu.core_type<sc_vector_subcore>, window_params = [{transform_indices = #map}, {transform_indices = #map1}, {transform_indices = #map1}, {transform_indices = #map1}]} {
    %mul3A = arith.constant 632 : i32
    %mul3A_0 = arith.muli %arg1, %mul3A : i32
    "tpu.region"() ({
      %run_scoped3A_85 = tpu.sem_alloc : memref<!tpu.dma_semaphore, #tpu.memory_space<semaphore_mem>>
      %dma_start3A_86 = arith.constant 0 : i32
      %dma_start3A_87 = tpu.memref_slice %arg9[%mul3A_0, %dma_start3A_86] : memref<10112x128xf32, #tpu.memory_space<vmem_shared>> -> memref<632x128xf32, #tpu.memory_space<vmem_shared>>
      %dma_start3A_88 = arith.constant 0 : i32
      %dma_start3A_89 = tpu.memref_slice %arg2[%mul3A_0, %dma_start3A_88] : memref<10240x128xf32, #tpu.memory_space<hbm>> -> memref<632x128xf32, #tpu.memory_space<hbm>>
      tpu.enqueue_dma source(%dma_start3A_89 : memref<632x128xf32, #tpu.memory_space<hbm>>) target(%dma_start3A_87 : memref<632x128xf32, #tpu.memory_space<vmem_shared>>) target_semaphore(%run_scoped3A_85 : memref<!tpu.dma_semaphore, #tpu.memory_space<semaphore_mem>>)
      %dma_wait3A = arith.constant 0 : i32
      %dma_wait3A_90 = tpu.memref_slice %arg9[%mul3A_0, %dma_wait3A] : memref<10112x128xf32, #tpu.memory_space<vmem_shared>> -> memref<632x128xf32, #tpu.memory_space<vmem_shared>>
      %dma_wait3A_91 = arith.constant 0 : i32
      %dma_wait3A_92 = tpu.memref_slice %arg2[%mul3A_0, %dma_wait3A_91] : memref<10240x128xf32, #tpu.memory_space<hbm>> -> memref<632x128xf32, #tpu.memory_space<hbm>>
      tpu.wait_dma2 semaphore(%run_scoped3A_85 : memref<!tpu.dma_semaphore, #tpu.memory_space<semaphore_mem>>) src(%dma_wait3A_92 : memref<632x128xf32, #tpu.memory_space<hbm>>) dst(%dma_wait3A_90 : memref<632x128xf32, #tpu.memory_space<vmem_shared>>)
      tpu.yield
    }) : () -> ()
    %barrier3A = arith.constant 0 : index
    tpu.barrier barrier_id(%barrier3A)
    %mul3A_1 = arith.constant 80 : i32
    %mul3A_2 = arith.muli %arg0, %mul3A_1 : i32
    %eq3A = arith.constant 0 : i32
    %eq3A_3 = arith.cmpi eq, %arg0, %eq3A : i32
    %jit3A = arith.constant 80 : i32
    %jit3A_4 = arith.constant 80 : i32
    %select_n3A = arith.select %eq3A_3, %jit3A, %jit3A_4 : i32
    %jit3A_5 = arith.constant 16 : i32
    %div3A = arith.divsi %select_n3A, %jit3A_5 : i32
    %sign3A = arith.constant 0 : i32
    %sign3A_6 = arith.cmpi sgt, %select_n3A, %sign3A : i32
    %sign3A_7 = arith.extui %sign3A_6 : i1 to i32
    %sign3A_8 = arith.constant 0 : i32
    %sign3A_9 = arith.cmpi slt, %select_n3A, %sign3A_8 : i32
    %sign3A_10 = arith.extui %sign3A_9 : i1 to i32
    %sign3A_11 = arith.subi %sign3A_7, %sign3A_10 : i32
    %sign3A_12 = arith.constant 0 : i32
    %sign3A_13 = arith.cmpi sgt, %jit3A_5, %sign3A_12 : i32
    %sign3A_14 = arith.extui %sign3A_13 : i1 to i32
    %sign3A_15 = arith.constant 0 : i32
    %sign3A_16 = arith.cmpi slt, %jit3A_5, %sign3A_15 : i32
    %sign3A_17 = arith.extui %sign3A_16 : i1 to i32
    %sign3A_18 = arith.subi %sign3A_14, %sign3A_17 : i32
    %ne3A = arith.cmpi ne, %sign3A_11, %sign3A_18 : i32
    %rem3A = arith.remsi %select_n3A, %jit3A_5 : i32
    %ne3A_19 = arith.constant 0 : i32
    %ne3A_20 = arith.cmpi ne, %rem3A, %ne3A_19 : i32
    %and3A = arith.andi %ne3A, %ne3A_20 : i1
    %sub3A = arith.constant 1 : i32
    %sub3A_21 = arith.subi %div3A, %sub3A : i32
    %select_n3A_22 = arith.select %and3A, %sub3A_21, %div3A : i32
    %run_scoped3A = arith.constant 0 : i32
    "tpu.region"() ({
      %run_scoped3A_85 = tpu.sem_alloc : memref<!tpu.dma_semaphore, #tpu.memory_space<semaphore_mem>>
      %dma_start3A_86 = arith.constant 0 : i32
      %dma_start3A_87 = arith.constant 0 : i32
      %dma_start3A_88 = tpu.memref_slice %arg6[%run_scoped3A, %dma_start3A_86, %dma_start3A_87] : memref<2x16x128xi32, #tpu.memory_space<vmem>> -> memref<1x16x128xi32, #tpu.memory_space<vmem>>
      %dma_start3A_89 = tpu.memref_squeeze %dma_start3A_88 : memref<1x16x128xi32, #tpu.memory_space<vmem>> -> memref<16x128xi32, #tpu.memory_space<vmem>>
      %dma_start3A_90 = arith.constant 0 : i32
      %dma_start3A_91 = tpu.memref_slice %arg3[%arg1, %mul3A_2, %dma_start3A_90] : memref<16x160x128xi32, #tpu.memory_space<hbm>> -> memref<1x16x128xi32, #tpu.memory_space<hbm>>
      %dma_start3A_92 = tpu.memref_squeeze %dma_start3A_91 : memref<1x16x128xi32, #tpu.memory_space<hbm>> -> memref<16x128xi32, #tpu.memory_space<hbm>>
      %dma_start3A_93 = arith.constant 0 : i32
      %dma_start3A_94 = arith.constant 0 : i32
      %dma_start3A_95 = tpu.memref_slice %arg6[%run_scoped3A, %dma_start3A_93, %dma_start3A_94] : memref<2x16x128xi32, #tpu.memory_space<vmem>> -> memref<1x16x128xi32, #tpu.memory_space<vmem>>
      %dma_start3A_96 = tpu.memref_squeeze %dma_start3A_95 : memref<1x16x128xi32, #tpu.memory_space<vmem>> -> memref<16x128xi32, #tpu.memory_space<vmem>>
      %dma_start3A_97 = arith.constant 0 : i32
      %dma_start3A_98 = tpu.memref_slice %arg3[%arg1, %mul3A_2, %dma_start3A_97] : memref<16x160x128xi32, #tpu.memory_space<hbm>> -> memref<1x16x128xi32, #tpu.memory_space<hbm>>
      %dma_start3A_99 = tpu.memref_squeeze %dma_start3A_98 : memref<1x16x128xi32, #tpu.memory_space<hbm>> -> memref<16x128xi32, #tpu.memory_space<hbm>>
      tpu.enqueue_dma source(%dma_start3A_99 : memref<16x128xi32, #tpu.memory_space<hbm>>) target(%dma_start3A_96 : memref<16x128xi32, #tpu.memory_space<vmem>>) target_semaphore(%run_scoped3A_85 : memref<!tpu.dma_semaphore, #tpu.memory_space<semaphore_mem>>)
      %dma_wait3A = arith.constant 0 : i32
      %dma_wait3A_100 = arith.constant 0 : i32
      %dma_wait3A_101 = tpu.memref_slice %arg6[%run_scoped3A, %dma_wait3A, %dma_wait3A_100] : memref<2x16x128xi32, #tpu.memory_space<vmem>> -> memref<1x16x128xi32, #tpu.memory_space<vmem>>
      %dma_wait3A_102 = tpu.memref_squeeze %dma_wait3A_101 : memref<1x16x128xi32, #tpu.memory_space<vmem>> -> memref<16x128xi32, #tpu.memory_space<vmem>>
      %dma_wait3A_103 = arith.constant 0 : i32
      %dma_wait3A_104 = tpu.memref_slice %arg3[%arg1, %mul3A_2, %dma_wait3A_103] : memref<16x160x128xi32, #tpu.memory_space<hbm>> -> memref<1x16x128xi32, #tpu.memory_space<hbm>>
      %dma_wait3A_105 = tpu.memref_squeeze %dma_wait3A_104 : memref<1x16x128xi32, #tpu.memory_space<hbm>> -> memref<16x128xi32, #tpu.memory_space<hbm>>
      %dma_wait3A_106 = arith.constant 0 : i32
      %dma_wait3A_107 = arith.constant 0 : i32
      %dma_wait3A_108 = tpu.memref_slice %arg6[%run_scoped3A, %dma_wait3A_106, %dma_wait3A_107] : memref<2x16x128xi32, #tpu.memory_space<vmem>> -> memref<1x16x128xi32, #tpu.memory_space<vmem>>
      %dma_wait3A_109 = tpu.memref_squeeze %dma_wait3A_108 : memref<1x16x128xi32, #tpu.memory_space<vmem>> -> memref<16x128xi32, #tpu.memory_space<vmem>>
      %dma_wait3A_110 = arith.constant 0 : i32
      %dma_wait3A_111 = tpu.memref_slice %arg3[%arg1, %mul3A_2, %dma_wait3A_110] : memref<16x160x128xi32, #tpu.memory_space<hbm>> -> memref<1x16x128xi32, #tpu.memory_space<hbm>>
      %dma_wait3A_112 = tpu.memref_squeeze %dma_wait3A_111 : memref<1x16x128xi32, #tpu.memory_space<hbm>> -> memref<16x128xi32, #tpu.memory_space<hbm>>
      tpu.wait_dma2 semaphore(%run_scoped3A_85 : memref<!tpu.dma_semaphore, #tpu.memory_space<semaphore_mem>>) src(%dma_wait3A_112 : memref<16x128xi32, #tpu.memory_space<hbm>>) dst(%dma_wait3A_109 : memref<16x128xi32, #tpu.memory_space<vmem>>)
      tpu.yield
    }) : () -> ()
    %run_scoped3A_23 = arith.constant 0 : i32
    "tpu.region"() ({
      %run_scoped3A_85 = tpu.sem_alloc : memref<!tpu.dma_semaphore, #tpu.memory_space<semaphore_mem>>
      %dma_start3A_86 = arith.constant 0 : i32
      %dma_start3A_87 = arith.constant 0 : i32
      %dma_start3A_88 = tpu.memref_slice %arg7[%run_scoped3A_23, %dma_start3A_86, %dma_start3A_87] : memref<2x16x128xi32, #tpu.memory_space<vmem>> -> memref<1x16x128xi32, #tpu.memory_space<vmem>>
      %dma_start3A_89 = tpu.memref_squeeze %dma_start3A_88 : memref<1x16x128xi32, #tpu.memory_space<vmem>> -> memref<16x128xi32, #tpu.memory_space<vmem>>
      %dma_start3A_90 = arith.constant 0 : i32
      %dma_start3A_91 = tpu.memref_slice %arg4[%arg1, %mul3A_2, %dma_start3A_90] : memref<16x160x128xi32, #tpu.memory_space<hbm>> -> memref<1x16x128xi32, #tpu.memory_space<hbm>>
      %dma_start3A_92 = tpu.memref_squeeze %dma_start3A_91 : memref<1x16x128xi32, #tpu.memory_space<hbm>> -> memref<16x128xi32, #tpu.memory_space<hbm>>
      %dma_start3A_93 = arith.constant 0 : i32
      %dma_start3A_94 = arith.constant 0 : i32
      %dma_start3A_95 = tpu.memref_slice %arg7[%run_scoped3A_23, %dma_start3A_93, %dma_start3A_94] : memref<2x16x128xi32, #tpu.memory_space<vmem>> -> memref<1x16x128xi32, #tpu.memory_space<vmem>>
      %dma_start3A_96 = tpu.memref_squeeze %dma_start3A_95 : memref<1x16x128xi32, #tpu.memory_space<vmem>> -> memref<16x128xi32, #tpu.memory_space<vmem>>
      %dma_start3A_97 = arith.constant 0 : i32
      %dma_start3A_98 = tpu.memref_slice %arg4[%arg1, %mul3A_2, %dma_start3A_97] : memref<16x160x128xi32, #tpu.memory_space<hbm>> -> memref<1x16x128xi32, #tpu.memory_space<hbm>>
      %dma_start3A_99 = tpu.memref_squeeze %dma_start3A_98 : memref<1x16x128xi32, #tpu.memory_space<hbm>> -> memref<16x128xi32, #tpu.memory_space<hbm>>
      tpu.enqueue_dma source(%dma_start3A_99 : memref<16x128xi32, #tpu.memory_space<hbm>>) target(%dma_start3A_96 : memref<16x128xi32, #tpu.memory_space<vmem>>) target_semaphore(%run_scoped3A_85 : memref<!tpu.dma_semaphore, #tpu.memory_space<semaphore_mem>>)
      %dma_wait3A = arith.constant 0 : i32
      %dma_wait3A_100 = arith.constant 0 : i32
      %dma_wait3A_101 = tpu.memref_slice %arg7[%run_scoped3A_23, %dma_wait3A, %dma_wait3A_100] : memref<2x16x128xi32, #tpu.memory_space<vmem>> -> memref<1x16x128xi32, #tpu.memory_space<vmem>>
      %dma_wait3A_102 = tpu.memref_squeeze %dma_wait3A_101 : memref<1x16x128xi32, #tpu.memory_space<vmem>> -> memref<16x128xi32, #tpu.memory_space<vmem>>
      %dma_wait3A_103 = arith.constant 0 : i32
      %dma_wait3A_104 = tpu.memref_slice %arg4[%arg1, %mul3A_2, %dma_wait3A_103] : memref<16x160x128xi32, #tpu.memory_space<hbm>> -> memref<1x16x128xi32, #tpu.memory_space<hbm>>
      %dma_wait3A_105 = tpu.memref_squeeze %dma_wait3A_104 : memref<1x16x128xi32, #tpu.memory_space<hbm>> -> memref<16x128xi32, #tpu.memory_space<hbm>>
      %dma_wait3A_106 = arith.constant 0 : i32
      %dma_wait3A_107 = arith.constant 0 : i32
      %dma_wait3A_108 = tpu.memref_slice %arg7[%run_scoped3A_23, %dma_wait3A_106, %dma_wait3A_107] : memref<2x16x128xi32, #tpu.memory_space<vmem>> -> memref<1x16x128xi32, #tpu.memory_space<vmem>>
      %dma_wait3A_109 = tpu.memref_squeeze %dma_wait3A_108 : memref<1x16x128xi32, #tpu.memory_space<vmem>> -> memref<16x128xi32, #tpu.memory_space<vmem>>
      %dma_wait3A_110 = arith.constant 0 : i32
      %dma_wait3A_111 = tpu.memref_slice %arg4[%arg1, %mul3A_2, %dma_wait3A_110] : memref<16x160x128xi32, #tpu.memory_space<hbm>> -> memref<1x16x128xi32, #tpu.memory_space<hbm>>
      %dma_wait3A_112 = tpu.memref_squeeze %dma_wait3A_111 : memref<1x16x128xi32, #tpu.memory_space<hbm>> -> memref<16x128xi32, #tpu.memory_space<hbm>>
      tpu.wait_dma2 semaphore(%run_scoped3A_85 : memref<!tpu.dma_semaphore, #tpu.memory_space<semaphore_mem>>) src(%dma_wait3A_112 : memref<16x128xi32, #tpu.memory_space<hbm>>) dst(%dma_wait3A_109 : memref<16x128xi32, #tpu.memory_space<vmem>>)
      tpu.yield
    }) : () -> ()
    %gt3A = arith.constant 1 : i32
    %gt3A_24 = arith.cmpi sgt, %select_n3A_22, %gt3A : i32
    %convert_element_type3A = arith.extui %gt3A_24 : i1 to i32
    %cond3A = arith.constant 0 : i32
    %cond3A_25 = arith.cmpi ne, %convert_element_type3A, %cond3A : i32
    scf.if %cond3A_25 {
      %add3A = arith.constant 16 : i32
      %add3A_85 = arith.addi %mul3A_2, %add3A : i32
      %dma_start3A_86 = arith.constant 1 : i32
      %dma_start3A_87 = arith.constant 0 : i32
      %dma_start3A_88 = arith.constant 0 : i32
      %dma_start3A_89 = tpu.memref_slice %arg6[%dma_start3A_86, %dma_start3A_87, %dma_start3A_88] : memref<2x16x128xi32, #tpu.memory_space<vmem>> -> memref<1x16x128xi32, #tpu.memory_space<vmem>>
      %dma_start3A_90 = tpu.memref_squeeze %dma_start3A_89 : memref<1x16x128xi32, #tpu.memory_space<vmem>> -> memref<16x128xi32, #tpu.memory_space<vmem>>
      %dma_start3A_91 = arith.constant 0 : i32
      %dma_start3A_92 = tpu.memref_slice %arg3[%arg1, %add3A_85, %dma_start3A_91] : memref<16x160x128xi32, #tpu.memory_space<hbm>> -> memref<1x16x128xi32, #tpu.memory_space<hbm>>
      %dma_start3A_93 = tpu.memref_squeeze %dma_start3A_92 : memref<1x16x128xi32, #tpu.memory_space<hbm>> -> memref<16x128xi32, #tpu.memory_space<hbm>>
      %dma_start3A_94 = arith.constant 0 : i32
      %dma_start3A_95 = arith.constant 0 : i32
      %dma_start3A_96 = tpu.memref_slice %arg6[%dma_start3A_86, %dma_start3A_94, %dma_start3A_95] : memref<2x16x128xi32, #tpu.memory_space<vmem>> -> memref<1x16x128xi32, #tpu.memory_space<vmem>>
      %dma_start3A_97 = tpu.memref_squeeze %dma_start3A_96 : memref<1x16x128xi32, #tpu.memory_space<vmem>> -> memref<16x128xi32, #tpu.memory_space<vmem>>
      %dma_start3A_98 = arith.constant 0 : i32
      %dma_start3A_99 = tpu.memref_slice %arg3[%arg1, %add3A_85, %dma_start3A_98] : memref<16x160x128xi32, #tpu.memory_space<hbm>> -> memref<1x16x128xi32, #tpu.memory_space<hbm>>
      %dma_start3A_100 = tpu.memref_squeeze %dma_start3A_99 : memref<1x16x128xi32, #tpu.memory_space<hbm>> -> memref<16x128xi32, #tpu.memory_space<hbm>>
      tpu.enqueue_dma source(%dma_start3A_100 : memref<16x128xi32, #tpu.memory_space<hbm>>) target(%dma_start3A_97 : memref<16x128xi32, #tpu.memory_space<vmem>>) target_semaphore(%arg12 : memref<!tpu.dma_semaphore, #tpu.memory_space<semaphore_mem>>)
      %add3A_101 = arith.constant 16 : i32
      %add3A_102 = arith.addi %mul3A_2, %add3A_101 : i32
      %dma_start3A_103 = arith.constant 1 : i32
      %dma_start3A_104 = arith.constant 0 : i32
      %dma_start3A_105 = arith.constant 0 : i32
      %dma_start3A_106 = tpu.memref_slice %arg7[%dma_start3A_103, %dma_start3A_104, %dma_start3A_105] : memref<2x16x128xi32, #tpu.memory_space<vmem>> -> memref<1x16x128xi32, #tpu.memory_space<vmem>>
      %dma_start3A_107 = tpu.memref_squeeze %dma_start3A_106 : memref<1x16x128xi32, #tpu.memory_space<vmem>> -> memref<16x128xi32, #tpu.memory_space<vmem>>
      %dma_start3A_108 = arith.constant 0 : i32
      %dma_start3A_109 = tpu.memref_slice %arg4[%arg1, %add3A_102, %dma_start3A_108] : memref<16x160x128xi32, #tpu.memory_space<hbm>> -> memref<1x16x128xi32, #tpu.memory_space<hbm>>
      %dma_start3A_110 = tpu.memref_squeeze %dma_start3A_109 : memref<1x16x128xi32, #tpu.memory_space<hbm>> -> memref<16x128xi32, #tpu.memory_space<hbm>>
      %dma_start3A_111 = arith.constant 0 : i32
      %dma_start3A_112 = arith.constant 0 : i32
      %dma_start3A_113 = tpu.memref_slice %arg7[%dma_start3A_103, %dma_start3A_111, %dma_start3A_112] : memref<2x16x128xi32, #tpu.memory_space<vmem>> -> memref<1x16x128xi32, #tpu.memory_space<vmem>>
      %dma_start3A_114 = tpu.memref_squeeze %dma_start3A_113 : memref<1x16x128xi32, #tpu.memory_space<vmem>> -> memref<16x128xi32, #tpu.memory_space<vmem>>
      %dma_start3A_115 = arith.constant 0 : i32
      %dma_start3A_116 = tpu.memref_slice %arg4[%arg1, %add3A_102, %dma_start3A_115] : memref<16x160x128xi32, #tpu.memory_space<hbm>> -> memref<1x16x128xi32, #tpu.memory_space<hbm>>
      %dma_start3A_117 = tpu.memref_squeeze %dma_start3A_116 : memref<1x16x128xi32, #tpu.memory_space<hbm>> -> memref<16x128xi32, #tpu.memory_space<hbm>>
      tpu.enqueue_dma source(%dma_start3A_117 : memref<16x128xi32, #tpu.memory_space<hbm>>) target(%dma_start3A_114 : memref<16x128xi32, #tpu.memory_space<vmem>>) target_semaphore(%arg12 : memref<!tpu.dma_semaphore, #tpu.memory_space<semaphore_mem>>)
    } else {
    }
    %dma_start3A = arith.constant 0 : i32
    %dma_start3A_26 = arith.constant 0 : i32
    %dma_start3A_27 = arith.constant 0 : i32
    %dma_start3A_28 = arith.constant 0 : i32
    %dma_start3A_29 = arith.constant 0 : i32
    %dma_start3A_30 = tpu.memref_slice %arg8[%dma_start3A_27, %dma_start3A_28, %dma_start3A_29] : memref<2x128x128xf32, #tpu.memory_space<vmem>> -> memref<1x128x128xf32, #tpu.memory_space<vmem>>
    %dma_start3A_31 = tpu.memref_squeeze %dma_start3A_30 : memref<1x128x128xf32, #tpu.memory_space<vmem>> -> memref<128x128xf32, #tpu.memory_space<vmem>>
    %dma_start3A_32 = arith.constant 0 : i32
    %dma_start3A_33 = tpu.memref_slice %arg6[%dma_start3A, %dma_start3A_26, %dma_start3A_32] : memref<2x16x128xi32, #tpu.memory_space<vmem>> -> memref<1x1x128xi32, #tpu.memory_space<vmem>>
    %dma_start3A_34 = tpu.memref_squeeze %dma_start3A_33 : memref<1x1x128xi32, #tpu.memory_space<vmem>> -> memref<128xi32, #tpu.memory_space<vmem>>
    %dma_start3A_35 = arith.constant 0 : i32
    %dma_start3A_36 = arith.constant 0 : i32
    %dma_start3A_37 = tpu.memref_slice %arg2[%dma_start3A_35, %dma_start3A_36] : memref<10240x128xf32, #tpu.memory_space<hbm>> -> memref<10240x128xf32, #tpu.memory_space<hbm>>
    tpu.enqueue_indirect_dma source(%dma_start3A_37 : memref<10240x128xf32, #tpu.memory_space<hbm>>) target(%dma_start3A_31 : memref<128x128xf32, #tpu.memory_space<vmem>>) offsets(%dma_start3A_34 : memref<128xi32, #tpu.memory_space<vmem>>) semaphore(%arg10 : memref<!tpu.dma_semaphore, #tpu.memory_space<semaphore_mem>>)
    %dma_start3A_38 = arith.constant 0 : i32
    %dma_start3A_39 = arith.constant 1 : i32
    %dma_start3A_40 = arith.constant 1 : i32
    %dma_start3A_41 = arith.constant 0 : i32
    %dma_start3A_42 = arith.constant 0 : i32
    %dma_start3A_43 = tpu.memref_slice %arg8[%dma_start3A_40, %dma_start3A_41, %dma_start3A_42] : memref<2x128x128xf32, #tpu.memory_space<vmem>> -> memref<1x128x128xf32, #tpu.memory_space<vmem>>
    %dma_start3A_44 = tpu.memref_squeeze %dma_start3A_43 : memref<1x128x128xf32, #tpu.memory_space<vmem>> -> memref<128x128xf32, #tpu.memory_space<vmem>>
    %dma_start3A_45 = arith.constant 0 : i32
    %dma_start3A_46 = tpu.memref_slice %arg6[%dma_start3A_38, %dma_start3A_39, %dma_start3A_45] : memref<2x16x128xi32, #tpu.memory_space<vmem>> -> memref<1x1x128xi32, #tpu.memory_space<vmem>>
    %dma_start3A_47 = tpu.memref_squeeze %dma_start3A_46 : memref<1x1x128xi32, #tpu.memory_space<vmem>> -> memref<128xi32, #tpu.memory_space<vmem>>
    %dma_start3A_48 = arith.constant 0 : i32
    %dma_start3A_49 = arith.constant 0 : i32
    %dma_start3A_50 = tpu.memref_slice %arg2[%dma_start3A_48, %dma_start3A_49] : memref<10240x128xf32, #tpu.memory_space<hbm>> -> memref<10240x128xf32, #tpu.memory_space<hbm>>
    tpu.enqueue_indirect_dma source(%dma_start3A_50 : memref<10240x128xf32, #tpu.memory_space<hbm>>) target(%dma_start3A_44 : memref<128x128xf32, #tpu.memory_space<vmem>>) offsets(%dma_start3A_47 : memref<128xi32, #tpu.memory_space<vmem>>) semaphore(%arg11 : memref<!tpu.dma_semaphore, #tpu.memory_space<semaphore_mem>>)
    %jit3A_51 = arith.constant 2 : i32
    %div3A_52 = arith.divsi %select_n3A, %jit3A_51 : i32
    %sign3A_53 = arith.constant 0 : i32
    %sign3A_54 = arith.cmpi sgt, %select_n3A, %sign3A_53 : i32
    %sign3A_55 = arith.extui %sign3A_54 : i1 to i32
    %sign3A_56 = arith.constant 0 : i32
    %sign3A_57 = arith.cmpi slt, %select_n3A, %sign3A_56 : i32
    %sign3A_58 = arith.extui %sign3A_57 : i1 to i32
    %sign3A_59 = arith.subi %sign3A_55, %sign3A_58 : i32
    %sign3A_60 = arith.constant 0 : i32
    %sign3A_61 = arith.cmpi sgt, %jit3A_51, %sign3A_60 : i32
    %sign3A_62 = arith.extui %sign3A_61 : i1 to i32
    %sign3A_63 = arith.constant 0 : i32
    %sign3A_64 = arith.cmpi slt, %jit3A_51, %sign3A_63 : i32
    %sign3A_65 = arith.extui %sign3A_64 : i1 to i32
    %sign3A_66 = arith.subi %sign3A_62, %sign3A_65 : i32
    %ne3A_67 = arith.cmpi ne, %sign3A_59, %sign3A_66 : i32
    %rem3A_68 = arith.remsi %select_n3A, %jit3A_51 : i32
    %ne3A_69 = arith.constant 0 : i32
    %ne3A_70 = arith.cmpi ne, %rem3A_68, %ne3A_69 : i32
    %and3A_71 = arith.andi %ne3A_67, %ne3A_70 : i1
    %sub3A_72 = arith.constant 1 : i32
    %sub3A_73 = arith.subi %div3A_52, %sub3A_72 : i32
    %select_n3A_74 = arith.select %and3A_71, %sub3A_73, %div3A_52 : i32
    %while3A = arith.constant 0 : i32
    %while3A_75 = arith.constant 0 : i32
    %while3A_76 = arith.subi %select_n3A_74, %while3A_75 : i32
    %while3A_77 = arith.addi %while3A_75, %while3A_76 : i32
    %while3A_78 = arith.constant 1 : i32
    %while3A_79 = arith.divsi %while3A_76, %while3A_78 : i32
    %while3A_80 = arith.muli %while3A_79, %while3A_78 : i32
    %while3A_81 = arith.addi %while3A_75, %while3A_80 : i32
    %while3A_82 = arith.constant 1 : i32
    scf.for %while3A_85 = %while3A_75 to %while3A_81 step %while3A_82  : i32 {
      %mul3A_86 = arith.constant 2 : i32
      %mul3A_87 = arith.muli %while3A_85, %mul3A_86 : i32
      %add3A = arith.constant 1 : i32
      %add3A_88 = arith.addi %mul3A_87, %add3A : i32
      %add3A_89 = arith.constant 2 : i32
      %add3A_90 = arith.addi %mul3A_87, %add3A_89 : i32
      %jit3A_91 = arith.constant 16 : i32
      %div3A_92 = arith.divsi %add3A_90, %jit3A_91 : i32
      %sign3A_93 = arith.constant 0 : i32
      %sign3A_94 = arith.cmpi sgt, %add3A_90, %sign3A_93 : i32
      %sign3A_95 = arith.extui %sign3A_94 : i1 to i32
      %sign3A_96 = arith.constant 0 : i32
      %sign3A_97 = arith.cmpi slt, %add3A_90, %sign3A_96 : i32
      %sign3A_98 = arith.extui %sign3A_97 : i1 to i32
      %sign3A_99 = arith.subi %sign3A_95, %sign3A_98 : i32
      %sign3A_100 = arith.constant 0 : i32
      %sign3A_101 = arith.cmpi sgt, %jit3A_91, %sign3A_100 : i32
      %sign3A_102 = arith.extui %sign3A_101 : i1 to i32
      %sign3A_103 = arith.constant 0 : i32
      %sign3A_104 = arith.cmpi slt, %jit3A_91, %sign3A_103 : i32
      %sign3A_105 = arith.extui %sign3A_104 : i1 to i32
      %sign3A_106 = arith.subi %sign3A_102, %sign3A_105 : i32
      %ne3A_107 = arith.cmpi ne, %sign3A_99, %sign3A_106 : i32
      %rem3A_108 = arith.remsi %add3A_90, %jit3A_91 : i32
      %ne3A_109 = arith.constant 0 : i32
      %ne3A_110 = arith.cmpi ne, %rem3A_108, %ne3A_109 : i32
      %and3A_111 = arith.andi %ne3A_107, %ne3A_110 : i1
      %sub3A_112 = arith.constant 1 : i32
      %sub3A_113 = arith.subi %div3A_92, %sub3A_112 : i32
      %select_n3A_114 = arith.select %and3A_111, %sub3A_113, %div3A_92 : i32
      %jit3A_115 = arith.constant 2 : i32
      %eq3A_116 = arith.constant 0 : i32
      %eq3A_117 = arith.cmpi eq, %jit3A_115, %eq3A_116 : i32
      %jit3A_118 = arith.constant 1 : i32
      %select_n3A_119 = arith.select %eq3A_117, %jit3A_118, %jit3A_115 : i32
      %rem3A_120 = arith.remsi %select_n3A_114, %select_n3A_119 : i32
      %ne3A_121 = arith.constant 0 : i32
      %ne3A_122 = arith.cmpi ne, %rem3A_120, %ne3A_121 : i32
      %lt3A = arith.constant 0 : i32
      %lt3A_123 = arith.cmpi slt, %rem3A_120, %lt3A : i32
      %lt3A_124 = arith.constant 0 : i32
      %lt3A_125 = arith.cmpi slt, %select_n3A_119, %lt3A_124 : i32
      %ne3A_126 = arith.xori %lt3A_123, %lt3A_125 : i1
      %and3A_127 = arith.andi %ne3A_126, %ne3A_122 : i1
      %add3A_128 = arith.addi %rem3A_120, %select_n3A_119 : i32
      %select_n3A_129 = arith.select %and3A_127, %add3A_128, %rem3A_120 : i32
      %lt3A_130 = arith.cmpi slt, %add3A_90, %select_n3A : i32
      %jit3A_131 = arith.constant 16 : i32
      %eq3A_132 = arith.constant 0 : i32
      %eq3A_133 = arith.cmpi eq, %jit3A_131, %eq3A_132 : i32
      %jit3A_134 = arith.constant 1 : i32
      %select_n3A_135 = arith.select %eq3A_133, %jit3A_134, %jit3A_131 : i32
      %rem3A_136 = arith.remsi %add3A_90, %select_n3A_135 : i32
      %ne3A_137 = arith.constant 0 : i32
      %ne3A_138 = arith.cmpi ne, %rem3A_136, %ne3A_137 : i32
      %lt3A_139 = arith.constant 0 : i32
      %lt3A_140 = arith.cmpi slt, %rem3A_136, %lt3A_139 : i32
      %lt3A_141 = arith.constant 0 : i32
      %lt3A_142 = arith.cmpi slt, %select_n3A_135, %lt3A_141 : i32
      %ne3A_143 = arith.xori %lt3A_140, %lt3A_142 : i1
      %and3A_144 = arith.andi %ne3A_143, %ne3A_138 : i1
      %add3A_145 = arith.addi %rem3A_136, %select_n3A_135 : i32
      %select_n3A_146 = arith.select %and3A_144, %add3A_145, %rem3A_136 : i32
      %eq3A_147 = arith.constant 0 : i32
      %eq3A_148 = arith.cmpi eq, %select_n3A_146, %eq3A_147 : i32
      %and3A_149 = arith.andi %lt3A_130, %eq3A_148 : i1
      %dma_wait3A = arith.constant 0 : i32
      %dma_wait3A_150 = arith.constant 0 : i32
      %dma_wait3A_151 = arith.constant 0 : i32
      %dma_wait3A_152 = arith.constant 0 : i32
      %dma_wait3A_153 = arith.constant 0 : i32
      %dma_wait3A_154 = tpu.memref_slice %arg8[%dma_wait3A_151, %dma_wait3A_152, %dma_wait3A_153] : memref<2x128x128xf32, #tpu.memory_space<vmem>> -> memref<1x128x128xf32, #tpu.memory_space<vmem>>
      %dma_wait3A_155 = tpu.memref_squeeze %dma_wait3A_154 : memref<1x128x128xf32, #tpu.memory_space<vmem>> -> memref<128x128xf32, #tpu.memory_space<vmem>>
      %dma_wait3A_156 = arith.constant 0 : i32
      %dma_wait3A_157 = tpu.memref_slice %arg6[%dma_wait3A, %dma_wait3A_150, %dma_wait3A_156] : memref<2x16x128xi32, #tpu.memory_space<vmem>> -> memref<1x1x128xi32, #tpu.memory_space<vmem>>
      %dma_wait3A_158 = tpu.memref_squeeze %dma_wait3A_157 : memref<1x1x128xi32, #tpu.memory_space<vmem>> -> memref<128xi32, #tpu.memory_space<vmem>>
      %dma_wait3A_159 = arith.constant 0 : i32
      %dma_wait3A_160 = arith.constant 0 : i32
      %dma_wait3A_161 = tpu.memref_slice %arg2[%dma_wait3A_159, %dma_wait3A_160] : memref<10240x128xf32, #tpu.memory_space<hbm>> -> memref<10240x128xf32, #tpu.memory_space<hbm>>
      tpu.wait_indirect_dma semaphore(%arg10 : memref<!tpu.dma_semaphore, #tpu.memory_space<semaphore_mem>>) src(%dma_wait3A_161 : memref<10240x128xf32, #tpu.memory_space<hbm>>) dst(%dma_wait3A_155 : memref<128x128xf32, #tpu.memory_space<vmem>>)
      %jit3A_162 = arith.constant 16 : i32
      %div3A_163 = arith.divsi %mul3A_87, %jit3A_162 : i32
      %sign3A_164 = arith.constant 0 : i32
      %sign3A_165 = arith.cmpi sgt, %mul3A_87, %sign3A_164 : i32
      %sign3A_166 = arith.extui %sign3A_165 : i1 to i32
      %sign3A_167 = arith.constant 0 : i32
      %sign3A_168 = arith.cmpi slt, %mul3A_87, %sign3A_167 : i32
      %sign3A_169 = arith.extui %sign3A_168 : i1 to i32
      %sign3A_170 = arith.subi %sign3A_166, %sign3A_169 : i32
      %sign3A_171 = arith.constant 0 : i32
      %sign3A_172 = arith.cmpi sgt, %jit3A_162, %sign3A_171 : i32
      %sign3A_173 = arith.extui %sign3A_172 : i1 to i32
      %sign3A_174 = arith.constant 0 : i32
      %sign3A_175 = arith.cmpi slt, %jit3A_162, %sign3A_174 : i32
      %sign3A_176 = arith.extui %sign3A_175 : i1 to i32
      %sign3A_177 = arith.subi %sign3A_173, %sign3A_176 : i32
      %ne3A_178 = arith.cmpi ne, %sign3A_170, %sign3A_177 : i32
      %rem3A_179 = arith.remsi %mul3A_87, %jit3A_162 : i32
      %ne3A_180 = arith.constant 0 : i32
      %ne3A_181 = arith.cmpi ne, %rem3A_179, %ne3A_180 : i32
      %and3A_182 = arith.andi %ne3A_178, %ne3A_181 : i1
      %sub3A_183 = arith.constant 1 : i32
      %sub3A_184 = arith.subi %div3A_163, %sub3A_183 : i32
      %select_n3A_185 = arith.select %and3A_182, %sub3A_184, %div3A_163 : i32
      %jit3A_186 = arith.constant 2 : i32
      %eq3A_187 = arith.constant 0 : i32
      %eq3A_188 = arith.cmpi eq, %jit3A_186, %eq3A_187 : i32
      %jit3A_189 = arith.constant 1 : i32
      %select_n3A_190 = arith.select %eq3A_188, %jit3A_189, %jit3A_186 : i32
      %rem3A_191 = arith.remsi %select_n3A_185, %select_n3A_190 : i32
      %ne3A_192 = arith.constant 0 : i32
      %ne3A_193 = arith.cmpi ne, %rem3A_191, %ne3A_192 : i32
      %lt3A_194 = arith.constant 0 : i32
      %lt3A_195 = arith.cmpi slt, %rem3A_191, %lt3A_194 : i32
      %lt3A_196 = arith.constant 0 : i32
      %lt3A_197 = arith.cmpi slt, %select_n3A_190, %lt3A_196 : i32
      %ne3A_198 = arith.xori %lt3A_195, %lt3A_197 : i1
      %and3A_199 = arith.andi %ne3A_198, %ne3A_193 : i1
      %add3A_200 = arith.addi %rem3A_191, %select_n3A_190 : i32
      %select_n3A_201 = arith.select %and3A_199, %add3A_200, %rem3A_191 : i32
      %jit3A_202 = arith.constant 16 : i32
      %eq3A_203 = arith.constant 0 : i32
      %eq3A_204 = arith.cmpi eq, %jit3A_202, %eq3A_203 : i32
      %jit3A_205 = arith.constant 1 : i32
      %select_n3A_206 = arith.select %eq3A_204, %jit3A_205, %jit3A_202 : i32
      %rem3A_207 = arith.remsi %mul3A_87, %select_n3A_206 : i32
      %ne3A_208 = arith.constant 0 : i32
      %ne3A_209 = arith.cmpi ne, %rem3A_207, %ne3A_208 : i32
      %lt3A_210 = arith.constant 0 : i32
      %lt3A_211 = arith.cmpi slt, %rem3A_207, %lt3A_210 : i32
      %lt3A_212 = arith.constant 0 : i32
      %lt3A_213 = arith.cmpi slt, %select_n3A_206, %lt3A_212 : i32
      %ne3A_214 = arith.xori %lt3A_211, %lt3A_213 : i1
      %and3A_215 = arith.andi %ne3A_214, %ne3A_209 : i1
      %add3A_216 = arith.addi %rem3A_207, %select_n3A_206 : i32
      %select_n3A_217 = arith.select %and3A_215, %add3A_216, %rem3A_207 : i32
      %run_scoped3A_218 = arith.constant 0 : i32
      "tpu.region"() ({
        %run_scoped3A_309 = tpu.sem_alloc : memref<!tpu.dma_semaphore, #tpu.memory_space<semaphore_mem>>
        %dma_start3A_310 = arith.constant 0 : i32
        %dma_start3A_311 = arith.constant 0 : i32
        %dma_start3A_312 = tpu.memref_slice %arg8[%run_scoped3A_218, %dma_start3A_310, %dma_start3A_311] : memref<2x128x128xf32, #tpu.memory_space<vmem>> -> memref<1x128x128xf32, #tpu.memory_space<vmem>>
        %dma_start3A_313 = tpu.memref_squeeze %dma_start3A_312 : memref<1x128x128xf32, #tpu.memory_space<vmem>> -> memref<128x128xf32, #tpu.memory_space<vmem>>
        %dma_start3A_314 = arith.constant 0 : i32
        %dma_start3A_315 = tpu.memref_slice %arg7[%select_n3A_201, %select_n3A_217, %dma_start3A_314] : memref<2x16x128xi32, #tpu.memory_space<vmem>> -> memref<1x1x128xi32, #tpu.memory_space<vmem>>
        %dma_start3A_316 = tpu.memref_squeeze %dma_start3A_315 : memref<1x1x128xi32, #tpu.memory_space<vmem>> -> memref<128xi32, #tpu.memory_space<vmem>>
        %dma_start3A_317 = arith.constant 0 : i32
        %dma_start3A_318 = arith.constant 0 : i32
        %dma_start3A_319 = tpu.memref_slice %arg9[%dma_start3A_317, %dma_start3A_318] : memref<10112x128xf32, #tpu.memory_space<vmem_shared>> -> memref<10112x128xf32, #tpu.memory_space<vmem_shared>>
        tpu.enqueue_indirect_dma source(%dma_start3A_313 : memref<128x128xf32, #tpu.memory_space<vmem>>) target(%dma_start3A_319 : memref<10112x128xf32, #tpu.memory_space<vmem_shared>>) offsets(%dma_start3A_316 : memref<128xi32, #tpu.memory_space<vmem>>) semaphore(%run_scoped3A_309 : memref<!tpu.dma_semaphore, #tpu.memory_space<semaphore_mem>>) {add = true}
        %dma_wait3A_320 = arith.constant 0 : i32
        %dma_wait3A_321 = arith.constant 0 : i32
        %dma_wait3A_322 = tpu.memref_slice %arg8[%run_scoped3A_218, %dma_wait3A_320, %dma_wait3A_321] : memref<2x128x128xf32, #tpu.memory_space<vmem>> -> memref<1x128x128xf32, #tpu.memory_space<vmem>>
        %dma_wait3A_323 = tpu.memref_squeeze %dma_wait3A_322 : memref<1x128x128xf32, #tpu.memory_space<vmem>> -> memref<128x128xf32, #tpu.memory_space<vmem>>
        %dma_wait3A_324 = arith.constant 0 : i32
        %dma_wait3A_325 = tpu.memref_slice %arg7[%select_n3A_201, %select_n3A_217, %dma_wait3A_324] : memref<2x16x128xi32, #tpu.memory_space<vmem>> -> memref<1x1x128xi32, #tpu.memory_space<vmem>>
        %dma_wait3A_326 = tpu.memref_squeeze %dma_wait3A_325 : memref<1x1x128xi32, #tpu.memory_space<vmem>> -> memref<128xi32, #tpu.memory_space<vmem>>
        %dma_wait3A_327 = arith.constant 0 : i32
        %dma_wait3A_328 = arith.constant 0 : i32
        %dma_wait3A_329 = tpu.memref_slice %arg9[%dma_wait3A_327, %dma_wait3A_328] : memref<10112x128xf32, #tpu.memory_space<vmem_shared>> -> memref<10112x128xf32, #tpu.memory_space<vmem_shared>>
        tpu.wait_indirect_dma semaphore(%run_scoped3A_309 : memref<!tpu.dma_semaphore, #tpu.memory_space<semaphore_mem>>) src(%dma_wait3A_323 : memref<128x128xf32, #tpu.memory_space<vmem>>) dst(%dma_wait3A_329 : memref<10112x128xf32, #tpu.memory_space<vmem_shared>>)
        tpu.yield
      }) : () -> ()
      %convert_element_type3A_219 = arith.extui %and3A_149 : i1 to i32
      %cond3A_220 = arith.constant 0 : i32
      %cond3A_221 = arith.cmpi ne, %convert_element_type3A_219, %cond3A_220 : i32
      scf.if %cond3A_221 {
        %dma_wait3A_309 = arith.constant 0 : i32
        %dma_wait3A_310 = arith.constant 0 : i32
        %dma_wait3A_311 = arith.constant 0 : i32
        %dma_wait3A_312 = tpu.memref_slice %arg6[%dma_wait3A_309, %dma_wait3A_310, %dma_wait3A_311] : memref<2x16x128xi32, #tpu.memory_space<vmem>> -> memref<1x16x128xi32, #tpu.memory_space<vmem>>
        %dma_wait3A_313 = tpu.memref_squeeze %dma_wait3A_312 : memref<1x16x128xi32, #tpu.memory_space<vmem>> -> memref<16x128xi32, #tpu.memory_space<vmem>>
        %dma_wait3A_314 = arith.constant 0 : i32
        %dma_wait3A_315 = tpu.memref_slice %arg3[%arg1, %mul3A_2, %dma_wait3A_314] : memref<16x160x128xi32, #tpu.memory_space<hbm>> -> memref<1x16x128xi32, #tpu.memory_space<hbm>>
        %dma_wait3A_316 = tpu.memref_squeeze %dma_wait3A_315 : memref<1x16x128xi32, #tpu.memory_space<hbm>> -> memref<16x128xi32, #tpu.memory_space<hbm>>
        %dma_wait3A_317 = arith.constant 0 : i32
        %dma_wait3A_318 = arith.constant 0 : i32
        %dma_wait3A_319 = tpu.memref_slice %arg6[%dma_wait3A_309, %dma_wait3A_317, %dma_wait3A_318] : memref<2x16x128xi32, #tpu.memory_space<vmem>> -> memref<1x16x128xi32, #tpu.memory_space<vmem>>
        %dma_wait3A_320 = tpu.memref_squeeze %dma_wait3A_319 : memref<1x16x128xi32, #tpu.memory_space<vmem>> -> memref<16x128xi32, #tpu.memory_space<vmem>>
        %dma_wait3A_321 = arith.constant 0 : i32
        %dma_wait3A_322 = tpu.memref_slice %arg3[%arg1, %mul3A_2, %dma_wait3A_321] : memref<16x160x128xi32, #tpu.memory_space<hbm>> -> memref<1x16x128xi32, #tpu.memory_space<hbm>>
        %dma_wait3A_323 = tpu.memref_squeeze %dma_wait3A_322 : memref<1x16x128xi32, #tpu.memory_space<hbm>> -> memref<16x128xi32, #tpu.memory_space<hbm>>
        tpu.wait_dma2 semaphore(%arg12 : memref<!tpu.dma_semaphore, #tpu.memory_space<semaphore_mem>>) src(%dma_wait3A_323 : memref<16x128xi32, #tpu.memory_space<hbm>>) dst(%dma_wait3A_320 : memref<16x128xi32, #tpu.memory_space<vmem>>)
        %dma_wait3A_324 = arith.constant 0 : i32
        %dma_wait3A_325 = arith.constant 0 : i32
        %dma_wait3A_326 = arith.constant 0 : i32
        %dma_wait3A_327 = tpu.memref_slice %arg7[%dma_wait3A_324, %dma_wait3A_325, %dma_wait3A_326] : memref<2x16x128xi32, #tpu.memory_space<vmem>> -> memref<1x16x128xi32, #tpu.memory_space<vmem>>
        %dma_wait3A_328 = tpu.memref_squeeze %dma_wait3A_327 : memref<1x16x128xi32, #tpu.memory_space<vmem>> -> memref<16x128xi32, #tpu.memory_space<vmem>>
        %dma_wait3A_329 = arith.constant 0 : i32
        %dma_wait3A_330 = tpu.memref_slice %arg4[%arg1, %mul3A_2, %dma_wait3A_329] : memref<16x160x128xi32, #tpu.memory_space<hbm>> -> memref<1x16x128xi32, #tpu.memory_space<hbm>>
        %dma_wait3A_331 = tpu.memref_squeeze %dma_wait3A_330 : memref<1x16x128xi32, #tpu.memory_space<hbm>> -> memref<16x128xi32, #tpu.memory_space<hbm>>
        %dma_wait3A_332 = arith.constant 0 : i32
        %dma_wait3A_333 = arith.constant 0 : i32
        %dma_wait3A_334 = tpu.memref_slice %arg7[%dma_wait3A_324, %dma_wait3A_332, %dma_wait3A_333] : memref<2x16x128xi32, #tpu.memory_space<vmem>> -> memref<1x16x128xi32, #tpu.memory_space<vmem>>
        %dma_wait3A_335 = tpu.memref_squeeze %dma_wait3A_334 : memref<1x16x128xi32, #tpu.memory_space<vmem>> -> memref<16x128xi32, #tpu.memory_space<vmem>>
        %dma_wait3A_336 = arith.constant 0 : i32
        %dma_wait3A_337 = tpu.memref_slice %arg4[%arg1, %mul3A_2, %dma_wait3A_336] : memref<16x160x128xi32, #tpu.memory_space<hbm>> -> memref<1x16x128xi32, #tpu.memory_space<hbm>>
        %dma_wait3A_338 = tpu.memref_squeeze %dma_wait3A_337 : memref<1x16x128xi32, #tpu.memory_space<hbm>> -> memref<16x128xi32, #tpu.memory_space<hbm>>
        tpu.wait_dma2 semaphore(%arg12 : memref<!tpu.dma_semaphore, #tpu.memory_space<semaphore_mem>>) src(%dma_wait3A_338 : memref<16x128xi32, #tpu.memory_space<hbm>>) dst(%dma_wait3A_335 : memref<16x128xi32, #tpu.memory_space<vmem>>)
      } else {
      }
      %lt3A_222 = arith.cmpi slt, %add3A_90, %select_n3A : i32
      %convert_element_type3A_223 = arith.extui %lt3A_222 : i1 to i32
      %cond3A_224 = arith.constant 0 : i32
      %cond3A_225 = arith.cmpi ne, %convert_element_type3A_223, %cond3A_224 : i32
      scf.if %cond3A_225 {
        %jit3A_309 = arith.constant 16 : i32
        %eq3A_310 = arith.constant 0 : i32
        %eq3A_311 = arith.cmpi eq, %jit3A_309, %eq3A_310 : i32
        %jit3A_312 = arith.constant 1 : i32
        %select_n3A_313 = arith.select %eq3A_311, %jit3A_312, %jit3A_309 : i32
        %rem3A_314 = arith.remsi %add3A_90, %select_n3A_313 : i32
        %ne3A_315 = arith.constant 0 : i32
        %ne3A_316 = arith.cmpi ne, %rem3A_314, %ne3A_315 : i32
        %lt3A_317 = arith.constant 0 : i32
        %lt3A_318 = arith.cmpi slt, %rem3A_314, %lt3A_317 : i32
        %lt3A_319 = arith.constant 0 : i32
        %lt3A_320 = arith.cmpi slt, %select_n3A_313, %lt3A_319 : i32
        %ne3A_321 = arith.xori %lt3A_318, %lt3A_320 : i1
        %and3A_322 = arith.andi %ne3A_321, %ne3A_316 : i1
        %add3A_323 = arith.addi %rem3A_314, %select_n3A_313 : i32
        %select_n3A_324 = arith.select %and3A_322, %add3A_323, %rem3A_314 : i32
        %dma_start3A_325 = arith.constant 0 : i32
        %dma_start3A_326 = arith.constant 0 : i32
        %dma_start3A_327 = arith.constant 0 : i32
        %dma_start3A_328 = tpu.memref_slice %arg8[%dma_start3A_325, %dma_start3A_326, %dma_start3A_327] : memref<2x128x128xf32, #tpu.memory_space<vmem>> -> memref<1x128x128xf32, #tpu.memory_space<vmem>>
        %dma_start3A_329 = tpu.memref_squeeze %dma_start3A_328 : memref<1x128x128xf32, #tpu.memory_space<vmem>> -> memref<128x128xf32, #tpu.memory_space<vmem>>
        %dma_start3A_330 = arith.constant 0 : i32
        %dma_start3A_331 = tpu.memref_slice %arg6[%select_n3A_129, %select_n3A_324, %dma_start3A_330] : memref<2x16x128xi32, #tpu.memory_space<vmem>> -> memref<1x1x128xi32, #tpu.memory_space<vmem>>
        %dma_start3A_332 = tpu.memref_squeeze %dma_start3A_331 : memref<1x1x128xi32, #tpu.memory_space<vmem>> -> memref<128xi32, #tpu.memory_space<vmem>>
        %dma_start3A_333 = arith.constant 0 : i32
        %dma_start3A_334 = arith.constant 0 : i32
        %dma_start3A_335 = tpu.memref_slice %arg2[%dma_start3A_333, %dma_start3A_334] : memref<10240x128xf32, #tpu.memory_space<hbm>> -> memref<10240x128xf32, #tpu.memory_space<hbm>>
        tpu.enqueue_indirect_dma source(%dma_start3A_335 : memref<10240x128xf32, #tpu.memory_space<hbm>>) target(%dma_start3A_329 : memref<128x128xf32, #tpu.memory_space<vmem>>) offsets(%dma_start3A_332 : memref<128xi32, #tpu.memory_space<vmem>>) semaphore(%arg10 : memref<!tpu.dma_semaphore, #tpu.memory_space<semaphore_mem>>)
      } else {
      }
      %dma_wait3A_226 = arith.constant 0 : i32
      %dma_wait3A_227 = arith.constant 0 : i32
      %dma_wait3A_228 = arith.constant 1 : i32
      %dma_wait3A_229 = arith.constant 0 : i32
      %dma_wait3A_230 = arith.constant 0 : i32
      %dma_wait3A_231 = tpu.memref_slice %arg8[%dma_wait3A_228, %dma_wait3A_229, %dma_wait3A_230] : memref<2x128x128xf32, #tpu.memory_space<vmem>> -> memref<1x128x128xf32, #tpu.memory_space<vmem>>
      %dma_wait3A_232 = tpu.memref_squeeze %dma_wait3A_231 : memref<1x128x128xf32, #tpu.memory_space<vmem>> -> memref<128x128xf32, #tpu.memory_space<vmem>>
      %dma_wait3A_233 = arith.constant 0 : i32
      %dma_wait3A_234 = tpu.memref_slice %arg6[%dma_wait3A_226, %dma_wait3A_227, %dma_wait3A_233] : memref<2x16x128xi32, #tpu.memory_space<vmem>> -> memref<1x1x128xi32, #tpu.memory_space<vmem>>
      %dma_wait3A_235 = tpu.memref_squeeze %dma_wait3A_234 : memref<1x1x128xi32, #tpu.memory_space<vmem>> -> memref<128xi32, #tpu.memory_space<vmem>>
      %dma_wait3A_236 = arith.constant 0 : i32
      %dma_wait3A_237 = arith.constant 0 : i32
      %dma_wait3A_238 = tpu.memref_slice %arg2[%dma_wait3A_236, %dma_wait3A_237] : memref<10240x128xf32, #tpu.memory_space<hbm>> -> memref<10240x128xf32, #tpu.memory_space<hbm>>
      tpu.wait_indirect_dma semaphore(%arg11 : memref<!tpu.dma_semaphore, #tpu.memory_space<semaphore_mem>>) src(%dma_wait3A_238 : memref<10240x128xf32, #tpu.memory_space<hbm>>) dst(%dma_wait3A_232 : memref<128x128xf32, #tpu.memory_space<vmem>>)
      %jit3A_239 = arith.constant 16 : i32
      %div3A_240 = arith.divsi %add3A_88, %jit3A_239 : i32
      %sign3A_241 = arith.constant 0 : i32
      %sign3A_242 = arith.cmpi sgt, %add3A_88, %sign3A_241 : i32
      %sign3A_243 = arith.extui %sign3A_242 : i1 to i32
      %sign3A_244 = arith.constant 0 : i32
      %sign3A_245 = arith.cmpi slt, %add3A_88, %sign3A_244 : i32
      %sign3A_246 = arith.extui %sign3A_245 : i1 to i32
      %sign3A_247 = arith.subi %sign3A_243, %sign3A_246 : i32
      %sign3A_248 = arith.constant 0 : i32
      %sign3A_249 = arith.cmpi sgt, %jit3A_239, %sign3A_248 : i32
      %sign3A_250 = arith.extui %sign3A_249 : i1 to i32
      %sign3A_251 = arith.constant 0 : i32
      %sign3A_252 = arith.cmpi slt, %jit3A_239, %sign3A_251 : i32
      %sign3A_253 = arith.extui %sign3A_252 : i1 to i32
      %sign3A_254 = arith.subi %sign3A_250, %sign3A_253 : i32
      %ne3A_255 = arith.cmpi ne, %sign3A_247, %sign3A_254 : i32
      %rem3A_256 = arith.remsi %add3A_88, %jit3A_239 : i32
      %ne3A_257 = arith.constant 0 : i32
      %ne3A_258 = arith.cmpi ne, %rem3A_256, %ne3A_257 : i32
      %and3A_259 = arith.andi %ne3A_255, %ne3A_258 : i1
      %sub3A_260 = arith.constant 1 : i32
      %sub3A_261 = arith.subi %div3A_240, %sub3A_260 : i32
      %select_n3A_262 = arith.select %and3A_259, %sub3A_261, %div3A_240 : i32
      %jit3A_263 = arith.constant 2 : i32
      %eq3A_264 = arith.constant 0 : i32
      %eq3A_265 = arith.cmpi eq, %jit3A_263, %eq3A_264 : i32
      %jit3A_266 = arith.constant 1 : i32
      %select_n3A_267 = arith.select %eq3A_265, %jit3A_266, %jit3A_263 : i32
      %rem3A_268 = arith.remsi %select_n3A_262, %select_n3A_267 : i32
      %ne3A_269 = arith.constant 0 : i32
      %ne3A_270 = arith.cmpi ne, %rem3A_268, %ne3A_269 : i32
      %lt3A_271 = arith.constant 0 : i32
      %lt3A_272 = arith.cmpi slt, %rem3A_268, %lt3A_271 : i32
      %lt3A_273 = arith.constant 0 : i32
      %lt3A_274 = arith.cmpi slt, %select_n3A_267, %lt3A_273 : i32
      %ne3A_275 = arith.xori %lt3A_272, %lt3A_274 : i1
      %and3A_276 = arith.andi %ne3A_275, %ne3A_270 : i1
      %add3A_277 = arith.addi %rem3A_268, %select_n3A_267 : i32
      %select_n3A_278 = arith.select %and3A_276, %add3A_277, %rem3A_268 : i32
      %jit3A_279 = arith.constant 16 : i32
      %eq3A_280 = arith.constant 0 : i32
      %eq3A_281 = arith.cmpi eq, %jit3A_279, %eq3A_280 : i32
      %jit3A_282 = arith.constant 1 : i32
      %select_n3A_283 = arith.select %eq3A_281, %jit3A_282, %jit3A_279 : i32
      %rem3A_284 = arith.remsi %add3A_88, %select_n3A_283 : i32
      %ne3A_285 = arith.constant 0 : i32
      %ne3A_286 = arith.cmpi ne, %rem3A_284, %ne3A_285 : i32
      %lt3A_287 = arith.constant 0 : i32
      %lt3A_288 = arith.cmpi slt, %rem3A_284, %lt3A_287 : i32
      %lt3A_289 = arith.constant 0 : i32
      %lt3A_290 = arith.cmpi slt, %select_n3A_283, %lt3A_289 : i32
      %ne3A_291 = arith.xori %lt3A_288, %lt3A_290 : i1
      %and3A_292 = arith.andi %ne3A_291, %ne3A_286 : i1
      %add3A_293 = arith.addi %rem3A_284, %select_n3A_283 : i32
      %select_n3A_294 = arith.select %and3A_292, %add3A_293, %rem3A_284 : i32
      %run_scoped3A_295 = arith.constant 1 : i32
      "tpu.region"() ({
        %run_scoped3A_309 = tpu.sem_alloc : memref<!tpu.dma_semaphore, #tpu.memory_space<semaphore_mem>>
        %dma_start3A_310 = arith.constant 0 : i32
        %dma_start3A_311 = arith.constant 0 : i32
        %dma_start3A_312 = tpu.memref_slice %arg8[%run_scoped3A_295, %dma_start3A_310, %dma_start3A_311] : memref<2x128x128xf32, #tpu.memory_space<vmem>> -> memref<1x128x128xf32, #tpu.memory_space<vmem>>
        %dma_start3A_313 = tpu.memref_squeeze %dma_start3A_312 : memref<1x128x128xf32, #tpu.memory_space<vmem>> -> memref<128x128xf32, #tpu.memory_space<vmem>>
        %dma_start3A_314 = arith.constant 0 : i32
        %dma_start3A_315 = tpu.memref_slice %arg7[%select_n3A_278, %select_n3A_294, %dma_start3A_314] : memref<2x16x128xi32, #tpu.memory_space<vmem>> -> memref<1x1x128xi32, #tpu.memory_space<vmem>>
        %dma_start3A_316 = tpu.memref_squeeze %dma_start3A_315 : memref<1x1x128xi32, #tpu.memory_space<vmem>> -> memref<128xi32, #tpu.memory_space<vmem>>
        %dma_start3A_317 = arith.constant 0 : i32
        %dma_start3A_318 = arith.constant 0 : i32
        %dma_start3A_319 = tpu.memref_slice %arg9[%dma_start3A_317, %dma_start3A_318] : memref<10112x128xf32, #tpu.memory_space<vmem_shared>> -> memref<10112x128xf32, #tpu.memory_space<vmem_shared>>
        tpu.enqueue_indirect_dma source(%dma_start3A_313 : memref<128x128xf32, #tpu.memory_space<vmem>>) target(%dma_start3A_319 : memref<10112x128xf32, #tpu.memory_space<vmem_shared>>) offsets(%dma_start3A_316 : memref<128xi32, #tpu.memory_space<vmem>>) semaphore(%run_scoped3A_309 : memref<!tpu.dma_semaphore, #tpu.memory_space<semaphore_mem>>) {add = true}
        %dma_wait3A_320 = arith.constant 0 : i32
        %dma_wait3A_321 = arith.constant 0 : i32
        %dma_wait3A_322 = tpu.memref_slice %arg8[%run_scoped3A_295, %dma_wait3A_320, %dma_wait3A_321] : memref<2x128x128xf32, #tpu.memory_space<vmem>> -> memref<1x128x128xf32, #tpu.memory_space<vmem>>
        %dma_wait3A_323 = tpu.memref_squeeze %dma_wait3A_322 : memref<1x128x128xf32, #tpu.memory_space<vmem>> -> memref<128x128xf32, #tpu.memory_space<vmem>>
        %dma_wait3A_324 = arith.constant 0 : i32
        %dma_wait3A_325 = tpu.memref_slice %arg7[%select_n3A_278, %select_n3A_294, %dma_wait3A_324] : memref<2x16x128xi32, #tpu.memory_space<vmem>> -> memref<1x1x128xi32, #tpu.memory_space<vmem>>
        %dma_wait3A_326 = tpu.memref_squeeze %dma_wait3A_325 : memref<1x1x128xi32, #tpu.memory_space<vmem>> -> memref<128xi32, #tpu.memory_space<vmem>>
        %dma_wait3A_327 = arith.constant 0 : i32
        %dma_wait3A_328 = arith.constant 0 : i32
        %dma_wait3A_329 = tpu.memref_slice %arg9[%dma_wait3A_327, %dma_wait3A_328] : memref<10112x128xf32, #tpu.memory_space<vmem_shared>> -> memref<10112x128xf32, #tpu.memory_space<vmem_shared>>
        tpu.wait_indirect_dma semaphore(%run_scoped3A_309 : memref<!tpu.dma_semaphore, #tpu.memory_space<semaphore_mem>>) src(%dma_wait3A_323 : memref<128x128xf32, #tpu.memory_space<vmem>>) dst(%dma_wait3A_329 : memref<10112x128xf32, #tpu.memory_space<vmem_shared>>)
        tpu.yield
      }) : () -> ()
      %add3A_296 = arith.constant 1 : i32
      %add3A_297 = arith.addi %select_n3A_114, %add3A_296 : i32
      %lt3A_298 = arith.cmpi slt, %add3A_297, %select_n3A_22 : i32
      %and3A_299 = arith.andi %and3A_149, %lt3A_298 : i1
      %convert_element_type3A_300 = arith.extui %and3A_299 : i1 to i32
      %cond3A_301 = arith.constant 0 : i32
      %cond3A_302 = arith.cmpi ne, %convert_element_type3A_300, %cond3A_301 : i32
      scf.if %cond3A_302 {
        %add3A_309 = arith.constant 1 : i32
        %add3A_310 = arith.addi %select_n3A_114, %add3A_309 : i32
        %mul3A_311 = arith.constant 16 : i32
        %mul3A_312 = arith.muli %add3A_310, %mul3A_311 : i32
        %add3A_313 = arith.addi %mul3A_2, %mul3A_312 : i32
        %add3A_314 = arith.constant 1 : i32
        %add3A_315 = arith.addi %select_n3A_114, %add3A_314 : i32
        %jit3A_316 = arith.constant 2 : i32
        %eq3A_317 = arith.constant 0 : i32
        %eq3A_318 = arith.cmpi eq, %jit3A_316, %eq3A_317 : i32
        %jit3A_319 = arith.constant 1 : i32
        %select_n3A_320 = arith.select %eq3A_318, %jit3A_319, %jit3A_316 : i32
        %rem3A_321 = arith.remsi %add3A_315, %select_n3A_320 : i32
        %ne3A_322 = arith.constant 0 : i32
        %ne3A_323 = arith.cmpi ne, %rem3A_321, %ne3A_322 : i32
        %lt3A_324 = arith.constant 0 : i32
        %lt3A_325 = arith.cmpi slt, %rem3A_321, %lt3A_324 : i32
        %lt3A_326 = arith.constant 0 : i32
        %lt3A_327 = arith.cmpi slt, %select_n3A_320, %lt3A_326 : i32
        %ne3A_328 = arith.xori %lt3A_325, %lt3A_327 : i1
        %and3A_329 = arith.andi %ne3A_328, %ne3A_323 : i1
        %add3A_330 = arith.addi %rem3A_321, %select_n3A_320 : i32
        %select_n3A_331 = arith.select %and3A_329, %add3A_330, %rem3A_321 : i32
        %dma_start3A_332 = arith.constant 0 : i32
        %dma_start3A_333 = arith.constant 0 : i32
        %dma_start3A_334 = tpu.memref_slice %arg6[%select_n3A_331, %dma_start3A_332, %dma_start3A_333] : memref<2x16x128xi32, #tpu.memory_space<vmem>> -> memref<1x16x128xi32, #tpu.memory_space<vmem>>
        %dma_start3A_335 = tpu.memref_squeeze %dma_start3A_334 : memref<1x16x128xi32, #tpu.memory_space<vmem>> -> memref<16x128xi32, #tpu.memory_space<vmem>>
        %dma_start3A_336 = arith.constant 0 : i32
        %dma_start3A_337 = tpu.memref_slice %arg3[%arg1, %add3A_313, %dma_start3A_336] : memref<16x160x128xi32, #tpu.memory_space<hbm>> -> memref<1x16x128xi32, #tpu.memory_space<hbm>>
        %dma_start3A_338 = tpu.memref_squeeze %dma_start3A_337 : memref<1x16x128xi32, #tpu.memory_space<hbm>> -> memref<16x128xi32, #tpu.memory_space<hbm>>
        %dma_start3A_339 = arith.constant 0 : i32
        %dma_start3A_340 = arith.constant 0 : i32
        %dma_start3A_341 = tpu.memref_slice %arg6[%select_n3A_331, %dma_start3A_339, %dma_start3A_340] : memref<2x16x128xi32, #tpu.memory_space<vmem>> -> memref<1x16x128xi32, #tpu.memory_space<vmem>>
        %dma_start3A_342 = tpu.memref_squeeze %dma_start3A_341 : memref<1x16x128xi32, #tpu.memory_space<vmem>> -> memref<16x128xi32, #tpu.memory_space<vmem>>
        %dma_start3A_343 = arith.constant 0 : i32
        %dma_start3A_344 = tpu.memref_slice %arg3[%arg1, %add3A_313, %dma_start3A_343] : memref<16x160x128xi32, #tpu.memory_space<hbm>> -> memref<1x16x128xi32, #tpu.memory_space<hbm>>
        %dma_start3A_345 = tpu.memref_squeeze %dma_start3A_344 : memref<1x16x128xi32, #tpu.memory_space<hbm>> -> memref<16x128xi32, #tpu.memory_space<hbm>>
        tpu.enqueue_dma source(%dma_start3A_345 : memref<16x128xi32, #tpu.memory_space<hbm>>) target(%dma_start3A_342 : memref<16x128xi32, #tpu.memory_space<vmem>>) target_semaphore(%arg12 : memref<!tpu.dma_semaphore, #tpu.memory_space<semaphore_mem>>)
        %add3A_346 = arith.constant 1 : i32
        %add3A_347 = arith.addi %select_n3A_114, %add3A_346 : i32
        %jit3A_348 = arith.constant 2 : i32
        %eq3A_349 = arith.constant 0 : i32
        %eq3A_350 = arith.cmpi eq, %jit3A_348, %eq3A_349 : i32
        %jit3A_351 = arith.constant 1 : i32
        %select_n3A_352 = arith.select %eq3A_350, %jit3A_351, %jit3A_348 : i32
        %rem3A_353 = arith.remsi %add3A_347, %select_n3A_352 : i32
        %ne3A_354 = arith.constant 0 : i32
        %ne3A_355 = arith.cmpi ne, %rem3A_353, %ne3A_354 : i32
        %lt3A_356 = arith.constant 0 : i32
        %lt3A_357 = arith.cmpi slt, %rem3A_353, %lt3A_356 : i32
        %lt3A_358 = arith.constant 0 : i32
        %lt3A_359 = arith.cmpi slt, %select_n3A_352, %lt3A_358 : i32
        %ne3A_360 = arith.xori %lt3A_357, %lt3A_359 : i1
        %and3A_361 = arith.andi %ne3A_360, %ne3A_355 : i1
        %add3A_362 = arith.addi %rem3A_353, %select_n3A_352 : i32
        %select_n3A_363 = arith.select %and3A_361, %add3A_362, %rem3A_353 : i32
        %dma_start3A_364 = arith.constant 0 : i32
        %dma_start3A_365 = arith.constant 0 : i32
        %dma_start3A_366 = tpu.memref_slice %arg7[%select_n3A_363, %dma_start3A_364, %dma_start3A_365] : memref<2x16x128xi32, #tpu.memory_space<vmem>> -> memref<1x16x128xi32, #tpu.memory_space<vmem>>
        %dma_start3A_367 = tpu.memref_squeeze %dma_start3A_366 : memref<1x16x128xi32, #tpu.memory_space<vmem>> -> memref<16x128xi32, #tpu.memory_space<vmem>>
        %dma_start3A_368 = arith.constant 0 : i32
        %dma_start3A_369 = tpu.memref_slice %arg4[%arg1, %add3A_313, %dma_start3A_368] : memref<16x160x128xi32, #tpu.memory_space<hbm>> -> memref<1x16x128xi32, #tpu.memory_space<hbm>>
        %dma_start3A_370 = tpu.memref_squeeze %dma_start3A_369 : memref<1x16x128xi32, #tpu.memory_space<hbm>> -> memref<16x128xi32, #tpu.memory_space<hbm>>
        %dma_start3A_371 = arith.constant 0 : i32
        %dma_start3A_372 = arith.constant 0 : i32
        %dma_start3A_373 = tpu.memref_slice %arg7[%select_n3A_363, %dma_start3A_371, %dma_start3A_372] : memref<2x16x128xi32, #tpu.memory_space<vmem>> -> memref<1x16x128xi32, #tpu.memory_space<vmem>>
        %dma_start3A_374 = tpu.memref_squeeze %dma_start3A_373 : memref<1x16x128xi32, #tpu.memory_space<vmem>> -> memref<16x128xi32, #tpu.memory_space<vmem>>
        %dma_start3A_375 = arith.constant 0 : i32
        %dma_start3A_376 = tpu.memref_slice %arg4[%arg1, %add3A_313, %dma_start3A_375] : memref<16x160x128xi32, #tpu.memory_space<hbm>> -> memref<1x16x128xi32, #tpu.memory_space<hbm>>
        %dma_start3A_377 = tpu.memref_squeeze %dma_start3A_376 : memref<1x16x128xi32, #tpu.memory_space<hbm>> -> memref<16x128xi32, #tpu.memory_space<hbm>>
        tpu.enqueue_dma source(%dma_start3A_377 : memref<16x128xi32, #tpu.memory_space<hbm>>) target(%dma_start3A_374 : memref<16x128xi32, #tpu.memory_space<vmem>>) target_semaphore(%arg12 : memref<!tpu.dma_semaphore, #tpu.memory_space<semaphore_mem>>)
      } else {
      }
      %add3A_303 = arith.constant 2 : i32
      %add3A_304 = arith.addi %add3A_88, %add3A_303 : i32
      %lt3A_305 = arith.cmpi slt, %add3A_304, %select_n3A : i32
      %convert_element_type3A_306 = arith.extui %lt3A_305 : i1 to i32
      %cond3A_307 = arith.constant 0 : i32
      %cond3A_308 = arith.cmpi ne, %convert_element_type3A_306, %cond3A_307 : i32
      scf.if %cond3A_308 {
        %add3A_309 = arith.constant 2 : i32
        %add3A_310 = arith.addi %add3A_88, %add3A_309 : i32
        %jit3A_311 = arith.constant 16 : i32
        %div3A_312 = arith.divsi %add3A_310, %jit3A_311 : i32
        %sign3A_313 = arith.constant 0 : i32
        %sign3A_314 = arith.cmpi sgt, %add3A_310, %sign3A_313 : i32
        %sign3A_315 = arith.extui %sign3A_314 : i1 to i32
        %sign3A_316 = arith.constant 0 : i32
        %sign3A_317 = arith.cmpi slt, %add3A_310, %sign3A_316 : i32
        %sign3A_318 = arith.extui %sign3A_317 : i1 to i32
        %sign3A_319 = arith.subi %sign3A_315, %sign3A_318 : i32
        %sign3A_320 = arith.constant 0 : i32
        %sign3A_321 = arith.cmpi sgt, %jit3A_311, %sign3A_320 : i32
        %sign3A_322 = arith.extui %sign3A_321 : i1 to i32
        %sign3A_323 = arith.constant 0 : i32
        %sign3A_324 = arith.cmpi slt, %jit3A_311, %sign3A_323 : i32
        %sign3A_325 = arith.extui %sign3A_324 : i1 to i32
        %sign3A_326 = arith.subi %sign3A_322, %sign3A_325 : i32
        %ne3A_327 = arith.cmpi ne, %sign3A_319, %sign3A_326 : i32
        %rem3A_328 = arith.remsi %add3A_310, %jit3A_311 : i32
        %ne3A_329 = arith.constant 0 : i32
        %ne3A_330 = arith.cmpi ne, %rem3A_328, %ne3A_329 : i32
        %and3A_331 = arith.andi %ne3A_327, %ne3A_330 : i1
        %sub3A_332 = arith.constant 1 : i32
        %sub3A_333 = arith.subi %div3A_312, %sub3A_332 : i32
        %select_n3A_334 = arith.select %and3A_331, %sub3A_333, %div3A_312 : i32
        %jit3A_335 = arith.constant 2 : i32
        %eq3A_336 = arith.constant 0 : i32
        %eq3A_337 = arith.cmpi eq, %jit3A_335, %eq3A_336 : i32
        %jit3A_338 = arith.constant 1 : i32
        %select_n3A_339 = arith.select %eq3A_337, %jit3A_338, %jit3A_335 : i32
        %rem3A_340 = arith.remsi %select_n3A_334, %select_n3A_339 : i32
        %ne3A_341 = arith.constant 0 : i32
        %ne3A_342 = arith.cmpi ne, %rem3A_340, %ne3A_341 : i32
        %lt3A_343 = arith.constant 0 : i32
        %lt3A_344 = arith.cmpi slt, %rem3A_340, %lt3A_343 : i32
        %lt3A_345 = arith.constant 0 : i32
        %lt3A_346 = arith.cmpi slt, %select_n3A_339, %lt3A_345 : i32
        %ne3A_347 = arith.xori %lt3A_344, %lt3A_346 : i1
        %and3A_348 = arith.andi %ne3A_347, %ne3A_342 : i1
        %add3A_349 = arith.addi %rem3A_340, %select_n3A_339 : i32
        %select_n3A_350 = arith.select %and3A_348, %add3A_349, %rem3A_340 : i32
        %jit3A_351 = arith.constant 16 : i32
        %eq3A_352 = arith.constant 0 : i32
        %eq3A_353 = arith.cmpi eq, %jit3A_351, %eq3A_352 : i32
        %jit3A_354 = arith.constant 1 : i32
        %select_n3A_355 = arith.select %eq3A_353, %jit3A_354, %jit3A_351 : i32
        %rem3A_356 = arith.remsi %add3A_310, %select_n3A_355 : i32
        %ne3A_357 = arith.constant 0 : i32
        %ne3A_358 = arith.cmpi ne, %rem3A_356, %ne3A_357 : i32
        %lt3A_359 = arith.constant 0 : i32
        %lt3A_360 = arith.cmpi slt, %rem3A_356, %lt3A_359 : i32
        %lt3A_361 = arith.constant 0 : i32
        %lt3A_362 = arith.cmpi slt, %select_n3A_355, %lt3A_361 : i32
        %ne3A_363 = arith.xori %lt3A_360, %lt3A_362 : i1
        %and3A_364 = arith.andi %ne3A_363, %ne3A_358 : i1
        %add3A_365 = arith.addi %rem3A_356, %select_n3A_355 : i32
        %select_n3A_366 = arith.select %and3A_364, %add3A_365, %rem3A_356 : i32
        %dma_start3A_367 = arith.constant 1 : i32
        %dma_start3A_368 = arith.constant 0 : i32
        %dma_start3A_369 = arith.constant 0 : i32
        %dma_start3A_370 = tpu.memref_slice %arg8[%dma_start3A_367, %dma_start3A_368, %dma_start3A_369] : memref<2x128x128xf32, #tpu.memory_space<vmem>> -> memref<1x128x128xf32, #tpu.memory_space<vmem>>
        %dma_start3A_371 = tpu.memref_squeeze %dma_start3A_370 : memref<1x128x128xf32, #tpu.memory_space<vmem>> -> memref<128x128xf32, #tpu.memory_space<vmem>>
        %dma_start3A_372 = arith.constant 0 : i32
        %dma_start3A_373 = tpu.memref_slice %arg6[%select_n3A_350, %select_n3A_366, %dma_start3A_372] : memref<2x16x128xi32, #tpu.memory_space<vmem>> -> memref<1x1x128xi32, #tpu.memory_space<vmem>>
        %dma_start3A_374 = tpu.memref_squeeze %dma_start3A_373 : memref<1x1x128xi32, #tpu.memory_space<vmem>> -> memref<128xi32, #tpu.memory_space<vmem>>
        %dma_start3A_375 = arith.constant 0 : i32
        %dma_start3A_376 = arith.constant 0 : i32
        %dma_start3A_377 = tpu.memref_slice %arg2[%dma_start3A_375, %dma_start3A_376] : memref<10240x128xf32, #tpu.memory_space<hbm>> -> memref<10240x128xf32, #tpu.memory_space<hbm>>
        tpu.enqueue_indirect_dma source(%dma_start3A_377 : memref<10240x128xf32, #tpu.memory_space<hbm>>) target(%dma_start3A_371 : memref<128x128xf32, #tpu.memory_space<vmem>>) offsets(%dma_start3A_374 : memref<128xi32, #tpu.memory_space<vmem>>) semaphore(%arg11 : memref<!tpu.dma_semaphore, #tpu.memory_space<semaphore_mem>>)
      } else {
      }
    }
    %while3A_83 = arith.constant 1 : i32
    scf.for %while3A_85 = %while3A_81 to %while3A_77 step %while3A_83  : i32 {
      %mul3A_86 = arith.constant 2 : i32
      %mul3A_87 = arith.muli %while3A_85, %mul3A_86 : i32
      %add3A = arith.constant 1 : i32
      %add3A_88 = arith.addi %mul3A_87, %add3A : i32
      %add3A_89 = arith.constant 2 : i32
      %add3A_90 = arith.addi %mul3A_87, %add3A_89 : i32
      %jit3A_91 = arith.constant 16 : i32
      %div3A_92 = arith.divsi %add3A_90, %jit3A_91 : i32
      %sign3A_93 = arith.constant 0 : i32
      %sign3A_94 = arith.cmpi sgt, %add3A_90, %sign3A_93 : i32
      %sign3A_95 = arith.extui %sign3A_94 : i1 to i32
      %sign3A_96 = arith.constant 0 : i32
      %sign3A_97 = arith.cmpi slt, %add3A_90, %sign3A_96 : i32
      %sign3A_98 = arith.extui %sign3A_97 : i1 to i32
      %sign3A_99 = arith.subi %sign3A_95, %sign3A_98 : i32
      %sign3A_100 = arith.constant 0 : i32
      %sign3A_101 = arith.cmpi sgt, %jit3A_91, %sign3A_100 : i32
      %sign3A_102 = arith.extui %sign3A_101 : i1 to i32
      %sign3A_103 = arith.constant 0 : i32
      %sign3A_104 = arith.cmpi slt, %jit3A_91, %sign3A_103 : i32
      %sign3A_105 = arith.extui %sign3A_104 : i1 to i32
      %sign3A_106 = arith.subi %sign3A_102, %sign3A_105 : i32
      %ne3A_107 = arith.cmpi ne, %sign3A_99, %sign3A_106 : i32
      %rem3A_108 = arith.remsi %add3A_90, %jit3A_91 : i32
      %ne3A_109 = arith.constant 0 : i32
      %ne3A_110 = arith.cmpi ne, %rem3A_108, %ne3A_109 : i32
      %and3A_111 = arith.andi %ne3A_107, %ne3A_110 : i1
      %sub3A_112 = arith.constant 1 : i32
      %sub3A_113 = arith.subi %div3A_92, %sub3A_112 : i32
      %select_n3A_114 = arith.select %and3A_111, %sub3A_113, %div3A_92 : i32
      %jit3A_115 = arith.constant 2 : i32
      %eq3A_116 = arith.constant 0 : i32
      %eq3A_117 = arith.cmpi eq, %jit3A_115, %eq3A_116 : i32
      %jit3A_118 = arith.constant 1 : i32
      %select_n3A_119 = arith.select %eq3A_117, %jit3A_118, %jit3A_115 : i32
      %rem3A_120 = arith.remsi %select_n3A_114, %select_n3A_119 : i32
      %ne3A_121 = arith.constant 0 : i32
      %ne3A_122 = arith.cmpi ne, %rem3A_120, %ne3A_121 : i32
      %lt3A = arith.constant 0 : i32
      %lt3A_123 = arith.cmpi slt, %rem3A_120, %lt3A : i32
      %lt3A_124 = arith.constant 0 : i32
      %lt3A_125 = arith.cmpi slt, %select_n3A_119, %lt3A_124 : i32
      %ne3A_126 = arith.xori %lt3A_123, %lt3A_125 : i1
      %and3A_127 = arith.andi %ne3A_126, %ne3A_122 : i1
      %add3A_128 = arith.addi %rem3A_120, %select_n3A_119 : i32
      %select_n3A_129 = arith.select %and3A_127, %add3A_128, %rem3A_120 : i32
      %lt3A_130 = arith.cmpi slt, %add3A_90, %select_n3A : i32
      %jit3A_131 = arith.constant 16 : i32
      %eq3A_132 = arith.constant 0 : i32
      %eq3A_133 = arith.cmpi eq, %jit3A_131, %eq3A_132 : i32
      %jit3A_134 = arith.constant 1 : i32
      %select_n3A_135 = arith.select %eq3A_133, %jit3A_134, %jit3A_131 : i32
      %rem3A_136 = arith.remsi %add3A_90, %select_n3A_135 : i32
      %ne3A_137 = arith.constant 0 : i32
      %ne3A_138 = arith.cmpi ne, %rem3A_136, %ne3A_137 : i32
      %lt3A_139 = arith.constant 0 : i32
      %lt3A_140 = arith.cmpi slt, %rem3A_136, %lt3A_139 : i32
      %lt3A_141 = arith.constant 0 : i32
      %lt3A_142 = arith.cmpi slt, %select_n3A_135, %lt3A_141 : i32
      %ne3A_143 = arith.xori %lt3A_140, %lt3A_142 : i1
      %and3A_144 = arith.andi %ne3A_143, %ne3A_138 : i1
      %add3A_145 = arith.addi %rem3A_136, %select_n3A_135 : i32
      %select_n3A_146 = arith.select %and3A_144, %add3A_145, %rem3A_136 : i32
      %eq3A_147 = arith.constant 0 : i32
      %eq3A_148 = arith.cmpi eq, %select_n3A_146, %eq3A_147 : i32
      %and3A_149 = arith.andi %lt3A_130, %eq3A_148 : i1
      %dma_wait3A = arith.constant 0 : i32
      %dma_wait3A_150 = arith.constant 0 : i32
      %dma_wait3A_151 = arith.constant 0 : i32
      %dma_wait3A_152 = arith.constant 0 : i32
      %dma_wait3A_153 = arith.constant 0 : i32
      %dma_wait3A_154 = tpu.memref_slice %arg8[%dma_wait3A_151, %dma_wait3A_152, %dma_wait3A_153] : memref<2x128x128xf32, #tpu.memory_space<vmem>> -> memref<1x128x128xf32, #tpu.memory_space<vmem>>
      %dma_wait3A_155 = tpu.memref_squeeze %dma_wait3A_154 : memref<1x128x128xf32, #tpu.memory_space<vmem>> -> memref<128x128xf32, #tpu.memory_space<vmem>>
      %dma_wait3A_156 = arith.constant 0 : i32
      %dma_wait3A_157 = tpu.memref_slice %arg6[%dma_wait3A, %dma_wait3A_150, %dma_wait3A_156] : memref<2x16x128xi32, #tpu.memory_space<vmem>> -> memref<1x1x128xi32, #tpu.memory_space<vmem>>
      %dma_wait3A_158 = tpu.memref_squeeze %dma_wait3A_157 : memref<1x1x128xi32, #tpu.memory_space<vmem>> -> memref<128xi32, #tpu.memory_space<vmem>>
      %dma_wait3A_159 = arith.constant 0 : i32
      %dma_wait3A_160 = arith.constant 0 : i32
      %dma_wait3A_161 = tpu.memref_slice %arg2[%dma_wait3A_159, %dma_wait3A_160] : memref<10240x128xf32, #tpu.memory_space<hbm>> -> memref<10240x128xf32, #tpu.memory_space<hbm>>
      tpu.wait_indirect_dma semaphore(%arg10 : memref<!tpu.dma_semaphore, #tpu.memory_space<semaphore_mem>>) src(%dma_wait3A_161 : memref<10240x128xf32, #tpu.memory_space<hbm>>) dst(%dma_wait3A_155 : memref<128x128xf32, #tpu.memory_space<vmem>>)
      %jit3A_162 = arith.constant 16 : i32
      %div3A_163 = arith.divsi %mul3A_87, %jit3A_162 : i32
      %sign3A_164 = arith.constant 0 : i32
      %sign3A_165 = arith.cmpi sgt, %mul3A_87, %sign3A_164 : i32
      %sign3A_166 = arith.extui %sign3A_165 : i1 to i32
      %sign3A_167 = arith.constant 0 : i32
      %sign3A_168 = arith.cmpi slt, %mul3A_87, %sign3A_167 : i32
      %sign3A_169 = arith.extui %sign3A_168 : i1 to i32
      %sign3A_170 = arith.subi %sign3A_166, %sign3A_169 : i32
      %sign3A_171 = arith.constant 0 : i32
      %sign3A_172 = arith.cmpi sgt, %jit3A_162, %sign3A_171 : i32
      %sign3A_173 = arith.extui %sign3A_172 : i1 to i32
      %sign3A_174 = arith.constant 0 : i32
      %sign3A_175 = arith.cmpi slt, %jit3A_162, %sign3A_174 : i32
      %sign3A_176 = arith.extui %sign3A_175 : i1 to i32
      %sign3A_177 = arith.subi %sign3A_173, %sign3A_176 : i32
      %ne3A_178 = arith.cmpi ne, %sign3A_170, %sign3A_177 : i32
      %rem3A_179 = arith.remsi %mul3A_87, %jit3A_162 : i32
      %ne3A_180 = arith.constant 0 : i32
      %ne3A_181 = arith.cmpi ne, %rem3A_179, %ne3A_180 : i32
      %and3A_182 = arith.andi %ne3A_178, %ne3A_181 : i1
      %sub3A_183 = arith.constant 1 : i32
      %sub3A_184 = arith.subi %div3A_163, %sub3A_183 : i32
      %select_n3A_185 = arith.select %and3A_182, %sub3A_184, %div3A_163 : i32
      %jit3A_186 = arith.constant 2 : i32
      %eq3A_187 = arith.constant 0 : i32
      %eq3A_188 = arith.cmpi eq, %jit3A_186, %eq3A_187 : i32
      %jit3A_189 = arith.constant 1 : i32
      %select_n3A_190 = arith.select %eq3A_188, %jit3A_189, %jit3A_186 : i32
      %rem3A_191 = arith.remsi %select_n3A_185, %select_n3A_190 : i32
      %ne3A_192 = arith.constant 0 : i32
      %ne3A_193 = arith.cmpi ne, %rem3A_191, %ne3A_192 : i32
      %lt3A_194 = arith.constant 0 : i32
      %lt3A_195 = arith.cmpi slt, %rem3A_191, %lt3A_194 : i32
      %lt3A_196 = arith.constant 0 : i32
      %lt3A_197 = arith.cmpi slt, %select_n3A_190, %lt3A_196 : i32
      %ne3A_198 = arith.xori %lt3A_195, %lt3A_197 : i1
      %and3A_199 = arith.andi %ne3A_198, %ne3A_193 : i1
      %add3A_200 = arith.addi %rem3A_191, %select_n3A_190 : i32
      %select_n3A_201 = arith.select %and3A_199, %add3A_200, %rem3A_191 : i32
      %jit3A_202 = arith.constant 16 : i32
      %eq3A_203 = arith.constant 0 : i32
      %eq3A_204 = arith.cmpi eq, %jit3A_202, %eq3A_203 : i32
      %jit3A_205 = arith.constant 1 : i32
      %select_n3A_206 = arith.select %eq3A_204, %jit3A_205, %jit3A_202 : i32
      %rem3A_207 = arith.remsi %mul3A_87, %select_n3A_206 : i32
      %ne3A_208 = arith.constant 0 : i32
      %ne3A_209 = arith.cmpi ne, %rem3A_207, %ne3A_208 : i32
      %lt3A_210 = arith.constant 0 : i32
      %lt3A_211 = arith.cmpi slt, %rem3A_207, %lt3A_210 : i32
      %lt3A_212 = arith.constant 0 : i32
      %lt3A_213 = arith.cmpi slt, %select_n3A_206, %lt3A_212 : i32
      %ne3A_214 = arith.xori %lt3A_211, %lt3A_213 : i1
      %and3A_215 = arith.andi %ne3A_214, %ne3A_209 : i1
      %add3A_216 = arith.addi %rem3A_207, %select_n3A_206 : i32
      %select_n3A_217 = arith.select %and3A_215, %add3A_216, %rem3A_207 : i32
      %run_scoped3A_218 = arith.constant 0 : i32
      "tpu.region"() ({
        %run_scoped3A_309 = tpu.sem_alloc : memref<!tpu.dma_semaphore, #tpu.memory_space<semaphore_mem>>
        %dma_start3A_310 = arith.constant 0 : i32
        %dma_start3A_311 = arith.constant 0 : i32
        %dma_start3A_312 = tpu.memref_slice %arg8[%run_scoped3A_218, %dma_start3A_310, %dma_start3A_311] : memref<2x128x128xf32, #tpu.memory_space<vmem>> -> memref<1x128x128xf32, #tpu.memory_space<vmem>>
        %dma_start3A_313 = tpu.memref_squeeze %dma_start3A_312 : memref<1x128x128xf32, #tpu.memory_space<vmem>> -> memref<128x128xf32, #tpu.memory_space<vmem>>
        %dma_start3A_314 = arith.constant 0 : i32
        %dma_start3A_315 = tpu.memref_slice %arg7[%select_n3A_201, %select_n3A_217, %dma_start3A_314] : memref<2x16x128xi32, #tpu.memory_space<vmem>> -> memref<1x1x128xi32, #tpu.memory_space<vmem>>
        %dma_start3A_316 = tpu.memref_squeeze %dma_start3A_315 : memref<1x1x128xi32, #tpu.memory_space<vmem>> -> memref<128xi32, #tpu.memory_space<vmem>>
        %dma_start3A_317 = arith.constant 0 : i32
        %dma_start3A_318 = arith.constant 0 : i32
        %dma_start3A_319 = tpu.memref_slice %arg9[%dma_start3A_317, %dma_start3A_318] : memref<10112x128xf32, #tpu.memory_space<vmem_shared>> -> memref<10112x128xf32, #tpu.memory_space<vmem_shared>>
        tpu.enqueue_indirect_dma source(%dma_start3A_313 : memref<128x128xf32, #tpu.memory_space<vmem>>) target(%dma_start3A_319 : memref<10112x128xf32, #tpu.memory_space<vmem_shared>>) offsets(%dma_start3A_316 : memref<128xi32, #tpu.memory_space<vmem>>) semaphore(%run_scoped3A_309 : memref<!tpu.dma_semaphore, #tpu.memory_space<semaphore_mem>>) {add = true}
        %dma_wait3A_320 = arith.constant 0 : i32
        %dma_wait3A_321 = arith.constant 0 : i32
        %dma_wait3A_322 = tpu.memref_slice %arg8[%run_scoped3A_218, %dma_wait3A_320, %dma_wait3A_321] : memref<2x128x128xf32, #tpu.memory_space<vmem>> -> memref<1x128x128xf32, #tpu.memory_space<vmem>>
        %dma_wait3A_323 = tpu.memref_squeeze %dma_wait3A_322 : memref<1x128x128xf32, #tpu.memory_space<vmem>> -> memref<128x128xf32, #tpu.memory_space<vmem>>
        %dma_wait3A_324 = arith.constant 0 : i32
        %dma_wait3A_325 = tpu.memref_slice %arg7[%select_n3A_201, %select_n3A_217, %dma_wait3A_324] : memref<2x16x128xi32, #tpu.memory_space<vmem>> -> memref<1x1x128xi32, #tpu.memory_space<vmem>>
        %dma_wait3A_326 = tpu.memref_squeeze %dma_wait3A_325 : memref<1x1x128xi32, #tpu.memory_space<vmem>> -> memref<128xi32, #tpu.memory_space<vmem>>
        %dma_wait3A_327 = arith.constant 0 : i32
        %dma_wait3A_328 = arith.constant 0 : i32
        %dma_wait3A_329 = tpu.memref_slice %arg9[%dma_wait3A_327, %dma_wait3A_328] : memref<10112x128xf32, #tpu.memory_space<vmem_shared>> -> memref<10112x128xf32, #tpu.memory_space<vmem_shared>>
        tpu.wait_indirect_dma semaphore(%run_scoped3A_309 : memref<!tpu.dma_semaphore, #tpu.memory_space<semaphore_mem>>) src(%dma_wait3A_323 : memref<128x128xf32, #tpu.memory_space<vmem>>) dst(%dma_wait3A_329 : memref<10112x128xf32, #tpu.memory_space<vmem_shared>>)
        tpu.yield
      }) : () -> ()
      %convert_element_type3A_219 = arith.extui %and3A_149 : i1 to i32
      %cond3A_220 = arith.constant 0 : i32
      %cond3A_221 = arith.cmpi ne, %convert_element_type3A_219, %cond3A_220 : i32
      scf.if %cond3A_221 {
        %dma_wait3A_309 = arith.constant 0 : i32
        %dma_wait3A_310 = arith.constant 0 : i32
        %dma_wait3A_311 = arith.constant 0 : i32
        %dma_wait3A_312 = tpu.memref_slice %arg6[%dma_wait3A_309, %dma_wait3A_310, %dma_wait3A_311] : memref<2x16x128xi32, #tpu.memory_space<vmem>> -> memref<1x16x128xi32, #tpu.memory_space<vmem>>
        %dma_wait3A_313 = tpu.memref_squeeze %dma_wait3A_312 : memref<1x16x128xi32, #tpu.memory_space<vmem>> -> memref<16x128xi32, #tpu.memory_space<vmem>>
        %dma_wait3A_314 = arith.constant 0 : i32
        %dma_wait3A_315 = tpu.memref_slice %arg3[%arg1, %mul3A_2, %dma_wait3A_314] : memref<16x160x128xi32, #tpu.memory_space<hbm>> -> memref<1x16x128xi32, #tpu.memory_space<hbm>>
        %dma_wait3A_316 = tpu.memref_squeeze %dma_wait3A_315 : memref<1x16x128xi32, #tpu.memory_space<hbm>> -> memref<16x128xi32, #tpu.memory_space<hbm>>
        %dma_wait3A_317 = arith.constant 0 : i32
        %dma_wait3A_318 = arith.constant 0 : i32
        %dma_wait3A_319 = tpu.memref_slice %arg6[%dma_wait3A_309, %dma_wait3A_317, %dma_wait3A_318] : memref<2x16x128xi32, #tpu.memory_space<vmem>> -> memref<1x16x128xi32, #tpu.memory_space<vmem>>
        %dma_wait3A_320 = tpu.memref_squeeze %dma_wait3A_319 : memref<1x16x128xi32, #tpu.memory_space<vmem>> -> memref<16x128xi32, #tpu.memory_space<vmem>>
        %dma_wait3A_321 = arith.constant 0 : i32
        %dma_wait3A_322 = tpu.memref_slice %arg3[%arg1, %mul3A_2, %dma_wait3A_321] : memref<16x160x128xi32, #tpu.memory_space<hbm>> -> memref<1x16x128xi32, #tpu.memory_space<hbm>>
        %dma_wait3A_323 = tpu.memref_squeeze %dma_wait3A_322 : memref<1x16x128xi32, #tpu.memory_space<hbm>> -> memref<16x128xi32, #tpu.memory_space<hbm>>
        tpu.wait_dma2 semaphore(%arg12 : memref<!tpu.dma_semaphore, #tpu.memory_space<semaphore_mem>>) src(%dma_wait3A_323 : memref<16x128xi32, #tpu.memory_space<hbm>>) dst(%dma_wait3A_320 : memref<16x128xi32, #tpu.memory_space<vmem>>)
        %dma_wait3A_324 = arith.constant 0 : i32
        %dma_wait3A_325 = arith.constant 0 : i32
        %dma_wait3A_326 = arith.constant 0 : i32
        %dma_wait3A_327 = tpu.memref_slice %arg7[%dma_wait3A_324, %dma_wait3A_325, %dma_wait3A_326] : memref<2x16x128xi32, #tpu.memory_space<vmem>> -> memref<1x16x128xi32, #tpu.memory_space<vmem>>
        %dma_wait3A_328 = tpu.memref_squeeze %dma_wait3A_327 : memref<1x16x128xi32, #tpu.memory_space<vmem>> -> memref<16x128xi32, #tpu.memory_space<vmem>>
        %dma_wait3A_329 = arith.constant 0 : i32
        %dma_wait3A_330 = tpu.memref_slice %arg4[%arg1, %mul3A_2, %dma_wait3A_329] : memref<16x160x128xi32, #tpu.memory_space<hbm>> -> memref<1x16x128xi32, #tpu.memory_space<hbm>>
        %dma_wait3A_331 = tpu.memref_squeeze %dma_wait3A_330 : memref<1x16x128xi32, #tpu.memory_space<hbm>> -> memref<16x128xi32, #tpu.memory_space<hbm>>
        %dma_wait3A_332 = arith.constant 0 : i32
        %dma_wait3A_333 = arith.constant 0 : i32
        %dma_wait3A_334 = tpu.memref_slice %arg7[%dma_wait3A_324, %dma_wait3A_332, %dma_wait3A_333] : memref<2x16x128xi32, #tpu.memory_space<vmem>> -> memref<1x16x128xi32, #tpu.memory_space<vmem>>
        %dma_wait3A_335 = tpu.memref_squeeze %dma_wait3A_334 : memref<1x16x128xi32, #tpu.memory_space<vmem>> -> memref<16x128xi32, #tpu.memory_space<vmem>>
        %dma_wait3A_336 = arith.constant 0 : i32
        %dma_wait3A_337 = tpu.memref_slice %arg4[%arg1, %mul3A_2, %dma_wait3A_336] : memref<16x160x128xi32, #tpu.memory_space<hbm>> -> memref<1x16x128xi32, #tpu.memory_space<hbm>>
        %dma_wait3A_338 = tpu.memref_squeeze %dma_wait3A_337 : memref<1x16x128xi32, #tpu.memory_space<hbm>> -> memref<16x128xi32, #tpu.memory_space<hbm>>
        tpu.wait_dma2 semaphore(%arg12 : memref<!tpu.dma_semaphore, #tpu.memory_space<semaphore_mem>>) src(%dma_wait3A_338 : memref<16x128xi32, #tpu.memory_space<hbm>>) dst(%dma_wait3A_335 : memref<16x128xi32, #tpu.memory_space<vmem>>)
      } else {
      }
      %lt3A_222 = arith.cmpi slt, %add3A_90, %select_n3A : i32
      %convert_element_type3A_223 = arith.extui %lt3A_222 : i1 to i32
      %cond3A_224 = arith.constant 0 : i32
      %cond3A_225 = arith.cmpi ne, %convert_element_type3A_223, %cond3A_224 : i32
      scf.if %cond3A_225 {
        %jit3A_309 = arith.constant 16 : i32
        %eq3A_310 = arith.constant 0 : i32
        %eq3A_311 = arith.cmpi eq, %jit3A_309, %eq3A_310 : i32
        %jit3A_312 = arith.constant 1 : i32
        %select_n3A_313 = arith.select %eq3A_311, %jit3A_312, %jit3A_309 : i32
        %rem3A_314 = arith.remsi %add3A_90, %select_n3A_313 : i32
        %ne3A_315 = arith.constant 0 : i32
        %ne3A_316 = arith.cmpi ne, %rem3A_314, %ne3A_315 : i32
        %lt3A_317 = arith.constant 0 : i32
        %lt3A_318 = arith.cmpi slt, %rem3A_314, %lt3A_317 : i32
        %lt3A_319 = arith.constant 0 : i32
        %lt3A_320 = arith.cmpi slt, %select_n3A_313, %lt3A_319 : i32
        %ne3A_321 = arith.xori %lt3A_318, %lt3A_320 : i1
        %and3A_322 = arith.andi %ne3A_321, %ne3A_316 : i1
        %add3A_323 = arith.addi %rem3A_314, %select_n3A_313 : i32
        %select_n3A_324 = arith.select %and3A_322, %add3A_323, %rem3A_314 : i32
        %dma_start3A_325 = arith.constant 0 : i32
        %dma_start3A_326 = arith.constant 0 : i32
        %dma_start3A_327 = arith.constant 0 : i32
        %dma_start3A_328 = tpu.memref_slice %arg8[%dma_start3A_325, %dma_start3A_326, %dma_start3A_327] : memref<2x128x128xf32, #tpu.memory_space<vmem>> -> memref<1x128x128xf32, #tpu.memory_space<vmem>>
        %dma_start3A_329 = tpu.memref_squeeze %dma_start3A_328 : memref<1x128x128xf32, #tpu.memory_space<vmem>> -> memref<128x128xf32, #tpu.memory_space<vmem>>
        %dma_start3A_330 = arith.constant 0 : i32
        %dma_start3A_331 = tpu.memref_slice %arg6[%select_n3A_129, %select_n3A_324, %dma_start3A_330] : memref<2x16x128xi32, #tpu.memory_space<vmem>> -> memref<1x1x128xi32, #tpu.memory_space<vmem>>
        %dma_start3A_332 = tpu.memref_squeeze %dma_start3A_331 : memref<1x1x128xi32, #tpu.memory_space<vmem>> -> memref<128xi32, #tpu.memory_space<vmem>>
        %dma_start3A_333 = arith.constant 0 : i32
        %dma_start3A_334 = arith.constant 0 : i32
        %dma_start3A_335 = tpu.memref_slice %arg2[%dma_start3A_333, %dma_start3A_334] : memref<10240x128xf32, #tpu.memory_space<hbm>> -> memref<10240x128xf32, #tpu.memory_space<hbm>>
        tpu.enqueue_indirect_dma source(%dma_start3A_335 : memref<10240x128xf32, #tpu.memory_space<hbm>>) target(%dma_start3A_329 : memref<128x128xf32, #tpu.memory_space<vmem>>) offsets(%dma_start3A_332 : memref<128xi32, #tpu.memory_space<vmem>>) semaphore(%arg10 : memref<!tpu.dma_semaphore, #tpu.memory_space<semaphore_mem>>)
      } else {
      }
      %dma_wait3A_226 = arith.constant 0 : i32
      %dma_wait3A_227 = arith.constant 0 : i32
      %dma_wait3A_228 = arith.constant 1 : i32
      %dma_wait3A_229 = arith.constant 0 : i32
      %dma_wait3A_230 = arith.constant 0 : i32
      %dma_wait3A_231 = tpu.memref_slice %arg8[%dma_wait3A_228, %dma_wait3A_229, %dma_wait3A_230] : memref<2x128x128xf32, #tpu.memory_space<vmem>> -> memref<1x128x128xf32, #tpu.memory_space<vmem>>
      %dma_wait3A_232 = tpu.memref_squeeze %dma_wait3A_231 : memref<1x128x128xf32, #tpu.memory_space<vmem>> -> memref<128x128xf32, #tpu.memory_space<vmem>>
      %dma_wait3A_233 = arith.constant 0 : i32
      %dma_wait3A_234 = tpu.memref_slice %arg6[%dma_wait3A_226, %dma_wait3A_227, %dma_wait3A_233] : memref<2x16x128xi32, #tpu.memory_space<vmem>> -> memref<1x1x128xi32, #tpu.memory_space<vmem>>
      %dma_wait3A_235 = tpu.memref_squeeze %dma_wait3A_234 : memref<1x1x128xi32, #tpu.memory_space<vmem>> -> memref<128xi32, #tpu.memory_space<vmem>>
      %dma_wait3A_236 = arith.constant 0 : i32
      %dma_wait3A_237 = arith.constant 0 : i32
      %dma_wait3A_238 = tpu.memref_slice %arg2[%dma_wait3A_236, %dma_wait3A_237] : memref<10240x128xf32, #tpu.memory_space<hbm>> -> memref<10240x128xf32, #tpu.memory_space<hbm>>
      tpu.wait_indirect_dma semaphore(%arg11 : memref<!tpu.dma_semaphore, #tpu.memory_space<semaphore_mem>>) src(%dma_wait3A_238 : memref<10240x128xf32, #tpu.memory_space<hbm>>) dst(%dma_wait3A_232 : memref<128x128xf32, #tpu.memory_space<vmem>>)
      %jit3A_239 = arith.constant 16 : i32
      %div3A_240 = arith.divsi %add3A_88, %jit3A_239 : i32
      %sign3A_241 = arith.constant 0 : i32
      %sign3A_242 = arith.cmpi sgt, %add3A_88, %sign3A_241 : i32
      %sign3A_243 = arith.extui %sign3A_242 : i1 to i32
      %sign3A_244 = arith.constant 0 : i32
      %sign3A_245 = arith.cmpi slt, %add3A_88, %sign3A_244 : i32
      %sign3A_246 = arith.extui %sign3A_245 : i1 to i32
      %sign3A_247 = arith.subi %sign3A_243, %sign3A_246 : i32
      %sign3A_248 = arith.constant 0 : i32
      %sign3A_249 = arith.cmpi sgt, %jit3A_239, %sign3A_248 : i32
      %sign3A_250 = arith.extui %sign3A_249 : i1 to i32
      %sign3A_251 = arith.constant 0 : i32
      %sign3A_252 = arith.cmpi slt, %jit3A_239, %sign3A_251 : i32
      %sign3A_253 = arith.extui %sign3A_252 : i1 to i32
      %sign3A_254 = arith.subi %sign3A_250, %sign3A_253 : i32
      %ne3A_255 = arith.cmpi ne, %sign3A_247, %sign3A_254 : i32
      %rem3A_256 = arith.remsi %add3A_88, %jit3A_239 : i32
      %ne3A_257 = arith.constant 0 : i32
      %ne3A_258 = arith.cmpi ne, %rem3A_256, %ne3A_257 : i32
      %and3A_259 = arith.andi %ne3A_255, %ne3A_258 : i1
      %sub3A_260 = arith.constant 1 : i32
      %sub3A_261 = arith.subi %div3A_240, %sub3A_260 : i32
      %select_n3A_262 = arith.select %and3A_259, %sub3A_261, %div3A_240 : i32
      %jit3A_263 = arith.constant 2 : i32
      %eq3A_264 = arith.constant 0 : i32
      %eq3A_265 = arith.cmpi eq, %jit3A_263, %eq3A_264 : i32
      %jit3A_266 = arith.constant 1 : i32
      %select_n3A_267 = arith.select %eq3A_265, %jit3A_266, %jit3A_263 : i32
      %rem3A_268 = arith.remsi %select_n3A_262, %select_n3A_267 : i32
      %ne3A_269 = arith.constant 0 : i32
      %ne3A_270 = arith.cmpi ne, %rem3A_268, %ne3A_269 : i32
      %lt3A_271 = arith.constant 0 : i32
      %lt3A_272 = arith.cmpi slt, %rem3A_268, %lt3A_271 : i32
      %lt3A_273 = arith.constant 0 : i32
      %lt3A_274 = arith.cmpi slt, %select_n3A_267, %lt3A_273 : i32
      %ne3A_275 = arith.xori %lt3A_272, %lt3A_274 : i1
      %and3A_276 = arith.andi %ne3A_275, %ne3A_270 : i1
      %add3A_277 = arith.addi %rem3A_268, %select_n3A_267 : i32
      %select_n3A_278 = arith.select %and3A_276, %add3A_277, %rem3A_268 : i32
      %jit3A_279 = arith.constant 16 : i32
      %eq3A_280 = arith.constant 0 : i32
      %eq3A_281 = arith.cmpi eq, %jit3A_279, %eq3A_280 : i32
      %jit3A_282 = arith.constant 1 : i32
      %select_n3A_283 = arith.select %eq3A_281, %jit3A_282, %jit3A_279 : i32
      %rem3A_284 = arith.remsi %add3A_88, %select_n3A_283 : i32
      %ne3A_285 = arith.constant 0 : i32
      %ne3A_286 = arith.cmpi ne, %rem3A_284, %ne3A_285 : i32
      %lt3A_287 = arith.constant 0 : i32
      %lt3A_288 = arith.cmpi slt, %rem3A_284, %lt3A_287 : i32
      %lt3A_289 = arith.constant 0 : i32
      %lt3A_290 = arith.cmpi slt, %select_n3A_283, %lt3A_289 : i32
      %ne3A_291 = arith.xori %lt3A_288, %lt3A_290 : i1
      %and3A_292 = arith.andi %ne3A_291, %ne3A_286 : i1
      %add3A_293 = arith.addi %rem3A_284, %select_n3A_283 : i32
      %select_n3A_294 = arith.select %and3A_292, %add3A_293, %rem3A_284 : i32
      %run_scoped3A_295 = arith.constant 1 : i32
      "tpu.region"() ({
        %run_scoped3A_309 = tpu.sem_alloc : memref<!tpu.dma_semaphore, #tpu.memory_space<semaphore_mem>>
        %dma_start3A_310 = arith.constant 0 : i32
        %dma_start3A_311 = arith.constant 0 : i32
        %dma_start3A_312 = tpu.memref_slice %arg8[%run_scoped3A_295, %dma_start3A_310, %dma_start3A_311] : memref<2x128x128xf32, #tpu.memory_space<vmem>> -> memref<1x128x128xf32, #tpu.memory_space<vmem>>
        %dma_start3A_313 = tpu.memref_squeeze %dma_start3A_312 : memref<1x128x128xf32, #tpu.memory_space<vmem>> -> memref<128x128xf32, #tpu.memory_space<vmem>>
        %dma_start3A_314 = arith.constant 0 : i32
        %dma_start3A_315 = tpu.memref_slice %arg7[%select_n3A_278, %select_n3A_294, %dma_start3A_314] : memref<2x16x128xi32, #tpu.memory_space<vmem>> -> memref<1x1x128xi32, #tpu.memory_space<vmem>>
        %dma_start3A_316 = tpu.memref_squeeze %dma_start3A_315 : memref<1x1x128xi32, #tpu.memory_space<vmem>> -> memref<128xi32, #tpu.memory_space<vmem>>
        %dma_start3A_317 = arith.constant 0 : i32
        %dma_start3A_318 = arith.constant 0 : i32
        %dma_start3A_319 = tpu.memref_slice %arg9[%dma_start3A_317, %dma_start3A_318] : memref<10112x128xf32, #tpu.memory_space<vmem_shared>> -> memref<10112x128xf32, #tpu.memory_space<vmem_shared>>
        tpu.enqueue_indirect_dma source(%dma_start3A_313 : memref<128x128xf32, #tpu.memory_space<vmem>>) target(%dma_start3A_319 : memref<10112x128xf32, #tpu.memory_space<vmem_shared>>) offsets(%dma_start3A_316 : memref<128xi32, #tpu.memory_space<vmem>>) semaphore(%run_scoped3A_309 : memref<!tpu.dma_semaphore, #tpu.memory_space<semaphore_mem>>) {add = true}
        %dma_wait3A_320 = arith.constant 0 : i32
        %dma_wait3A_321 = arith.constant 0 : i32
        %dma_wait3A_322 = tpu.memref_slice %arg8[%run_scoped3A_295, %dma_wait3A_320, %dma_wait3A_321] : memref<2x128x128xf32, #tpu.memory_space<vmem>> -> memref<1x128x128xf32, #tpu.memory_space<vmem>>
        %dma_wait3A_323 = tpu.memref_squeeze %dma_wait3A_322 : memref<1x128x128xf32, #tpu.memory_space<vmem>> -> memref<128x128xf32, #tpu.memory_space<vmem>>
        %dma_wait3A_324 = arith.constant 0 : i32
        %dma_wait3A_325 = tpu.memref_slice %arg7[%select_n3A_278, %select_n3A_294, %dma_wait3A_324] : memref<2x16x128xi32, #tpu.memory_space<vmem>> -> memref<1x1x128xi32, #tpu.memory_space<vmem>>
        %dma_wait3A_326 = tpu.memref_squeeze %dma_wait3A_325 : memref<1x1x128xi32, #tpu.memory_space<vmem>> -> memref<128xi32, #tpu.memory_space<vmem>>
        %dma_wait3A_327 = arith.constant 0 : i32
        %dma_wait3A_328 = arith.constant 0 : i32
        %dma_wait3A_329 = tpu.memref_slice %arg9[%dma_wait3A_327, %dma_wait3A_328] : memref<10112x128xf32, #tpu.memory_space<vmem_shared>> -> memref<10112x128xf32, #tpu.memory_space<vmem_shared>>
        tpu.wait_indirect_dma semaphore(%run_scoped3A_309 : memref<!tpu.dma_semaphore, #tpu.memory_space<semaphore_mem>>) src(%dma_wait3A_323 : memref<128x128xf32, #tpu.memory_space<vmem>>) dst(%dma_wait3A_329 : memref<10112x128xf32, #tpu.memory_space<vmem_shared>>)
        tpu.yield
      }) : () -> ()
      %add3A_296 = arith.constant 1 : i32
      %add3A_297 = arith.addi %select_n3A_114, %add3A_296 : i32
      %lt3A_298 = arith.cmpi slt, %add3A_297, %select_n3A_22 : i32
      %and3A_299 = arith.andi %and3A_149, %lt3A_298 : i1
      %convert_element_type3A_300 = arith.extui %and3A_299 : i1 to i32
      %cond3A_301 = arith.constant 0 : i32
      %cond3A_302 = arith.cmpi ne, %convert_element_type3A_300, %cond3A_301 : i32
      scf.if %cond3A_302 {
        %add3A_309 = arith.constant 1 : i32
        %add3A_310 = arith.addi %select_n3A_114, %add3A_309 : i32
        %mul3A_311 = arith.constant 16 : i32
        %mul3A_312 = arith.muli %add3A_310, %mul3A_311 : i32
        %add3A_313 = arith.addi %mul3A_2, %mul3A_312 : i32
        %add3A_314 = arith.constant 1 : i32
        %add3A_315 = arith.addi %select_n3A_114, %add3A_314 : i32
        %jit3A_316 = arith.constant 2 : i32
        %eq3A_317 = arith.constant 0 : i32
        %eq3A_318 = arith.cmpi eq, %jit3A_316, %eq3A_317 : i32
        %jit3A_319 = arith.constant 1 : i32
        %select_n3A_320 = arith.select %eq3A_318, %jit3A_319, %jit3A_316 : i32
        %rem3A_321 = arith.remsi %add3A_315, %select_n3A_320 : i32
        %ne3A_322 = arith.constant 0 : i32
        %ne3A_323 = arith.cmpi ne, %rem3A_321, %ne3A_322 : i32
        %lt3A_324 = arith.constant 0 : i32
        %lt3A_325 = arith.cmpi slt, %rem3A_321, %lt3A_324 : i32
        %lt3A_326 = arith.constant 0 : i32
        %lt3A_327 = arith.cmpi slt, %select_n3A_320, %lt3A_326 : i32
        %ne3A_328 = arith.xori %lt3A_325, %lt3A_327 : i1
        %and3A_329 = arith.andi %ne3A_328, %ne3A_323 : i1
        %add3A_330 = arith.addi %rem3A_321, %select_n3A_320 : i32
        %select_n3A_331 = arith.select %and3A_329, %add3A_330, %rem3A_321 : i32
        %dma_start3A_332 = arith.constant 0 : i32
        %dma_start3A_333 = arith.constant 0 : i32
        %dma_start3A_334 = tpu.memref_slice %arg6[%select_n3A_331, %dma_start3A_332, %dma_start3A_333] : memref<2x16x128xi32, #tpu.memory_space<vmem>> -> memref<1x16x128xi32, #tpu.memory_space<vmem>>
        %dma_start3A_335 = tpu.memref_squeeze %dma_start3A_334 : memref<1x16x128xi32, #tpu.memory_space<vmem>> -> memref<16x128xi32, #tpu.memory_space<vmem>>
        %dma_start3A_336 = arith.constant 0 : i32
        %dma_start3A_337 = tpu.memref_slice %arg3[%arg1, %add3A_313, %dma_start3A_336] : memref<16x160x128xi32, #tpu.memory_space<hbm>> -> memref<1x16x128xi32, #tpu.memory_space<hbm>>
        %dma_start3A_338 = tpu.memref_squeeze %dma_start3A_337 : memref<1x16x128xi32, #tpu.memory_space<hbm>> -> memref<16x128xi32, #tpu.memory_space<hbm>>
        %dma_start3A_339 = arith.constant 0 : i32
        %dma_start3A_340 = arith.constant 0 : i32
        %dma_start3A_341 = tpu.memref_slice %arg6[%select_n3A_331, %dma_start3A_339, %dma_start3A_340] : memref<2x16x128xi32, #tpu.memory_space<vmem>> -> memref<1x16x128xi32, #tpu.memory_space<vmem>>
        %dma_start3A_342 = tpu.memref_squeeze %dma_start3A_341 : memref<1x16x128xi32, #tpu.memory_space<vmem>> -> memref<16x128xi32, #tpu.memory_space<vmem>>
        %dma_start3A_343 = arith.constant 0 : i32
        %dma_start3A_344 = tpu.memref_slice %arg3[%arg1, %add3A_313, %dma_start3A_343] : memref<16x160x128xi32, #tpu.memory_space<hbm>> -> memref<1x16x128xi32, #tpu.memory_space<hbm>>
        %dma_start3A_345 = tpu.memref_squeeze %dma_start3A_344 : memref<1x16x128xi32, #tpu.memory_space<hbm>> -> memref<16x128xi32, #tpu.memory_space<hbm>>
        tpu.enqueue_dma source(%dma_start3A_345 : memref<16x128xi32, #tpu.memory_space<hbm>>) target(%dma_start3A_342 : memref<16x128xi32, #tpu.memory_space<vmem>>) target_semaphore(%arg12 : memref<!tpu.dma_semaphore, #tpu.memory_space<semaphore_mem>>)
        %add3A_346 = arith.constant 1 : i32
        %add3A_347 = arith.addi %select_n3A_114, %add3A_346 : i32
        %jit3A_348 = arith.constant 2 : i32
        %eq3A_349 = arith.constant 0 : i32
        %eq3A_350 = arith.cmpi eq, %jit3A_348, %eq3A_349 : i32
        %jit3A_351 = arith.constant 1 : i32
        %select_n3A_352 = arith.select %eq3A_350, %jit3A_351, %jit3A_348 : i32
        %rem3A_353 = arith.remsi %add3A_347, %select_n3A_352 : i32
        %ne3A_354 = arith.constant 0 : i32
        %ne3A_355 = arith.cmpi ne, %rem3A_353, %ne3A_354 : i32
        %lt3A_356 = arith.constant 0 : i32
        %lt3A_357 = arith.cmpi slt, %rem3A_353, %lt3A_356 : i32
        %lt3A_358 = arith.constant 0 : i32
        %lt3A_359 = arith.cmpi slt, %select_n3A_352, %lt3A_358 : i32
        %ne3A_360 = arith.xori %lt3A_357, %lt3A_359 : i1
        %and3A_361 = arith.andi %ne3A_360, %ne3A_355 : i1
        %add3A_362 = arith.addi %rem3A_353, %select_n3A_352 : i32
        %select_n3A_363 = arith.select %and3A_361, %add3A_362, %rem3A_353 : i32
        %dma_start3A_364 = arith.constant 0 : i32
        %dma_start3A_365 = arith.constant 0 : i32
        %dma_start3A_366 = tpu.memref_slice %arg7[%select_n3A_363, %dma_start3A_364, %dma_start3A_365] : memref<2x16x128xi32, #tpu.memory_space<vmem>> -> memref<1x16x128xi32, #tpu.memory_space<vmem>>
        %dma_start3A_367 = tpu.memref_squeeze %dma_start3A_366 : memref<1x16x128xi32, #tpu.memory_space<vmem>> -> memref<16x128xi32, #tpu.memory_space<vmem>>
        %dma_start3A_368 = arith.constant 0 : i32
        %dma_start3A_369 = tpu.memref_slice %arg4[%arg1, %add3A_313, %dma_start3A_368] : memref<16x160x128xi32, #tpu.memory_space<hbm>> -> memref<1x16x128xi32, #tpu.memory_space<hbm>>
        %dma_start3A_370 = tpu.memref_squeeze %dma_start3A_369 : memref<1x16x128xi32, #tpu.memory_space<hbm>> -> memref<16x128xi32, #tpu.memory_space<hbm>>
        %dma_start3A_371 = arith.constant 0 : i32
        %dma_start3A_372 = arith.constant 0 : i32
        %dma_start3A_373 = tpu.memref_slice %arg7[%select_n3A_363, %dma_start3A_371, %dma_start3A_372] : memref<2x16x128xi32, #tpu.memory_space<vmem>> -> memref<1x16x128xi32, #tpu.memory_space<vmem>>
        %dma_start3A_374 = tpu.memref_squeeze %dma_start3A_373 : memref<1x16x128xi32, #tpu.memory_space<vmem>> -> memref<16x128xi32, #tpu.memory_space<vmem>>
        %dma_start3A_375 = arith.constant 0 : i32
        %dma_start3A_376 = tpu.memref_slice %arg4[%arg1, %add3A_313, %dma_start3A_375] : memref<16x160x128xi32, #tpu.memory_space<hbm>> -> memref<1x16x128xi32, #tpu.memory_space<hbm>>
        %dma_start3A_377 = tpu.memref_squeeze %dma_start3A_376 : memref<1x16x128xi32, #tpu.memory_space<hbm>> -> memref<16x128xi32, #tpu.memory_space<hbm>>
        tpu.enqueue_dma source(%dma_start3A_377 : memref<16x128xi32, #tpu.memory_space<hbm>>) target(%dma_start3A_374 : memref<16x128xi32, #tpu.memory_space<vmem>>) target_semaphore(%arg12 : memref<!tpu.dma_semaphore, #tpu.memory_space<semaphore_mem>>)
      } else {
      }
      %add3A_303 = arith.constant 2 : i32
      %add3A_304 = arith.addi %add3A_88, %add3A_303 : i32
      %lt3A_305 = arith.cmpi slt, %add3A_304, %select_n3A : i32
      %convert_element_type3A_306 = arith.extui %lt3A_305 : i1 to i32
      %cond3A_307 = arith.constant 0 : i32
      %cond3A_308 = arith.cmpi ne, %convert_element_type3A_306, %cond3A_307 : i32
      scf.if %cond3A_308 {
        %add3A_309 = arith.constant 2 : i32
        %add3A_310 = arith.addi %add3A_88, %add3A_309 : i32
        %jit3A_311 = arith.constant 16 : i32
        %div3A_312 = arith.divsi %add3A_310, %jit3A_311 : i32
        %sign3A_313 = arith.constant 0 : i32
        %sign3A_314 = arith.cmpi sgt, %add3A_310, %sign3A_313 : i32
        %sign3A_315 = arith.extui %sign3A_314 : i1 to i32
        %sign3A_316 = arith.constant 0 : i32
        %sign3A_317 = arith.cmpi slt, %add3A_310, %sign3A_316 : i32
        %sign3A_318 = arith.extui %sign3A_317 : i1 to i32
        %sign3A_319 = arith.subi %sign3A_315, %sign3A_318 : i32
        %sign3A_320 = arith.constant 0 : i32
        %sign3A_321 = arith.cmpi sgt, %jit3A_311, %sign3A_320 : i32
        %sign3A_322 = arith.extui %sign3A_321 : i1 to i32
        %sign3A_323 = arith.constant 0 : i32
        %sign3A_324 = arith.cmpi slt, %jit3A_311, %sign3A_323 : i32
        %sign3A_325 = arith.extui %sign3A_324 : i1 to i32
        %sign3A_326 = arith.subi %sign3A_322, %sign3A_325 : i32
        %ne3A_327 = arith.cmpi ne, %sign3A_319, %sign3A_326 : i32
        %rem3A_328 = arith.remsi %add3A_310, %jit3A_311 : i32
        %ne3A_329 = arith.constant 0 : i32
        %ne3A_330 = arith.cmpi ne, %rem3A_328, %ne3A_329 : i32
        %and3A_331 = arith.andi %ne3A_327, %ne3A_330 : i1
        %sub3A_332 = arith.constant 1 : i32
        %sub3A_333 = arith.subi %div3A_312, %sub3A_332 : i32
        %select_n3A_334 = arith.select %and3A_331, %sub3A_333, %div3A_312 : i32
        %jit3A_335 = arith.constant 2 : i32
        %eq3A_336 = arith.constant 0 : i32
        %eq3A_337 = arith.cmpi eq, %jit3A_335, %eq3A_336 : i32
        %jit3A_338 = arith.constant 1 : i32
        %select_n3A_339 = arith.select %eq3A_337, %jit3A_338, %jit3A_335 : i32
        %rem3A_340 = arith.remsi %select_n3A_334, %select_n3A_339 : i32
        %ne3A_341 = arith.constant 0 : i32
        %ne3A_342 = arith.cmpi ne, %rem3A_340, %ne3A_341 : i32
        %lt3A_343 = arith.constant 0 : i32
        %lt3A_344 = arith.cmpi slt, %rem3A_340, %lt3A_343 : i32
        %lt3A_345 = arith.constant 0 : i32
        %lt3A_346 = arith.cmpi slt, %select_n3A_339, %lt3A_345 : i32
        %ne3A_347 = arith.xori %lt3A_344, %lt3A_346 : i1
        %and3A_348 = arith.andi %ne3A_347, %ne3A_342 : i1
        %add3A_349 = arith.addi %rem3A_340, %select_n3A_339 : i32
        %select_n3A_350 = arith.select %and3A_348, %add3A_349, %rem3A_340 : i32
        %jit3A_351 = arith.constant 16 : i32
        %eq3A_352 = arith.constant 0 : i32
        %eq3A_353 = arith.cmpi eq, %jit3A_351, %eq3A_352 : i32
        %jit3A_354 = arith.constant 1 : i32
        %select_n3A_355 = arith.select %eq3A_353, %jit3A_354, %jit3A_351 : i32
        %rem3A_356 = arith.remsi %add3A_310, %select_n3A_355 : i32
        %ne3A_357 = arith.constant 0 : i32
        %ne3A_358 = arith.cmpi ne, %rem3A_356, %ne3A_357 : i32
        %lt3A_359 = arith.constant 0 : i32
        %lt3A_360 = arith.cmpi slt, %rem3A_356, %lt3A_359 : i32
        %lt3A_361 = arith.constant 0 : i32
        %lt3A_362 = arith.cmpi slt, %select_n3A_355, %lt3A_361 : i32
        %ne3A_363 = arith.xori %lt3A_360, %lt3A_362 : i1
        %and3A_364 = arith.andi %ne3A_363, %ne3A_358 : i1
        %add3A_365 = arith.addi %rem3A_356, %select_n3A_355 : i32
        %select_n3A_366 = arith.select %and3A_364, %add3A_365, %rem3A_356 : i32
        %dma_start3A_367 = arith.constant 1 : i32
        %dma_start3A_368 = arith.constant 0 : i32
        %dma_start3A_369 = arith.constant 0 : i32
        %dma_start3A_370 = tpu.memref_slice %arg8[%dma_start3A_367, %dma_start3A_368, %dma_start3A_369] : memref<2x128x128xf32, #tpu.memory_space<vmem>> -> memref<1x128x128xf32, #tpu.memory_space<vmem>>
        %dma_start3A_371 = tpu.memref_squeeze %dma_start3A_370 : memref<1x128x128xf32, #tpu.memory_space<vmem>> -> memref<128x128xf32, #tpu.memory_space<vmem>>
        %dma_start3A_372 = arith.constant 0 : i32
        %dma_start3A_373 = tpu.memref_slice %arg6[%select_n3A_350, %select_n3A_366, %dma_start3A_372] : memref<2x16x128xi32, #tpu.memory_space<vmem>> -> memref<1x1x128xi32, #tpu.memory_space<vmem>>
        %dma_start3A_374 = tpu.memref_squeeze %dma_start3A_373 : memref<1x1x128xi32, #tpu.memory_space<vmem>> -> memref<128xi32, #tpu.memory_space<vmem>>
        %dma_start3A_375 = arith.constant 0 : i32
        %dma_start3A_376 = arith.constant 0 : i32
        %dma_start3A_377 = tpu.memref_slice %arg2[%dma_start3A_375, %dma_start3A_376] : memref<10240x128xf32, #tpu.memory_space<hbm>> -> memref<10240x128xf32, #tpu.memory_space<hbm>>
        tpu.enqueue_indirect_dma source(%dma_start3A_377 : memref<10240x128xf32, #tpu.memory_space<hbm>>) target(%dma_start3A_371 : memref<128x128xf32, #tpu.memory_space<vmem>>) offsets(%dma_start3A_374 : memref<128xi32, #tpu.memory_space<vmem>>) semaphore(%arg11 : memref<!tpu.dma_semaphore, #tpu.memory_space<semaphore_mem>>)
      } else {
      }
    }
    %barrier3A_84 = arith.constant 0 : index
    tpu.barrier barrier_id(%barrier3A_84)
    "tpu.region"() ({
      %run_scoped3A_85 = tpu.sem_alloc : memref<!tpu.dma_semaphore, #tpu.memory_space<semaphore_mem>>
      %dma_start3A_86 = arith.constant 0 : i32
      %dma_start3A_87 = tpu.memref_slice %arg5[%arg0, %mul3A_0, %dma_start3A_86] : memref<2x10240x128xf32, #tpu.memory_space<hbm>> -> memref<1x632x128xf32, #tpu.memory_space<hbm>>
      %dma_start3A_88 = tpu.memref_squeeze %dma_start3A_87 : memref<1x632x128xf32, #tpu.memory_space<hbm>> -> memref<632x128xf32, #tpu.memory_space<hbm>>
      %dma_start3A_89 = arith.constant 0 : i32
      %dma_start3A_90 = tpu.memref_slice %arg9[%mul3A_0, %dma_start3A_89] : memref<10112x128xf32, #tpu.memory_space<vmem_shared>> -> memref<632x128xf32, #tpu.memory_space<vmem_shared>>
      tpu.enqueue_dma source(%dma_start3A_90 : memref<632x128xf32, #tpu.memory_space<vmem_shared>>) target(%dma_start3A_88 : memref<632x128xf32, #tpu.memory_space<hbm>>) target_semaphore(%run_scoped3A_85 : memref<!tpu.dma_semaphore, #tpu.memory_space<semaphore_mem>>)
      %dma_wait3A = arith.constant 0 : i32
      %dma_wait3A_91 = tpu.memref_slice %arg5[%arg0, %mul3A_0, %dma_wait3A] : memref<2x10240x128xf32, #tpu.memory_space<hbm>> -> memref<1x632x128xf32, #tpu.memory_space<hbm>>
      %dma_wait3A_92 = tpu.memref_squeeze %dma_wait3A_91 : memref<1x632x128xf32, #tpu.memory_space<hbm>> -> memref<632x128xf32, #tpu.memory_space<hbm>>
      %dma_wait3A_93 = arith.constant 0 : i32
      %dma_wait3A_94 = tpu.memref_slice %arg9[%mul3A_0, %dma_wait3A_93] : memref<10112x128xf32, #tpu.memory_space<vmem_shared>> -> memref<632x128xf32, #tpu.memory_space<vmem_shared>>
      tpu.wait_dma2 semaphore(%run_scoped3A_85 : memref<!tpu.dma_semaphore, #tpu.memory_space<semaphore_mem>>) src(%dma_wait3A_94 : memref<632x128xf32, #tpu.memory_space<vmem_shared>>) dst(%dma_wait3A_92 : memref<632x128xf32, #tpu.memory_space<hbm>>)
      tpu.yield
    }) : () -> ()
    return
  }
}

module attributes {stable_mosaic.version = 14 : i64} {
  func.func @_k0_body(%arg0: i32, %arg1: memref<1024x32xf32, #tpu.memory_space<vmem>>, %arg2: memref<1024x128xf32, #tpu.memory_space<vmem>>, %arg3: memref<128x128xf32, #tpu.memory_space<vmem>>, %arg4: memref<1024x1xf32, #tpu.memory_space<vmem>>, %arg5: memref<1024x128xf32, #tpu.memory_space<vmem>>) attributes {dimension_semantics = [#tpu.dimension_semantics<arbitrary>], iteration_bounds = array<i64: 10>, scalar_prefetch = 0 : i64, scratch_operands = 0 : i64, tpu.core_type = #tpu.core_type<tc>, window_params = [{transform_indices = @transform_0, window_bounds = array<i64: 1024, 32>}, {transform_indices = @transform_1, window_bounds = array<i64: 1024, 128>}, {pipeline_mode = #tpu.pipeline_mode<synchronous>, transform_indices = @transform_2, window_bounds = array<i64: 128, 128>}, {transform_indices = @transform_3, window_bounds = array<i64: 1024, 1>}, {transform_indices = @transform_4, window_bounds = array<i64: 1024, 128>}]} {
    %get3A = arith.constant 0 : index
    %get3A_0 = arith.constant 0 : index
    %get3A_1 = vector.load %arg1[%get3A, %get3A_0] : memref<1024x32xf32, #tpu.memory_space<vmem>>, vector<1024x32xf32>
    %reduce_sum3A = arith.constant dense<0.000000e+00> : vector<1024xf32>
    %reduce_sum3A_2 = vector.multi_reduction <add>, %get3A_1, %reduce_sum3A [1] : vector<1024x32xf32> to vector<1024xf32>
    %broadcast_in_dim3A = vector.shape_cast %reduce_sum3A_2 : vector<1024xf32> to vector<1024x1xf32>
    %add3A = arith.constant 2.000000e+00 : f32
    %add3A_3 = vector.broadcast %add3A : f32 to vector<1024x1xf32>
    %add3A_4 = arith.addf %broadcast_in_dim3A, %add3A_3 : vector<1024x1xf32>
    %mul3A = arith.constant 1024 : i32
    %mul3A_5 = arith.muli %arg0, %mul3A : i32
    %iota3A = tpu.iota {dimensions = array<i32: 0>} : vector<1024x1xi32>
    %add3A_6 = vector.broadcast %mul3A_5 : i32 to vector<1024x1xi32>
    %add3A_7 = arith.addi %add3A_6, %iota3A : vector<1024x1xi32>
    %lt3A = arith.constant 10000 : i32
    %lt3A_8 = vector.broadcast %lt3A : i32 to vector<1024x1xi32>
    %lt3A_9 = arith.cmpi slt, %add3A_7, %lt3A_8 : vector<1024x1xi32>
    %sqrt3A = math.sqrt %add3A_4 : vector<1024x1xf32>
    %div3A = arith.constant 1.000000e+00 : f32
    %div3A_10 = vector.broadcast %div3A : f32 to vector<1024x1xf32>
    %div3A_11 = arith.divf %div3A_10, %sqrt3A : vector<1024x1xf32>
    %jit3A = arith.constant 0.000000e+00 : f32
    %broadcast_in_dim3A_12 = vector.broadcast %jit3A : f32 to vector<1024x1xf32>
    %select_n3A = arith.select %lt3A_9, %div3A_11, %broadcast_in_dim3A_12 : vector<1024x1xi1>, vector<1024x1xf32>
    %swap3A = arith.constant 0 : index
    %swap3A_13 = arith.constant 0 : index
    %swap3A_14 = vector.load %arg4[%swap3A, %swap3A_13] : memref<1024x1xf32, #tpu.memory_space<vmem>>, vector<1024x1xf32>
    tpu.vector_store %arg4[%swap3A, %swap3A_13], %select_n3A {strides = array<i32>} : memref<1024x1xf32, #tpu.memory_space<vmem>>, vector<1024x1xf32>,
    %get3A_15 = arith.constant 0 : index
    %get3A_16 = arith.constant 0 : index
    %get3A_17 = vector.load %arg2[%get3A_15, %get3A_16] : memref<1024x128xf32, #tpu.memory_space<vmem>>, vector<1024x128xf32>
    %get3A_18 = arith.constant 0 : index
    %get3A_19 = arith.constant 0 : index
    %get3A_20 = vector.load %arg3[%get3A_18, %get3A_19] : memref<128x128xf32, #tpu.memory_space<vmem>>, vector<128x128xf32>
    %dot_general3A = arith.constant dense<0.000000e+00> : vector<1024x128xf32>
    %dot_general3A_21 = tpu.matmul %get3A_17, %get3A_20, %dot_general3A {dimension_numbers = #tpu.dot_dimension_numbers<[1], [0], [0], [1], [0, 0, 1, 1], [], []>, transpose_lhs_hint = false} : vector<1024x128xf32>, vector<128x128xf32>, vector<1024x128xf32> -> vector<1024x128xf32>
    %mul3A_22 = vector.broadcast %select_n3A : vector<1024x1xf32> to vector<1024x128xf32>
    %mul3A_23 = arith.mulf %dot_general3A_21, %mul3A_22 : vector<1024x128xf32>
    %swap3A_24 = arith.constant 0 : index
    %swap3A_25 = arith.constant 0 : index
    %swap3A_26 = vector.load %arg5[%swap3A_24, %swap3A_25] : memref<1024x128xf32, #tpu.memory_space<vmem>>, vector<1024x128xf32>
    tpu.vector_store %arg5[%swap3A_24, %swap3A_25], %mul3A_23 {strides = array<i32>} : memref<1024x128xf32, #tpu.memory_space<vmem>>, vector<1024x128xf32>,
    return
  }
  func.func @transform_0(%arg0: i32) -> (i32, i32) {
    %c0_i32 = arith.constant 0 : i32
    %c0_i32_0 = arith.constant 0 : i32
    return %arg0, %c0_i32 : i32, i32
  }
  func.func @transform_1(%arg0: i32) -> (i32, i32) {
    %c0_i32 = arith.constant 0 : i32
    %c0_i32_0 = arith.constant 0 : i32
    return %arg0, %c0_i32 : i32, i32
  }
  func.func @transform_2(%arg0: i32) -> (i32, i32) {
    %c0_i32 = arith.constant 0 : i32
    %c0_i32_0 = arith.constant 0 : i32
    %c0_i32_1 = arith.constant 0 : i32
    return %c0_i32, %c0_i32_0 : i32, i32
  }
  func.func @transform_3(%arg0: i32) -> (i32, i32) {
    %c0_i32 = arith.constant 0 : i32
    %c0_i32_0 = arith.constant 0 : i32
    return %arg0, %c0_i32 : i32, i32
  }
  func.func @transform_4(%arg0: i32) -> (i32, i32) {
    %c0_i32 = arith.constant 0 : i32
    %c0_i32_0 = arith.constant 0 : i32
    return %arg0, %c0_i32 : i32, i32
  }
}

module attributes {stable_mosaic.version = 14 : i64} {
  func.func @_mid_body(%arg0: i32, %arg1: memref<1024x128xf32, #tpu.memory_space<vmem>>, %arg2: memref<1024x128xf32, #tpu.memory_space<vmem>>, %arg3: memref<1024x1xf32, #tpu.memory_space<vmem>>, %arg4: memref<1x128xf32, #tpu.memory_space<vmem>>, %arg5: memref<1x128xf32, #tpu.memory_space<vmem>>, %arg6: memref<1x128xf32, #tpu.memory_space<vmem>>, %arg7: memref<128x128xf32, #tpu.memory_space<vmem>>, %arg8: memref<1024x128xf32, #tpu.memory_space<vmem>>) attributes {dimension_semantics = [#tpu.dimension_semantics<arbitrary>], iteration_bounds = array<i64: 10>, scalar_prefetch = 0 : i64, scratch_operands = 0 : i64, tpu.core_type = #tpu.core_type<tc>, window_params = [{transform_indices = @transform_0, window_bounds = array<i64: 1024, 128>}, {transform_indices = @transform_1, window_bounds = array<i64: 1024, 128>}, {transform_indices = @transform_2, window_bounds = array<i64: 1024, 1>}, {pipeline_mode = #tpu.pipeline_mode<synchronous>, transform_indices = @transform_3, window_bounds = array<i64: 1, 128>}, {pipeline_mode = #tpu.pipeline_mode<synchronous>, transform_indices = @transform_4, window_bounds = array<i64: 1, 128>}, {pipeline_mode = #tpu.pipeline_mode<synchronous>, transform_indices = @transform_5, window_bounds = array<i64: 1, 128>}, {pipeline_mode = #tpu.pipeline_mode<synchronous>, transform_indices = @transform_6, window_bounds = array<i64: 128, 128>}, {transform_indices = @transform_7, window_bounds = array<i64: 1024, 128>}]} {
    %get3A = arith.constant 0 : index
    %get3A_0 = arith.constant 0 : index
    %get3A_1 = vector.load %arg1[%get3A, %get3A_0] : memref<1024x128xf32, #tpu.memory_space<vmem>>, vector<1024x128xf32>
    %get3A_2 = arith.constant 0 : index
    %get3A_3 = arith.constant 0 : index
    %get3A_4 = vector.load %arg2[%get3A_2, %get3A_3] : memref<1024x128xf32, #tpu.memory_space<vmem>>, vector<1024x128xf32>
    %add3A = arith.addf %get3A_1, %get3A_4 : vector<1024x128xf32>
    %get3A_5 = arith.constant 0 : index
    %get3A_6 = arith.constant 0 : index
    %get3A_7 = vector.load %arg3[%get3A_5, %get3A_6] : memref<1024x1xf32, #tpu.memory_space<vmem>>, vector<1024x1xf32>
    %mul3A = vector.broadcast %get3A_7 : vector<1024x1xf32> to vector<1024x128xf32>
    %mul3A_8 = arith.mulf %add3A, %mul3A : vector<1024x128xf32>
    %get3A_9 = arith.constant 0 : index
    %get3A_10 = arith.constant 0 : index
    %get3A_11 = vector.load %arg4[%get3A_9, %get3A_10] : memref<1x128xf32, #tpu.memory_space<vmem>>, vector<1x128xf32>
    %add3A_12 = vector.broadcast %get3A_11 : vector<1x128xf32> to vector<1024x128xf32>
    %add3A_13 = arith.addf %mul3A_8, %add3A_12 : vector<1024x128xf32>
    %get3A_14 = arith.constant 0 : index
    %get3A_15 = arith.constant 0 : index
    %get3A_16 = vector.load %arg5[%get3A_14, %get3A_15] : memref<1x128xf32, #tpu.memory_space<vmem>>, vector<1x128xf32>
    %mul3A_17 = arith.constant 0.999994993 : f32
    %mul3A_18 = vector.broadcast %mul3A_17 : f32 to vector<1x128xf32>
    %mul3A_19 = arith.mulf %get3A_16, %mul3A_18 : vector<1x128xf32>
    %mul3A_20 = vector.broadcast %mul3A_19 : vector<1x128xf32> to vector<1024x128xf32>
    %mul3A_21 = arith.mulf %add3A_13, %mul3A_20 : vector<1024x128xf32>
    %get3A_22 = arith.constant 0 : index
    %get3A_23 = arith.constant 0 : index
    %get3A_24 = vector.load %arg6[%get3A_22, %get3A_23] : memref<1x128xf32, #tpu.memory_space<vmem>>, vector<1x128xf32>
    %add3A_25 = vector.broadcast %get3A_24 : vector<1x128xf32> to vector<1024x128xf32>
    %add3A_26 = arith.addf %mul3A_21, %add3A_25 : vector<1024x128xf32>
    %ge3A = arith.constant 0.000000e+00 : f32
    %ge3A_27 = vector.broadcast %ge3A : f32 to vector<1024x128xf32>
    %ge3A_28 = arith.cmpf oge, %add3A_26, %ge3A_27 : vector<1024x128xf32>
    %mul3A_29 = arith.constant 0.00999999977 : f32
    %mul3A_30 = vector.broadcast %mul3A_29 : f32 to vector<1024x128xf32>
    %mul3A_31 = arith.mulf %mul3A_30, %add3A_26 : vector<1024x128xf32>
    %select_n3A = arith.select %ge3A_28, %add3A_26, %mul3A_31 : vector<1024x128xi1>, vector<1024x128xf32>
    %get3A_32 = arith.constant 0 : index
    %get3A_33 = arith.constant 0 : index
    %get3A_34 = vector.load %arg7[%get3A_32, %get3A_33] : memref<128x128xf32, #tpu.memory_space<vmem>>, vector<128x128xf32>
    %dot_general3A = arith.constant dense<0.000000e+00> : vector<1024x128xf32>
    %dot_general3A_35 = tpu.matmul %select_n3A, %get3A_34, %dot_general3A {dimension_numbers = #tpu.dot_dimension_numbers<[1], [0], [0], [1], [0, 0, 1, 1], [], []>, transpose_lhs_hint = false} : vector<1024x128xf32>, vector<128x128xf32>, vector<1024x128xf32> -> vector<1024x128xf32>
    %get3A_36 = arith.constant 0 : index
    %get3A_37 = arith.constant 0 : index
    %get3A_38 = vector.load %arg3[%get3A_36, %get3A_37] : memref<1024x1xf32, #tpu.memory_space<vmem>>, vector<1024x1xf32>
    %mul3A_39 = vector.broadcast %get3A_38 : vector<1024x1xf32> to vector<1024x128xf32>
    %mul3A_40 = arith.mulf %dot_general3A_35, %mul3A_39 : vector<1024x128xf32>
    %swap3A = arith.constant 0 : index
    %swap3A_41 = arith.constant 0 : index
    %swap3A_42 = vector.load %arg8[%swap3A, %swap3A_41] : memref<1024x128xf32, #tpu.memory_space<vmem>>, vector<1024x128xf32>
    tpu.vector_store %arg8[%swap3A, %swap3A_41], %mul3A_40 {strides = array<i32>} : memref<1024x128xf32, #tpu.memory_space<vmem>>, vector<1024x128xf32>,
    return
  }
  func.func @transform_0(%arg0: i32) -> (i32, i32) {
    %c0_i32 = arith.constant 0 : i32
    %c0_i32_0 = arith.constant 0 : i32
    return %arg0, %c0_i32 : i32, i32
  }
  func.func @transform_1(%arg0: i32) -> (i32, i32) {
    %c0_i32 = arith.constant 0 : i32
    %c0_i32_0 = arith.constant 0 : i32
    return %arg0, %c0_i32 : i32, i32
  }
  func.func @transform_2(%arg0: i32) -> (i32, i32) {
    %c0_i32 = arith.constant 0 : i32
    %c0_i32_0 = arith.constant 0 : i32
    return %arg0, %c0_i32 : i32, i32
  }
  func.func @transform_3(%arg0: i32) -> (i32, i32) {
    %c0_i32 = arith.constant 0 : i32
    %c0_i32_0 = arith.constant 0 : i32
    %c0_i32_1 = arith.constant 0 : i32
    return %c0_i32, %c0_i32_0 : i32, i32
  }
  func.func @transform_4(%arg0: i32) -> (i32, i32) {
    %c0_i32 = arith.constant 0 : i32
    %c0_i32_0 = arith.constant 0 : i32
    %c0_i32_1 = arith.constant 0 : i32
    return %c0_i32, %c0_i32_0 : i32, i32
  }
  func.func @transform_5(%arg0: i32) -> (i32, i32) {
    %c0_i32 = arith.constant 0 : i32
    %c0_i32_0 = arith.constant 0 : i32
    %c0_i32_1 = arith.constant 0 : i32
    return %c0_i32, %c0_i32_0 : i32, i32
  }
  func.func @transform_6(%arg0: i32) -> (i32, i32) {
    %c0_i32 = arith.constant 0 : i32
    %c0_i32_0 = arith.constant 0 : i32
    %c0_i32_1 = arith.constant 0 : i32
    return %c0_i32, %c0_i32_0 : i32, i32
  }
  func.func @transform_7(%arg0: i32) -> (i32, i32) {
    %c0_i32 = arith.constant 0 : i32
    %c0_i32_0 = arith.constant 0 : i32
    return %arg0, %c0_i32 : i32, i32
  }
}

module attributes {stable_mosaic.version = 14 : i64} {
  func.func @_fin_body(%arg0: i32, %arg1: memref<1024x128xf32, #tpu.memory_space<vmem>>, %arg2: memref<1024x128xf32, #tpu.memory_space<vmem>>, %arg3: memref<1024x1xf32, #tpu.memory_space<vmem>>, %arg4: memref<1x128xf32, #tpu.memory_space<vmem>>, %arg5: memref<1x128xf32, #tpu.memory_space<vmem>>, %arg6: memref<1x128xf32, #tpu.memory_space<vmem>>, %arg7: memref<128x64xf32, #tpu.memory_space<vmem>>, %arg8: memref<1x64xf32, #tpu.memory_space<vmem>>, %arg9: memref<64x32xf32, #tpu.memory_space<vmem>>, %arg10: memref<1x32xf32, #tpu.memory_space<vmem>>, %arg11: memref<32x1xf32, #tpu.memory_space<vmem>>, %arg12: memref<1x1xf32, #tpu.memory_space<vmem>>, %arg13: memref<1024x128xf32, #tpu.memory_space<vmem>>, %arg14: memref<1024x1xf32, #tpu.memory_space<vmem>>) attributes {dimension_semantics = [#tpu.dimension_semantics<arbitrary>], iteration_bounds = array<i64: 10>, scalar_prefetch = 0 : i64, scratch_operands = 0 : i64, tpu.core_type = #tpu.core_type<tc>, window_params = [{transform_indices = @transform_0, window_bounds = array<i64: 1024, 128>}, {transform_indices = @transform_1, window_bounds = array<i64: 1024, 128>}, {transform_indices = @transform_2, window_bounds = array<i64: 1024, 1>}, {pipeline_mode = #tpu.pipeline_mode<synchronous>, transform_indices = @transform_3, window_bounds = array<i64: 1, 128>}, {pipeline_mode = #tpu.pipeline_mode<synchronous>, transform_indices = @transform_4, window_bounds = array<i64: 1, 128>}, {pipeline_mode = #tpu.pipeline_mode<synchronous>, transform_indices = @transform_5, window_bounds = array<i64: 1, 128>}, {pipeline_mode = #tpu.pipeline_mode<synchronous>, transform_indices = @transform_6, window_bounds = array<i64: 128, 64>}, {pipeline_mode = #tpu.pipeline_mode<synchronous>, transform_indices = @transform_7, window_bounds = array<i64: 1, 64>}, {pipeline_mode = #tpu.pipeline_mode<synchronous>, transform_indices = @transform_8, window_bounds = array<i64: 64, 32>}, {pipeline_mode = #tpu.pipeline_mode<synchronous>, transform_indices = @transform_9, window_bounds = array<i64: 1, 32>}, {pipeline_mode = #tpu.pipeline_mode<synchronous>, transform_indices = @transform_10, window_bounds = array<i64: 32, 1>}, {pipeline_mode = #tpu.pipeline_mode<synchronous>, transform_indices = @transform_11, window_bounds = array<i64: 1, 1>}, {transform_indices = @transform_12, window_bounds = array<i64: 1024, 128>}, {transform_indices = @transform_13, window_bounds = array<i64: 1024, 1>}]} {
    %get3A = arith.constant 0 : index
    %get3A_0 = arith.constant 0 : index
    %get3A_1 = vector.load %arg1[%get3A, %get3A_0] : memref<1024x128xf32, #tpu.memory_space<vmem>>, vector<1024x128xf32>
    %get3A_2 = arith.constant 0 : index
    %get3A_3 = arith.constant 0 : index
    %get3A_4 = vector.load %arg2[%get3A_2, %get3A_3] : memref<1024x128xf32, #tpu.memory_space<vmem>>, vector<1024x128xf32>
    %add3A = arith.addf %get3A_1, %get3A_4 : vector<1024x128xf32>
    %get3A_5 = arith.constant 0 : index
    %get3A_6 = arith.constant 0 : index
    %get3A_7 = vector.load %arg3[%get3A_5, %get3A_6] : memref<1024x1xf32, #tpu.memory_space<vmem>>, vector<1024x1xf32>
    %mul3A = vector.broadcast %get3A_7 : vector<1024x1xf32> to vector<1024x128xf32>
    %mul3A_8 = arith.mulf %add3A, %mul3A : vector<1024x128xf32>
    %get3A_9 = arith.constant 0 : index
    %get3A_10 = arith.constant 0 : index
    %get3A_11 = vector.load %arg4[%get3A_9, %get3A_10] : memref<1x128xf32, #tpu.memory_space<vmem>>, vector<1x128xf32>
    %add3A_12 = vector.broadcast %get3A_11 : vector<1x128xf32> to vector<1024x128xf32>
    %add3A_13 = arith.addf %mul3A_8, %add3A_12 : vector<1024x128xf32>
    %get3A_14 = arith.constant 0 : index
    %get3A_15 = arith.constant 0 : index
    %get3A_16 = vector.load %arg5[%get3A_14, %get3A_15] : memref<1x128xf32, #tpu.memory_space<vmem>>, vector<1x128xf32>
    %mul3A_17 = arith.constant 0.999994993 : f32
    %mul3A_18 = vector.broadcast %mul3A_17 : f32 to vector<1x128xf32>
    %mul3A_19 = arith.mulf %get3A_16, %mul3A_18 : vector<1x128xf32>
    %mul3A_20 = vector.broadcast %mul3A_19 : vector<1x128xf32> to vector<1024x128xf32>
    %mul3A_21 = arith.mulf %add3A_13, %mul3A_20 : vector<1024x128xf32>
    %get3A_22 = arith.constant 0 : index
    %get3A_23 = arith.constant 0 : index
    %get3A_24 = vector.load %arg6[%get3A_22, %get3A_23] : memref<1x128xf32, #tpu.memory_space<vmem>>, vector<1x128xf32>
    %add3A_25 = vector.broadcast %get3A_24 : vector<1x128xf32> to vector<1024x128xf32>
    %add3A_26 = arith.addf %mul3A_21, %add3A_25 : vector<1024x128xf32>
    %ge3A = arith.constant 0.000000e+00 : f32
    %ge3A_27 = vector.broadcast %ge3A : f32 to vector<1024x128xf32>
    %ge3A_28 = arith.cmpf oge, %add3A_26, %ge3A_27 : vector<1024x128xf32>
    %mul3A_29 = arith.constant 0.00999999977 : f32
    %mul3A_30 = vector.broadcast %mul3A_29 : f32 to vector<1024x128xf32>
    %mul3A_31 = arith.mulf %mul3A_30, %add3A_26 : vector<1024x128xf32>
    %select_n3A = arith.select %ge3A_28, %add3A_26, %mul3A_31 : vector<1024x128xi1>, vector<1024x128xf32>
    %swap3A = arith.constant 0 : index
    %swap3A_32 = arith.constant 0 : index
    %swap3A_33 = vector.load %arg13[%swap3A, %swap3A_32] : memref<1024x128xf32, #tpu.memory_space<vmem>>, vector<1024x128xf32>
    tpu.vector_store %arg13[%swap3A, %swap3A_32], %select_n3A {strides = array<i32>} : memref<1024x128xf32, #tpu.memory_space<vmem>>, vector<1024x128xf32>,
    %get3A_34 = arith.constant 0 : index
    %get3A_35 = arith.constant 0 : index
    %get3A_36 = vector.load %arg7[%get3A_34, %get3A_35] : memref<128x64xf32, #tpu.memory_space<vmem>>, vector<128x64xf32>
    %dot_general3A = arith.constant dense<0.000000e+00> : vector<1024x64xf32>
    %dot_general3A_37 = tpu.matmul %select_n3A, %get3A_36, %dot_general3A {dimension_numbers = #tpu.dot_dimension_numbers<[1], [0], [0], [1], [0, 0, 1, 1], [], []>, transpose_lhs_hint = false} : vector<1024x128xf32>, vector<128x64xf32>, vector<1024x64xf32> -> vector<1024x64xf32>
    %get3A_38 = arith.constant 0 : index
    %get3A_39 = arith.constant 0 : index
    %get3A_40 = vector.load %arg8[%get3A_38, %get3A_39] : memref<1x64xf32, #tpu.memory_space<vmem>>, vector<1x64xf32>
    %add3A_41 = vector.broadcast %get3A_40 : vector<1x64xf32> to vector<1024x64xf32>
    %add3A_42 = arith.addf %dot_general3A_37, %add3A_41 : vector<1024x64xf32>
    %ge3A_43 = arith.constant 0.000000e+00 : f32
    %ge3A_44 = vector.broadcast %ge3A_43 : f32 to vector<1024x64xf32>
    %ge3A_45 = arith.cmpf oge, %add3A_42, %ge3A_44 : vector<1024x64xf32>
    %mul3A_46 = arith.constant 0.00999999977 : f32
    %mul3A_47 = vector.broadcast %mul3A_46 : f32 to vector<1024x64xf32>
    %mul3A_48 = arith.mulf %mul3A_47, %add3A_42 : vector<1024x64xf32>
    %select_n3A_49 = arith.select %ge3A_45, %add3A_42, %mul3A_48 : vector<1024x64xi1>, vector<1024x64xf32>
    %get3A_50 = arith.constant 0 : index
    %get3A_51 = arith.constant 0 : index
    %get3A_52 = vector.load %arg9[%get3A_50, %get3A_51] : memref<64x32xf32, #tpu.memory_space<vmem>>, vector<64x32xf32>
    %dot_general3A_53 = arith.constant dense<0.000000e+00> : vector<1024x32xf32>
    %dot_general3A_54 = tpu.matmul %select_n3A_49, %get3A_52, %dot_general3A_53 {dimension_numbers = #tpu.dot_dimension_numbers<[1], [0], [0], [1], [0, 0, 1, 1], [], []>, transpose_lhs_hint = false} : vector<1024x64xf32>, vector<64x32xf32>, vector<1024x32xf32> -> vector<1024x32xf32>
    %get3A_55 = arith.constant 0 : index
    %get3A_56 = arith.constant 0 : index
    %get3A_57 = vector.load %arg10[%get3A_55, %get3A_56] : memref<1x32xf32, #tpu.memory_space<vmem>>, vector<1x32xf32>
    %add3A_58 = vector.broadcast %get3A_57 : vector<1x32xf32> to vector<1024x32xf32>
    %add3A_59 = arith.addf %dot_general3A_54, %add3A_58 : vector<1024x32xf32>
    %ge3A_60 = arith.constant 0.000000e+00 : f32
    %ge3A_61 = vector.broadcast %ge3A_60 : f32 to vector<1024x32xf32>
    %ge3A_62 = arith.cmpf oge, %add3A_59, %ge3A_61 : vector<1024x32xf32>
    %mul3A_63 = arith.constant 0.00999999977 : f32
    %mul3A_64 = vector.broadcast %mul3A_63 : f32 to vector<1024x32xf32>
    %mul3A_65 = arith.mulf %mul3A_64, %add3A_59 : vector<1024x32xf32>
    %select_n3A_66 = arith.select %ge3A_62, %add3A_59, %mul3A_65 : vector<1024x32xi1>, vector<1024x32xf32>
    %get3A_67 = arith.constant 0 : index
    %get3A_68 = arith.constant 0 : index
    %get3A_69 = vector.load %arg11[%get3A_67, %get3A_68] : memref<32x1xf32, #tpu.memory_space<vmem>>, vector<32x1xf32>
    %dot_general3A_70 = arith.constant dense<0.000000e+00> : vector<1024x1xf32>
    %dot_general3A_71 = tpu.matmul %select_n3A_66, %get3A_69, %dot_general3A_70 {dimension_numbers = #tpu.dot_dimension_numbers<[1], [0], [0], [1], [0, 0, 1, 1], [], []>, transpose_lhs_hint = false} : vector<1024x32xf32>, vector<32x1xf32>, vector<1024x1xf32> -> vector<1024x1xf32>
    %get3A_72 = arith.constant 0 : index
    %get3A_73 = arith.constant 0 : index
    %get3A_74 = vector.load %arg12[%get3A_72, %get3A_73] : memref<1x1xf32, #tpu.memory_space<vmem>>, vector<1x1xf32>
    %add3A_75 = vector.broadcast %get3A_74 : vector<1x1xf32> to vector<1024x1xf32>
    %add3A_76 = arith.addf %dot_general3A_71, %add3A_75 : vector<1024x1xf32>
    %swap3A_77 = arith.constant 0 : index
    %swap3A_78 = arith.constant 0 : index
    %swap3A_79 = vector.load %arg14[%swap3A_77, %swap3A_78] : memref<1024x1xf32, #tpu.memory_space<vmem>>, vector<1024x1xf32>
    tpu.vector_store %arg14[%swap3A_77, %swap3A_78], %add3A_76 {strides = array<i32>} : memref<1024x1xf32, #tpu.memory_space<vmem>>, vector<1024x1xf32>,
    return
  }
  func.func @transform_0(%arg0: i32) -> (i32, i32) {
    %c0_i32 = arith.constant 0 : i32
    %c0_i32_0 = arith.constant 0 : i32
    return %arg0, %c0_i32 : i32, i32
  }
  func.func @transform_1(%arg0: i32) -> (i32, i32) {
    %c0_i32 = arith.constant 0 : i32
    %c0_i32_0 = arith.constant 0 : i32
    return %arg0, %c0_i32 : i32, i32
  }
  func.func @transform_2(%arg0: i32) -> (i32, i32) {
    %c0_i32 = arith.constant 0 : i32
    %c0_i32_0 = arith.constant 0 : i32
    return %arg0, %c0_i32 : i32, i32
  }
  func.func @transform_3(%arg0: i32) -> (i32, i32) {
    %c0_i32 = arith.constant 0 : i32
    %c0_i32_0 = arith.constant 0 : i32
    %c0_i32_1 = arith.constant 0 : i32
    return %c0_i32, %c0_i32_0 : i32, i32
  }
  func.func @transform_4(%arg0: i32) -> (i32, i32) {
    %c0_i32 = arith.constant 0 : i32
    %c0_i32_0 = arith.constant 0 : i32
    %c0_i32_1 = arith.constant 0 : i32
    return %c0_i32, %c0_i32_0 : i32, i32
  }
  func.func @transform_5(%arg0: i32) -> (i32, i32) {
    %c0_i32 = arith.constant 0 : i32
    %c0_i32_0 = arith.constant 0 : i32
    %c0_i32_1 = arith.constant 0 : i32
    return %c0_i32, %c0_i32_0 : i32, i32
  }
  func.func @transform_6(%arg0: i32) -> (i32, i32) {
    %c0_i32 = arith.constant 0 : i32
    %c0_i32_0 = arith.constant 0 : i32
    %c0_i32_1 = arith.constant 0 : i32
    return %c0_i32, %c0_i32_0 : i32, i32
  }
  func.func @transform_7(%arg0: i32) -> (i32, i32) {
    %c0_i32 = arith.constant 0 : i32
    %c0_i32_0 = arith.constant 0 : i32
    %c0_i32_1 = arith.constant 0 : i32
    return %c0_i32, %c0_i32_0 : i32, i32
  }
  func.func @transform_8(%arg0: i32) -> (i32, i32) {
    %c0_i32 = arith.constant 0 : i32
    %c0_i32_0 = arith.constant 0 : i32
    %c0_i32_1 = arith.constant 0 : i32
    return %c0_i32, %c0_i32_0 : i32, i32
  }
  func.func @transform_9(%arg0: i32) -> (i32, i32) {
    %c0_i32 = arith.constant 0 : i32
    %c0_i32_0 = arith.constant 0 : i32
    %c0_i32_1 = arith.constant 0 : i32
    return %c0_i32, %c0_i32_0 : i32, i32
  }
  func.func @transform_10(%arg0: i32) -> (i32, i32) {
    %c0_i32 = arith.constant 0 : i32
    %c0_i32_0 = arith.constant 0 : i32
    %c0_i32_1 = arith.constant 0 : i32
    return %c0_i32, %c0_i32_0 : i32, i32
  }
  func.func @transform_11(%arg0: i32) -> (i32, i32) {
    %c0_i32 = arith.constant 0 : i32
    %c0_i32_0 = arith.constant 0 : i32
    %c0_i32_1 = arith.constant 0 : i32
    return %c0_i32, %c0_i32_0 : i32, i32
  }
  func.func @transform_12(%arg0: i32) -> (i32, i32) {
    %c0_i32 = arith.constant 0 : i32
    %c0_i32_0 = arith.constant 0 : i32
    return %arg0, %c0_i32 : i32, i32
  }
  func.func @transform_13(%arg0: i32) -> (i32, i32) {
    %c0_i32 = arith.constant 0 : i32
    %c0_i32_0 = arith.constant 0 : i32
    return %arg0, %c0_i32 : i32, i32
  }
}

</mosaic_0001>

<sc_bundles>
// kernel: kernel.10.cloned.1.call-start
scs
__scs_entry_jumppad:
0x0: {  	(pc) =	sbr.rel $0x88, $3  }
0x1: {  	(tag) =	ssettag $0x0;
	lr =	simm.s32 $0x1  }
0x2: {  	[smem:$0x3F8D] =	sst lr;
	_ =	strace $0xD0000000  }
0x3: {  	_ = 	snop  }
0x4: {  	_ = 	snop  }
0x5: {  	_ = 	snop  }
0x6: {  	_ = 	snop  }
0x7: {  	_ = 	snop  }
__scs_overlays_trampoline_lowered:
0x8: {  	[smem:$0x3F9C] =	sst s0  }
0x9: {  	[smem:$0x3F9D] =	sst s1  }
0xa: {  	[smem:$0x3F9E] =	sst s2  }
0xb: {  	[smem:$0x3F9F] =	sst s3  }
0xc: {  	[smem:$0x3FA0] =	sst s4  }
0xd: {  	[smem:$0x3FA1] =	sst s5  }
0xe: {  	[smem:$0x3FA2] =	sst s6  }
0xf: {  	[smem:$0x3FA3] =	sst s7  }
0x10: {  	[smem:$0x3FA4] =	sst s8  }
0x11: {  	[smem:$0x3FA5] =	sst s9;
	s0 =	simm.s32 @!p0 $0x0  }
0x12: {  	s1 =	sld [smem:$0x3F8B];
	s0 =	simm.s32 @p0 $0x1  }
0x13: {  	[smem:$0x3FA6] =	sst s0;
	s0 =	simm.s32 @!p1 $0x0  }
0x14: {  	s2 =	sld [smem:$0x3F8A];
	s0 =	simm.s32 @p1 $0x1  }
0x15: {  	[smem:$0x3FA7] =	sst s0;
	s0 =	simm.s32 @!p2 $0x0  }
0x16: {  	s3 =	sld [smem:$0x3FDB];
	s0 =	simm.s32 @p2 $0x1  }
0x17: {  	s4 =	simm.s32 $0x1BF5;
	[smem:$0x3FA9] =	sst s0  }
0x18: {  	s0 =	sld [smem:$0x3F8C];
	_ =	swait.ge [sflag:s4], $0x0  }
0x19: {  	s7 =	sld [smem:$0x3F8D]  }
0x1a: {  	s8 =	sadd.s32 $0xFFFFE003, lr  }
0x1b: {  	s9 =	sadd.s32 $0xFFFFFEF7, lr;
	s5 =	simm.s32 $0xFFFFFFFF;
	p2 =	slt.u32 s8, $0xFFFFF086  }
0x1c: {  	p1 =	slt.u32 s9, $0xF7A;
	s5 =	simm.s32 @!p2 $0x0  }
0x1d: {  	s5 =	simm.s32 @p1 $0x1;
	p0 =	seq.s32 s7, s2  }
0x1e: {  	s7 =	smul.u32 @!p0 $0xF7A, s2;
	p2 =	seq.s32 @!p0 s5, $0x0  }
0x1f: {  	s9 =	smul.u32 $0xF7A, s1;
	s8 =	simm.s32 @!p0 $0x1BF5;
	p2 =	por !p2, p0  }
0x20: {  	[sflag:s8] =	ssyncset.s32 @!p0 $0xFFFFF086;
	s6 =	sadd.s32 @!p0 s3, s7;
	s7 =	simm.s32 @!p0 $0x108  }
0x21: {  	s3 =	sadd.s32 s3, s9;
	s6 =	sadd.s32 @!p0 $0x88, s6;
	s7 =	simm.s32 @p2 $0x1082  }
0x22: {  	[simem:s7], [sflag:s8] =	dma.local @!p0 [hbm:s6], $0xF7A  }
0x23: {  	s9 =	sor.u32 $0xD0000000, s2;
	s6 =	simm.s32 $0x108;
	_ =	swait.ge @!p0 [sflag:s8], $0x0  }
0x24: {  	s3 =	sadd.s32 $0x88, s3;
	s6 =	simm.s32 @!p1 $0x1082;
	[sflag:s4] =	ssyncset.s32 $0xFFFFF086  }
0x25: {  	[simem:s6], [sflag:s4] =	dma.local [hbm:s3], $0xF7A  }
0x26: {  	[smem:$0x3F8D] =	sst s1;
	(tag) =	ssettag s2;
	_ =	strace s9  }
0x27: {  	s1 =	sld [smem:$0x3F9D]  }
0x28: {  	s2 =	sld [smem:$0x3F9E]  }
0x29: {  	s4 =	sld [smem:$0x3FA0]  }
0x2a: {  	p0 =	seq.s32 s5, $0x0;
	s5 =	sld [smem:$0x3FA1]  }
0x2b: {  	s6 =	sld [smem:$0x3FA2]  }
0x2c: {  	s7 =	sld [smem:$0x3FA3]  }
0x2d: {  	s3 =	simm.s32 $0x108;
	s8 =	sld [smem:$0x3FA4]  }
0x2e: {  	s3 =	simm.s32 @!p0 $0x1082;
	s9 =	sld [smem:$0x3FA5]  }
0x2f: {  	lr =	sadd.s32 s0, s3;
	s0 =	sld [smem:$0x3F9C]  }
0x30: {  	s3 =	sld [smem:$0x3F9F]  }
0x31: {  	[smem:$0x3FA8] =	sst s10  }
0x32: {  	s10 =	sld [smem:$0x3FA6];
	_ =	sdelay $0x3  }
0x33: {  	p0 =	seq.s32 s10, $0x1;
	s10 =	sld [smem:$0x3FA8];
	_ =	sdelay $0x3  }
0x34: {  	[smem:$0x3FA8] =	sst s10  }
0x35: {  	s10 =	sld [smem:$0x3FA7];
	_ =	sdelay $0x3  }
0x36: {  	p1 =	seq.s32 s10, $0x1;
	s10 =	sld [smem:$0x3FA8];
	_ =	sdelay $0x3  }
0x37: {  	[smem:$0x3FA8] =	sst s10  }
0x38: {  	s10 =	sld [smem:$0x3FA9]  }
0x39: {  	_ = 	snop;
	(pc) =	sbr.ind lr, $3  }
0x3a: {  	_ = 	snop  }
0x3b: {  	_ = 	snop  }
0x3c: {  	p2 =	seq.s32 s10, $0x1;
	s10 =	sld [smem:$0x3FA8]  }
0x3d: {  	_ =	shalt  }
0x3e: {  	_ =	shalt  }
0x3f: {  	_ =	shalt  }
0x40: {  	_ =	shalt  }
0x41: {  	_ =	shalt  }
0x42: {  	_ =	shalt  }
0x43: {  	_ =	shalt  }
0x44: {  	_ =	shalt  }
0x45: {  	_ =	shalt  }
0x46: {  	_ =	shalt  }
0x47: {  	_ =	shalt  }
0x48: {  	_ =	shalt  }
0x49: {  	_ =	shalt  }
0x4a: {  	_ =	shalt  }
0x4b: {  	_ =	shalt  }
0x4c: {  	_ =	shalt  }
0x4d: {  	_ =	shalt  }
0x4e: {  	_ =	shalt  }
0x4f: {  	_ =	shalt  }
0x50: {  	_ =	shalt  }
0x51: {  	_ =	shalt  }
0x52: {  	_ =	shalt  }
0x53: {  	_ =	shalt  }
0x54: {  	_ =	shalt  }
0x55: {  	_ =	shalt  }
0x56: {  	_ =	shalt  }
0x57: {  	_ =	shalt  }
0x58: {  	_ =	shalt  }
0x59: {  	_ =	shalt  }
0x5a: {  	_ =	shalt  }
0x5b: {  	_ =	shalt  }
0x5c: {  	_ =	shalt  }
0x5d: {  	_ =	shalt  }
0x5e: {  	_ =	shalt  }
0x5f: {  	_ =	shalt  }
0x60: {  	_ =	shalt  }
0x61: {  	_ =	shalt  }
0x62: {  	_ =	shalt  }
0x63: {  	_ =	shalt  }
0x64: {  	_ =	shalt  }
0x65: {  	_ =	shalt  }
0x66: {  	_ =	shalt  }
0x67: {  	_ =	shalt  }
0x68: {  	_ =	shalt  }
0x69: {  	_ =	shalt  }
0x6a: {  	_ =	shalt  }
0x6b: {  	_ =	shalt  }
0x6c: {  	_ =	shalt  }
0x6d: {  	_ =	shalt  }
0x6e: {  	_ =	shalt  }
0x6f: {  	_ =	shalt  }
0x70: {  	_ =	shalt  }
0x71: {  	_ =	shalt  }
0x72: {  	_ =	shalt  }
0x73: {  	_ =	shalt  }
0x74: {  	_ =	shalt  }
0x75: {  	_ =	shalt  }
0x76: {  	_ =	shalt  }
0x77: {  	_ =	shalt  }
0x78: {  	_ =	shalt  }
0x79: {  	_ =	shalt  }
0x7a: {  	_ =	shalt  }
0x7b: {  	_ =	shalt  }
0x7c: {  	_ =	shalt  }
0x7d: {  	_ =	shalt  }
0x7e: {  	_ =	shalt  }
0x7f: {  	_ =	shalt  }
0x80: {  	_ =	shalt  }
0x81: {  	_ =	shalt  }
0x82: {  	_ =	shalt  }
0x83: {  	_ =	shalt  }
0x84: {  	_ =	shalt  }
0x85: {  	_ =	shalt  }
0x86: {  	_ =	shalt  }
0x87: {  	_ =	shalt  }
.Lfunc_end0:
.L_simem_size_0:
called_computation_lowered:
.L_overlay_start_0:
0x88: {  	s2 =	sld [smem:$0x3FD9]  }
0x89: {  	s3 =	sld [smem:$0x3FFE];
	_ =	sdelay $0x1  }
0x8a: {  	s1 =	srdreg.scid  }
0x8b: {  	s0 =	sand.u32 $0x1, s1  }
0x8c: {  	s16 =	sshll.u32 s0, $0xA;
	s2 =	sadd.s32 s3, s2  }
0x8d: {  	s2 =	sadd.s32 s2, s16  }
0x8e: {  	[smem:$0x3FB4] =	sst s2  }
0x8f: {  	_ = 	snop  }
0x90: {  	(tm) =	ssettm $0x1  }
0x91: {  	s17 =	sld [smem:$0x3FFB];
	_ =	sdelay $0x3  }
0x92: {  	_ =	strace s17  }
0x93: {  	s2 =	sld [smem:$0x3FFC];
	_ =	sdelay $0x3  }
0x94: {  	_ =	strace s2  }
0x95: {  	s2 =	sld [smem:$0x3FFD];
	_ =	sdelay $0x3  }
0x96: {  	_ =	strace s2  }
0x97: {  	_ =	strace $0x8FFFFFFF  }
0x98: {  	s18 =	sld [smem:$0x3FDB];
	_ =	sdelay $0x1  }
0x99: {  	s19 =	simm.s32 $_scs_section_size  }
0x9a: {  	s4 =	simm.s32 $_size__tile_overlayer_lowered;
	s5 =	simm.s32 $_tile_overlayer_lowered  }
0x9b: {  	s22 =	simm.s32 $0x1BFF;
	s21 =	sshll.u32 s5, $0x1;
	s2 =	sadd.s32 s19, s18  }
0x9c: {  	s6 =	simm.s32 $0x0;
	s20 =	sshll.u32 s4, $0x1;
	s4 =	sadd.s32 s21, s2  }
0x9d: {  	[timem:s6], [sflag:s22] =	dma.local [hbm:s4], s20  }
0x9e: {  	_ =	swait.ge [sflag:s22], s20  }
0x9f: {  	s3 =	ssub.s32 $0x0, s20;
	[sflag:s22] =	ssyncset.done $0x0  }
0xa0: {  	[sflag:s22] =	ssyncadd.s32 s3;
	_ =	sdelay $0x1  }
0xa1: {  	s23 =	simm.s32 $0x1B8B  }
0xa2: {  	_ =	swait.ge [sflag:s23], $0x1  }
0xa3: {  	[sflag:s23] =	ssyncset.done $0x0  }
0xa4: {  	s25 =	simm.s32 $0x1B8E;
	s24 =	sld [smem:$0x3FFE];
	[sflag:s23] =	ssyncadd.s32 $0xFFFFFFFF  }
0xa5: {  	s26 =	simm.s32 $execute0_lowered;
	[smem:$0x3FD2] =	sst s25  }
0xa6: {  	s4 =	sshll.u32 s26, $0x1;
	_ =	strace $0x80000046;
	[dreg:$0x1] =	wrdreg $0xFFFFFFFF  }
0xa7: {  	s28 =	simm.s32 $_size_execute0_lowered;
	s2 =	sadd.s32 s2, s4;
	[dreg:$0x0] =	wrdreg $0x0  }
0xa8: {  	s4 =	sshll.u32 s28, $0x1;
	[dreg:$0x2] =	wrdreg s2  }
0xa9: {  	[dreg:$0x3] =	wrdreg s4  }
0xaa: {  	[dreg:$0x4] =	wrdreg $0xC0  }
0xab: {  	_ =	task [dreg:s6], $0x5FFFF  }
0xac: {  	[dreg:$0x1] =	wrdreg $0xFFFFFFFF  }
0xad: {  	[dreg:$0x0] =	wrdreg $0x60  }
0xae: {  	[dreg:$0x2] =	wrdreg s24  }
0xaf: {  	[dreg:$0x3] =	wrdreg $0x9  }
0xb0: {  	_ =	task.clear_ibuf [dreg:s6], $0x4FFFF;
	_ =	strace $0x90000046  }
0xb1: {  	s29 =	simm.s32 $0x9;
	_ =	strace $0x80000048  }
0xb2: {  	_ =	swait.ge [sflag:s29], $0x1  }
0xb3: {  	[sflag:s29] =	ssyncadd.s32 $0xFFFFFFFF  }
0xb4: {  	_ =	strace $0x90000048  }
0xb5: {  	_ =	sfence  }
0xb6: {  	s30 =	sld [smem:$0x0];
	_ =	sdelay $0x2  }
0xb7: {  	s31 =	sshll.u32 s1, $0xD;
	s1 =	sshrl.u32 s1, $0x2  }
0xb8: {  	s3 =	sand.u32 $0x4000, s31;
	s1 =	sadd.s32 s1, s30  }
0xb9: {  	s0 =	sor.u32 s3, s0;
	s1 =	sshll.u32 s1, $0x11  }
0xba: {  	s0 =	sor.u32 s1, s0  }
0xbb: {  	s0 =	sadd.s32 $0x8F2B, s0  }
0xbc: {  	[sflag:s0] =	ssyncadd.remote.s32 $0x1  }
0xbd: {  	_ =	sfence.sel $0xFFFF  }
0xbe: {  	[dreg:$0x0] =	wrdreg $0xFFFFFFFF;
	(pc) =	sbr.abs _section_cstart, $3  }
0xbf: {  	[dreg:$0x1] =	wrdreg $0xFFFFFFFF  }
0xc0: {  	_ =	task.clear_ibuf [dreg:s6], $0x2FFFF;
	_ =	strace $0x9FFFFFFF  }
0xc1: {  	(tm) =	ssettm $0x7FFFFFFF  }
tec
execute0_lowered:
.L_overlay_start_1:
0x0: {  	(tag) =	ssettag $0x1  }
0x1: {  	s0 =	srdreg.scid  }
0x2: {  	s3 =	sand.u32 $0x1, s0  }
0x3: {  	s0 =	stileid.u32;
	s1 =	sshll.u32 s3, $0x4  }
0x4: {  	s4 =	rddreg [dreg:$0x0];
	s1 =	sor.u32 s0, s1  }
0x5: {  	s6 =	simm.s32 $0x80;
	s7 =	simm.s32 $0x400;
	s1 =	sshrl.u32 s1, $0x3  }
0x6: {  	s8 =	simm.s32 $0x1;
	s30 =	sshll.u32 s0, $0x7;
	s2 =	smul.u32 $0x14000, s1  }
0x7: {  	s9 =	simm.s32 $0x2800;
	s3 =	ssub.s32 $0x2, s3;
	s5 =	sand.u32 $0x380, s30  }
0x8: {  	s1 =	rddreg [dreg:$0x1];
	s5 =	sor.u32 s5, s2;
	s2 =	simm.s32 $0x0  }
0x9: {  	s31 =	sshrl.u32 s3, $0x1;
	s5 =	sshrl.u32 s5, $0x3;
	[smem:$0x7FF] =	sst s2  }
0xa: {  	s4 =	sadd.s32 s5, s4;
	_ =	strace $0x80000047;
	s5 =	ssub.s32 s3, s31  }
0xb: {  	v0 =	vimm.f32 $0.0e+00;
	v1 =	vimm.f32 $1.000000000e+00;
	s3 =	sadd.s32 $0xEA00, s4;
	s4 =	sadd.s32 $0x18A00, s4;
	s5 =	smax.u32 s5, $0x1  }
.LBB2_1:
0xc: {  	s10 =	simm.s32 $0x40;
	s11 =	simm.s32 $0x0  }
.LBB2_2:
0xd: {  	p0 =	sne.s32 s10, $0x9FC0;
	[tilespmem:s11+$0x2800] =	vst v0;
	s11 =	smov.u32 s10;
	s10 =	sadd.s32 $0x40, s10  }
.Ltmp0:
0xe: {  	(pc) =	sbr.rel @p0 .LBB2_2-.Ltmp0, $2  }
0xf: {  	_ =	sdelay $0x2  }
0x10: {  	s11 =	sshra.s32 s11, $0x2  }
0x11: {  	[tilespmem:s11+$0x2800] =	vst v0;
	s10 =	simm.s32 $0x0  }
0x12: {  	[tilespmem:s10], [sflag:$0x1] =	stream.strided.gather [hbm4b:s3+s6], $0x2800, s7, s6, $0x38;
	[tilespmem:$0x5000] =	vst v63  }
0x13: {  	_ =	swait.ge [sflag:s8], $0x2800  }
0x14: {  	[sflag:s8] =	ssyncset.done $0x0  }
0x15: {  	s11 =	simm.s32 $0x0;
	s10 =	simm.s32 $0x40;
	[sflag:s8] =	ssyncadd.s32 $0xFFFFD800  }
.LBB2_4:
0x16: {  	p0 =	sne.s32 s10, $0x9FC0;
	v2 =	vld [tilespmem:s11+$0x0];
	_ =	sdelay $0x3  }
.Ltmp1:
0x17: {  	(pc) =	sbr.rel @p0 .LBB2_4-.Ltmp1, $2  }
0x18: {  	_ =	sdelay $0x2  }
0x19: {  	s11 =	sshra.s32 s10, $0x2;
	s10 =	sadd.s32 $0x40, s10;
	[tilespmem:v2+s9+$0x0] =	vst.idx.add.f32.msk $0xffff, v1  }
0x1a: {  	v2 =	vld [tilespmem:s11+$0x0];
	_ =	sdelay $0x5  }
0x1b: {  	s2 =	sadd.s32 $0x1, s2  }
0x1c: {  	p0 =	sne.s32 s2, s5  }
.Ltmp2:
0x1d: {  	[tilespmem:v2+s9+$0x0] =	vst.idx.add.f32.msk $0xffff, v1;
	(pc) =	sbr.rel @p0 .LBB2_1-.Ltmp2, $4  }
0x1e: {  	[hbm4b:s4+s6] =	stream.strided.scatter [tilespmem:s9], [sflag:$0x1], $0x2800, s7, s6, $0x38;
	[tilespmem:$0x5000] =	vst v63  }
0x1f: {  	_ =	swait.ge [sflag:s8], $0x2800  }
0x20: {  	[sflag:s8] =	ssyncset.done $0x0  }
0x21: {  	[sflag:s8] =	ssyncadd.s32 $0xFFFFD800  }
0x22: {  	_ =	sfence.sel $0x180000  }
0x23: {  	[bflag:$0x0] =	sbarrier.arrive $0xFFFF  }
0x24: {  	p0 =	sne.s32 s0, $0x0;
	_ =	strace $0x90000047  }
0x25: {  	s0 =	sadd.s32 @!p0 $0x100000, s1;
	[bflag:$0x2] =	sbarrier.arrive $0xFFFF  }
0x26: {  	[sflag:s0] =	ssyncadd.tile.s32 @!p0 $0x1;
	_ =	shalt  }
.Lfunc_end2:
_tile_overlayer_lowered:
.L_overlay_start_2:
0x27: {  	(tag) =	ssettag $0x2  }
0x28: {  	s0 =	rddreg [dreg:$0x0];
	s2 =	stileid.u32  }
0x29: {  	s1 =	rddreg [dreg:$0x1];
	p0 =	sne.s32 s2, $0x0  }
0x2a: {  	s3 =	rddreg [dreg:$0x2];
	[bflag:$0x3] =	sbarrier.arrive $0xFFFF;
	s2 =	simm.s32 @!p0 $0x1C01  }
0x2b: {  	[timem:s3], [sflag:s2] =	dma.local @!p0 [hbm:s0], s1  }
0x2c: {  	s0 =	simm.s32 @!p0 $0x1  }
0x2d: {  	_ =	swait.ge @!p0 [sflag:s0], s1  }
0x2e: {  	s1 =	ssub.s32 @!p0 $0x0, s1;
	[sflag:s0] =	ssyncset.done @!p0 $0x0  }
0x2f: {  	[sflag:s0] =	ssyncadd.s32 @!p0 s1  }
0x30: {  	[bflag:$0x3] =	sbarrier.arrive $0xFFFF  }
0x31: {  	_ =	shalt  }

// kernel: kernel.13.cloned.1.call-start
scs
__scs_entry_jumppad:
0x0: {  	(pc) =	sbr.rel $0x88, $3  }
0x1: {  	(tag) =	ssettag $0x0;
	lr =	simm.s32 $0x1  }
0x2: {  	[smem:$0x3F8D] =	sst lr;
	_ =	strace $0xD0000000  }
0x3: {  	_ = 	snop  }
0x4: {  	_ = 	snop  }
0x5: {  	_ = 	snop  }
0x6: {  	_ = 	snop  }
0x7: {  	_ = 	snop  }
__scs_overlays_trampoline_lowered:
0x8: {  	[smem:$0x3F9C] =	sst s0  }
0x9: {  	[smem:$0x3F9D] =	sst s1  }
0xa: {  	[smem:$0x3F9E] =	sst s2  }
0xb: {  	[smem:$0x3F9F] =	sst s3  }
0xc: {  	[smem:$0x3FA0] =	sst s4  }
0xd: {  	[smem:$0x3FA1] =	sst s5  }
0xe: {  	[smem:$0x3FA2] =	sst s6  }
0xf: {  	[smem:$0x3FA3] =	sst s7  }
0x10: {  	[smem:$0x3FA4] =	sst s8  }
0x11: {  	[smem:$0x3FA5] =	sst s9;
	s0 =	simm.s32 @!p0 $0x0  }
0x12: {  	s1 =	sld [smem:$0x3F8B];
	s0 =	simm.s32 @p0 $0x1  }
0x13: {  	[smem:$0x3FA6] =	sst s0;
	s0 =	simm.s32 @!p1 $0x0  }
0x14: {  	s2 =	sld [smem:$0x3F8A];
	s0 =	simm.s32 @p1 $0x1  }
0x15: {  	[smem:$0x3FA7] =	sst s0;
	s0 =	simm.s32 @!p2 $0x0  }
0x16: {  	s3 =	sld [smem:$0x3FDB];
	s0 =	simm.s32 @p2 $0x1  }
0x17: {  	s4 =	simm.s32 $0x1BF5;
	[smem:$0x3FA9] =	sst s0  }
0x18: {  	s0 =	sld [smem:$0x3F8C];
	_ =	swait.ge [sflag:s4], $0x0  }
0x19: {  	s7 =	sld [smem:$0x3F8D]  }
0x1a: {  	s8 =	sadd.s32 $0xFFFFE003, lr  }
0x1b: {  	s9 =	sadd.s32 $0xFFFFFEF7, lr;
	s5 =	simm.s32 $0xFFFFFFFF;
	p2 =	slt.u32 s8, $0xFFFFF086  }
0x1c: {  	p1 =	slt.u32 s9, $0xF7A;
	s5 =	simm.s32 @!p2 $0x0  }
0x1d: {  	s5 =	simm.s32 @p1 $0x1;
	p0 =	seq.s32 s7, s2  }
0x1e: {  	s7 =	smul.u32 @!p0 $0xF7A, s2;
	p2 =	seq.s32 @!p0 s5, $0x0  }
0x1f: {  	s9 =	smul.u32 $0xF7A, s1;
	s8 =	simm.s32 @!p0 $0x1BF5;
	p2 =	por !p2, p0  }
0x20: {  	[sflag:s8] =	ssyncset.s32 @!p0 $0xFFFFF086;
	s6 =	sadd.s32 @!p0 s3, s7;
	s7 =	simm.s32 @!p0 $0x108  }
0x21: {  	s3 =	sadd.s32 s3, s9;
	s6 =	sadd.s32 @!p0 $0x88, s6;
	s7 =	simm.s32 @p2 $0x1082  }
0x22: {  	[simem:s7], [sflag:s8] =	dma.local @!p0 [hbm:s6], $0xF7A  }
0x23: {  	s9 =	sor.u32 $0xD0000000, s2;
	s6 =	simm.s32 $0x108;
	_ =	swait.ge @!p0 [sflag:s8], $0x0  }
0x24: {  	s3 =	sadd.s32 $0x88, s3;
	s6 =	simm.s32 @!p1 $0x1082;
	[sflag:s4] =	ssyncset.s32 $0xFFFFF086  }
0x25: {  	[simem:s6], [sflag:s4] =	dma.local [hbm:s3], $0xF7A  }
0x26: {  	[smem:$0x3F8D] =	sst s1;
	(tag) =	ssettag s2;
	_ =	strace s9  }
0x27: {  	s1 =	sld [smem:$0x3F9D]  }
0x28: {  	s2 =	sld [smem:$0x3F9E]  }
0x29: {  	s4 =	sld [smem:$0x3FA0]  }
0x2a: {  	p0 =	seq.s32 s5, $0x0;
	s5 =	sld [smem:$0x3FA1]  }
0x2b: {  	s6 =	sld [smem:$0x3FA2]  }
0x2c: {  	s7 =	sld [smem:$0x3FA3]  }
0x2d: {  	s3 =	simm.s32 $0x108;
	s8 =	sld [smem:$0x3FA4]  }
0x2e: {  	s3 =	simm.s32 @!p0 $0x1082;
	s9 =	sld [smem:$0x3FA5]  }
0x2f: {  	lr =	sadd.s32 s0, s3;
	s0 =	sld [smem:$0x3F9C]  }
0x30: {  	s3 =	sld [smem:$0x3F9F]  }
0x31: {  	[smem:$0x3FA8] =	sst s10  }
0x32: {  	s10 =	sld [smem:$0x3FA6];
	_ =	sdelay $0x3  }
0x33: {  	p0 =	seq.s32 s10, $0x1;
	s10 =	sld [smem:$0x3FA8];
	_ =	sdelay $0x3  }
0x34: {  	[smem:$0x3FA8] =	sst s10  }
0x35: {  	s10 =	sld [smem:$0x3FA7];
	_ =	sdelay $0x3  }
0x36: {  	p1 =	seq.s32 s10, $0x1;
	s10 =	sld [smem:$0x3FA8];
	_ =	sdelay $0x3  }
0x37: {  	[smem:$0x3FA8] =	sst s10  }
0x38: {  	s10 =	sld [smem:$0x3FA9]  }
0x39: {  	_ = 	snop;
	(pc) =	sbr.ind lr, $3  }
0x3a: {  	_ = 	snop  }
0x3b: {  	_ = 	snop  }
0x3c: {  	p2 =	seq.s32 s10, $0x1;
	s10 =	sld [smem:$0x3FA8]  }
0x3d: {  	_ =	shalt  }
0x3e: {  	_ =	shalt  }
0x3f: {  	_ =	shalt  }
0x40: {  	_ =	shalt  }
0x41: {  	_ =	shalt  }
0x42: {  	_ =	shalt  }
0x43: {  	_ =	shalt  }
0x44: {  	_ =	shalt  }
0x45: {  	_ =	shalt  }
0x46: {  	_ =	shalt  }
0x47: {  	_ =	shalt  }
0x48: {  	_ =	shalt  }
0x49: {  	_ =	shalt  }
0x4a: {  	_ =	shalt  }
0x4b: {  	_ =	shalt  }
0x4c: {  	_ =	shalt  }
0x4d: {  	_ =	shalt  }
0x4e: {  	_ =	shalt  }
0x4f: {  	_ =	shalt  }
0x50: {  	_ =	shalt  }
0x51: {  	_ =	shalt  }
0x52: {  	_ =	shalt  }
0x53: {  	_ =	shalt  }
0x54: {  	_ =	shalt  }
0x55: {  	_ =	shalt  }
0x56: {  	_ =	shalt  }
0x57: {  	_ =	shalt  }
0x58: {  	_ =	shalt  }
0x59: {  	_ =	shalt  }
0x5a: {  	_ =	shalt  }
0x5b: {  	_ =	shalt  }
0x5c: {  	_ =	shalt  }
0x5d: {  	_ =	shalt  }
0x5e: {  	_ =	shalt  }
0x5f: {  	_ =	shalt  }
0x60: {  	_ =	shalt  }
0x61: {  	_ =	shalt  }
0x62: {  	_ =	shalt  }
0x63: {  	_ =	shalt  }
0x64: {  	_ =	shalt  }
0x65: {  	_ =	shalt  }
0x66: {  	_ =	shalt  }
0x67: {  	_ =	shalt  }
0x68: {  	_ =	shalt  }
0x69: {  	_ =	shalt  }
0x6a: {  	_ =	shalt  }
0x6b: {  	_ =	shalt  }
0x6c: {  	_ =	shalt  }
0x6d: {  	_ =	shalt  }
0x6e: {  	_ =	shalt  }
0x6f: {  	_ =	shalt  }
0x70: {  	_ =	shalt  }
0x71: {  	_ =	shalt  }
0x72: {  	_ =	shalt  }
0x73: {  	_ =	shalt  }
0x74: {  	_ =	shalt  }
0x75: {  	_ =	shalt  }
0x76: {  	_ =	shalt  }
0x77: {  	_ =	shalt  }
0x78: {  	_ =	shalt  }
0x79: {  	_ =	shalt  }
0x7a: {  	_ =	shalt  }
0x7b: {  	_ =	shalt  }
0x7c: {  	_ =	shalt  }
0x7d: {  	_ =	shalt  }
0x7e: {  	_ =	shalt  }
0x7f: {  	_ =	shalt  }
0x80: {  	_ =	shalt  }
0x81: {  	_ =	shalt  }
0x82: {  	_ =	shalt  }
0x83: {  	_ =	shalt  }
0x84: {  	_ =	shalt  }
0x85: {  	_ =	shalt  }
0x86: {  	_ =	shalt  }
0x87: {  	_ =	shalt  }
.Lfunc_end0:
.L_simem_size_0:
called_computation.1_lowered:
.L_overlay_start_0:
0x88: {  	s2 =	sld [smem:$0x3FD9]  }
0x89: {  	s3 =	sld [smem:$0x3FFE];
	_ =	sdelay $0x1  }
0x8a: {  	s1 =	srdreg.scid  }
0x8b: {  	s0 =	sand.u32 $0x1, s1  }
0x8c: {  	s14 =	sshll.u32 s0, $0xA;
	s2 =	sadd.s32 s3, s2  }
0x8d: {  	s2 =	sadd.s32 s2, s14  }
0x8e: {  	[smem:$0x3FB4] =	sst s2  }
0x8f: {  	_ = 	snop  }
0x90: {  	s2 =	sld [smem:$0x3FD0];
	_ =	sdelay $0x2  }
0x91: {  	s15 =	simm.s32 $0xA;
	s4 =	simm.s32 $0x10  }
0x92: {  	[smem:s4], [sflag:s15] =	dma.local [hbm:s2], $0x1  }
0x93: {  	_ =	swait.eq [sflag:s15], $0x1  }
0x94: {  	[sflag:s15] =	ssyncset.done $0x0  }
0x95: {  	[sflag:s15] =	ssyncadd.s32 $0xFFFFFFFF  }
0x96: {  	s16 =	sld [smem:$0x10];
	(tm) =	ssettm $0x1  }
0x97: {  	s17 =	sld [smem:$0x3FFB];
	_ =	sdelay $0x3  }
0x98: {  	_ =	strace s17  }
0x99: {  	s3 =	sld [smem:$0x3FFC];
	_ =	sdelay $0x3  }
0x9a: {  	_ =	strace s3  }
0x9b: {  	s3 =	sld [smem:$0x3FFD];
	_ =	sdelay $0x3  }
0x9c: {  	_ =	strace s3  }
0x9d: {  	_ =	strace $0x8FFFFFFF  }
0x9e: {  	s18 =	sld [smem:$0x3FDB];
	_ =	sdelay $0x1  }
0x9f: {  	s19 =	simm.s32 $_scs_section_size  }
0xa0: {  	s5 =	simm.s32 $_size__tile_overlayer_lowered;
	s6 =	simm.s32 $_tile_overlayer_lowered  }
0xa1: {  	s22 =	simm.s32 $0x1BFF;
	s21 =	sshll.u32 s6, $0x1;
	s3 =	sadd.s32 s19, s18  }
0xa2: {  	s7 =	simm.s32 $0x0;
	s20 =	sshll.u32 s5, $0x1;
	s5 =	sadd.s32 s21, s3  }
0xa3: {  	[timem:s7], [sflag:s22] =	dma.local [hbm:s5], s20  }
0xa4: {  	_ =	swait.ge [sflag:s22], s20  }
0xa5: {  	s4 =	ssub.s32 $0x0, s20;
	[sflag:s22] =	ssyncset.done $0x0  }
0xa6: {  	[sflag:s22] =	ssyncadd.s32 s4;
	_ =	sdelay $0x1  }
0xa7: {  	s23 =	simm.s32 $0x1B8B  }
0xa8: {  	_ =	swait.ge [sflag:s23], $0x1  }
0xa9: {  	[sflag:s23] =	ssyncset.done $0x0  }
0xaa: {  	s25 =	simm.s32 $0x1B8E;
	s24 =	sld [smem:$0x3FFE];
	[sflag:s23] =	ssyncadd.s32 $0xFFFFFFFF  }
0xab: {  	s26 =	simm.s32 $execute0_lowered;
	[smem:$0x3FD2] =	sst s25  }
0xac: {  	s5 =	sshll.u32 s26, $0x1;
	_ =	strace $0x80000049;
	[dreg:$0x1] =	wrdreg $0xFFFFFFFF  }
0xad: {  	s28 =	simm.s32 $_size_execute0_lowered;
	s3 =	sadd.s32 s3, s5;
	[dreg:$0x0] =	wrdreg $0x0  }
0xae: {  	s5 =	sshll.u32 s28, $0x1;
	[dreg:$0x2] =	wrdreg s3  }
0xaf: {  	[dreg:$0x3] =	wrdreg s5  }
0xb0: {  	[dreg:$0x4] =	wrdreg $0xC0  }
0xb1: {  	_ =	task [dreg:s7], $0x5FFFF  }
0xb2: {  	[dreg:$0x1] =	wrdreg $0xFFFFFFFF  }
0xb3: {  	[dreg:$0x0] =	wrdreg $0x60  }
0xb4: {  	[dreg:$0x2] =	wrdreg s24  }
0xb5: {  	[dreg:$0x3] =	wrdreg s16  }
0xb6: {  	[dreg:$0x4] =	wrdreg $0xA0000  }
0xb7: {  	[dreg:$0x5] =	wrdreg $0x9  }
0xb8: {  	_ =	task.clear_ibuf [dreg:s7], $0x6FFFF;
	_ =	strace $0x90000049  }
0xb9: {  	s29 =	simm.s32 $0x9;
	_ =	strace $0x8000004B  }
0xba: {  	_ =	swait.ge [sflag:s29], $0x1  }
0xbb: {  	[sflag:s29] =	ssyncadd.s32 $0xFFFFFFFF  }
0xbc: {  	_ =	strace $0x9000004B  }
0xbd: {  	_ =	sfence  }
0xbe: {  	s30 =	sld [smem:$0x0];
	_ =	sdelay $0x2  }
0xbf: {  	s31 =	sshll.u32 s1, $0xD;
	s1 =	sshrl.u32 s1, $0x2  }
0xc0: {  	s3 =	sand.u32 $0x4000, s31;
	s1 =	sadd.s32 s1, s30  }
0xc1: {  	s0 =	sor.u32 s3, s0;
	s1 =	sshll.u32 s1, $0x11  }
0xc2: {  	s0 =	sor.u32 s1, s0  }
0xc3: {  	s0 =	sadd.s32 $0x8F2B, s0  }
0xc4: {  	[sflag:s0] =	ssyncadd.remote.s32 $0x1  }
0xc5: {  	_ =	sfence.sel $0xFFFF  }
0xc6: {  	[dreg:$0x0] =	wrdreg $0xFFFFFFFF;
	(pc) =	sbr.abs _section_cstart, $3  }
0xc7: {  	[dreg:$0x1] =	wrdreg $0xFFFFFFFF  }
0xc8: {  	_ =	task.clear_ibuf [dreg:s7], $0x2FFFF;
	_ =	strace $0x9FFFFFFF  }
0xc9: {  	(tm) =	ssettm $0x7FFFFFFF  }
tec
execute0_lowered:
.L_overlay_start_1:
0x0: {  	(tag) =	ssettag $0x1  }
0x1: {  	s0 =	rddreg [dreg:$0x0]  }
0x2: {  	s1 =	rddreg [dreg:$0x1]  }
0x3: {  	s3 =	rddreg [dreg:$0x2]  }
0x4: {  	s4 =	simm.s32 $0x0;
	s2 =	srdreg.scid;
	s13 =	stileid.u32  }
0x5: {  	s17 =	simm.s32 $0x4;
	s21 =	simm.s32 $0x80;
	s22 =	simm.s32 $0x2000  }
0x6: {  	s23 =	simm.s32 $0x6000;
	s24 =	simm.s32 $0x1;
	s25 =	simm.s32 $0x2  }
0x7: {  	s29 =	simm.s32 $0x0;
	[smem:$0x7FF] =	sst s4;
	s7 =	smul.u32 $0x13C00, s13  }
0x8: {  	s2 =	sand.u32 $0x1, s2;
	s5 =	sadd.s32 $0xEA00, s0;
	s9 =	smul.u32 $0x4F000, s13  }
0x9: {  	s6 =	sadd.s32 $0x4A00, s0;
	s11 =	smul.u32 $0x5000, s13;
	s30 =	sshll.u32 s13, $0x6  }
0xa: {  	_ =	strace $0x8000004A;
	s8 =	smul.u32 $0x140000, s2;
	s10 =	ssub.s32 $0x2, s2  }
0xb: {  	s2 =	smul.u32 $0x2800, s2;
	s12 =	sshrl.u32 s10, $0x1;
	s26 =	sshrl.u32 s9, $0x2  }
0xc: {  	s28 =	sshrl.u32 s7, $0x3;
	s9 =	sor.u32 $0x1C04, s30;
	s8 =	sadd.s32 s7, s8  }
0xd: {  	s15 =	ssub.s32 s10, s12;
	s16 =	sadd.s32 s26, s3;
	s7 =	sadd.s32 s2, s11  }
0xe: {  	s8 =	sshrl.u32 s8, $0x3;
	s11 =	sshrl.u32 s7, $0x3;
	s15 =	smax.u32 s15, $0x1  }
0xf: {  	s16 =	sshrl.u32 s16, $0x3;
	s0 =	sadd.s32 s8, s0;
	s8 =	sadd.s32 s5, s28  }
0x10: {  	s10 =	sadd.s32 s6, s11;
	s31 =	sadd.s32 $0x100, s11;
	s11 =	sadd.s32 s1, s11  }
0x11: {  	s12 =	sadd.s32 s6, s31;
	s13 =	sadd.s32 s1, s31;
	s14 =	sadd.s32 $0x5EA00, s0  }
.LBB2_1:
0x12: {  	[spmem:s16], [sflag:s9] =	dma.local [hbm:s8], $0x2780  }
0x13: {  	_ =	swait.ge [sflag:s17], $0x2780  }
0x14: {  	[sflag:s17] =	ssyncset.done $0x0  }
0x15: {  	[sflag:s17] =	ssyncadd.s32 $0xFFFFD880  }
0x16: {  	[bflag:$0x0] =	sbarrier.arrive $0xFFFF  }
0x17: {  	[tilespmem:s4], [sflag:$0x4] =	stream.linear.gather [hbm4b:s10+s4], $0x800, $0x38;
	[tilespmem:$0x1DC00] =	vst v63  }
0x18: {  	_ =	swait.ge [sflag:s17], $0x800  }
0x19: {  	[sflag:s17] =	ssyncset.done $0x0  }
0x1a: {  	s0 =	simm.s32 $0x1000;
	[sflag:s17] =	ssyncadd.s32 $0xFFFFF800  }
0x1b: {  	[tilespmem:s0], [sflag:$0x4] =	stream.linear.gather [hbm4b:s11+s4], $0x800, $0x38;
	[tilespmem:$0x1DC00] =	vst v63  }
0x1c: {  	_ =	swait.ge [sflag:s17], $0x800  }
0x1d: {  	[sflag:s17] =	ssyncset.done $0x0  }
0x1e: {  	s18 =	simm.s32 $0x800;
	[sflag:s17] =	ssyncadd.s32 $0xFFFFF800  }
0x1f: {  	[tilespmem:s18], [sflag:$0x3] =	stream.linear.gather [hbm4b:s12+s4], $0x800, $0x38;
	[tilespmem:$0x1DC00] =	vst v63  }
0x20: {  	s19 =	simm.s32 $0x1800  }
0x21: {  	[tilespmem:s19], [sflag:$0x3] =	stream.linear.gather [hbm4b:s13+s4], $0x800, $0x38;
	[tilespmem:$0x1DC00] =	vst v63  }
0x22: {  	_ = 	snop  }
0x23: {  	[tilespmem:s22], [sflag:$0x1] =	stream.indirect.gather [hbm4b:s5+s21], $0x80, s4, s21, $0xb8;
	[tilespmem:$0x1DC00] =	vst v63  }
0x24: {  	_ = 	snop  }
0x25: {  	[tilespmem:s23], [sflag:$0x2] =	stream.indirect.gather [hbm4b:s5+s21], $0x80, s21, s21, $0xb8;
	[tilespmem:$0x1DC00] =	vst v63  }
0x26: {  	_ =	swait.ge [sflag:s24], $0x4000  }
0x27: {  	s20 =	sand.u32 $0xF00, s4;
	[sflag:s24] =	ssyncset.done $0x0  }
0x28: {  	s0 =	sor.u32 $0x1000, s20;
	[sflag:s24] =	ssyncadd.s32 $0xFFFFC000  }
0x29: {  	[spmem:s3] =	stream.indirect.scatter.add.f32 [tilespmem:s22], [sflag:$0x4], $0x80, s0, s21, $0xb8;
	[tilespmem:$0x1DC00] =	vst v63  }
0x2a: {  	s2 =	sand.u32 $0xE, s25;
	_ =	swait.ge [sflag:s17], $0x4000  }
0x2b: {  	p0 =	sne.s32 s2, $0x0;
	[sflag:s17] =	ssyncset.done $0x0  }
0x2c: {  	s31 =	simm.s32 @!p0 $0x3;
	[sflag:s17] =	ssyncadd.s32 $0xFFFFC000  }
0x2d: {  	_ =	swait.ge @!p0 [sflag:s31], $0x800  }
0x2e: {  	[sflag:s31] =	ssyncset.done @!p0 $0x0  }
0x2f: {  	[sflag:s31] =	ssyncadd.s32 @!p0 $0xFFFFF800  }
0x30: {  	p1 =	por $0x0, $0x0;
	s30 =	simm.s32 $0x100;
	_ =	swait.ge @!p0 [sflag:s31], $0x800  }
0x31: {  	s18 =	sshll.u32 s2, $0x7;
	s19 =	sand.u32 $0x800, s30;
	[sflag:s31] =	ssyncset.done @!p0 $0x0  }
0x32: {  	p2 =	sne.s32 @!p1 s2, $0x0;
	s26 =	sor.u32 s18, s19;
	[sflag:s31] =	ssyncadd.s32 @!p0 $0xFFFFF800  }
0x33: {  	[tilespmem:s22], [sflag:$0x1] =	stream.indirect.gather [hbm4b:s5+s21], $0x80, s26, s21, $0xb8;
	[tilespmem:$0x1DC00] =	vst v63  }
0x34: {  	p0 =	por p2, p1;
	_ =	swait.ge [sflag:s25], $0x4000  }
0x35: {  	s2 =	sand.u32 @!p0 $0x7FFFF800, s30;
	[sflag:s25] =	ssyncset.done $0x0  }
0x36: {  	s0 =	sadd.s32 $0x80, s0;
	s2 =	sadd.s32 @!p0 $0x800, s2;
	[sflag:s25] =	ssyncadd.s32 $0xFFFFC000  }
0x37: {  	[spmem:s3] =	stream.indirect.scatter.add.f32 [tilespmem:s23], [sflag:$0x4], $0x80, s0, s21, $0xb8;
	[tilespmem:$0x1DC00] =	vst v63  }
0x38: {  	s0 =	sadd.s32 @!p0 s2, s7;
	_ =	swait.ge [sflag:s17], $0x4000  }
0x39: {  	s19 =	simm.s32 @!p0 $0x0;
	s0 =	sshrl.u32 @!p0 s0, $0x3;
	[sflag:s17] =	ssyncset.done $0x0  }
0x3a: {  	s2 =	sand.u32 @!p0 $0x800, s2;
	s18 =	sadd.s32 @!p0 s6, s0;
	[sflag:s17] =	ssyncadd.s32 $0xFFFFC000  }
0x3b: {  	[tilespmem:s2], [sflag:$0x3] =	stream.linear.gather @!p0 [hbm4b:s18+s19], $0x800, $0x38;
	[tilespmem:$0x1DC00] =	vst v63  }
0x3c: {  	s28 =	simm.s32 $0x180;
	s0 =	sadd.s32 @!p0 s1, s0;
	s2 =	sor.u32 @!p0 $0x1000, s2  }
0x3d: {  	[tilespmem:s2], [sflag:$0x3] =	stream.linear.gather @!p0 [hbm4b:s0+s19], $0x800, $0x38;
	[tilespmem:$0x1DC00] =	vst v63  }
0x3e: {  	s31 =	simm.s32 $0x4;
	s2 =	sand.u32 $0xF80, s28;
	s0 =	simm.s32 $0x1  }
.LBB2_2:
0x3f: {  	[tilespmem:s23], [sflag:$0x2] =	stream.indirect.gather [hbm4b:s5+s21], $0x80, s2, s21, $0xb8;
	[tilespmem:$0x1DC00] =	vst v63  }
0x40: {  	s2 =	smov.u32 s31;
	s31 =	sadd.s32 $0x2, s31;
	_ =	swait.ge [sflag:s24], $0x4000  }
0x41: {  	s18 =	sand.u32 $0xF00, s30;
	p0 =	sne.s32 s31, $0x50;
	[sflag:s24] =	ssyncset.done $0x0  }
0x42: {  	s19 =	smov.u32 s30;
	s18 =	sor.u32 $0x1000, s18;
	[sflag:s24] =	ssyncadd.s32 $0xFFFFC000  }
0x43: {  	[spmem:s3] =	stream.indirect.scatter.add.f32 [tilespmem:s22], [sflag:$0x4], $0x80, s18, s21, $0xb8;
	[tilespmem:$0x1DC00] =	vst v63  }
0x44: {  	s2 =	sand.u32 $0xE, s2;
	_ =	swait.ge [sflag:s17], $0x4000  }
0x45: {  	p2 =	sne.s32 s2, $0x0;
	[sflag:s17] =	ssyncset.done $0x0  }
0x46: {  	s20 =	simm.s32 @!p2 $0x3;
	[sflag:s17] =	ssyncadd.s32 $0xFFFFC000  }
0x47: {  	_ =	swait.ge @!p2 [sflag:s20], $0x800  }
0x48: {  	p1 =	sgt.u32 s0, $0x1E;
	[sflag:s20] =	ssyncset.done @!p2 $0x0  }
0x49: {  	s26 =	sshll.u32 s2, $0x7;
	p3 =	sne.s32 @!p1 s2, $0x0;
	[sflag:s20] =	ssyncadd.s32 @!p2 $0xFFFFF800  }
0x4a: {  	s30 =	sadd.s32 $0x100, s30;
	p1 =	por p3, p1;
	_ =	swait.ge @!p2 [sflag:s20], $0x800  }
0x4b: {  	s2 =	sand.u32 $0x800, s30;
	s28 =	sand.u32 @!p1 $0x7FFFF800, s30;
	[sflag:s20] =	ssyncset.done @!p2 $0x0  }
0x4c: {  	s2 =	sor.u32 s26, s2;
	[sflag:s20] =	ssyncadd.s32 @!p2 $0xFFFFF800;
	s20 =	sadd.s32 @!p1 $0x800, s28  }
0x4d: {  	[tilespmem:s22], [sflag:$0x1] =	stream.indirect.gather [hbm4b:s5+s21], $0x80, s2, s21, $0xb8;
	[tilespmem:$0x1DC00] =	vst v63  }
0x4e: {  	s2 =	sadd.s32 @!p1 s20, s7;
	s20 =	sand.u32 @!p1 $0x800, s20;
	_ =	swait.ge [sflag:s25], $0x4000  }
0x4f: {  	s2 =	sshrl.u32 @!p1 s2, $0x3;
	s26 =	sor.u32 @!p1 $0x1000, s20;
	[sflag:s25] =	ssyncset.done $0x0  }
0x50: {  	s18 =	sadd.s32 $0x80, s18;
	s28 =	sadd.s32 @!p1 s6, s2;
	[sflag:s25] =	ssyncadd.s32 $0xFFFFC000  }
0x51: {  	[spmem:s3] =	stream.indirect.scatter.add.f32 [tilespmem:s23], [sflag:$0x4], $0x80, s18, s21, $0xb8;
	[tilespmem:$0x1DC00] =	vst v63  }
0x52: {  	s2 =	sadd.s32 @!p1 s1, s2;
	_ =	swait.ge [sflag:s17], $0x4000  }
0x53: {  	s18 =	simm.s32 @!p1 $0x0;
	[sflag:s17] =	ssyncset.done $0x0  }
.Ltmp0:
0x54: {  	[sflag:s17] =	ssyncadd.s32 $0xFFFFC000;
	(pc) =	sbr.rel @p0 .LBB2_2-.Ltmp0, $4  }
0x55: {  	[tilespmem:s20], [sflag:$0x3] =	stream.linear.gather @!p1 [hbm4b:s28+s18], $0x800, $0x38;
	[tilespmem:$0x1DC00] =	vst v63  }
0x56: {  	s19 =	sadd.s32 $0x180, s19  }
0x57: {  	[tilespmem:s26], [sflag:$0x3] =	stream.linear.gather @!p1 [hbm4b:s2+s18], $0x800, $0x38;
	[tilespmem:$0x1DC00] =	vst v63  }
0x58: {  	s0 =	sadd.s32 $0x1, s0;
	s2 =	sand.u32 $0xF80, s19  }
0x59: {  	[tilespmem:s23], [sflag:$0x2] =	stream.indirect.gather [hbm4b:s5+s21], $0x80, s2, s21, $0xb8;
	[tilespmem:$0x1DC00] =	vst v63  }
0x5a: {  	_ =	swait.ge [sflag:s24], $0x4000  }
0x5b: {  	[sflag:s24] =	ssyncset.done $0x0  }
0x5c: {  	s0 =	simm.s32 $0x1700;
	[sflag:s24] =	ssyncadd.s32 $0xFFFFC000  }
0x5d: {  	[spmem:s3] =	stream.indirect.scatter.add.f32 [tilespmem:s22], [sflag:$0x4], $0x80, s0, s21, $0xb8;
	[tilespmem:$0x1DC00] =	vst v63  }
0x5e: {  	_ =	swait.ge [sflag:s17], $0x4000  }
0x5f: {  	[sflag:s17] =	ssyncset.done $0x0  }
0x60: {  	[sflag:s17] =	ssyncadd.s32 $0xFFFFC000  }
0x61: {  	_ =	swait.ge [sflag:s25], $0x4000  }
0x62: {  	[sflag:s25] =	ssyncset.done $0x0  }
0x63: {  	s31 =	simm.s32 $0x1780;
	[sflag:s25] =	ssyncadd.s32 $0xFFFFC000  }
0x64: {  	[spmem:s3] =	stream.indirect.scatter.add.f32 [tilespmem:s23], [sflag:$0x4], $0x80, s31, s21, $0xb8;
	[tilespmem:$0x1DC00] =	vst v63  }
0x65: {  	_ =	swait.ge [sflag:s17], $0x4000  }
0x66: {  	s29 =	sadd.s32 $0x1, s29;
	[sflag:s17] =	ssyncset.done $0x0  }
0x67: {  	p0 =	sne.s32 s29, s15;
	[sflag:s17] =	ssyncadd.s32 $0xFFFFC000  }
.Ltmp1:
0x68: {  	[bflag:$0x0] =	sbarrier.arrive $0xFFFF;
	(pc) =	sbr.rel @p0 .LBB2_1-.Ltmp1, $4  }
0x69: {  	[hbm:s14], [sflag:s9] =	dma.local [spmem:s16], $0x2780  }
0x6a: {  	_ =	swait.ge [sflag:s17], $0x2780  }
0x6b: {  	[sflag:s17] =	ssyncset.done $0x0  }
0x6c: {  	[sflag:s17] =	ssyncadd.s32 $0xFFFFD880  }
0x6d: {  	_ =	sfence.sel $0x180000  }
0x6e: {  	[bflag:$0x0] =	sbarrier.arrive $0xFFFF  }
0x6f: {  	_ =	strace $0x9000004A  }
0x70: {  	s0 =	stileid.u32;
	[bflag:$0x2] =	sbarrier.arrive $0xFFFF  }
0x71: {  	p0 =	sne.s32 s0, $0x0;
	s0 =	rddreg [dreg:$0x3]  }
0x72: {  	s0 =	sadd.s32 @!p0 $0x100000, s0  }
0x73: {  	[sflag:s0] =	ssyncadd.tile.s32 @!p0 $0x1;
	_ =	shalt  }
.Lfunc_end2:
_tile_overlayer_lowered:
.L_overlay_start_2:
0x74: {  	(tag) =	ssettag $0x2  }
0x75: {  	s0 =	rddreg [dreg:$0x0];
	s2 =	stileid.u32  }
0x76: {  	s1 =	rddreg [dreg:$0x1];
	p0 =	sne.s32 s2, $0x0  }
0x77: {  	s3 =	rddreg [dreg:$0x2];
	[bflag:$0x3] =	sbarrier.arrive $0xFFFF;
	s2 =	simm.s32 @!p0 $0x1C04  }
0x78: {  	[timem:s3], [sflag:s2] =	dma.local @!p0 [hbm:s0], s1  }
0x79: {  	s0 =	simm.s32 @!p0 $0x4  }
0x7a: {  	_ =	swait.ge @!p0 [sflag:s0], s1  }
0x7b: {  	s1 =	ssub.s32 @!p0 $0x0, s1;
	[sflag:s0] =	ssyncset.done @!p0 $0x0  }
0x7c: {  	[sflag:s0] =	ssyncadd.s32 @!p0 s1  }
0x7d: {  	[bflag:$0x3] =	sbarrier.arrive $0xFFFF  }
0x7e: {  	_ =	shalt  }

// kernel: kernel.16.cloned.1.call-start
scs
__scs_entry_jumppad:
0x0: {  	(pc) =	sbr.rel $0x88, $3  }
0x1: {  	(tag) =	ssettag $0x0;
	lr =	simm.s32 $0x1  }
0x2: {  	[smem:$0x3F8D] =	sst lr;
	_ =	strace $0xD0000000  }
0x3: {  	_ = 	snop  }
0x4: {  	_ = 	snop  }
0x5: {  	_ = 	snop  }
0x6: {  	_ = 	snop  }
0x7: {  	_ = 	snop  }
__scs_overlays_trampoline_lowered:
0x8: {  	[smem:$0x3F9C] =	sst s0  }
0x9: {  	[smem:$0x3F9D] =	sst s1  }
0xa: {  	[smem:$0x3F9E] =	sst s2  }
0xb: {  	[smem:$0x3F9F] =	sst s3  }
0xc: {  	[smem:$0x3FA0] =	sst s4  }
0xd: {  	[smem:$0x3FA1] =	sst s5  }
0xe: {  	[smem:$0x3FA2] =	sst s6  }
0xf: {  	[smem:$0x3FA3] =	sst s7  }
0x10: {  	[smem:$0x3FA4] =	sst s8  }
0x11: {  	[smem:$0x3FA5] =	sst s9;
	s0 =	simm.s32 @!p0 $0x0  }
0x12: {  	s1 =	sld [smem:$0x3F8B];
	s0 =	simm.s32 @p0 $0x1  }
0x13: {  	[smem:$0x3FA6] =	sst s0;
	s0 =	simm.s32 @!p1 $0x0  }
0x14: {  	s2 =	sld [smem:$0x3F8A];
	s0 =	simm.s32 @p1 $0x1  }
0x15: {  	[smem:$0x3FA7] =	sst s0;
	s0 =	simm.s32 @!p2 $0x0  }
0x16: {  	s3 =	sld [smem:$0x3FDB];
	s0 =	simm.s32 @p2 $0x1  }
0x17: {  	s4 =	simm.s32 $0x1BF5;
	[smem:$0x3FA9] =	sst s0  }
0x18: {  	s0 =	sld [smem:$0x3F8C];
	_ =	swait.ge [sflag:s4], $0x0  }
0x19: {  	s7 =	sld [smem:$0x3F8D]  }
0x1a: {  	s8 =	sadd.s32 $0xFFFFE003, lr  }
0x1b: {  	s9 =	sadd.s32 $0xFFFFFEF7, lr;
	s5 =	simm.s32 $0xFFFFFFFF;
	p2 =	slt.u32 s8, $0xFFFFF086  }
0x1c: {  	p1 =	slt.u32 s9, $0xF7A;
	s5 =	simm.s32 @!p2 $0x0  }
0x1d: {  	s5 =	simm.s32 @p1 $0x1;
	p0 =	seq.s32 s7, s2  }
0x1e: {  	s7 =	smul.u32 @!p0 $0xF7A, s2;
	p2 =	seq.s32 @!p0 s5, $0x0  }
0x1f: {  	s9 =	smul.u32 $0xF7A, s1;
	s8 =	simm.s32 @!p0 $0x1BF5;
	p2 =	por !p2, p0  }
0x20: {  	[sflag:s8] =	ssyncset.s32 @!p0 $0xFFFFF086;
	s6 =	sadd.s32 @!p0 s3, s7;
	s7 =	simm.s32 @!p0 $0x108  }
0x21: {  	s3 =	sadd.s32 s3, s9;
	s6 =	sadd.s32 @!p0 $0x88, s6;
	s7 =	simm.s32 @p2 $0x1082  }
0x22: {  	[simem:s7], [sflag:s8] =	dma.local @!p0 [hbm:s6], $0xF7A  }
0x23: {  	s9 =	sor.u32 $0xD0000000, s2;
	s6 =	simm.s32 $0x108;
	_ =	swait.ge @!p0 [sflag:s8], $0x0  }
0x24: {  	s3 =	sadd.s32 $0x88, s3;
	s6 =	simm.s32 @!p1 $0x1082;
	[sflag:s4] =	ssyncset.s32 $0xFFFFF086  }
0x25: {  	[simem:s6], [sflag:s4] =	dma.local [hbm:s3], $0xF7A  }
0x26: {  	[smem:$0x3F8D] =	sst s1;
	(tag) =	ssettag s2;
	_ =	strace s9  }
0x27: {  	s1 =	sld [smem:$0x3F9D]  }
0x28: {  	s2 =	sld [smem:$0x3F9E]  }
0x29: {  	s4 =	sld [smem:$0x3FA0]  }
0x2a: {  	p0 =	seq.s32 s5, $0x0;
	s5 =	sld [smem:$0x3FA1]  }
0x2b: {  	s6 =	sld [smem:$0x3FA2]  }
0x2c: {  	s7 =	sld [smem:$0x3FA3]  }
0x2d: {  	s3 =	simm.s32 $0x108;
	s8 =	sld [smem:$0x3FA4]  }
0x2e: {  	s3 =	simm.s32 @!p0 $0x1082;
	s9 =	sld [smem:$0x3FA5]  }
0x2f: {  	lr =	sadd.s32 s0, s3;
	s0 =	sld [smem:$0x3F9C]  }
0x30: {  	s3 =	sld [smem:$0x3F9F]  }
0x31: {  	[smem:$0x3FA8] =	sst s10  }
0x32: {  	s10 =	sld [smem:$0x3FA6];
	_ =	sdelay $0x3  }
0x33: {  	p0 =	seq.s32 s10, $0x1;
	s10 =	sld [smem:$0x3FA8];
	_ =	sdelay $0x3  }
0x34: {  	[smem:$0x3FA8] =	sst s10  }
0x35: {  	s10 =	sld [smem:$0x3FA7];
	_ =	sdelay $0x3  }
0x36: {  	p1 =	seq.s32 s10, $0x1;
	s10 =	sld [smem:$0x3FA8];
	_ =	sdelay $0x3  }
0x37: {  	[smem:$0x3FA8] =	sst s10  }
0x38: {  	s10 =	sld [smem:$0x3FA9]  }
0x39: {  	_ = 	snop;
	(pc) =	sbr.ind lr, $3  }
0x3a: {  	_ = 	snop  }
0x3b: {  	_ = 	snop  }
0x3c: {  	p2 =	seq.s32 s10, $0x1;
	s10 =	sld [smem:$0x3FA8]  }
0x3d: {  	_ =	shalt  }
0x3e: {  	_ =	shalt  }
0x3f: {  	_ =	shalt  }
0x40: {  	_ =	shalt  }
0x41: {  	_ =	shalt  }
0x42: {  	_ =	shalt  }
0x43: {  	_ =	shalt  }
0x44: {  	_ =	shalt  }
0x45: {  	_ =	shalt  }
0x46: {  	_ =	shalt  }
0x47: {  	_ =	shalt  }
0x48: {  	_ =	shalt  }
0x49: {  	_ =	shalt  }
0x4a: {  	_ =	shalt  }
0x4b: {  	_ =	shalt  }
0x4c: {  	_ =	shalt  }
0x4d: {  	_ =	shalt  }
0x4e: {  	_ =	shalt  }
0x4f: {  	_ =	shalt  }
0x50: {  	_ =	shalt  }
0x51: {  	_ =	shalt  }
0x52: {  	_ =	shalt  }
0x53: {  	_ =	shalt  }
0x54: {  	_ =	shalt  }
0x55: {  	_ =	shalt  }
0x56: {  	_ =	shalt  }
0x57: {  	_ =	shalt  }
0x58: {  	_ =	shalt  }
0x59: {  	_ =	shalt  }
0x5a: {  	_ =	shalt  }
0x5b: {  	_ =	shalt  }
0x5c: {  	_ =	shalt  }
0x5d: {  	_ =	shalt  }
0x5e: {  	_ =	shalt  }
0x5f: {  	_ =	shalt  }
0x60: {  	_ =	shalt  }
0x61: {  	_ =	shalt  }
0x62: {  	_ =	shalt  }
0x63: {  	_ =	shalt  }
0x64: {  	_ =	shalt  }
0x65: {  	_ =	shalt  }
0x66: {  	_ =	shalt  }
0x67: {  	_ =	shalt  }
0x68: {  	_ =	shalt  }
0x69: {  	_ =	shalt  }
0x6a: {  	_ =	shalt  }
0x6b: {  	_ =	shalt  }
0x6c: {  	_ =	shalt  }
0x6d: {  	_ =	shalt  }
0x6e: {  	_ =	shalt  }
0x6f: {  	_ =	shalt  }
0x70: {  	_ =	shalt  }
0x71: {  	_ =	shalt  }
0x72: {  	_ =	shalt  }
0x73: {  	_ =	shalt  }
0x74: {  	_ =	shalt  }
0x75: {  	_ =	shalt  }
0x76: {  	_ =	shalt  }
0x77: {  	_ =	shalt  }
0x78: {  	_ =	shalt  }
0x79: {  	_ =	shalt  }
0x7a: {  	_ =	shalt  }
0x7b: {  	_ =	shalt  }
0x7c: {  	_ =	shalt  }
0x7d: {  	_ =	shalt  }
0x7e: {  	_ =	shalt  }
0x7f: {  	_ =	shalt  }
0x80: {  	_ =	shalt  }
0x81: {  	_ =	shalt  }
0x82: {  	_ =	shalt  }
0x83: {  	_ =	shalt  }
0x84: {  	_ =	shalt  }
0x85: {  	_ =	shalt  }
0x86: {  	_ =	shalt  }
0x87: {  	_ =	shalt  }
.Lfunc_end0:
.L_simem_size_0:
called_computation.2_lowered:
.L_overlay_start_0:
0x88: {  	s2 =	sld [smem:$0x3FD9]  }
0x89: {  	s3 =	sld [smem:$0x3FFE];
	_ =	sdelay $0x1  }
0x8a: {  	s1 =	srdreg.scid  }
0x8b: {  	s0 =	sand.u32 $0x1, s1  }
0x8c: {  	s14 =	sshll.u32 s0, $0xA;
	s2 =	sadd.s32 s3, s2  }
0x8d: {  	s2 =	sadd.s32 s2, s14  }
0x8e: {  	[smem:$0x3FB4] =	sst s2  }
0x8f: {  	_ = 	snop  }
0x90: {  	s2 =	sld [smem:$0x3FD0];
	_ =	sdelay $0x2  }
0x91: {  	s15 =	simm.s32 $0xA;
	s4 =	simm.s32 $0x10  }
0x92: {  	[smem:s4], [sflag:s15] =	dma.local [hbm:s2], $0x1  }
0x93: {  	_ =	swait.eq [sflag:s15], $0x1  }
0x94: {  	[sflag:s15] =	ssyncset.done $0x0  }
0x95: {  	[sflag:s15] =	ssyncadd.s32 $0xFFFFFFFF  }
0x96: {  	s16 =	sld [smem:$0x10];
	(tm) =	ssettm $0x1  }
0x97: {  	s17 =	sld [smem:$0x3FFB];
	_ =	sdelay $0x3  }
0x98: {  	_ =	strace s17  }
0x99: {  	s3 =	sld [smem:$0x3FFC];
	_ =	sdelay $0x3  }
0x9a: {  	_ =	strace s3  }
0x9b: {  	s3 =	sld [smem:$0x3FFD];
	_ =	sdelay $0x3  }
0x9c: {  	_ =	strace s3  }
0x9d: {  	_ =	strace $0x8FFFFFFF  }
0x9e: {  	s18 =	sld [smem:$0x3FDB];
	_ =	sdelay $0x1  }
0x9f: {  	s19 =	simm.s32 $_scs_section_size  }
0xa0: {  	s5 =	simm.s32 $_size__tile_overlayer_lowered;
	s6 =	simm.s32 $_tile_overlayer_lowered  }
0xa1: {  	s22 =	simm.s32 $0x1BFF;
	s21 =	sshll.u32 s6, $0x1;
	s3 =	sadd.s32 s19, s18  }
0xa2: {  	s7 =	simm.s32 $0x0;
	s20 =	sshll.u32 s5, $0x1;
	s5 =	sadd.s32 s21, s3  }
0xa3: {  	[timem:s7], [sflag:s22] =	dma.local [hbm:s5], s20  }
0xa4: {  	_ =	swait.ge [sflag:s22], s20  }
0xa5: {  	s4 =	ssub.s32 $0x0, s20;
	[sflag:s22] =	ssyncset.done $0x0  }
0xa6: {  	[sflag:s22] =	ssyncadd.s32 s4;
	_ =	sdelay $0x1  }
0xa7: {  	s23 =	simm.s32 $0x1B8B  }
0xa8: {  	_ =	swait.ge [sflag:s23], $0x1  }
0xa9: {  	[sflag:s23] =	ssyncset.done $0x0  }
0xaa: {  	s25 =	simm.s32 $0x1B8E;
	s24 =	sld [smem:$0x3FFE];
	[sflag:s23] =	ssyncadd.s32 $0xFFFFFFFF  }
0xab: {  	s26 =	simm.s32 $execute0_lowered;
	[smem:$0x3FD2] =	sst s25  }
0xac: {  	s5 =	sshll.u32 s26, $0x1;
	_ =	strace $0x8000004C;
	[dreg:$0x1] =	wrdreg $0xFFFFFFFF  }
0xad: {  	s28 =	simm.s32 $_size_execute0_lowered;
	s3 =	sadd.s32 s3, s5;
	[dreg:$0x0] =	wrdreg $0x0  }
0xae: {  	s5 =	sshll.u32 s28, $0x1;
	[dreg:$0x2] =	wrdreg s3  }
0xaf: {  	[dreg:$0x3] =	wrdreg s5  }
0xb0: {  	[dreg:$0x4] =	wrdreg $0xC0  }
0xb1: {  	_ =	task [dreg:s7], $0x5FFFF  }
0xb2: {  	[dreg:$0x1] =	wrdreg $0xFFFFFFFF  }
0xb3: {  	[dreg:$0x0] =	wrdreg $0x60  }
0xb4: {  	[dreg:$0x2] =	wrdreg s24  }
0xb5: {  	[dreg:$0x3] =	wrdreg s16  }
0xb6: {  	[dreg:$0x4] =	wrdreg $0xA0000  }
0xb7: {  	[dreg:$0x5] =	wrdreg $0x9  }
0xb8: {  	_ =	task.clear_ibuf [dreg:s7], $0x6FFFF;
	_ =	strace $0x9000004C  }
0xb9: {  	s29 =	simm.s32 $0x9;
	_ =	strace $0x8000004E  }
0xba: {  	_ =	swait.ge [sflag:s29], $0x1  }
0xbb: {  	[sflag:s29] =	ssyncadd.s32 $0xFFFFFFFF  }
0xbc: {  	_ =	strace $0x9000004E  }
0xbd: {  	_ =	sfence  }
0xbe: {  	s30 =	sld [smem:$0x0];
	_ =	sdelay $0x2  }
0xbf: {  	s31 =	sshll.u32 s1, $0xD;
	s1 =	sshrl.u32 s1, $0x2  }
0xc0: {  	s3 =	sand.u32 $0x4000, s31;
	s1 =	sadd.s32 s1, s30  }
0xc1: {  	s0 =	sor.u32 s3, s0;
	s1 =	sshll.u32 s1, $0x11  }
0xc2: {  	s0 =	sor.u32 s1, s0  }
0xc3: {  	s0 =	sadd.s32 $0x8F2B, s0  }
0xc4: {  	[sflag:s0] =	ssyncadd.remote.s32 $0x1  }
0xc5: {  	_ =	sfence.sel $0xFFFF  }
0xc6: {  	[dreg:$0x0] =	wrdreg $0xFFFFFFFF;
	(pc) =	sbr.abs _section_cstart, $3  }
0xc7: {  	[dreg:$0x1] =	wrdreg $0xFFFFFFFF  }
0xc8: {  	_ =	task.clear_ibuf [dreg:s7], $0x2FFFF;
	_ =	strace $0x9FFFFFFF  }
0xc9: {  	(tm) =	ssettm $0x7FFFFFFF  }
tec
execute0_lowered:
.L_overlay_start_1:
0x0: {  	(tag) =	ssettag $0x1  }
0x1: {  	s0 =	rddreg [dreg:$0x0]  }
0x2: {  	s1 =	rddreg [dreg:$0x1]  }
0x3: {  	s3 =	rddreg [dreg:$0x2]  }
0x4: {  	s4 =	simm.s32 $0x0;
	s2 =	srdreg.scid;
	s13 =	stileid.u32  }
0x5: {  	s17 =	simm.s32 $0x4;
	s21 =	simm.s32 $0x80;
	s22 =	simm.s32 $0x2000  }
0x6: {  	s23 =	simm.s32 $0x6000;
	s24 =	simm.s32 $0x1;
	s25 =	simm.s32 $0x2  }
0x7: {  	s29 =	simm.s32 $0x0;
	[smem:$0x7FF] =	sst s4;
	s7 =	smul.u32 $0x13C00, s13  }
0x8: {  	s2 =	sand.u32 $0x1, s2;
	s5 =	sadd.s32 $0xEA00, s0;
	s9 =	smul.u32 $0x4F000, s13  }
0x9: {  	s6 =	sadd.s32 $0x4A00, s0;
	s11 =	smul.u32 $0x5000, s13;
	s30 =	sshll.u32 s13, $0x6  }
0xa: {  	_ =	strace $0x8000004D;
	s8 =	smul.u32 $0x140000, s2;
	s10 =	ssub.s32 $0x2, s2  }
0xb: {  	s2 =	smul.u32 $0x2800, s2;
	s12 =	sshrl.u32 s10, $0x1;
	s26 =	sshrl.u32 s9, $0x2  }
0xc: {  	s28 =	sshrl.u32 s7, $0x3;
	s9 =	sor.u32 $0x1C04, s30;
	s8 =	sadd.s32 s7, s8  }
0xd: {  	s15 =	ssub.s32 s10, s12;
	s16 =	sadd.s32 s26, s3;
	s7 =	sadd.s32 s2, s11  }
0xe: {  	s8 =	sshrl.u32 s8, $0x3;
	s11 =	sshrl.u32 s7, $0x3;
	s15 =	smax.u32 s15, $0x1  }
0xf: {  	s16 =	sshrl.u32 s16, $0x3;
	s0 =	sadd.s32 s8, s0;
	s8 =	sadd.s32 s5, s28  }
0x10: {  	s10 =	sadd.s32 s6, s11;
	s31 =	sadd.s32 $0x100, s11;
	s11 =	sadd.s32 s1, s11  }
0x11: {  	s12 =	sadd.s32 s6, s31;
	s13 =	sadd.s32 s1, s31;
	s14 =	sadd.s32 $0x5EA00, s0  }
.LBB2_1:
0x12: {  	[spmem:s16], [sflag:s9] =	dma.local [hbm:s8], $0x2780  }
0x13: {  	_ =	swait.ge [sflag:s17], $0x2780  }
0x14: {  	[sflag:s17] =	ssyncset.done $0x0  }
0x15: {  	[sflag:s17] =	ssyncadd.s32 $0xFFFFD880  }
0x16: {  	[bflag:$0x0] =	sbarrier.arrive $0xFFFF  }
0x17: {  	[tilespmem:s4], [sflag:$0x4] =	stream.linear.gather [hbm4b:s10+s4], $0x800, $0x38;
	[tilespmem:$0x1DC00] =	vst v63  }
0x18: {  	_ =	swait.ge [sflag:s17], $0x800  }
0x19: {  	[sflag:s17] =	ssyncset.done $0x0  }
0x1a: {  	s0 =	simm.s32 $0x1000;
	[sflag:s17] =	ssyncadd.s32 $0xFFFFF800  }
0x1b: {  	[tilespmem:s0], [sflag:$0x4] =	stream.linear.gather [hbm4b:s11+s4], $0x800, $0x38;
	[tilespmem:$0x1DC00] =	vst v63  }
0x1c: {  	_ =	swait.ge [sflag:s17], $0x800  }
0x1d: {  	[sflag:s17] =	ssyncset.done $0x0  }
0x1e: {  	s18 =	simm.s32 $0x800;
	[sflag:s17] =	ssyncadd.s32 $0xFFFFF800  }
0x1f: {  	[tilespmem:s18], [sflag:$0x3] =	stream.linear.gather [hbm4b:s12+s4], $0x800, $0x38;
	[tilespmem:$0x1DC00] =	vst v63  }
0x20: {  	s19 =	simm.s32 $0x1800  }
0x21: {  	[tilespmem:s19], [sflag:$0x3] =	stream.linear.gather [hbm4b:s13+s4], $0x800, $0x38;
	[tilespmem:$0x1DC00] =	vst v63  }
0x22: {  	_ = 	snop  }
0x23: {  	[tilespmem:s22], [sflag:$0x1] =	stream.indirect.gather [hbm4b:s5+s21], $0x80, s4, s21, $0xb8;
	[tilespmem:$0x1DC00] =	vst v63  }
0x24: {  	_ = 	snop  }
0x25: {  	[tilespmem:s23], [sflag:$0x2] =	stream.indirect.gather [hbm4b:s5+s21], $0x80, s21, s21, $0xb8;
	[tilespmem:$0x1DC00] =	vst v63  }
0x26: {  	_ =	swait.ge [sflag:s24], $0x4000  }
0x27: {  	s20 =	sand.u32 $0xF00, s4;
	[sflag:s24] =	ssyncset.done $0x0  }
0x28: {  	s0 =	sor.u32 $0x1000, s20;
	[sflag:s24] =	ssyncadd.s32 $0xFFFFC000  }
0x29: {  	[spmem:s3] =	stream.indirect.scatter.add.f32 [tilespmem:s22], [sflag:$0x4], $0x80, s0, s21, $0xb8;
	[tilespmem:$0x1DC00] =	vst v63  }
0x2a: {  	s2 =	sand.u32 $0xE, s25;
	_ =	swait.ge [sflag:s17], $0x4000  }
0x2b: {  	p0 =	sne.s32 s2, $0x0;
	[sflag:s17] =	ssyncset.done $0x0  }
0x2c: {  	s31 =	simm.s32 @!p0 $0x3;
	[sflag:s17] =	ssyncadd.s32 $0xFFFFC000  }
0x2d: {  	_ =	swait.ge @!p0 [sflag:s31], $0x800  }
0x2e: {  	[sflag:s31] =	ssyncset.done @!p0 $0x0  }
0x2f: {  	[sflag:s31] =	ssyncadd.s32 @!p0 $0xFFFFF800  }
0x30: {  	p1 =	por $0x0, $0x0;
	s30 =	simm.s32 $0x100;
	_ =	swait.ge @!p0 [sflag:s31], $0x800  }
0x31: {  	s18 =	sshll.u32 s2, $0x7;
	s19 =	sand.u32 $0x800, s30;
	[sflag:s31] =	ssyncset.done @!p0 $0x0  }
0x32: {  	p2 =	sne.s32 @!p1 s2, $0x0;
	s26 =	sor.u32 s18, s19;
	[sflag:s31] =	ssyncadd.s32 @!p0 $0xFFFFF800  }
0x33: {  	[tilespmem:s22], [sflag:$0x1] =	stream.indirect.gather [hbm4b:s5+s21], $0x80, s26, s21, $0xb8;
	[tilespmem:$0x1DC00] =	vst v63  }
0x34: {  	p0 =	por p2, p1;
	_ =	swait.ge [sflag:s25], $0x4000  }
0x35: {  	s2 =	sand.u32 @!p0 $0x7FFFF800, s30;
	[sflag:s25] =	ssyncset.done $0x0  }
0x36: {  	s0 =	sadd.s32 $0x80, s0;
	s2 =	sadd.s32 @!p0 $0x800, s2;
	[sflag:s25] =	ssyncadd.s32 $0xFFFFC000  }
0x37: {  	[spmem:s3] =	stream.indirect.scatter.add.f32 [tilespmem:s23], [sflag:$0x4], $0x80, s0, s21, $0xb8;
	[tilespmem:$0x1DC00] =	vst v63  }
0x38: {  	s0 =	sadd.s32 @!p0 s2, s7;
	_ =	swait.ge [sflag:s17], $0x4000  }
0x39: {  	s19 =	simm.s32 @!p0 $0x0;
	s0 =	sshrl.u32 @!p0 s0, $0x3;
	[sflag:s17] =	ssyncset.done $0x0  }
0x3a: {  	s2 =	sand.u32 @!p0 $0x800, s2;
	s18 =	sadd.s32 @!p0 s6, s0;
	[sflag:s17] =	ssyncadd.s32 $0xFFFFC000  }
0x3b: {  	[tilespmem:s2], [sflag:$0x3] =	stream.linear.gather @!p0 [hbm4b:s18+s19], $0x800, $0x38;
	[tilespmem:$0x1DC00] =	vst v63  }
0x3c: {  	s28 =	simm.s32 $0x180;
	s0 =	sadd.s32 @!p0 s1, s0;
	s2 =	sor.u32 @!p0 $0x1000, s2  }
0x3d: {  	[tilespmem:s2], [sflag:$0x3] =	stream.linear.gather @!p0 [hbm4b:s0+s19], $0x800, $0x38;
	[tilespmem:$0x1DC00] =	vst v63  }
0x3e: {  	s31 =	simm.s32 $0x4;
	s2 =	sand.u32 $0xF80, s28;
	s0 =	simm.s32 $0x1  }
.LBB2_2:
0x3f: {  	[tilespmem:s23], [sflag:$0x2] =	stream.indirect.gather [hbm4b:s5+s21], $0x80, s2, s21, $0xb8;
	[tilespmem:$0x1DC00] =	vst v63  }
0x40: {  	s2 =	smov.u32 s31;
	s31 =	sadd.s32 $0x2, s31;
	_ =	swait.ge [sflag:s24], $0x4000  }
0x41: {  	s18 =	sand.u32 $0xF00, s30;
	p0 =	sne.s32 s31, $0x50;
	[sflag:s24] =	ssyncset.done $0x0  }
0x42: {  	s19 =	smov.u32 s30;
	s18 =	sor.u32 $0x1000, s18;
	[sflag:s24] =	ssyncadd.s32 $0xFFFFC000  }
0x43: {  	[spmem:s3] =	stream.indirect.scatter.add.f32 [tilespmem:s22], [sflag:$0x4], $0x80, s18, s21, $0xb8;
	[tilespmem:$0x1DC00] =	vst v63  }
0x44: {  	s2 =	sand.u32 $0xE, s2;
	_ =	swait.ge [sflag:s17], $0x4000  }
0x45: {  	p2 =	sne.s32 s2, $0x0;
	[sflag:s17] =	ssyncset.done $0x0  }
0x46: {  	s20 =	simm.s32 @!p2 $0x3;
	[sflag:s17] =	ssyncadd.s32 $0xFFFFC000  }
0x47: {  	_ =	swait.ge @!p2 [sflag:s20], $0x800  }
0x48: {  	p1 =	sgt.u32 s0, $0x1E;
	[sflag:s20] =	ssyncset.done @!p2 $0x0  }
0x49: {  	s26 =	sshll.u32 s2, $0x7;
	p3 =	sne.s32 @!p1 s2, $0x0;
	[sflag:s20] =	ssyncadd.s32 @!p2 $0xFFFFF800  }
0x4a: {  	s30 =	sadd.s32 $0x100, s30;
	p1 =	por p3, p1;
	_ =	swait.ge @!p2 [sflag:s20], $0x800  }
0x4b: {  	s2 =	sand.u32 $0x800, s30;
	s28 =	sand.u32 @!p1 $0x7FFFF800, s30;
	[sflag:s20] =	ssyncset.done @!p2 $0x0  }
0x4c: {  	s2 =	sor.u32 s26, s2;
	[sflag:s20] =	ssyncadd.s32 @!p2 $0xFFFFF800;
	s20 =	sadd.s32 @!p1 $0x800, s28  }
0x4d: {  	[tilespmem:s22], [sflag:$0x1] =	stream.indirect.gather [hbm4b:s5+s21], $0x80, s2, s21, $0xb8;
	[tilespmem:$0x1DC00] =	vst v63  }
0x4e: {  	s2 =	sadd.s32 @!p1 s20, s7;
	s20 =	sand.u32 @!p1 $0x800, s20;
	_ =	swait.ge [sflag:s25], $0x4000  }
0x4f: {  	s2 =	sshrl.u32 @!p1 s2, $0x3;
	s26 =	sor.u32 @!p1 $0x1000, s20;
	[sflag:s25] =	ssyncset.done $0x0  }
0x50: {  	s18 =	sadd.s32 $0x80, s18;
	s28 =	sadd.s32 @!p1 s6, s2;
	[sflag:s25] =	ssyncadd.s32 $0xFFFFC000  }
0x51: {  	[spmem:s3] =	stream.indirect.scatter.add.f32 [tilespmem:s23], [sflag:$0x4], $0x80, s18, s21, $0xb8;
	[tilespmem:$0x1DC00] =	vst v63  }
0x52: {  	s2 =	sadd.s32 @!p1 s1, s2;
	_ =	swait.ge [sflag:s17], $0x4000  }
0x53: {  	s18 =	simm.s32 @!p1 $0x0;
	[sflag:s17] =	ssyncset.done $0x0  }
.Ltmp0:
0x54: {  	[sflag:s17] =	ssyncadd.s32 $0xFFFFC000;
	(pc) =	sbr.rel @p0 .LBB2_2-.Ltmp0, $4  }
0x55: {  	[tilespmem:s20], [sflag:$0x3] =	stream.linear.gather @!p1 [hbm4b:s28+s18], $0x800, $0x38;
	[tilespmem:$0x1DC00] =	vst v63  }
0x56: {  	s19 =	sadd.s32 $0x180, s19  }
0x57: {  	[tilespmem:s26], [sflag:$0x3] =	stream.linear.gather @!p1 [hbm4b:s2+s18], $0x800, $0x38;
	[tilespmem:$0x1DC00] =	vst v63  }
0x58: {  	s0 =	sadd.s32 $0x1, s0;
	s2 =	sand.u32 $0xF80, s19  }
0x59: {  	[tilespmem:s23], [sflag:$0x2] =	stream.indirect.gather [hbm4b:s5+s21], $0x80, s2, s21, $0xb8;
	[tilespmem:$0x1DC00] =	vst v63  }
0x5a: {  	_ =	swait.ge [sflag:s24], $0x4000  }
0x5b: {  	[sflag:s24] =	ssyncset.done $0x0  }
0x5c: {  	s0 =	simm.s32 $0x1700;
	[sflag:s24] =	ssyncadd.s32 $0xFFFFC000  }
0x5d: {  	[spmem:s3] =	stream.indirect.scatter.add.f32 [tilespmem:s22], [sflag:$0x4], $0x80, s0, s21, $0xb8;
	[tilespmem:$0x1DC00] =	vst v63  }
0x5e: {  	_ =	swait.ge [sflag:s17], $0x4000  }
0x5f: {  	[sflag:s17] =	ssyncset.done $0x0  }
0x60: {  	[sflag:s17] =	ssyncadd.s32 $0xFFFFC000  }
0x61: {  	_ =	swait.ge [sflag:s25], $0x4000  }
0x62: {  	[sflag:s25] =	ssyncset.done $0x0  }
0x63: {  	s31 =	simm.s32 $0x1780;
	[sflag:s25] =	ssyncadd.s32 $0xFFFFC000  }
0x64: {  	[spmem:s3] =	stream.indirect.scatter.add.f32 [tilespmem:s23], [sflag:$0x4], $0x80, s31, s21, $0xb8;
	[tilespmem:$0x1DC00] =	vst v63  }
0x65: {  	_ =	swait.ge [sflag:s17], $0x4000  }
0x66: {  	s29 =	sadd.s32 $0x1, s29;
	[sflag:s17] =	ssyncset.done $0x0  }
0x67: {  	p0 =	sne.s32 s29, s15;
	[sflag:s17] =	ssyncadd.s32 $0xFFFFC000  }
.Ltmp1:
0x68: {  	[bflag:$0x0] =	sbarrier.arrive $0xFFFF;
	(pc) =	sbr.rel @p0 .LBB2_1-.Ltmp1, $4  }
0x69: {  	[hbm:s14], [sflag:s9] =	dma.local [spmem:s16], $0x2780  }
0x6a: {  	_ =	swait.ge [sflag:s17], $0x2780  }
0x6b: {  	[sflag:s17] =	ssyncset.done $0x0  }
0x6c: {  	[sflag:s17] =	ssyncadd.s32 $0xFFFFD880  }
0x6d: {  	_ =	sfence.sel $0x180000  }
0x6e: {  	[bflag:$0x0] =	sbarrier.arrive $0xFFFF  }
0x6f: {  	_ =	strace $0x9000004D  }
0x70: {  	s0 =	stileid.u32;
	[bflag:$0x2] =	sbarrier.arrive $0xFFFF  }
0x71: {  	p0 =	sne.s32 s0, $0x0;
	s0 =	rddreg [dreg:$0x3]  }
0x72: {  	s0 =	sadd.s32 @!p0 $0x100000, s0  }
0x73: {  	[sflag:s0] =	ssyncadd.tile.s32 @!p0 $0x1;
	_ =	shalt  }
.Lfunc_end2:
_tile_overlayer_lowered:
.L_overlay_start_2:
0x74: {  	(tag) =	ssettag $0x2  }
0x75: {  	s0 =	rddreg [dreg:$0x0];
	s2 =	stileid.u32  }
0x76: {  	s1 =	rddreg [dreg:$0x1];
	p0 =	sne.s32 s2, $0x0  }
0x77: {  	s3 =	rddreg [dreg:$0x2];
	[bflag:$0x3] =	sbarrier.arrive $0xFFFF;
	s2 =	simm.s32 @!p0 $0x1C04  }
0x78: {  	[timem:s3], [sflag:s2] =	dma.local @!p0 [hbm:s0], s1  }
0x79: {  	s0 =	simm.s32 @!p0 $0x4  }
0x7a: {  	_ =	swait.ge @!p0 [sflag:s0], s1  }
0x7b: {  	s1 =	ssub.s32 @!p0 $0x0, s1;
	[sflag:s0] =	ssyncset.done @!p0 $0x0  }
0x7c: {  	[sflag:s0] =	ssyncadd.s32 @!p0 s1  }
0x7d: {  	[bflag:$0x3] =	sbarrier.arrive $0xFFFF  }
0x7e: {  	_ =	shalt  }

// kernel: kernel.19.cloned.1.call-start
scs
__scs_entry_jumppad:
0x0: {  	(pc) =	sbr.rel $0x88, $3  }
0x1: {  	(tag) =	ssettag $0x0;
	lr =	simm.s32 $0x1  }
0x2: {  	[smem:$0x3F8D] =	sst lr;
	_ =	strace $0xD0000000  }
0x3: {  	_ = 	snop  }
0x4: {  	_ = 	snop  }
0x5: {  	_ = 	snop  }
0x6: {  	_ = 	snop  }
0x7: {  	_ = 	snop  }
__scs_overlays_trampoline_lowered:
0x8: {  	[smem:$0x3F9C] =	sst s0  }
0x9: {  	[smem:$0x3F9D] =	sst s1  }
0xa: {  	[smem:$0x3F9E] =	sst s2  }
0xb: {  	[smem:$0x3F9F] =	sst s3  }
0xc: {  	[smem:$0x3FA0] =	sst s4  }
0xd: {  	[smem:$0x3FA1] =	sst s5  }
0xe: {  	[smem:$0x3FA2] =	sst s6  }
0xf: {  	[smem:$0x3FA3] =	sst s7  }
0x10: {  	[smem:$0x3FA4] =	sst s8  }
0x11: {  	[smem:$0x3FA5] =	sst s9;
	s0 =	simm.s32 @!p0 $0x0  }
0x12: {  	s1 =	sld [smem:$0x3F8B];
	s0 =	simm.s32 @p0 $0x1  }
0x13: {  	[smem:$0x3FA6] =	sst s0;
	s0 =	simm.s32 @!p1 $0x0  }
0x14: {  	s2 =	sld [smem:$0x3F8A];
	s0 =	simm.s32 @p1 $0x1  }
0x15: {  	[smem:$0x3FA7] =	sst s0;
	s0 =	simm.s32 @!p2 $0x0  }
0x16: {  	s3 =	sld [smem:$0x3FDB];
	s0 =	simm.s32 @p2 $0x1  }
0x17: {  	s4 =	simm.s32 $0x1BF5;
	[smem:$0x3FA9] =	sst s0  }
0x18: {  	s0 =	sld [smem:$0x3F8C];
	_ =	swait.ge [sflag:s4], $0x0  }
0x19: {  	s7 =	sld [smem:$0x3F8D]  }
0x1a: {  	s8 =	sadd.s32 $0xFFFFE003, lr  }
0x1b: {  	s9 =	sadd.s32 $0xFFFFFEF7, lr;
	s5 =	simm.s32 $0xFFFFFFFF;
	p2 =	slt.u32 s8, $0xFFFFF086  }
0x1c: {  	p1 =	slt.u32 s9, $0xF7A;
	s5 =	simm.s32 @!p2 $0x0  }
0x1d: {  	s5 =	simm.s32 @p1 $0x1;
	p0 =	seq.s32 s7, s2  }
0x1e: {  	s7 =	smul.u32 @!p0 $0xF7A, s2;
	p2 =	seq.s32 @!p0 s5, $0x0  }
0x1f: {  	s9 =	smul.u32 $0xF7A, s1;
	s8 =	simm.s32 @!p0 $0x1BF5;
	p2 =	por !p2, p0  }
0x20: {  	[sflag:s8] =	ssyncset.s32 @!p0 $0xFFFFF086;
	s6 =	sadd.s32 @!p0 s3, s7;
	s7 =	simm.s32 @!p0 $0x108  }
0x21: {  	s3 =	sadd.s32 s3, s9;
	s6 =	sadd.s32 @!p0 $0x88, s6;
	s7 =	simm.s32 @p2 $0x1082  }
0x22: {  	[simem:s7], [sflag:s8] =	dma.local @!p0 [hbm:s6], $0xF7A  }
0x23: {  	s9 =	sor.u32 $0xD0000000, s2;
	s6 =	simm.s32 $0x108;
	_ =	swait.ge @!p0 [sflag:s8], $0x0  }
0x24: {  	s3 =	sadd.s32 $0x88, s3;
	s6 =	simm.s32 @!p1 $0x1082;
	[sflag:s4] =	ssyncset.s32 $0xFFFFF086  }
0x25: {  	[simem:s6], [sflag:s4] =	dma.local [hbm:s3], $0xF7A  }
0x26: {  	[smem:$0x3F8D] =	sst s1;
	(tag) =	ssettag s2;
	_ =	strace s9  }
0x27: {  	s1 =	sld [smem:$0x3F9D]  }
0x28: {  	s2 =	sld [smem:$0x3F9E]  }
0x29: {  	s4 =	sld [smem:$0x3FA0]  }
0x2a: {  	p0 =	seq.s32 s5, $0x0;
	s5 =	sld [smem:$0x3FA1]  }
0x2b: {  	s6 =	sld [smem:$0x3FA2]  }
0x2c: {  	s7 =	sld [smem:$0x3FA3]  }
0x2d: {  	s3 =	simm.s32 $0x108;
	s8 =	sld [smem:$0x3FA4]  }
0x2e: {  	s3 =	simm.s32 @!p0 $0x1082;
	s9 =	sld [smem:$0x3FA5]  }
0x2f: {  	lr =	sadd.s32 s0, s3;
	s0 =	sld [smem:$0x3F9C]  }
0x30: {  	s3 =	sld [smem:$0x3F9F]  }
0x31: {  	[smem:$0x3FA8] =	sst s10  }
0x32: {  	s10 =	sld [smem:$0x3FA6];
	_ =	sdelay $0x3  }
0x33: {  	p0 =	seq.s32 s10, $0x1;
	s10 =	sld [smem:$0x3FA8];
	_ =	sdelay $0x3  }
0x34: {  	[smem:$0x3FA8] =	sst s10  }
0x35: {  	s10 =	sld [smem:$0x3FA7];
	_ =	sdelay $0x3  }
0x36: {  	p1 =	seq.s32 s10, $0x1;
	s10 =	sld [smem:$0x3FA8];
	_ =	sdelay $0x3  }
0x37: {  	[smem:$0x3FA8] =	sst s10  }
0x38: {  	s10 =	sld [smem:$0x3FA9]  }
0x39: {  	_ = 	snop;
	(pc) =	sbr.ind lr, $3  }
0x3a: {  	_ = 	snop  }
0x3b: {  	_ = 	snop  }
0x3c: {  	p2 =	seq.s32 s10, $0x1;
	s10 =	sld [smem:$0x3FA8]  }
0x3d: {  	_ =	shalt  }
0x3e: {  	_ =	shalt  }
0x3f: {  	_ =	shalt  }
0x40: {  	_ =	shalt  }
0x41: {  	_ =	shalt  }
0x42: {  	_ =	shalt  }
0x43: {  	_ =	shalt  }
0x44: {  	_ =	shalt  }
0x45: {  	_ =	shalt  }
0x46: {  	_ =	shalt  }
0x47: {  	_ =	shalt  }
0x48: {  	_ =	shalt  }
0x49: {  	_ =	shalt  }
0x4a: {  	_ =	shalt  }
0x4b: {  	_ =	shalt  }
0x4c: {  	_ =	shalt  }
0x4d: {  	_ =	shalt  }
0x4e: {  	_ =	shalt  }
0x4f: {  	_ =	shalt  }
0x50: {  	_ =	shalt  }
0x51: {  	_ =	shalt  }
0x52: {  	_ =	shalt  }
0x53: {  	_ =	shalt  }
0x54: {  	_ =	shalt  }
0x55: {  	_ =	shalt  }
0x56: {  	_ =	shalt  }
0x57: {  	_ =	shalt  }
0x58: {  	_ =	shalt  }
0x59: {  	_ =	shalt  }
0x5a: {  	_ =	shalt  }
0x5b: {  	_ =	shalt  }
0x5c: {  	_ =	shalt  }
0x5d: {  	_ =	shalt  }
0x5e: {  	_ =	shalt  }
0x5f: {  	_ =	shalt  }
0x60: {  	_ =	shalt  }
0x61: {  	_ =	shalt  }
0x62: {  	_ =	shalt  }
0x63: {  	_ =	shalt  }
0x64: {  	_ =	shalt  }
0x65: {  	_ =	shalt  }
0x66: {  	_ =	shalt  }
0x67: {  	_ =	shalt  }
0x68: {  	_ =	shalt  }
0x69: {  	_ =	shalt  }
0x6a: {  	_ =	shalt  }
0x6b: {  	_ =	shalt  }
0x6c: {  	_ =	shalt  }
0x6d: {  	_ =	shalt  }
0x6e: {  	_ =	shalt  }
0x6f: {  	_ =	shalt  }
0x70: {  	_ =	shalt  }
0x71: {  	_ =	shalt  }
0x72: {  	_ =	shalt  }
0x73: {  	_ =	shalt  }
0x74: {  	_ =	shalt  }
0x75: {  	_ =	shalt  }
0x76: {  	_ =	shalt  }
0x77: {  	_ =	shalt  }
0x78: {  	_ =	shalt  }
0x79: {  	_ =	shalt  }
0x7a: {  	_ =	shalt  }
0x7b: {  	_ =	shalt  }
0x7c: {  	_ =	shalt  }
0x7d: {  	_ =	shalt  }
0x7e: {  	_ =	shalt  }
0x7f: {  	_ =	shalt  }
0x80: {  	_ =	shalt  }
0x81: {  	_ =	shalt  }
0x82: {  	_ =	shalt  }
0x83: {  	_ =	shalt  }
0x84: {  	_ =	shalt  }
0x85: {  	_ =	shalt  }
0x86: {  	_ =	shalt  }
0x87: {  	_ =	shalt  }
.Lfunc_end0:
.L_simem_size_0:
called_computation.3_lowered:
.L_overlay_start_0:
0x88: {  	s2 =	sld [smem:$0x3FD9]  }
0x89: {  	s3 =	sld [smem:$0x3FFE];
	_ =	sdelay $0x1  }
0x8a: {  	s1 =	srdreg.scid  }
0x8b: {  	s0 =	sand.u32 $0x1, s1  }
0x8c: {  	s14 =	sshll.u32 s0, $0xA;
	s2 =	sadd.s32 s3, s2  }
0x8d: {  	s2 =	sadd.s32 s2, s14  }
0x8e: {  	[smem:$0x3FB4] =	sst s2  }
0x8f: {  	_ = 	snop  }
0x90: {  	s2 =	sld [smem:$0x3FD0];
	_ =	sdelay $0x2  }
0x91: {  	s15 =	simm.s32 $0xA;
	s4 =	simm.s32 $0x10  }
0x92: {  	[smem:s4], [sflag:s15] =	dma.local [hbm:s2], $0x1  }
0x93: {  	_ =	swait.eq [sflag:s15], $0x1  }
0x94: {  	[sflag:s15] =	ssyncset.done $0x0  }
0x95: {  	[sflag:s15] =	ssyncadd.s32 $0xFFFFFFFF  }
0x96: {  	s16 =	sld [smem:$0x10];
	(tm) =	ssettm $0x1  }
0x97: {  	s17 =	sld [smem:$0x3FFB];
	_ =	sdelay $0x3  }
0x98: {  	_ =	strace s17  }
0x99: {  	s3 =	sld [smem:$0x3FFC];
	_ =	sdelay $0x3  }
0x9a: {  	_ =	strace s3  }
0x9b: {  	s3 =	sld [smem:$0x3FFD];
	_ =	sdelay $0x3  }
0x9c: {  	_ =	strace s3  }
0x9d: {  	_ =	strace $0x8FFFFFFF  }
0x9e: {  	s18 =	sld [smem:$0x3FDB];
	_ =	sdelay $0x1  }
0x9f: {  	s19 =	simm.s32 $_scs_section_size  }
0xa0: {  	s5 =	simm.s32 $_size__tile_overlayer_lowered;
	s6 =	simm.s32 $_tile_overlayer_lowered  }
0xa1: {  	s22 =	simm.s32 $0x1BFF;
	s21 =	sshll.u32 s6, $0x1;
	s3 =	sadd.s32 s19, s18  }
0xa2: {  	s7 =	simm.s32 $0x0;
	s20 =	sshll.u32 s5, $0x1;
	s5 =	sadd.s32 s21, s3  }
0xa3: {  	[timem:s7], [sflag:s22] =	dma.local [hbm:s5], s20  }
0xa4: {  	_ =	swait.ge [sflag:s22], s20  }
0xa5: {  	s4 =	ssub.s32 $0x0, s20;
	[sflag:s22] =	ssyncset.done $0x0  }
0xa6: {  	[sflag:s22] =	ssyncadd.s32 s4;
	_ =	sdelay $0x1  }
0xa7: {  	s23 =	simm.s32 $0x1B8B  }
0xa8: {  	_ =	swait.ge [sflag:s23], $0x1  }
0xa9: {  	[sflag:s23] =	ssyncset.done $0x0  }
0xaa: {  	s25 =	simm.s32 $0x1B8E;
	s24 =	sld [smem:$0x3FFE];
	[sflag:s23] =	ssyncadd.s32 $0xFFFFFFFF  }
0xab: {  	s26 =	simm.s32 $execute0_lowered;
	[smem:$0x3FD2] =	sst s25  }
0xac: {  	s5 =	sshll.u32 s26, $0x1;
	_ =	strace $0x8000004F;
	[dreg:$0x1] =	wrdreg $0xFFFFFFFF  }
0xad: {  	s28 =	simm.s32 $_size_execute0_lowered;
	s3 =	sadd.s32 s3, s5;
	[dreg:$0x0] =	wrdreg $0x0  }
0xae: {  	s5 =	sshll.u32 s28, $0x1;
	[dreg:$0x2] =	wrdreg s3  }
0xaf: {  	[dreg:$0x3] =	wrdreg s5  }
0xb0: {  	[dreg:$0x4] =	wrdreg $0xC0  }
0xb1: {  	_ =	task [dreg:s7], $0x5FFFF  }
0xb2: {  	[dreg:$0x1] =	wrdreg $0xFFFFFFFF  }
0xb3: {  	[dreg:$0x0] =	wrdreg $0x60  }
0xb4: {  	[dreg:$0x2] =	wrdreg s24  }
0xb5: {  	[dreg:$0x3] =	wrdreg s16  }
0xb6: {  	[dreg:$0x4] =	wrdreg $0xA0000  }
0xb7: {  	[dreg:$0x5] =	wrdreg $0x9  }
0xb8: {  	_ =	task.clear_ibuf [dreg:s7], $0x6FFFF;
	_ =	strace $0x9000004F  }
0xb9: {  	s29 =	simm.s32 $0x9;
	_ =	strace $0x80000051  }
0xba: {  	_ =	swait.ge [sflag:s29], $0x1  }
0xbb: {  	[sflag:s29] =	ssyncadd.s32 $0xFFFFFFFF  }
0xbc: {  	_ =	strace $0x90000051  }
0xbd: {  	_ =	sfence  }
0xbe: {  	s30 =	sld [smem:$0x0];
	_ =	sdelay $0x2  }
0xbf: {  	s31 =	sshll.u32 s1, $0xD;
	s1 =	sshrl.u32 s1, $0x2  }
0xc0: {  	s3 =	sand.u32 $0x4000, s31;
	s1 =	sadd.s32 s1, s30  }
0xc1: {  	s0 =	sor.u32 s3, s0;
	s1 =	sshll.u32 s1, $0x11  }
0xc2: {  	s0 =	sor.u32 s1, s0  }
0xc3: {  	s0 =	sadd.s32 $0x8F2B, s0  }
0xc4: {  	[sflag:s0] =	ssyncadd.remote.s32 $0x1  }
0xc5: {  	_ =	sfence.sel $0xFFFF  }
0xc6: {  	[dreg:$0x0] =	wrdreg $0xFFFFFFFF;
	(pc) =	sbr.abs _section_cstart, $3  }
0xc7: {  	[dreg:$0x1] =	wrdreg $0xFFFFFFFF  }
0xc8: {  	_ =	task.clear_ibuf [dreg:s7], $0x2FFFF;
	_ =	strace $0x9FFFFFFF  }
0xc9: {  	(tm) =	ssettm $0x7FFFFFFF  }
tec
execute0_lowered:
.L_overlay_start_1:
0x0: {  	(tag) =	ssettag $0x1  }
0x1: {  	s0 =	rddreg [dreg:$0x0]  }
0x2: {  	s1 =	rddreg [dreg:$0x1]  }
0x3: {  	s3 =	rddreg [dreg:$0x2]  }
0x4: {  	s4 =	simm.s32 $0x0;
	s2 =	srdreg.scid;
	s13 =	stileid.u32  }
0x5: {  	s17 =	simm.s32 $0x4;
	s21 =	simm.s32 $0x80;
	s22 =	simm.s32 $0x2000  }
0x6: {  	s23 =	simm.s32 $0x6000;
	s24 =	simm.s32 $0x1;
	s25 =	simm.s32 $0x2  }
0x7: {  	s29 =	simm.s32 $0x0;
	[smem:$0x7FF] =	sst s4;
	s7 =	smul.u32 $0x13C00, s13  }
0x8: {  	s2 =	sand.u32 $0x1, s2;
	s5 =	sadd.s32 $0xEA00, s0;
	s9 =	smul.u32 $0x4F000, s13  }
0x9: {  	s6 =	sadd.s32 $0x4A00, s0;
	s11 =	smul.u32 $0x5000, s13;
	s30 =	sshll.u32 s13, $0x6  }
0xa: {  	_ =	strace $0x80000050;
	s8 =	smul.u32 $0x140000, s2;
	s10 =	ssub.s32 $0x2, s2  }
0xb: {  	s2 =	smul.u32 $0x2800, s2;
	s12 =	sshrl.u32 s10, $0x1;
	s26 =	sshrl.u32 s9, $0x2  }
0xc: {  	s28 =	sshrl.u32 s7, $0x3;
	s9 =	sor.u32 $0x1C04, s30;
	s8 =	sadd.s32 s7, s8  }
0xd: {  	s15 =	ssub.s32 s10, s12;
	s16 =	sadd.s32 s26, s3;
	s7 =	sadd.s32 s2, s11  }
0xe: {  	s8 =	sshrl.u32 s8, $0x3;
	s11 =	sshrl.u32 s7, $0x3;
	s15 =	smax.u32 s15, $0x1  }
0xf: {  	s16 =	sshrl.u32 s16, $0x3;
	s0 =	sadd.s32 s8, s0;
	s8 =	sadd.s32 s5, s28  }
0x10: {  	s10 =	sadd.s32 s6, s11;
	s31 =	sadd.s32 $0x100, s11;
	s11 =	sadd.s32 s1, s11  }
0x11: {  	s12 =	sadd.s32 s6, s31;
	s13 =	sadd.s32 s1, s31;
	s14 =	sadd.s32 $0x5EA00, s0  }
.LBB2_1:
0x12: {  	[spmem:s16], [sflag:s9] =	dma.local [hbm:s8], $0x2780  }
0x13: {  	_ =	swait.ge [sflag:s17], $0x2780  }
0x14: {  	[sflag:s17] =	ssyncset.done $0x0  }
0x15: {  	[sflag:s17] =	ssyncadd.s32 $0xFFFFD880  }
0x16: {  	[bflag:$0x0] =	sbarrier.arrive $0xFFFF  }
0x17: {  	[tilespmem:s4], [sflag:$0x4] =	stream.linear.gather [hbm4b:s10+s4], $0x800, $0x38;
	[tilespmem:$0x1DC00] =	vst v63  }
0x18: {  	_ =	swait.ge [sflag:s17], $0x800  }
0x19: {  	[sflag:s17] =	ssyncset.done $0x0  }
0x1a: {  	s0 =	simm.s32 $0x1000;
	[sflag:s17] =	ssyncadd.s32 $0xFFFFF800  }
0x1b: {  	[tilespmem:s0], [sflag:$0x4] =	stream.linear.gather [hbm4b:s11+s4], $0x800, $0x38;
	[tilespmem:$0x1DC00] =	vst v63  }
0x1c: {  	_ =	swait.ge [sflag:s17], $0x800  }
0x1d: {  	[sflag:s17] =	ssyncset.done $0x0  }
0x1e: {  	s18 =	simm.s32 $0x800;
	[sflag:s17] =	ssyncadd.s32 $0xFFFFF800  }
0x1f: {  	[tilespmem:s18], [sflag:$0x3] =	stream.linear.gather [hbm4b:s12+s4], $0x800, $0x38;
	[tilespmem:$0x1DC00] =	vst v63  }
0x20: {  	s19 =	simm.s32 $0x1800  }
0x21: {  	[tilespmem:s19], [sflag:$0x3] =	stream.linear.gather [hbm4b:s13+s4], $0x800, $0x38;
	[tilespmem:$0x1DC00] =	vst v63  }
0x22: {  	_ = 	snop  }
0x23: {  	[tilespmem:s22], [sflag:$0x1] =	stream.indirect.gather [hbm4b:s5+s21], $0x80, s4, s21, $0xb8;
	[tilespmem:$0x1DC00] =	vst v63  }
0x24: {  	_ = 	snop  }
0x25: {  	[tilespmem:s23], [sflag:$0x2] =	stream.indirect.gather [hbm4b:s5+s21], $0x80, s21, s21, $0xb8;
	[tilespmem:$0x1DC00] =	vst v63  }
0x26: {  	_ =	swait.ge [sflag:s24], $0x4000  }
0x27: {  	s20 =	sand.u32 $0xF00, s4;
	[sflag:s24] =	ssyncset.done $0x0  }
0x28: {  	s0 =	sor.u32 $0x1000, s20;
	[sflag:s24] =	ssyncadd.s32 $0xFFFFC000  }
0x29: {  	[spmem:s3] =	stream.indirect.scatter.add.f32 [tilespmem:s22], [sflag:$0x4], $0x80, s0, s21, $0xb8;
	[tilespmem:$0x1DC00] =	vst v63  }
0x2a: {  	s2 =	sand.u32 $0xE, s25;
	_ =	swait.ge [sflag:s17], $0x4000  }
0x2b: {  	p0 =	sne.s32 s2, $0x0;
	[sflag:s17] =	ssyncset.done $0x0  }
0x2c: {  	s31 =	simm.s32 @!p0 $0x3;
	[sflag:s17] =	ssyncadd.s32 $0xFFFFC000  }
0x2d: {  	_ =	swait.ge @!p0 [sflag:s31], $0x800  }
0x2e: {  	[sflag:s31] =	ssyncset.done @!p0 $0x0  }
0x2f: {  	[sflag:s31] =	ssyncadd.s32 @!p0 $0xFFFFF800  }
0x30: {  	p1 =	por $0x0, $0x0;
	s30 =	simm.s32 $0x100;
	_ =	swait.ge @!p0 [sflag:s31], $0x800  }
0x31: {  	s18 =	sshll.u32 s2, $0x7;
	s19 =	sand.u32 $0x800, s30;
	[sflag:s31] =	ssyncset.done @!p0 $0x0  }
0x32: {  	p2 =	sne.s32 @!p1 s2, $0x0;
	s26 =	sor.u32 s18, s19;
	[sflag:s31] =	ssyncadd.s32 @!p0 $0xFFFFF800  }
0x33: {  	[tilespmem:s22], [sflag:$0x1] =	stream.indirect.gather [hbm4b:s5+s21], $0x80, s26, s21, $0xb8;
	[tilespmem:$0x1DC00] =	vst v63  }
0x34: {  	p0 =	por p2, p1;
	_ =	swait.ge [sflag:s25], $0x4000  }
0x35: {  	s2 =	sand.u32 @!p0 $0x7FFFF800, s30;
	[sflag:s25] =	ssyncset.done $0x0  }
0x36: {  	s0 =	sadd.s32 $0x80, s0;
	s2 =	sadd.s32 @!p0 $0x800, s2;
	[sflag:s25] =	ssyncadd.s32 $0xFFFFC000  }
0x37: {  	[spmem:s3] =	stream.indirect.scatter.add.f32 [tilespmem:s23], [sflag:$0x4], $0x80, s0, s21, $0xb8;
	[tilespmem:$0x1DC00] =	vst v63  }
0x38: {  	s0 =	sadd.s32 @!p0 s2, s7;
	_ =	swait.ge [sflag:s17], $0x4000  }
0x39: {  	s19 =	simm.s32 @!p0 $0x0;
	s0 =	sshrl.u32 @!p0 s0, $0x3;
	[sflag:s17] =	ssyncset.done $0x0  }
0x3a: {  	s2 =	sand.u32 @!p0 $0x800, s2;
	s18 =	sadd.s32 @!p0 s6, s0;
	[sflag:s17] =	ssyncadd.s32 $0xFFFFC000  }
0x3b: {  	[tilespmem:s2], [sflag:$0x3] =	stream.linear.gather @!p0 [hbm4b:s18+s19], $0x800, $0x38;
	[tilespmem:$0x1DC00] =	vst v63  }
0x3c: {  	s28 =	simm.s32 $0x180;
	s0 =	sadd.s32 @!p0 s1, s0;
	s2 =	sor.u32 @!p0 $0x1000, s2  }
0x3d: {  	[tilespmem:s2], [sflag:$0x3] =	stream.linear.gather @!p0 [hbm4b:s0+s19], $0x800, $0x38;
	[tilespmem:$0x1DC00] =	vst v63  }
0x3e: {  	s31 =	simm.s32 $0x4;
	s2 =	sand.u32 $0xF80, s28;
	s0 =	simm.s32 $0x1  }
.LBB2_2:
0x3f: {  	[tilespmem:s23], [sflag:$0x2] =	stream.indirect.gather [hbm4b:s5+s21], $0x80, s2, s21, $0xb8;
	[tilespmem:$0x1DC00] =	vst v63  }
0x40: {  	s2 =	smov.u32 s31;
	s31 =	sadd.s32 $0x2, s31;
	_ =	swait.ge [sflag:s24], $0x4000  }
0x41: {  	s18 =	sand.u32 $0xF00, s30;
	p0 =	sne.s32 s31, $0x50;
	[sflag:s24] =	ssyncset.done $0x0  }
0x42: {  	s19 =	smov.u32 s30;
	s18 =	sor.u32 $0x1000, s18;
	[sflag:s24] =	ssyncadd.s32 $0xFFFFC000  }
0x43: {  	[spmem:s3] =	stream.indirect.scatter.add.f32 [tilespmem:s22], [sflag:$0x4], $0x80, s18, s21, $0xb8;
	[tilespmem:$0x1DC00] =	vst v63  }
0x44: {  	s2 =	sand.u32 $0xE, s2;
	_ =	swait.ge [sflag:s17], $0x4000  }
0x45: {  	p2 =	sne.s32 s2, $0x0;
	[sflag:s17] =	ssyncset.done $0x0  }
0x46: {  	s20 =	simm.s32 @!p2 $0x3;
	[sflag:s17] =	ssyncadd.s32 $0xFFFFC000  }
0x47: {  	_ =	swait.ge @!p2 [sflag:s20], $0x800  }
0x48: {  	p1 =	sgt.u32 s0, $0x1E;
	[sflag:s20] =	ssyncset.done @!p2 $0x0  }
0x49: {  	s26 =	sshll.u32 s2, $0x7;
	p3 =	sne.s32 @!p1 s2, $0x0;
	[sflag:s20] =	ssyncadd.s32 @!p2 $0xFFFFF800  }
0x4a: {  	s30 =	sadd.s32 $0x100, s30;
	p1 =	por p3, p1;
	_ =	swait.ge @!p2 [sflag:s20], $0x800  }
0x4b: {  	s2 =	sand.u32 $0x800, s30;
	s28 =	sand.u32 @!p1 $0x7FFFF800, s30;
	[sflag:s20] =	ssyncset.done @!p2 $0x0  }
0x4c: {  	s2 =	sor.u32 s26, s2;
	[sflag:s20] =	ssyncadd.s32 @!p2 $0xFFFFF800;
	s20 =	sadd.s32 @!p1 $0x800, s28  }
0x4d: {  	[tilespmem:s22], [sflag:$0x1] =	stream.indirect.gather [hbm4b:s5+s21], $0x80, s2, s21, $0xb8;
	[tilespmem:$0x1DC00] =	vst v63  }
0x4e: {  	s2 =	sadd.s32 @!p1 s20, s7;
	s20 =	sand.u32 @!p1 $0x800, s20;
	_ =	swait.ge [sflag:s25], $0x4000  }
0x4f: {  	s2 =	sshrl.u32 @!p1 s2, $0x3;
	s26 =	sor.u32 @!p1 $0x1000, s20;
	[sflag:s25] =	ssyncset.done $0x0  }
0x50: {  	s18 =	sadd.s32 $0x80, s18;
	s28 =	sadd.s32 @!p1 s6, s2;
	[sflag:s25] =	ssyncadd.s32 $0xFFFFC000  }
0x51: {  	[spmem:s3] =	stream.indirect.scatter.add.f32 [tilespmem:s23], [sflag:$0x4], $0x80, s18, s21, $0xb8;
	[tilespmem:$0x1DC00] =	vst v63  }
0x52: {  	s2 =	sadd.s32 @!p1 s1, s2;
	_ =	swait.ge [sflag:s17], $0x4000  }
0x53: {  	s18 =	simm.s32 @!p1 $0x0;
	[sflag:s17] =	ssyncset.done $0x0  }
.Ltmp0:
0x54: {  	[sflag:s17] =	ssyncadd.s32 $0xFFFFC000;
	(pc) =	sbr.rel @p0 .LBB2_2-.Ltmp0, $4  }
0x55: {  	[tilespmem:s20], [sflag:$0x3] =	stream.linear.gather @!p1 [hbm4b:s28+s18], $0x800, $0x38;
	[tilespmem:$0x1DC00] =	vst v63  }
0x56: {  	s19 =	sadd.s32 $0x180, s19  }
0x57: {  	[tilespmem:s26], [sflag:$0x3] =	stream.linear.gather @!p1 [hbm4b:s2+s18], $0x800, $0x38;
	[tilespmem:$0x1DC00] =	vst v63  }
0x58: {  	s0 =	sadd.s32 $0x1, s0;
	s2 =	sand.u32 $0xF80, s19  }
0x59: {  	[tilespmem:s23], [sflag:$0x2] =	stream.indirect.gather [hbm4b:s5+s21], $0x80, s2, s21, $0xb8;
	[tilespmem:$0x1DC00] =	vst v63  }
0x5a: {  	_ =	swait.ge [sflag:s24], $0x4000  }
0x5b: {  	[sflag:s24] =	ssyncset.done $0x0  }
0x5c: {  	s0 =	simm.s32 $0x1700;
	[sflag:s24] =	ssyncadd.s32 $0xFFFFC000  }
0x5d: {  	[spmem:s3] =	stream.indirect.scatter.add.f32 [tilespmem:s22], [sflag:$0x4], $0x80, s0, s21, $0xb8;
	[tilespmem:$0x1DC00] =	vst v63  }
0x5e: {  	_ =	swait.ge [sflag:s17], $0x4000  }
0x5f: {  	[sflag:s17] =	ssyncset.done $0x0  }
0x60: {  	[sflag:s17] =	ssyncadd.s32 $0xFFFFC000  }
0x61: {  	_ =	swait.ge [sflag:s25], $0x4000  }
0x62: {  	[sflag:s25] =	ssyncset.done $0x0  }
0x63: {  	s31 =	simm.s32 $0x1780;
	[sflag:s25] =	ssyncadd.s32 $0xFFFFC000  }
0x64: {  	[spmem:s3] =	stream.indirect.scatter.add.f32 [tilespmem:s23], [sflag:$0x4], $0x80, s31, s21, $0xb8;
	[tilespmem:$0x1DC00] =	vst v63  }
0x65: {  	_ =	swait.ge [sflag:s17], $0x4000  }
0x66: {  	s29 =	sadd.s32 $0x1, s29;
	[sflag:s17] =	ssyncset.done $0x0  }
0x67: {  	p0 =	sne.s32 s29, s15;
	[sflag:s17] =	ssyncadd.s32 $0xFFFFC000  }
.Ltmp1:
0x68: {  	[bflag:$0x0] =	sbarrier.arrive $0xFFFF;
	(pc) =	sbr.rel @p0 .LBB2_1-.Ltmp1, $4  }
0x69: {  	[hbm:s14], [sflag:s9] =	dma.local [spmem:s16], $0x2780  }
0x6a: {  	_ =	swait.ge [sflag:s17], $0x2780  }
0x6b: {  	[sflag:s17] =	ssyncset.done $0x0  }
0x6c: {  	[sflag:s17] =	ssyncadd.s32 $0xFFFFD880  }
0x6d: {  	_ =	sfence.sel $0x180000  }
0x6e: {  	[bflag:$0x0] =	sbarrier.arrive $0xFFFF  }
0x6f: {  	_ =	strace $0x90000050  }
0x70: {  	s0 =	stileid.u32;
	[bflag:$0x2] =	sbarrier.arrive $0xFFFF  }
0x71: {  	p0 =	sne.s32 s0, $0x0;
	s0 =	rddreg [dreg:$0x3]  }
0x72: {  	s0 =	sadd.s32 @!p0 $0x100000, s0  }
0x73: {  	[sflag:s0] =	ssyncadd.tile.s32 @!p0 $0x1;
	_ =	shalt  }
.Lfunc_end2:
_tile_overlayer_lowered:
.L_overlay_start_2:
0x74: {  	(tag) =	ssettag $0x2  }
0x75: {  	s0 =	rddreg [dreg:$0x0];
	s2 =	stileid.u32  }
0x76: {  	s1 =	rddreg [dreg:$0x1];
	p0 =	sne.s32 s2, $0x0  }
0x77: {  	s3 =	rddreg [dreg:$0x2];
	[bflag:$0x3] =	sbarrier.arrive $0xFFFF;
	s2 =	simm.s32 @!p0 $0x1C04  }
0x78: {  	[timem:s3], [sflag:s2] =	dma.local @!p0 [hbm:s0], s1  }
0x79: {  	s0 =	simm.s32 @!p0 $0x4  }
0x7a: {  	_ =	swait.ge @!p0 [sflag:s0], s1  }
0x7b: {  	s1 =	ssub.s32 @!p0 $0x0, s1;
	[sflag:s0] =	ssyncset.done @!p0 $0x0  }
0x7c: {  	[sflag:s0] =	ssyncadd.s32 @!p0 s1  }
0x7d: {  	[bflag:$0x3] =	sbarrier.arrive $0xFFFF  }
0x7e: {  	_ =	shalt  }

</sc_bundles>
